<compile_context>
chip_gen: v7x
topology: tpu7x:2x2x1
jax: 0.10.2.dev20260603
libtpu: 0.0.44.dev20260713+nightly
codegen_flags: <defaults>
</compile_context>

<pallas_src>
import functools

import jax
import jax.numpy as jnp
from jax import lax
from jax.experimental import pallas as pl
from jax.experimental.pallas import tpu as pltpu
from jax.experimental.pallas import tpu_sc as plsc

EPS = 1e-5
LANES = 16


def _tc_table(x, Wcat, bcat, n_nodes, h):

    def body(x_ref, w_ref, b_ref, t_ref):
        t_ref[...] = (
            jnp.dot(x_ref[...], w_ref[...], preferred_element_type=jnp.float32)
            + b_ref[...]
        )

    return pl.pallas_call(
        body,
        out_shape=jax.ShapeDtypeStruct((n_nodes, 2 * h), jnp.float32),
    )(x, Wcat, bcat)


def _sc_main(src, dst, T, n_nodes, n_edges, h, num_cores, num_subcores, ch):
    nw = num_cores * num_subcores
    ew = n_edges // nw
    nch = ew // ch
    npad = -(-n_nodes // (16 * LANES)) * (16 * LANES)
    seg = npad // num_subcores
    h2w = 2 * h
    mesh = plsc.VectorSubcoreMesh(core_axis_name="c", subcore_axis_name="s")

    @functools.partial(
        pl.kernel,
        mesh=mesh,
        out_type=(
            jax.ShapeDtypeStruct((n_edges // 4 * h2w,), jnp.int32),
            jax.ShapeDtypeStruct((n_edges,), jnp.float32),
        ),
        scratch_types=[
            pltpu.VMEM((npad,), jnp.float32),
            pltpu.VMEM((npad,), jnp.float32),
            pltpu.VMEM((ew,), jnp.int32),
            pltpu.VMEM((ew,), jnp.int32),
            pltpu.VMEM((seg,), jnp.float32),
            pltpu.VMEM((seg,), jnp.float32),
            pltpu.VMEM((ch, h2w), jnp.float32),
            pltpu.VMEM((ch, h2w), jnp.float32),
            pltpu.VMEM((ch, h2w), jnp.float32),
            pltpu.VMEM((ch, h2w), jnp.float32),
            pltpu.VMEM((ch // 4 * h2w,), jnp.int32),
            pltpu.VMEM((ch // 4 * h2w,), jnp.int32),
            pltpu.VMEM((ew,), jnp.float32),
            pltpu.VMEM_SHARED((num_subcores * npad,), jnp.float32),
            pltpu.VMEM_SHARED((num_subcores * npad,), jnp.float32),
            pltpu.VMEM_SHARED((npad,), jnp.float32),
            pltpu.VMEM_SHARED((npad,), jnp.float32),
            pltpu.SemaphoreType.DMA,
            pltpu.SemaphoreType.DMA,
            pltpu.SemaphoreType.DMA,
            pltpu.SemaphoreType.DMA,
            pltpu.SemaphoreType.DMA,
            pltpu.SemaphoreType.DMA,
        ],
        compiler_params=pltpu.CompilerParams(needs_layout_passes=False),
    )
    def main_k(src_hbm, dst_hbm, t_hbm, h1_hbm, dp_hbm,
               ho_v, hi_v, sidx_v, didx_v, tmp_v, acc_v,
               ra0, ra1, rb0, rb1, hp0, hp1, dp_v,
               HO, HI, DGO, DGI,
               sa0, sa1, sb0, sb1, sw0, sw1):
        s = lax.axis_index("s")
        c = lax.axis_index("c")
        wid = s * num_cores + c
        wlen = ch // 4 * h2w
        zeros = jnp.zeros((LANES,), jnp.float32)
        ones = jnp.ones((LANES,), jnp.float32)
        fone = jnp.full((LANES,), 1.0, jnp.float32)

        @plsc.parallel_loop(0, npad // LANES, unroll=8)
        def _zero(i):
            ho_v[pl.ds(i * LANES, LANES)] = zeros
            hi_v[pl.ds(i * LANES, LANES)] = zeros

        for half in range(num_cores):
            b = pl.multiple_of((s * num_cores + half) * ew, ew)
            pltpu.sync_copy(src_hbm.at[pl.ds(b, ew)], sidx_v)
            pltpu.sync_copy(dst_hbm.at[pl.ds(b, ew)], didx_v)

            @pl.loop(0, ew // LANES, unroll=8)
            def _scat(j):
                sl = pl.ds(j * LANES, LANES)
                plsc.addupdate_scatter(ho_v, [sidx_v[sl]], ones)
                plsc.addupdate_scatter(hi_v, [didx_v[sl]], ones)

        srow = pl.multiple_of(s * npad, npad)
        pltpu.sync_copy(ho_v, HO.at[pl.ds(srow, npad)])
        pltpu.sync_copy(hi_v, HI.at[pl.ds(srow, npad)])
        plsc.subcore_barrier()

        off = pl.multiple_of(s * seg, seg)
        for src_sh, dst_sh in ((HO, DGO), (HI, DGI)):
            for r in range(num_subcores):
                pltpu.sync_copy(src_sh.at[pl.ds(r * npad + off, seg)], tmp_v)
                if r == 0:
                    @plsc.parallel_loop(0, seg // LANES, unroll=4)
                    def _cp(i):
                        sl = pl.ds(i * LANES, LANES)
                        acc_v[sl] = tmp_v[sl]
                else:
                    @plsc.parallel_loop(0, seg // LANES, unroll=4)
                    def _add(i):
                        sl = pl.ds(i * LANES, LANES)
                        acc_v[sl] = acc_v[sl] + tmp_v[sl]
            pltpu.sync_copy(acc_v, dst_sh.at[pl.ds(off, seg)])
        plsc.subcore_barrier()
        pltpu.sync_copy(DGO, ho_v)
        pltpu.sync_copy(DGI, hi_v)

        base0 = pl.multiple_of(wid * ew, ew)
        pltpu.sync_copy(src_hbm.at[pl.ds(base0, ew)], sidx_v)
        pltpu.sync_copy(dst_hbm.at[pl.ds(base0, ew)], didx_v)

        def fire(k, ra, rb, sa, sb):
            o = pl.multiple_of(k * ch, ch)
            pltpu.async_copy(t_hbm.at[sidx_v.at[pl.ds(o, ch)]], ra, sa)
            pltpu.async_copy(t_hbm.at[didx_v.at[pl.ds(o, ch)]], rb, sb)

        def process(k, ra, rb, sa, sb, hp, sw):
            o = pl.multiple_of(k * ch, ch)
            pltpu.make_async_copy(t_hbm.at[sidx_v.at[pl.ds(o, ch)]], ra, sa).wait()
            pltpu.make_async_copy(t_hbm.at[didx_v.at[pl.ds(o, ch)]], rb, sb).wait()
            woff = pl.multiple_of((base0 + k * ch) // 4 * h2w, wlen)
            h1_dst = h1_hbm.at[pl.ds(woff, wlen)]

            @pl.when(k >= 2)
            def _():
                pltpu.make_async_copy(hp, h1_dst, sw).wait()

            @plsc.parallel_loop(0, ch // 4, unroll=2)
            def _row(p):
                r0 = 4 * p
                base = p * h2w
                for j in range(h // LANES):
                    sl = pl.ds(j * LANES, LANES)
                    sh = pl.ds(h + j * LANES, LANES)
                    v0 = ra[r0, sl] + rb[r0, sh]
                    v1 = ra[r0 + 1, sl] + rb[r0 + 1, sh]
                    v2 = ra[r0 + 2, sl] + rb[r0 + 2, sh]
                    v3 = ra[r0 + 3, sl] + rb[r0 + 3, sh]
                    hp[pl.ds(base + j * LANES, LANES)] = plsc.bitcast(
                        plsc.pack(v0, v1, format=plsc.PackFormat.INTERLEAVED),
                        jnp.int32)
                    hp[pl.ds(base + h + j * LANES, LANES)] = plsc.bitcast(
                        plsc.pack(v2, v3, format=plsc.PackFormat.INTERLEAVED),
                        jnp.int32)

            for j in range(ch // LANES):
                sl = pl.ds(o + j * LANES, LANES)
                do = jnp.maximum(plsc.load_gather(ho_v, [sidx_v[sl]]), fone)
                di = jnp.maximum(plsc.load_gather(hi_v, [didx_v[sl]]), fone)
                dp_v[sl] = do * di

            pltpu.async_copy(hp, h1_dst, sw)

        fire(0, ra0, rb0, sa0, sb0)

        @pl.loop(0, (nch - 1) // 2)
        def _g(g):
            k0 = 2 * g
            fire(k0 + 1, ra1, rb1, sa1, sb1)
            process(k0, ra0, rb0, sa0, sb0, hp0, sw0)
            fire(k0 + 2, ra0, rb0, sa0, sb0)
            process(k0 + 1, ra1, rb1, sa1, sb1, hp1, sw1)

        klast = nch - 1
        process(klast, ra0, rb0, sa0, sb0, hp0, sw0)
        w0d = pl.multiple_of((base0 + klast * ch) // 4 * h2w, wlen)
        pltpu.make_async_copy(hp0, h1_hbm.at[pl.ds(w0d, wlen)], sw0).wait()
        w1d = pl.multiple_of((base0 + (klast - 1) * ch) // 4 * h2w, wlen)
        pltpu.make_async_copy(hp1, h1_hbm.at[pl.ds(w1d, wlen)], sw1).wait()

        pltpu.sync_copy(dp_v, dp_hbm.at[pl.ds(base0, ew)])

    return main_k(src, dst, T)


def _tc_mlp(h1q, noise2, dp2, g1, be1, W2t, b2, g2, be2, W3r, b3,
            n_edges, h, h2, be_blk):
    nblk = (n_edges // 4) // be_blk

    def half_pipe(ht, g1v, be1v, w2v, b2v, g2v, be2v, w3v, b3v):
        m = jnp.mean(ht, axis=0, keepdims=True)
        v = jnp.mean((ht - m) ** 2, axis=0, keepdims=True)
        hn = (ht - m) * lax.rsqrt(v + EPS) * g1v + be1v
        hn = jnp.maximum(hn, 0.0)
        z = jnp.dot(w2v, hn, preferred_element_type=jnp.float32) + b2v
        m2 = jnp.mean(z, axis=0, keepdims=True)
        v2 = jnp.mean((z - m2) ** 2, axis=0, keepdims=True)
        zn = (z - m2) * lax.rsqrt(v2 + EPS) * g2v + be2v
        zn = jnp.maximum(zn, 0.0)
        return jnp.dot(w3v, zn, preferred_element_type=jnp.float32) + b3v

    def body(h1_ref, nz_ref, dp_ref, g1_ref, be1_ref, w2_ref, b2_ref, g2_ref,
             be2_ref, w3_ref, b3_ref, out_ref):
        g1v = g1_ref[...]
        be1v = be1_ref[...]
        w2v = w2_ref[...]
        b2v = b2_ref[...]
        g2v = g2_ref[...]
        be2v = be2_ref[...]
        w3v = w3_ref[...]
        b3v = b3_ref[...]
        htq = jnp.transpose(h1_ref[...])
        lo = lax.bitcast_convert_type(
            lax.shift_left(htq, 16), jnp.float32)
        hi = lax.bitcast_convert_type(
            jnp.bitwise_and(htq, jnp.int32(-65536)), jnp.float32)
        args = (g1v, be1v, w2v, b2v, g2v, be2v, w3v, b3v)
        ew0 = half_pipe(lo[:h, :], *args)
        ew1 = half_pipe(hi[:h, :], *args)
        ew2 = half_pipe(lo[h:, :], *args)
        ew3 = half_pipe(hi[h:, :], *args)
        ew = jnp.concatenate([ew0, ew1, ew2, ew3], axis=0)
        nz = nz_ref[0]
        gate = jnp.log(nz) - jnp.log(1.0 - nz)
        mask = 1.0 / (1.0 + jnp.exp(-(gate + ew)))
        out_ref[0] = mask * lax.rsqrt(dp_ref[0])

    edge_spec = pl.BlockSpec((1, 4, be_blk), lambda i: (i, 0, 0))
    return pl.pallas_call(
        body,
        grid=(nblk,),
        in_specs=[
            pl.BlockSpec((be_blk, 2 * h), lambda i: (i, 0)),
            edge_spec,
            edge_spec,
            pl.BlockSpec((h, 1), lambda i: (0, 0)),
            pl.BlockSpec((h, 1), lambda i: (0, 0)),
            pl.BlockSpec((h2, h), lambda i: (0, 0)),
            pl.BlockSpec((h2, 1), lambda i: (0, 0)),
            pl.BlockSpec((h2, 1), lambda i: (0, 0)),
            pl.BlockSpec((h2, 1), lambda i: (0, 0)),
            pl.BlockSpec((1, h2), lambda i: (0, 0)),
            pl.BlockSpec((1, 1), lambda i: (0, 0)),
        ],
        out_specs=edge_spec,
        out_shape=jax.ShapeDtypeStruct((nblk, 4, be_blk), jnp.float32),
    )(h1q, noise2, dp2, g1, be1, W2t, b2, g2, be2, W3r, b3)


def kernel(node_embeddings, edge_index, W1, b1, g1, be1, W2, b2, g2, be2, W3, b3):
    n_nodes, d = node_embeddings.shape
    n_edges = edge_index.shape[1]
    h = W1.shape[1]
    h2 = W2.shape[1]

    info = plsc.get_sparse_core_info()
    ch = 80

    src = edge_index[0]
    dst = edge_index[1]

    Wcat = jnp.concatenate([W1[:d], W1[d:]], axis=1)
    bcat = jnp.concatenate([b1, jnp.zeros_like(b1)]).reshape(1, 2 * h)

    T = _tc_table(node_embeddings, Wcat, bcat, n_nodes, h)
    h1f, dp = _sc_main(src, dst, T, n_nodes, n_edges, h,
                       info.num_cores, info.num_subcores, ch)
    h1q = h1f.reshape(n_edges // 4, 2 * h)

    noise = jax.random.uniform(jax.random.key(42), (n_edges,),
                               dtype=jnp.float32, minval=1e-6, maxval=1.0 - 1e-6)

    be_blk = 8000
    nblk = (n_edges // 4) // be_blk
    noise2 = noise.reshape(nblk, be_blk, 4).transpose(0, 2, 1)
    dp2 = dp.reshape(nblk, be_blk, 4).transpose(0, 2, 1)
    out2 = _tc_mlp(
        h1q, noise2, dp2,
        g1.reshape(h, 1), be1.reshape(h, 1),
        W2.T, b2.reshape(h2, 1), g2.reshape(h2, 1), be2.reshape(h2, 1),
        W3.reshape(1, h2), b3.reshape(1, 1),
        n_edges, h, h2, be_blk,
    )
    return out2.transpose(0, 2, 1).reshape(n_edges)

# --- scband reference (transcript-rebuilt; emitter-appended) ---
"""Pipeline reference for scband-edge-mask-25159918420540 (READ-ONLY COPY).

The authoritative reference and input builder live on the scoring server;
editing this copy changes nothing except your own understanding.
"""

import jax, jax.numpy as jnp
import numpy as np

N = 10000
E = 320000
D = 128
H = 64  # n_hidden
EPS = 1e-5


def layer_norm(h, gamma, beta):
    mean = jnp.mean(h, axis=-1, keepdims=True)
    var = jnp.mean((h - mean) ** 2, axis=-1, keepdims=True)
    return (h - mean) / jnp.sqrt(var + EPS) * gamma + beta


def setup_inputs(seed: int = 0) -> dict:
    key = jax.random.key(seed)
    ks = jax.random.split(key, 10)
    x = jax.random.normal(ks[0], (N, D), dtype=jnp.float32)
    edge_index = jax.random.randint(ks[1], (2, E), 0, N, dtype=jnp.int32)
    # MLP: Linear(2D->H), LN(H), relu ; Linear(H->H//2), LN(H//2), relu ; Linear(H//2->1)
    W1 = jax.random.normal(ks[2], (2 * D, H), dtype=jnp.float32) / np.sqrt(2 * D)
    b1 = jnp.zeros((H,), dtype=jnp.float32)
    g1 = jnp.ones((H,), dtype=jnp.float32)
    be1 = jnp.zeros((H,), dtype=jnp.float32)
    W2 = jax.random.normal(ks[3], (H, H // 2), dtype=jnp.float32) / np.sqrt(H)
    b2 = jnp.zeros((H // 2,), dtype=jnp.float32)
    g2 = jnp.ones((H // 2,), dtype=jnp.float32)
    be2 = jnp.zeros((H // 2,), dtype=jnp.float32)
    W3 = jax.random.normal(ks[4], (H // 2, 1), dtype=jnp.float32) / np.sqrt(H // 2)
    b3 = jnp.zeros((1,), dtype=jnp.float32)
    return {"node_embeddings": x, "edge_index": edge_index,
            "W1": W1, "b1": b1, "g1": g1, "be1": be1,
            "W2": W2, "b2": b2, "g2": g2, "be2": be2,
            "W3": W3, "b3": b3}


def reference(node_embeddings, edge_index, W1, b1, g1, be1, W2, b2, g2, be2, W3, b3):
    src = edge_index[0]
    dst = edge_index[1]
    # compute_adj: concat src||dst embeddings per edge (gather)
    edge_emb = jnp.concatenate([jnp.take(node_embeddings, src, axis=0),
                                jnp.take(node_embeddings, dst, axis=0)], axis=1)
    # edge MLP with layernorm + relu (eval mode, dropout=0)
    h = edge_emb @ W1 + b1
    h = jax.nn.relu(layer_norm(h, g1, be1))
    h = h @ W2 + b2
    h = jax.nn.relu(layer_norm(h, g2, be2))
    edge_weight = (h @ W3 + b3).reshape(-1)
    # concrete relaxation (bias=0.0, beta=1.0)
    noise = jax.random.uniform(jax.random.key(42), (E,), dtype=jnp.float32,
                               minval=1e-6, maxval=1.0 - 1e-6)
    gate_inputs = jnp.log(noise) - jnp.log(1.0 - noise)
    mask = jax.nn.sigmoid((gate_inputs + edge_weight) / 1.0)
    # symmetric normalized adjacency weights: out_norm[src] * in_norm[dst]
    out_deg = jnp.clip(jnp.bincount(src, length=N).astype(jnp.float32), 1.0, None)
    in_deg = jnp.clip(jnp.bincount(dst, length=N).astype(jnp.float32), 1.0, None)
    out_norm = out_deg ** -0.5
    in_norm = in_deg ** -0.5
    edge_norm = jnp.take(out_norm, src) * jnp.take(in_norm, dst)
    adj = mask * edge_norm
    return adj

if __name__ == "__main__":
    import jax
    _d = setup_inputs()
    print(jax.jit(kernel)(*tuple(_d.values())))

</pallas_src>

<mosaic_0001>
#map = affine_map<(d0, d1) -> (0)>
#map1 = affine_map<(d0, d1) -> (0, 0)>
module attributes {stable_mosaic.version = 14 : i64} {
  func.func @main_k(%arg0: i32, %arg1: i32, %arg2: memref<320000xi32, #tpu.memory_space<hbm>>, %arg3: memref<320000xi32, #tpu.memory_space<hbm>>, %arg4: memref<10000x128xf32, #tpu.memory_space<hbm>>, %arg5: memref<10240000xi32, #tpu.memory_space<hbm>>, %arg6: memref<320000xf32, #tpu.memory_space<hbm>>, %arg7: memref<10240xf32, #tpu.memory_space<vmem>>, %arg8: memref<10240xf32, #tpu.memory_space<vmem>>, %arg9: memref<10000xi32, #tpu.memory_space<vmem>>, %arg10: memref<10000xi32, #tpu.memory_space<vmem>>, %arg11: memref<640xf32, #tpu.memory_space<vmem>>, %arg12: memref<640xf32, #tpu.memory_space<vmem>>, %arg13: memref<80x128xf32, #tpu.memory_space<vmem>>, %arg14: memref<80x128xf32, #tpu.memory_space<vmem>>, %arg15: memref<80x128xf32, #tpu.memory_space<vmem>>, %arg16: memref<80x128xf32, #tpu.memory_space<vmem>>, %arg17: memref<2560xi32, #tpu.memory_space<vmem>>, %arg18: memref<2560xi32, #tpu.memory_space<vmem>>, %arg19: memref<10000xf32, #tpu.memory_space<vmem>>, %arg20: memref<163840xf32, #tpu.memory_space<vmem_shared>>, %arg21: memref<163840xf32, #tpu.memory_space<vmem_shared>>, %arg22: memref<10240xf32, #tpu.memory_space<vmem_shared>>, %arg23: memref<10240xf32, #tpu.memory_space<vmem_shared>>, %arg24: memref<!tpu.dma_semaphore, #tpu.memory_space<semaphore_mem>>, %arg25: memref<!tpu.dma_semaphore, #tpu.memory_space<semaphore_mem>>, %arg26: memref<!tpu.dma_semaphore, #tpu.memory_space<semaphore_mem>>, %arg27: memref<!tpu.dma_semaphore, #tpu.memory_space<semaphore_mem>>, %arg28: memref<!tpu.dma_semaphore, #tpu.memory_space<semaphore_mem>>, %arg29: memref<!tpu.dma_semaphore, #tpu.memory_space<semaphore_mem>>) attributes {dimension_semantics = [#tpu.dimension_semantics<core_parallel>, #tpu.dimension_semantics<subcore_parallel>], iteration_bounds = array<i64: 2, 16>, scalar_prefetch = 0 : i64, scratch_operands = 23 : i64, tpu.core_type = #tpu.core_type<sc_vector_subcore>, window_params = [{transform_indices = #map}, {transform_indices = #map}, {transform_indices = #map1}, {transform_indices = #map}, {transform_indices = #map}]} {
    %mul3A = arith.constant 2 : i32
    %mul3A_0 = arith.muli %arg1, %mul3A : i32
    %add3A = arith.addi %mul3A_0, %arg0 : i32
    %broadcast_in_dim3A = arith.constant 0.000000e+00 : f32
    %broadcast_in_dim3A_1 = vector.broadcast %broadcast_in_dim3A : f32 to vector<16xf32>
    %broadcast_in_dim3A_2 = arith.constant 1.000000e+00 : f32
    %broadcast_in_dim3A_3 = vector.broadcast %broadcast_in_dim3A_2 : f32 to vector<16xf32>
    %broadcast_in_dim3A_4 = arith.constant 1.000000e+00 : f32
    %broadcast_in_dim3A_5 = vector.broadcast %broadcast_in_dim3A_4 : f32 to vector<16xf32>
    %parallel_loop3A = arith.constant 0 : i32
    %parallel_loop3A_6 = arith.constant 640 : i32
    %parallel_loop3A_7 = arith.constant 1 : i32
    scf.for %parallel_loop3A_398 = %parallel_loop3A to %parallel_loop3A_6 step %parallel_loop3A_7  : i32 {
      %parallel_loop3A_399 = arith.constant 16 : i32
      %parallel_loop3A_400 = arith.muli %parallel_loop3A_398, %parallel_loop3A_399 : i32
      %parallel_loop3A_401 = arith.index_cast %parallel_loop3A_400 : i32 to index
      %parallel_loop3A_402 = tpu.vector_load %arg7[%parallel_loop3A_401] {strides = array<i32>} : memref<10240xf32, #tpu.memory_space<vmem>>, vector<16xf32>,
      tpu.vector_store %arg7[%parallel_loop3A_401], %broadcast_in_dim3A_1 {strides = array<i32>} : memref<10240xf32, #tpu.memory_space<vmem>>, vector<16xf32>,
      %parallel_loop3A_403 = arith.constant 16 : i32
      %parallel_loop3A_404 = arith.muli %parallel_loop3A_398, %parallel_loop3A_403 : i32
      %parallel_loop3A_405 = arith.index_cast %parallel_loop3A_404 : i32 to index
      %parallel_loop3A_406 = tpu.vector_load %arg8[%parallel_loop3A_405] {strides = array<i32>} : memref<10240xf32, #tpu.memory_space<vmem>>, vector<16xf32>,
      tpu.vector_store %arg8[%parallel_loop3A_405], %broadcast_in_dim3A_1 {strides = array<i32>} : memref<10240xf32, #tpu.memory_space<vmem>>, vector<16xf32>,
    } {sc.loop_unroll_factor = 8 : i64, sc.parallel_access}
    %mul3A_8 = arith.constant 2 : i32
    %mul3A_9 = arith.muli %arg1, %mul3A_8 : i32
    %add3A_10 = arith.constant 0 : i32
    %add3A_11 = arith.addi %mul3A_9, %add3A_10 : i32
    %mul3A_12 = arith.constant 10000 : i32
    %mul3A_13 = arith.muli %add3A_11, %mul3A_12 : i32
    %multiple_of3A = tpu.assume_multiple %mul3A_13, 10000 : i32
    "tpu.region"() ({
      %run_scoped3A = tpu.sem_alloc : memref<!tpu.dma_semaphore, #tpu.memory_space<semaphore_mem>>
      %dma_start3A_398 = tpu.memref_slice %arg2[%multiple_of3A] : memref<320000xi32, #tpu.memory_space<hbm>> -> memref<10000xi32, #tpu.memory_space<hbm>>
      %dma_start3A_399 = tpu.memref_slice %arg2[%multiple_of3A] : memref<320000xi32, #tpu.memory_space<hbm>> -> memref<10000xi32, #tpu.memory_space<hbm>>
      tpu.enqueue_dma source(%dma_start3A_399 : memref<10000xi32, #tpu.memory_space<hbm>>) target(%arg9 : memref<10000xi32, #tpu.memory_space<vmem>>) target_semaphore(%run_scoped3A : memref<!tpu.dma_semaphore, #tpu.memory_space<semaphore_mem>>)
      %dma_wait3A_400 = tpu.memref_slice %arg2[%multiple_of3A] : memref<320000xi32, #tpu.memory_space<hbm>> -> memref<10000xi32, #tpu.memory_space<hbm>>
      %dma_wait3A_401 = tpu.memref_slice %arg2[%multiple_of3A] : memref<320000xi32, #tpu.memory_space<hbm>> -> memref<10000xi32, #tpu.memory_space<hbm>>
      tpu.wait_dma2 semaphore(%run_scoped3A : memref<!tpu.dma_semaphore, #tpu.memory_space<semaphore_mem>>) src(%dma_wait3A_401 : memref<10000xi32, #tpu.memory_space<hbm>>) dst(%arg9 : memref<10000xi32, #tpu.memory_space<vmem>>)
      tpu.yield
    }) : () -> ()
    "tpu.region"() ({
      %run_scoped3A = tpu.sem_alloc : memref<!tpu.dma_semaphore, #tpu.memory_space<semaphore_mem>>
      %dma_start3A_398 = tpu.memref_slice %arg3[%multiple_of3A] : memref<320000xi32, #tpu.memory_space<hbm>> -> memref<10000xi32, #tpu.memory_space<hbm>>
      %dma_start3A_399 = tpu.memref_slice %arg3[%multiple_of3A] : memref<320000xi32, #tpu.memory_space<hbm>> -> memref<10000xi32, #tpu.memory_space<hbm>>
      tpu.enqueue_dma source(%dma_start3A_399 : memref<10000xi32, #tpu.memory_space<hbm>>) target(%arg10 : memref<10000xi32, #tpu.memory_space<vmem>>) target_semaphore(%run_scoped3A : memref<!tpu.dma_semaphore, #tpu.memory_space<semaphore_mem>>)
      %dma_wait3A_400 = tpu.memref_slice %arg3[%multiple_of3A] : memref<320000xi32, #tpu.memory_space<hbm>> -> memref<10000xi32, #tpu.memory_space<hbm>>
      %dma_wait3A_401 = tpu.memref_slice %arg3[%multiple_of3A] : memref<320000xi32, #tpu.memory_space<hbm>> -> memref<10000xi32, #tpu.memory_space<hbm>>
      tpu.wait_dma2 semaphore(%run_scoped3A : memref<!tpu.dma_semaphore, #tpu.memory_space<semaphore_mem>>) src(%dma_wait3A_401 : memref<10000xi32, #tpu.memory_space<hbm>>) dst(%arg10 : memref<10000xi32, #tpu.memory_space<vmem>>)
      tpu.yield
    }) : () -> ()
    %scan3A = arith.constant 0 : i32
    %scan3A_14 = arith.constant 624 : i32
    %scan3A_15 = arith.addi %scan3A, %scan3A_14 : i32
    %scan3A_16 = arith.constant 8 : i32
    scf.for %scan3A_398 = %scan3A to %scan3A_15 step %scan3A_16  : i32 {
      %mul3A_399 = arith.constant 1 : i32
      %mul3A_400 = arith.muli %scan3A_398, %mul3A_399 : i32
      %add3A_401 = arith.constant 0 : i32
      %add3A_402 = arith.addi %add3A_401, %mul3A_400 : i32
      %mul3A_403 = arith.constant 16 : i32
      %mul3A_404 = arith.muli %add3A_402, %mul3A_403 : i32
      %get3A_405 = arith.index_cast %mul3A_404 : i32 to index
      %get3A_406 = tpu.vector_load %arg9[%get3A_405] {strides = array<i32>} : memref<10000xi32, #tpu.memory_space<vmem>>, vector<16xi32>,
      tpu.vector_store_idx %arg7[%get3A_406], %broadcast_in_dim3A_3 {add = true} : memref<10240xf32, #tpu.memory_space<vmem>>[vector<16xi32>], vector<16xf32>,
      %get3A_407 = arith.index_cast %mul3A_404 : i32 to index
      %get3A_408 = tpu.vector_load %arg10[%get3A_407] {strides = array<i32>} : memref<10000xi32, #tpu.memory_space<vmem>>, vector<16xi32>,
      tpu.vector_store_idx %arg8[%get3A_408], %broadcast_in_dim3A_3 {add = true} : memref<10240xf32, #tpu.memory_space<vmem>>[vector<16xi32>], vector<16xf32>,
      %scan3A_409 = arith.constant 1 : i32
      %scan3A_410 = arith.addi %scan3A_398, %scan3A_409 : i32
      %mul3A_411 = arith.constant 1 : i32
      %mul3A_412 = arith.muli %scan3A_410, %mul3A_411 : i32
      %add3A_413 = arith.constant 0 : i32
      %add3A_414 = arith.addi %add3A_413, %mul3A_412 : i32
      %mul3A_415 = arith.constant 16 : i32
      %mul3A_416 = arith.muli %add3A_414, %mul3A_415 : i32
      %get3A_417 = arith.index_cast %mul3A_416 : i32 to index
      %get3A_418 = tpu.vector_load %arg9[%get3A_417] {strides = array<i32>} : memref<10000xi32, #tpu.memory_space<vmem>>, vector<16xi32>,
      tpu.vector_store_idx %arg7[%get3A_418], %broadcast_in_dim3A_3 {add = true} : memref<10240xf32, #tpu.memory_space<vmem>>[vector<16xi32>], vector<16xf32>,
      %get3A_419 = arith.index_cast %mul3A_416 : i32 to index
      %get3A_420 = tpu.vector_load %arg10[%get3A_419] {strides = array<i32>} : memref<10000xi32, #tpu.memory_space<vmem>>, vector<16xi32>,
      tpu.vector_store_idx %arg8[%get3A_420], %broadcast_in_dim3A_3 {add = true} : memref<10240xf32, #tpu.memory_space<vmem>>[vector<16xi32>], vector<16xf32>,
      %scan3A_421 = arith.constant 2 : i32
      %scan3A_422 = arith.addi %scan3A_398, %scan3A_421 : i32
      %mul3A_423 = arith.constant 1 : i32
      %mul3A_424 = arith.muli %scan3A_422, %mul3A_423 : i32
      %add3A_425 = arith.constant 0 : i32
      %add3A_426 = arith.addi %add3A_425, %mul3A_424 : i32
      %mul3A_427 = arith.constant 16 : i32
      %mul3A_428 = arith.muli %add3A_426, %mul3A_427 : i32
      %get3A_429 = arith.index_cast %mul3A_428 : i32 to index
      %get3A_430 = tpu.vector_load %arg9[%get3A_429] {strides = array<i32>} : memref<10000xi32, #tpu.memory_space<vmem>>, vector<16xi32>,
      tpu.vector_store_idx %arg7[%get3A_430], %broadcast_in_dim3A_3 {add = true} : memref<10240xf32, #tpu.memory_space<vmem>>[vector<16xi32>], vector<16xf32>,
      %get3A_431 = arith.index_cast %mul3A_428 : i32 to index
      %get3A_432 = tpu.vector_load %arg10[%get3A_431] {strides = array<i32>} : memref<10000xi32, #tpu.memory_space<vmem>>, vector<16xi32>,
      tpu.vector_store_idx %arg8[%get3A_432], %broadcast_in_dim3A_3 {add = true} : memref<10240xf32, #tpu.memory_space<vmem>>[vector<16xi32>], vector<16xf32>,
      %scan3A_433 = arith.constant 3 : i32
      %scan3A_434 = arith.addi %scan3A_398, %scan3A_433 : i32
      %mul3A_435 = arith.constant 1 : i32
      %mul3A_436 = arith.muli %scan3A_434, %mul3A_435 : i32
      %add3A_437 = arith.constant 0 : i32
      %add3A_438 = arith.addi %add3A_437, %mul3A_436 : i32
      %mul3A_439 = arith.constant 16 : i32
      %mul3A_440 = arith.muli %add3A_438, %mul3A_439 : i32
      %get3A_441 = arith.index_cast %mul3A_440 : i32 to index
      %get3A_442 = tpu.vector_load %arg9[%get3A_441] {strides = array<i32>} : memref<10000xi32, #tpu.memory_space<vmem>>, vector<16xi32>,
      tpu.vector_store_idx %arg7[%get3A_442], %broadcast_in_dim3A_3 {add = true} : memref<10240xf32, #tpu.memory_space<vmem>>[vector<16xi32>], vector<16xf32>,
      %get3A_443 = arith.index_cast %mul3A_440 : i32 to index
      %get3A_444 = tpu.vector_load %arg10[%get3A_443] {strides = array<i32>} : memref<10000xi32, #tpu.memory_space<vmem>>, vector<16xi32>,
      tpu.vector_store_idx %arg8[%get3A_444], %broadcast_in_dim3A_3 {add = true} : memref<10240xf32, #tpu.memory_space<vmem>>[vector<16xi32>], vector<16xf32>,
      %scan3A_445 = arith.constant 4 : i32
      %scan3A_446 = arith.addi %scan3A_398, %scan3A_445 : i32
      %mul3A_447 = arith.constant 1 : i32
      %mul3A_448 = arith.muli %scan3A_446, %mul3A_447 : i32
      %add3A_449 = arith.constant 0 : i32
      %add3A_450 = arith.addi %add3A_449, %mul3A_448 : i32
      %mul3A_451 = arith.constant 16 : i32
      %mul3A_452 = arith.muli %add3A_450, %mul3A_451 : i32
      %get3A_453 = arith.index_cast %mul3A_452 : i32 to index
      %get3A_454 = tpu.vector_load %arg9[%get3A_453] {strides = array<i32>} : memref<10000xi32, #tpu.memory_space<vmem>>, vector<16xi32>,
      tpu.vector_store_idx %arg7[%get3A_454], %broadcast_in_dim3A_3 {add = true} : memref<10240xf32, #tpu.memory_space<vmem>>[vector<16xi32>], vector<16xf32>,
      %get3A_455 = arith.index_cast %mul3A_452 : i32 to index
      %get3A_456 = tpu.vector_load %arg10[%get3A_455] {strides = array<i32>} : memref<10000xi32, #tpu.memory_space<vmem>>, vector<16xi32>,
      tpu.vector_store_idx %arg8[%get3A_456], %broadcast_in_dim3A_3 {add = true} : memref<10240xf32, #tpu.memory_space<vmem>>[vector<16xi32>], vector<16xf32>,
      %scan3A_457 = arith.constant 5 : i32
      %scan3A_458 = arith.addi %scan3A_398, %scan3A_457 : i32
      %mul3A_459 = arith.constant 1 : i32
      %mul3A_460 = arith.muli %scan3A_458, %mul3A_459 : i32
      %add3A_461 = arith.constant 0 : i32
      %add3A_462 = arith.addi %add3A_461, %mul3A_460 : i32
      %mul3A_463 = arith.constant 16 : i32
      %mul3A_464 = arith.muli %add3A_462, %mul3A_463 : i32
      %get3A_465 = arith.index_cast %mul3A_464 : i32 to index
      %get3A_466 = tpu.vector_load %arg9[%get3A_465] {strides = array<i32>} : memref<10000xi32, #tpu.memory_space<vmem>>, vector<16xi32>,
      tpu.vector_store_idx %arg7[%get3A_466], %broadcast_in_dim3A_3 {add = true} : memref<10240xf32, #tpu.memory_space<vmem>>[vector<16xi32>], vector<16xf32>,
      %get3A_467 = arith.index_cast %mul3A_464 : i32 to index
      %get3A_468 = tpu.vector_load %arg10[%get3A_467] {strides = array<i32>} : memref<10000xi32, #tpu.memory_space<vmem>>, vector<16xi32>,
      tpu.vector_store_idx %arg8[%get3A_468], %broadcast_in_dim3A_3 {add = true} : memref<10240xf32, #tpu.memory_space<vmem>>[vector<16xi32>], vector<16xf32>,
      %scan3A_469 = arith.constant 6 : i32
      %scan3A_470 = arith.addi %scan3A_398, %scan3A_469 : i32
      %mul3A_471 = arith.constant 1 : i32
      %mul3A_472 = arith.muli %scan3A_470, %mul3A_471 : i32
      %add3A_473 = arith.constant 0 : i32
      %add3A_474 = arith.addi %add3A_473, %mul3A_472 : i32
      %mul3A_475 = arith.constant 16 : i32
      %mul3A_476 = arith.muli %add3A_474, %mul3A_475 : i32
      %get3A_477 = arith.index_cast %mul3A_476 : i32 to index
      %get3A_478 = tpu.vector_load %arg9[%get3A_477] {strides = array<i32>} : memref<10000xi32, #tpu.memory_space<vmem>>, vector<16xi32>,
      tpu.vector_store_idx %arg7[%get3A_478], %broadcast_in_dim3A_3 {add = true} : memref<10240xf32, #tpu.memory_space<vmem>>[vector<16xi32>], vector<16xf32>,
      %get3A_479 = arith.index_cast %mul3A_476 : i32 to index
      %get3A_480 = tpu.vector_load %arg10[%get3A_479] {strides = array<i32>} : memref<10000xi32, #tpu.memory_space<vmem>>, vector<16xi32>,
      tpu.vector_store_idx %arg8[%get3A_480], %broadcast_in_dim3A_3 {add = true} : memref<10240xf32, #tpu.memory_space<vmem>>[vector<16xi32>], vector<16xf32>,
      %scan3A_481 = arith.constant 7 : i32
      %scan3A_482 = arith.addi %scan3A_398, %scan3A_481 : i32
      %mul3A_483 = arith.constant 1 : i32
      %mul3A_484 = arith.muli %scan3A_482, %mul3A_483 : i32
      %add3A_485 = arith.constant 0 : i32
      %add3A_486 = arith.addi %add3A_485, %mul3A_484 : i32
      %mul3A_487 = arith.constant 16 : i32
      %mul3A_488 = arith.muli %add3A_486, %mul3A_487 : i32
      %get3A_489 = arith.index_cast %mul3A_488 : i32 to index
      %get3A_490 = tpu.vector_load %arg9[%get3A_489] {strides = array<i32>} : memref<10000xi32, #tpu.memory_space<vmem>>, vector<16xi32>,
      tpu.vector_store_idx %arg7[%get3A_490], %broadcast_in_dim3A_3 {add = true} : memref<10240xf32, #tpu.memory_space<vmem>>[vector<16xi32>], vector<16xf32>,
      %get3A_491 = arith.index_cast %mul3A_488 : i32 to index
      %get3A_492 = tpu.vector_load %arg10[%get3A_491] {strides = array<i32>} : memref<10000xi32, #tpu.memory_space<vmem>>, vector<16xi32>,
      tpu.vector_store_idx %arg8[%get3A_492], %broadcast_in_dim3A_3 {add = true} : memref<10240xf32, #tpu.memory_space<vmem>>[vector<16xi32>], vector<16xf32>,
    }
    %scan3A_17 = arith.constant 624 : i32
    %scan3A_18 = arith.addi %scan3A, %scan3A_17 : i32
    %mul3A_19 = arith.constant 1 : i32
    %mul3A_20 = arith.muli %scan3A_18, %mul3A_19 : i32
    %add3A_21 = arith.constant 0 : i32
    %add3A_22 = arith.addi %add3A_21, %mul3A_20 : i32
    %mul3A_23 = arith.constant 16 : i32
    %mul3A_24 = arith.muli %add3A_22, %mul3A_23 : i32
    %get3A = arith.index_cast %mul3A_24 : i32 to index
    %get3A_25 = tpu.vector_load %arg9[%get3A] {strides = array<i32>} : memref<10000xi32, #tpu.memory_space<vmem>>, vector<16xi32>,
    tpu.vector_store_idx %arg7[%get3A_25], %broadcast_in_dim3A_3 {add = true} : memref<10240xf32, #tpu.memory_space<vmem>>[vector<16xi32>], vector<16xf32>,
    %get3A_26 = arith.index_cast %mul3A_24 : i32 to index
    %get3A_27 = tpu.vector_load %arg10[%get3A_26] {strides = array<i32>} : memref<10000xi32, #tpu.memory_space<vmem>>, vector<16xi32>,
    tpu.vector_store_idx %arg8[%get3A_27], %broadcast_in_dim3A_3 {add = true} : memref<10240xf32, #tpu.memory_space<vmem>>[vector<16xi32>], vector<16xf32>,
    %scan3A_28 = arith.constant 625 : i32
    %mul3A_29 = arith.constant 2 : i32
    %mul3A_30 = arith.muli %arg1, %mul3A_29 : i32
    %add3A_31 = arith.constant 1 : i32
    %add3A_32 = arith.addi %mul3A_30, %add3A_31 : i32
    %mul3A_33 = arith.constant 10000 : i32
    %mul3A_34 = arith.muli %add3A_32, %mul3A_33 : i32
    %multiple_of3A_35 = tpu.assume_multiple %mul3A_34, 10000 : i32
    "tpu.region"() ({
      %run_scoped3A = tpu.sem_alloc : memref<!tpu.dma_semaphore, #tpu.memory_space<semaphore_mem>>
      %dma_start3A_398 = tpu.memref_slice %arg2[%multiple_of3A_35] : memref<320000xi32, #tpu.memory_space<hbm>> -> memref<10000xi32, #tpu.memory_space<hbm>>
      %dma_start3A_399 = tpu.memref_slice %arg2[%multiple_of3A_35] : memref<320000xi32, #tpu.memory_space<hbm>> -> memref<10000xi32, #tpu.memory_space<hbm>>
      tpu.enqueue_dma source(%dma_start3A_399 : memref<10000xi32, #tpu.memory_space<hbm>>) target(%arg9 : memref<10000xi32, #tpu.memory_space<vmem>>) target_semaphore(%run_scoped3A : memref<!tpu.dma_semaphore, #tpu.memory_space<semaphore_mem>>)
      %dma_wait3A_400 = tpu.memref_slice %arg2[%multiple_of3A_35] : memref<320000xi32, #tpu.memory_space<hbm>> -> memref<10000xi32, #tpu.memory_space<hbm>>
      %dma_wait3A_401 = tpu.memref_slice %arg2[%multiple_of3A_35] : memref<320000xi32, #tpu.memory_space<hbm>> -> memref<10000xi32, #tpu.memory_space<hbm>>
      tpu.wait_dma2 semaphore(%run_scoped3A : memref<!tpu.dma_semaphore, #tpu.memory_space<semaphore_mem>>) src(%dma_wait3A_401 : memref<10000xi32, #tpu.memory_space<hbm>>) dst(%arg9 : memref<10000xi32, #tpu.memory_space<vmem>>)
      tpu.yield
    }) : () -> ()
    "tpu.region"() ({
      %run_scoped3A = tpu.sem_alloc : memref<!tpu.dma_semaphore, #tpu.memory_space<semaphore_mem>>
      %dma_start3A_398 = tpu.memref_slice %arg3[%multiple_of3A_35] : memref<320000xi32, #tpu.memory_space<hbm>> -> memref<10000xi32, #tpu.memory_space<hbm>>
      %dma_start3A_399 = tpu.memref_slice %arg3[%multiple_of3A_35] : memref<320000xi32, #tpu.memory_space<hbm>> -> memref<10000xi32, #tpu.memory_space<hbm>>
      tpu.enqueue_dma source(%dma_start3A_399 : memref<10000xi32, #tpu.memory_space<hbm>>) target(%arg10 : memref<10000xi32, #tpu.memory_space<vmem>>) target_semaphore(%run_scoped3A : memref<!tpu.dma_semaphore, #tpu.memory_space<semaphore_mem>>)
      %dma_wait3A_400 = tpu.memref_slice %arg3[%multiple_of3A_35] : memref<320000xi32, #tpu.memory_space<hbm>> -> memref<10000xi32, #tpu.memory_space<hbm>>
      %dma_wait3A_401 = tpu.memref_slice %arg3[%multiple_of3A_35] : memref<320000xi32, #tpu.memory_space<hbm>> -> memref<10000xi32, #tpu.memory_space<hbm>>
      tpu.wait_dma2 semaphore(%run_scoped3A : memref<!tpu.dma_semaphore, #tpu.memory_space<semaphore_mem>>) src(%dma_wait3A_401 : memref<10000xi32, #tpu.memory_space<hbm>>) dst(%arg10 : memref<10000xi32, #tpu.memory_space<vmem>>)
      tpu.yield
    }) : () -> ()
    %scan3A_36 = arith.constant 0 : i32
    %scan3A_37 = arith.constant 624 : i32
    %scan3A_38 = arith.addi %scan3A_36, %scan3A_37 : i32
    %scan3A_39 = arith.constant 8 : i32
    scf.for %scan3A_398 = %scan3A_36 to %scan3A_38 step %scan3A_39  : i32 {
      %mul3A_399 = arith.constant 1 : i32
      %mul3A_400 = arith.muli %scan3A_398, %mul3A_399 : i32
      %add3A_401 = arith.constant 0 : i32
      %add3A_402 = arith.addi %add3A_401, %mul3A_400 : i32
      %mul3A_403 = arith.constant 16 : i32
      %mul3A_404 = arith.muli %add3A_402, %mul3A_403 : i32
      %get3A_405 = arith.index_cast %mul3A_404 : i32 to index
      %get3A_406 = tpu.vector_load %arg9[%get3A_405] {strides = array<i32>} : memref<10000xi32, #tpu.memory_space<vmem>>, vector<16xi32>,
      tpu.vector_store_idx %arg7[%get3A_406], %broadcast_in_dim3A_3 {add = true} : memref<10240xf32, #tpu.memory_space<vmem>>[vector<16xi32>], vector<16xf32>,
      %get3A_407 = arith.index_cast %mul3A_404 : i32 to index
      %get3A_408 = tpu.vector_load %arg10[%get3A_407] {strides = array<i32>} : memref<10000xi32, #tpu.memory_space<vmem>>, vector<16xi32>,
      tpu.vector_store_idx %arg8[%get3A_408], %broadcast_in_dim3A_3 {add = true} : memref<10240xf32, #tpu.memory_space<vmem>>[vector<16xi32>], vector<16xf32>,
      %scan3A_409 = arith.constant 1 : i32
      %scan3A_410 = arith.addi %scan3A_398, %scan3A_409 : i32
      %mul3A_411 = arith.constant 1 : i32
      %mul3A_412 = arith.muli %scan3A_410, %mul3A_411 : i32
      %add3A_413 = arith.constant 0 : i32
      %add3A_414 = arith.addi %add3A_413, %mul3A_412 : i32
      %mul3A_415 = arith.constant 16 : i32
      %mul3A_416 = arith.muli %add3A_414, %mul3A_415 : i32
      %get3A_417 = arith.index_cast %mul3A_416 : i32 to index
      %get3A_418 = tpu.vector_load %arg9[%get3A_417] {strides = array<i32>} : memref<10000xi32, #tpu.memory_space<vmem>>, vector<16xi32>,
      tpu.vector_store_idx %arg7[%get3A_418], %broadcast_in_dim3A_3 {add = true} : memref<10240xf32, #tpu.memory_space<vmem>>[vector<16xi32>], vector<16xf32>,
      %get3A_419 = arith.index_cast %mul3A_416 : i32 to index
      %get3A_420 = tpu.vector_load %arg10[%get3A_419] {strides = array<i32>} : memref<10000xi32, #tpu.memory_space<vmem>>, vector<16xi32>,
      tpu.vector_store_idx %arg8[%get3A_420], %broadcast_in_dim3A_3 {add = true} : memref<10240xf32, #tpu.memory_space<vmem>>[vector<16xi32>], vector<16xf32>,
      %scan3A_421 = arith.constant 2 : i32
      %scan3A_422 = arith.addi %scan3A_398, %scan3A_421 : i32
      %mul3A_423 = arith.constant 1 : i32
      %mul3A_424 = arith.muli %scan3A_422, %mul3A_423 : i32
      %add3A_425 = arith.constant 0 : i32
      %add3A_426 = arith.addi %add3A_425, %mul3A_424 : i32
      %mul3A_427 = arith.constant 16 : i32
      %mul3A_428 = arith.muli %add3A_426, %mul3A_427 : i32
      %get3A_429 = arith.index_cast %mul3A_428 : i32 to index
      %get3A_430 = tpu.vector_load %arg9[%get3A_429] {strides = array<i32>} : memref<10000xi32, #tpu.memory_space<vmem>>, vector<16xi32>,
      tpu.vector_store_idx %arg7[%get3A_430], %broadcast_in_dim3A_3 {add = true} : memref<10240xf32, #tpu.memory_space<vmem>>[vector<16xi32>], vector<16xf32>,
      %get3A_431 = arith.index_cast %mul3A_428 : i32 to index
      %get3A_432 = tpu.vector_load %arg10[%get3A_431] {strides = array<i32>} : memref<10000xi32, #tpu.memory_space<vmem>>, vector<16xi32>,
      tpu.vector_store_idx %arg8[%get3A_432], %broadcast_in_dim3A_3 {add = true} : memref<10240xf32, #tpu.memory_space<vmem>>[vector<16xi32>], vector<16xf32>,
      %scan3A_433 = arith.constant 3 : i32
      %scan3A_434 = arith.addi %scan3A_398, %scan3A_433 : i32
      %mul3A_435 = arith.constant 1 : i32
      %mul3A_436 = arith.muli %scan3A_434, %mul3A_435 : i32
      %add3A_437 = arith.constant 0 : i32
      %add3A_438 = arith.addi %add3A_437, %mul3A_436 : i32
      %mul3A_439 = arith.constant 16 : i32
      %mul3A_440 = arith.muli %add3A_438, %mul3A_439 : i32
      %get3A_441 = arith.index_cast %mul3A_440 : i32 to index
      %get3A_442 = tpu.vector_load %arg9[%get3A_441] {strides = array<i32>} : memref<10000xi32, #tpu.memory_space<vmem>>, vector<16xi32>,
      tpu.vector_store_idx %arg7[%get3A_442], %broadcast_in_dim3A_3 {add = true} : memref<10240xf32, #tpu.memory_space<vmem>>[vector<16xi32>], vector<16xf32>,
      %get3A_443 = arith.index_cast %mul3A_440 : i32 to index
      %get3A_444 = tpu.vector_load %arg10[%get3A_443] {strides = array<i32>} : memref<10000xi32, #tpu.memory_space<vmem>>, vector<16xi32>,
      tpu.vector_store_idx %arg8[%get3A_444], %broadcast_in_dim3A_3 {add = true} : memref<10240xf32, #tpu.memory_space<vmem>>[vector<16xi32>], vector<16xf32>,
      %scan3A_445 = arith.constant 4 : i32
      %scan3A_446 = arith.addi %scan3A_398, %scan3A_445 : i32
      %mul3A_447 = arith.constant 1 : i32
      %mul3A_448 = arith.muli %scan3A_446, %mul3A_447 : i32
      %add3A_449 = arith.constant 0 : i32
      %add3A_450 = arith.addi %add3A_449, %mul3A_448 : i32
      %mul3A_451 = arith.constant 16 : i32
      %mul3A_452 = arith.muli %add3A_450, %mul3A_451 : i32
      %get3A_453 = arith.index_cast %mul3A_452 : i32 to index
      %get3A_454 = tpu.vector_load %arg9[%get3A_453] {strides = array<i32>} : memref<10000xi32, #tpu.memory_space<vmem>>, vector<16xi32>,
      tpu.vector_store_idx %arg7[%get3A_454], %broadcast_in_dim3A_3 {add = true} : memref<10240xf32, #tpu.memory_space<vmem>>[vector<16xi32>], vector<16xf32>,
      %get3A_455 = arith.index_cast %mul3A_452 : i32 to index
      %get3A_456 = tpu.vector_load %arg10[%get3A_455] {strides = array<i32>} : memref<10000xi32, #tpu.memory_space<vmem>>, vector<16xi32>,
      tpu.vector_store_idx %arg8[%get3A_456], %broadcast_in_dim3A_3 {add = true} : memref<10240xf32, #tpu.memory_space<vmem>>[vector<16xi32>], vector<16xf32>,
      %scan3A_457 = arith.constant 5 : i32
      %scan3A_458 = arith.addi %scan3A_398, %scan3A_457 : i32
      %mul3A_459 = arith.constant 1 : i32
      %mul3A_460 = arith.muli %scan3A_458, %mul3A_459 : i32
      %add3A_461 = arith.constant 0 : i32
      %add3A_462 = arith.addi %add3A_461, %mul3A_460 : i32
      %mul3A_463 = arith.constant 16 : i32
      %mul3A_464 = arith.muli %add3A_462, %mul3A_463 : i32
      %get3A_465 = arith.index_cast %mul3A_464 : i32 to index
      %get3A_466 = tpu.vector_load %arg9[%get3A_465] {strides = array<i32>} : memref<10000xi32, #tpu.memory_space<vmem>>, vector<16xi32>,
      tpu.vector_store_idx %arg7[%get3A_466], %broadcast_in_dim3A_3 {add = true} : memref<10240xf32, #tpu.memory_space<vmem>>[vector<16xi32>], vector<16xf32>,
      %get3A_467 = arith.index_cast %mul3A_464 : i32 to index
      %get3A_468 = tpu.vector_load %arg10[%get3A_467] {strides = array<i32>} : memref<10000xi32, #tpu.memory_space<vmem>>, vector<16xi32>,
      tpu.vector_store_idx %arg8[%get3A_468], %broadcast_in_dim3A_3 {add = true} : memref<10240xf32, #tpu.memory_space<vmem>>[vector<16xi32>], vector<16xf32>,
      %scan3A_469 = arith.constant 6 : i32
      %scan3A_470 = arith.addi %scan3A_398, %scan3A_469 : i32
      %mul3A_471 = arith.constant 1 : i32
      %mul3A_472 = arith.muli %scan3A_470, %mul3A_471 : i32
      %add3A_473 = arith.constant 0 : i32
      %add3A_474 = arith.addi %add3A_473, %mul3A_472 : i32
      %mul3A_475 = arith.constant 16 : i32
      %mul3A_476 = arith.muli %add3A_474, %mul3A_475 : i32
      %get3A_477 = arith.index_cast %mul3A_476 : i32 to index
      %get3A_478 = tpu.vector_load %arg9[%get3A_477] {strides = array<i32>} : memref<10000xi32, #tpu.memory_space<vmem>>, vector<16xi32>,
      tpu.vector_store_idx %arg7[%get3A_478], %broadcast_in_dim3A_3 {add = true} : memref<10240xf32, #tpu.memory_space<vmem>>[vector<16xi32>], vector<16xf32>,
      %get3A_479 = arith.index_cast %mul3A_476 : i32 to index
      %get3A_480 = tpu.vector_load %arg10[%get3A_479] {strides = array<i32>} : memref<10000xi32, #tpu.memory_space<vmem>>, vector<16xi32>,
      tpu.vector_store_idx %arg8[%get3A_480], %broadcast_in_dim3A_3 {add = true} : memref<10240xf32, #tpu.memory_space<vmem>>[vector<16xi32>], vector<16xf32>,
      %scan3A_481 = arith.constant 7 : i32
      %scan3A_482 = arith.addi %scan3A_398, %scan3A_481 : i32
      %mul3A_483 = arith.constant 1 : i32
      %mul3A_484 = arith.muli %scan3A_482, %mul3A_483 : i32
      %add3A_485 = arith.constant 0 : i32
      %add3A_486 = arith.addi %add3A_485, %mul3A_484 : i32
      %mul3A_487 = arith.constant 16 : i32
      %mul3A_488 = arith.muli %add3A_486, %mul3A_487 : i32
      %get3A_489 = arith.index_cast %mul3A_488 : i32 to index
      %get3A_490 = tpu.vector_load %arg9[%get3A_489] {strides = array<i32>} : memref<10000xi32, #tpu.memory_space<vmem>>, vector<16xi32>,
      tpu.vector_store_idx %arg7[%get3A_490], %broadcast_in_dim3A_3 {add = true} : memref<10240xf32, #tpu.memory_space<vmem>>[vector<16xi32>], vector<16xf32>,
      %get3A_491 = arith.index_cast %mul3A_488 : i32 to index
      %get3A_492 = tpu.vector_load %arg10[%get3A_491] {strides = array<i32>} : memref<10000xi32, #tpu.memory_space<vmem>>, vector<16xi32>,
      tpu.vector_store_idx %arg8[%get3A_492], %broadcast_in_dim3A_3 {add = true} : memref<10240xf32, #tpu.memory_space<vmem>>[vector<16xi32>], vector<16xf32>,
    }
    %scan3A_40 = arith.constant 624 : i32
    %scan3A_41 = arith.addi %scan3A_36, %scan3A_40 : i32
    %mul3A_42 = arith.constant 1 : i32
    %mul3A_43 = arith.muli %scan3A_41, %mul3A_42 : i32
    %add3A_44 = arith.constant 0 : i32
    %add3A_45 = arith.addi %add3A_44, %mul3A_43 : i32
    %mul3A_46 = arith.constant 16 : i32
    %mul3A_47 = arith.muli %add3A_45, %mul3A_46 : i32
    %get3A_48 = arith.index_cast %mul3A_47 : i32 to index
    %get3A_49 = tpu.vector_load %arg9[%get3A_48] {strides = array<i32>} : memref<10000xi32, #tpu.memory_space<vmem>>, vector<16xi32>,
    tpu.vector_store_idx %arg7[%get3A_49], %broadcast_in_dim3A_3 {add = true} : memref<10240xf32, #tpu.memory_space<vmem>>[vector<16xi32>], vector<16xf32>,
    %get3A_50 = arith.index_cast %mul3A_47 : i32 to index
    %get3A_51 = tpu.vector_load %arg10[%get3A_50] {strides = array<i32>} : memref<10000xi32, #tpu.memory_space<vmem>>, vector<16xi32>,
    tpu.vector_store_idx %arg8[%get3A_51], %broadcast_in_dim3A_3 {add = true} : memref<10240xf32, #tpu.memory_space<vmem>>[vector<16xi32>], vector<16xf32>,
    %scan3A_52 = arith.constant 625 : i32
    %mul3A_53 = arith.constant 10240 : i32
    %mul3A_54 = arith.muli %arg1, %mul3A_53 : i32
    %multiple_of3A_55 = tpu.assume_multiple %mul3A_54, 10240 : i32
    "tpu.region"() ({
      %run_scoped3A = tpu.sem_alloc : memref<!tpu.dma_semaphore, #tpu.memory_space<semaphore_mem>>
      %dma_start3A_398 = tpu.memref_slice %arg20[%multiple_of3A_55] : memref<163840xf32, #tpu.memory_space<vmem_shared>> -> memref<10240xf32, #tpu.memory_space<vmem_shared>>
      %dma_start3A_399 = tpu.memref_slice %arg20[%multiple_of3A_55] : memref<163840xf32, #tpu.memory_space<vmem_shared>> -> memref<10240xf32, #tpu.memory_space<vmem_shared>>
      tpu.enqueue_dma source(%arg7 : memref<10240xf32, #tpu.memory_space<vmem>>) target(%dma_start3A_399 : memref<10240xf32, #tpu.memory_space<vmem_shared>>) target_semaphore(%run_scoped3A : memref<!tpu.dma_semaphore, #tpu.memory_space<semaphore_mem>>)
      %dma_wait3A_400 = tpu.memref_slice %arg20[%multiple_of3A_55] : memref<163840xf32, #tpu.memory_space<vmem_shared>> -> memref<10240xf32, #tpu.memory_space<vmem_shared>>
      %dma_wait3A_401 = tpu.memref_slice %arg20[%multiple_of3A_55] : memref<163840xf32, #tpu.memory_space<vmem_shared>> -> memref<10240xf32, #tpu.memory_space<vmem_shared>>
      tpu.wait_dma2 semaphore(%run_scoped3A : memref<!tpu.dma_semaphore, #tpu.memory_space<semaphore_mem>>) src(%arg7 : memref<10240xf32, #tpu.memory_space<vmem>>) dst(%dma_wait3A_401 : memref<10240xf32, #tpu.memory_space<vmem_shared>>)
      tpu.yield
    }) : () -> ()
    "tpu.region"() ({
      %run_scoped3A = tpu.sem_alloc : memref<!tpu.dma_semaphore, #tpu.memory_space<semaphore_mem>>
      %dma_start3A_398 = tpu.memref_slice %arg21[%multiple_of3A_55] : memref<163840xf32, #tpu.memory_space<vmem_shared>> -> memref<10240xf32, #tpu.memory_space<vmem_shared>>
      %dma_start3A_399 = tpu.memref_slice %arg21[%multiple_of3A_55] : memref<163840xf32, #tpu.memory_space<vmem_shared>> -> memref<10240xf32, #tpu.memory_space<vmem_shared>>
      tpu.enqueue_dma source(%arg8 : memref<10240xf32, #tpu.memory_space<vmem>>) target(%dma_start3A_399 : memref<10240xf32, #tpu.memory_space<vmem_shared>>) target_semaphore(%run_scoped3A : memref<!tpu.dma_semaphore, #tpu.memory_space<semaphore_mem>>)
      %dma_wait3A_400 = tpu.memref_slice %arg21[%multiple_of3A_55] : memref<163840xf32, #tpu.memory_space<vmem_shared>> -> memref<10240xf32, #tpu.memory_space<vmem_shared>>
      %dma_wait3A_401 = tpu.memref_slice %arg21[%multiple_of3A_55] : memref<163840xf32, #tpu.memory_space<vmem_shared>> -> memref<10240xf32, #tpu.memory_space<vmem_shared>>
      tpu.wait_dma2 semaphore(%run_scoped3A : memref<!tpu.dma_semaphore, #tpu.memory_space<semaphore_mem>>) src(%arg8 : memref<10240xf32, #tpu.memory_space<vmem>>) dst(%dma_wait3A_401 : memref<10240xf32, #tpu.memory_space<vmem_shared>>)
      tpu.yield
    }) : () -> ()
    %barrier3A = arith.constant 0 : index
    tpu.barrier barrier_id(%barrier3A)
    %mul3A_56 = arith.constant 640 : i32
    %mul3A_57 = arith.muli %arg1, %mul3A_56 : i32
    %multiple_of3A_58 = tpu.assume_multiple %mul3A_57, 640 : i32
    %add3A_59 = arith.constant 0 : i32
    %add3A_60 = arith.addi %add3A_59, %multiple_of3A_58 : i32
    "tpu.region"() ({
      %run_scoped3A = tpu.sem_alloc : memref<!tpu.dma_semaphore, #tpu.memory_space<semaphore_mem>>
      %dma_start3A_398 = tpu.memref_slice %arg20[%add3A_60] : memref<163840xf32, #tpu.memory_space<vmem_shared>> -> memref<640xf32, #tpu.memory_space<vmem_shared>>
      %dma_start3A_399 = tpu.memref_slice %arg20[%add3A_60] : memref<163840xf32, #tpu.memory_space<vmem_shared>> -> memref<640xf32, #tpu.memory_space<vmem_shared>>
      tpu.enqueue_dma source(%dma_start3A_399 : memref<640xf32, #tpu.memory_space<vmem_shared>>) target(%arg11 : memref<640xf32, #tpu.memory_space<vmem>>) target_semaphore(%run_scoped3A : memref<!tpu.dma_semaphore, #tpu.memory_space<semaphore_mem>>)
      %dma_wait3A_400 = tpu.memref_slice %arg20[%add3A_60] : memref<163840xf32, #tpu.memory_space<vmem_shared>> -> memref<640xf32, #tpu.memory_space<vmem_shared>>
      %dma_wait3A_401 = tpu.memref_slice %arg20[%add3A_60] : memref<163840xf32, #tpu.memory_space<vmem_shared>> -> memref<640xf32, #tpu.memory_space<vmem_shared>>
      tpu.wait_dma2 semaphore(%run_scoped3A : memref<!tpu.dma_semaphore, #tpu.memory_space<semaphore_mem>>) src(%dma_wait3A_401 : memref<640xf32, #tpu.memory_space<vmem_shared>>) dst(%arg11 : memref<640xf32, #tpu.memory_space<vmem>>)
      tpu.yield
    }) : () -> ()
    %parallel_loop3A_61 = arith.constant 0 : i32
    %parallel_loop3A_62 = arith.constant 40 : i32
    %parallel_loop3A_63 = arith.constant 1 : i32
    scf.for %parallel_loop3A_398 = %parallel_loop3A_61 to %parallel_loop3A_62 step %parallel_loop3A_63  : i32 {
      %parallel_loop3A_399 = arith.constant 16 : i32
      %parallel_loop3A_400 = arith.muli %parallel_loop3A_398, %parallel_loop3A_399 : i32
      %parallel_loop3A_401 = arith.index_cast %parallel_loop3A_400 : i32 to index
      %parallel_loop3A_402 = tpu.vector_load %arg11[%parallel_loop3A_401] {strides = array<i32>} : memref<640xf32, #tpu.memory_space<vmem>>, vector<16xf32>,
      %parallel_loop3A_403 = arith.index_cast %parallel_loop3A_400 : i32 to index
      %parallel_loop3A_404 = tpu.vector_load %arg12[%parallel_loop3A_403] {strides = array<i32>} : memref<640xf32, #tpu.memory_space<vmem>>, vector<16xf32>,
      tpu.vector_store %arg12[%parallel_loop3A_403], %parallel_loop3A_402 {strides = array<i32>} : memref<640xf32, #tpu.memory_space<vmem>>, vector<16xf32>,
    } {sc.loop_unroll_factor = 4 : i64, sc.parallel_access}
    %add3A_64 = arith.constant 10240 : i32
    %add3A_65 = arith.addi %add3A_64, %multiple_of3A_58 : i32
    "tpu.region"() ({
      %run_scoped3A = tpu.sem_alloc : memref<!tpu.dma_semaphore, #tpu.memory_space<semaphore_mem>>
      %dma_start3A_398 = tpu.memref_slice %arg20[%add3A_65] : memref<163840xf32, #tpu.memory_space<vmem_shared>> -> memref<640xf32, #tpu.memory_space<vmem_shared>>
      %dma_start3A_399 = tpu.memref_slice %arg20[%add3A_65] : memref<163840xf32, #tpu.memory_space<vmem_shared>> -> memref<640xf32, #tpu.memory_space<vmem_shared>>
      tpu.enqueue_dma source(%dma_start3A_399 : memref<640xf32, #tpu.memory_space<vmem_shared>>) target(%arg11 : memref<640xf32, #tpu.memory_space<vmem>>) target_semaphore(%run_scoped3A : memref<!tpu.dma_semaphore, #tpu.memory_space<semaphore_mem>>)
      %dma_wait3A_400 = tpu.memref_slice %arg20[%add3A_65] : memref<163840xf32, #tpu.memory_space<vmem_shared>> -> memref<640xf32, #tpu.memory_space<vmem_shared>>
      %dma_wait3A_401 = tpu.memref_slice %arg20[%add3A_65] : memref<163840xf32, #tpu.memory_space<vmem_shared>> -> memref<640xf32, #tpu.memory_space<vmem_shared>>
      tpu.wait_dma2 semaphore(%run_scoped3A : memref<!tpu.dma_semaphore, #tpu.memory_space<semaphore_mem>>) src(%dma_wait3A_401 : memref<640xf32, #tpu.memory_space<vmem_shared>>) dst(%arg11 : memref<640xf32, #tpu.memory_space<vmem>>)
      tpu.yield
    }) : () -> ()
    %parallel_loop3A_66 = arith.constant 0 : i32
    %parallel_loop3A_67 = arith.constant 40 : i32
    %parallel_loop3A_68 = arith.constant 1 : i32
    scf.for %parallel_loop3A_398 = %parallel_loop3A_66 to %parallel_loop3A_67 step %parallel_loop3A_68  : i32 {
      %parallel_loop3A_399 = arith.constant 16 : i32
      %parallel_loop3A_400 = arith.muli %parallel_loop3A_398, %parallel_loop3A_399 : i32
      %parallel_loop3A_401 = arith.index_cast %parallel_loop3A_400 : i32 to index
      %parallel_loop3A_402 = tpu.vector_load %arg12[%parallel_loop3A_401] {strides = array<i32>} : memref<640xf32, #tpu.memory_space<vmem>>, vector<16xf32>,
      %parallel_loop3A_403 = arith.index_cast %parallel_loop3A_400 : i32 to index
      %parallel_loop3A_404 = tpu.vector_load %arg11[%parallel_loop3A_403] {strides = array<i32>} : memref<640xf32, #tpu.memory_space<vmem>>, vector<16xf32>,
      %parallel_loop3A_405 = arith.addf %parallel_loop3A_402, %parallel_loop3A_404 : vector<16xf32>
      %parallel_loop3A_406 = arith.index_cast %parallel_loop3A_400 : i32 to index
      %parallel_loop3A_407 = tpu.vector_load %arg12[%parallel_loop3A_406] {strides = array<i32>} : memref<640xf32, #tpu.memory_space<vmem>>, vector<16xf32>,
      tpu.vector_store %arg12[%parallel_loop3A_406], %parallel_loop3A_405 {strides = array<i32>} : memref<640xf32, #tpu.memory_space<vmem>>, vector<16xf32>,
    } {sc.loop_unroll_factor = 4 : i64, sc.parallel_access}
    %add3A_69 = arith.constant 20480 : i32
    %add3A_70 = arith.addi %add3A_69, %multiple_of3A_58 : i32
    "tpu.region"() ({
      %run_scoped3A = tpu.sem_alloc : memref<!tpu.dma_semaphore, #tpu.memory_space<semaphore_mem>>
      %dma_start3A_398 = tpu.memref_slice %arg20[%add3A_70] : memref<163840xf32, #tpu.memory_space<vmem_shared>> -> memref<640xf32, #tpu.memory_space<vmem_shared>>
      %dma_start3A_399 = tpu.memref_slice %arg20[%add3A_70] : memref<163840xf32, #tpu.memory_space<vmem_shared>> -> memref<640xf32, #tpu.memory_space<vmem_shared>>
      tpu.enqueue_dma source(%dma_start3A_399 : memref<640xf32, #tpu.memory_space<vmem_shared>>) target(%arg11 : memref<640xf32, #tpu.memory_space<vmem>>) target_semaphore(%run_scoped3A : memref<!tpu.dma_semaphore, #tpu.memory_space<semaphore_mem>>)
      %dma_wait3A_400 = tpu.memref_slice %arg20[%add3A_70] : memref<163840xf32, #tpu.memory_space<vmem_shared>> -> memref<640xf32, #tpu.memory_space<vmem_shared>>
      %dma_wait3A_401 = tpu.memref_slice %arg20[%add3A_70] : memref<163840xf32, #tpu.memory_space<vmem_shared>> -> memref<640xf32, #tpu.memory_space<vmem_shared>>
      tpu.wait_dma2 semaphore(%run_scoped3A : memref<!tpu.dma_semaphore, #tpu.memory_space<semaphore_mem>>) src(%dma_wait3A_401 : memref<640xf32, #tpu.memory_space<vmem_shared>>) dst(%arg11 : memref<640xf32, #tpu.memory_space<vmem>>)
      tpu.yield
    }) : () -> ()
    %parallel_loop3A_71 = arith.constant 0 : i32
    %parallel_loop3A_72 = arith.constant 40 : i32
    %parallel_loop3A_73 = arith.constant 1 : i32
    scf.for %parallel_loop3A_398 = %parallel_loop3A_71 to %parallel_loop3A_72 step %parallel_loop3A_73  : i32 {
      %parallel_loop3A_399 = arith.constant 16 : i32
      %parallel_loop3A_400 = arith.muli %parallel_loop3A_398, %parallel_loop3A_399 : i32
      %parallel_loop3A_401 = arith.index_cast %parallel_loop3A_400 : i32 to index
      %parallel_loop3A_402 = tpu.vector_load %arg12[%parallel_loop3A_401] {strides = array<i32>} : memref<640xf32, #tpu.memory_space<vmem>>, vector<16xf32>,
      %parallel_loop3A_403 = arith.index_cast %parallel_loop3A_400 : i32 to index
      %parallel_loop3A_404 = tpu.vector_load %arg11[%parallel_loop3A_403] {strides = array<i32>} : memref<640xf32, #tpu.memory_space<vmem>>, vector<16xf32>,
      %parallel_loop3A_405 = arith.addf %parallel_loop3A_402, %parallel_loop3A_404 : vector<16xf32>
      %parallel_loop3A_406 = arith.index_cast %parallel_loop3A_400 : i32 to index
      %parallel_loop3A_407 = tpu.vector_load %arg12[%parallel_loop3A_406] {strides = array<i32>} : memref<640xf32, #tpu.memory_space<vmem>>, vector<16xf32>,
      tpu.vector_store %arg12[%parallel_loop3A_406], %parallel_loop3A_405 {strides = array<i32>} : memref<640xf32, #tpu.memory_space<vmem>>, vector<16xf32>,
    } {sc.loop_unroll_factor = 4 : i64, sc.parallel_access}
    %add3A_74 = arith.constant 30720 : i32
    %add3A_75 = arith.addi %add3A_74, %multiple_of3A_58 : i32
    "tpu.region"() ({
      %run_scoped3A = tpu.sem_alloc : memref<!tpu.dma_semaphore, #tpu.memory_space<semaphore_mem>>
      %dma_start3A_398 = tpu.memref_slice %arg20[%add3A_75] : memref<163840xf32, #tpu.memory_space<vmem_shared>> -> memref<640xf32, #tpu.memory_space<vmem_shared>>
      %dma_start3A_399 = tpu.memref_slice %arg20[%add3A_75] : memref<163840xf32, #tpu.memory_space<vmem_shared>> -> memref<640xf32, #tpu.memory_space<vmem_shared>>
      tpu.enqueue_dma source(%dma_start3A_399 : memref<640xf32, #tpu.memory_space<vmem_shared>>) target(%arg11 : memref<640xf32, #tpu.memory_space<vmem>>) target_semaphore(%run_scoped3A : memref<!tpu.dma_semaphore, #tpu.memory_space<semaphore_mem>>)
      %dma_wait3A_400 = tpu.memref_slice %arg20[%add3A_75] : memref<163840xf32, #tpu.memory_space<vmem_shared>> -> memref<640xf32, #tpu.memory_space<vmem_shared>>
      %dma_wait3A_401 = tpu.memref_slice %arg20[%add3A_75] : memref<163840xf32, #tpu.memory_space<vmem_shared>> -> memref<640xf32, #tpu.memory_space<vmem_shared>>
      tpu.wait_dma2 semaphore(%run_scoped3A : memref<!tpu.dma_semaphore, #tpu.memory_space<semaphore_mem>>) src(%dma_wait3A_401 : memref<640xf32, #tpu.memory_space<vmem_shared>>) dst(%arg11 : memref<640xf32, #tpu.memory_space<vmem>>)
      tpu.yield
    }) : () -> ()
    %parallel_loop3A_76 = arith.constant 0 : i32
    %parallel_loop3A_77 = arith.constant 40 : i32
    %parallel_loop3A_78 = arith.constant 1 : i32
    scf.for %parallel_loop3A_398 = %parallel_loop3A_76 to %parallel_loop3A_77 step %parallel_loop3A_78  : i32 {
      %parallel_loop3A_399 = arith.constant 16 : i32
      %parallel_loop3A_400 = arith.muli %parallel_loop3A_398, %parallel_loop3A_399 : i32
      %parallel_loop3A_401 = arith.index_cast %parallel_loop3A_400 : i32 to index
      %parallel_loop3A_402 = tpu.vector_load %arg12[%parallel_loop3A_401] {strides = array<i32>} : memref<640xf32, #tpu.memory_space<vmem>>, vector<16xf32>,
      %parallel_loop3A_403 = arith.index_cast %parallel_loop3A_400 : i32 to index
      %parallel_loop3A_404 = tpu.vector_load %arg11[%parallel_loop3A_403] {strides = array<i32>} : memref<640xf32, #tpu.memory_space<vmem>>, vector<16xf32>,
      %parallel_loop3A_405 = arith.addf %parallel_loop3A_402, %parallel_loop3A_404 : vector<16xf32>
      %parallel_loop3A_406 = arith.index_cast %parallel_loop3A_400 : i32 to index
      %parallel_loop3A_407 = tpu.vector_load %arg12[%parallel_loop3A_406] {strides = array<i32>} : memref<640xf32, #tpu.memory_space<vmem>>, vector<16xf32>,
      tpu.vector_store %arg12[%parallel_loop3A_406], %parallel_loop3A_405 {strides = array<i32>} : memref<640xf32, #tpu.memory_space<vmem>>, vector<16xf32>,
    } {sc.loop_unroll_factor = 4 : i64, sc.parallel_access}
    %add3A_79 = arith.constant 40960 : i32
    %add3A_80 = arith.addi %add3A_79, %multiple_of3A_58 : i32
    "tpu.region"() ({
      %run_scoped3A = tpu.sem_alloc : memref<!tpu.dma_semaphore, #tpu.memory_space<semaphore_mem>>
      %dma_start3A_398 = tpu.memref_slice %arg20[%add3A_80] : memref<163840xf32, #tpu.memory_space<vmem_shared>> -> memref<640xf32, #tpu.memory_space<vmem_shared>>
      %dma_start3A_399 = tpu.memref_slice %arg20[%add3A_80] : memref<163840xf32, #tpu.memory_space<vmem_shared>> -> memref<640xf32, #tpu.memory_space<vmem_shared>>
      tpu.enqueue_dma source(%dma_start3A_399 : memref<640xf32, #tpu.memory_space<vmem_shared>>) target(%arg11 : memref<640xf32, #tpu.memory_space<vmem>>) target_semaphore(%run_scoped3A : memref<!tpu.dma_semaphore, #tpu.memory_space<semaphore_mem>>)
      %dma_wait3A_400 = tpu.memref_slice %arg20[%add3A_80] : memref<163840xf32, #tpu.memory_space<vmem_shared>> -> memref<640xf32, #tpu.memory_space<vmem_shared>>
      %dma_wait3A_401 = tpu.memref_slice %arg20[%add3A_80] : memref<163840xf32, #tpu.memory_space<vmem_shared>> -> memref<640xf32, #tpu.memory_space<vmem_shared>>
      tpu.wait_dma2 semaphore(%run_scoped3A : memref<!tpu.dma_semaphore, #tpu.memory_space<semaphore_mem>>) src(%dma_wait3A_401 : memref<640xf32, #tpu.memory_space<vmem_shared>>) dst(%arg11 : memref<640xf32, #tpu.memory_space<vmem>>)
      tpu.yield
    }) : () -> ()
    %parallel_loop3A_81 = arith.constant 0 : i32
    %parallel_loop3A_82 = arith.constant 40 : i32
    %parallel_loop3A_83 = arith.constant 1 : i32
    scf.for %parallel_loop3A_398 = %parallel_loop3A_81 to %parallel_loop3A_82 step %parallel_loop3A_83  : i32 {
      %parallel_loop3A_399 = arith.constant 16 : i32
      %parallel_loop3A_400 = arith.muli %parallel_loop3A_398, %parallel_loop3A_399 : i32
      %parallel_loop3A_401 = arith.index_cast %parallel_loop3A_400 : i32 to index
      %parallel_loop3A_402 = tpu.vector_load %arg12[%parallel_loop3A_401] {strides = array<i32>} : memref<640xf32, #tpu.memory_space<vmem>>, vector<16xf32>,
      %parallel_loop3A_403 = arith.index_cast %parallel_loop3A_400 : i32 to index
      %parallel_loop3A_404 = tpu.vector_load %arg11[%parallel_loop3A_403] {strides = array<i32>} : memref<640xf32, #tpu.memory_space<vmem>>, vector<16xf32>,
      %parallel_loop3A_405 = arith.addf %parallel_loop3A_402, %parallel_loop3A_404 : vector<16xf32>
      %parallel_loop3A_406 = arith.index_cast %parallel_loop3A_400 : i32 to index
      %parallel_loop3A_407 = tpu.vector_load %arg12[%parallel_loop3A_406] {strides = array<i32>} : memref<640xf32, #tpu.memory_space<vmem>>, vector<16xf32>,
      tpu.vector_store %arg12[%parallel_loop3A_406], %parallel_loop3A_405 {strides = array<i32>} : memref<640xf32, #tpu.memory_space<vmem>>, vector<16xf32>,
    } {sc.loop_unroll_factor = 4 : i64, sc.parallel_access}
    %add3A_84 = arith.constant 51200 : i32
    %add3A_85 = arith.addi %add3A_84, %multiple_of3A_58 : i32
    "tpu.region"() ({
      %run_scoped3A = tpu.sem_alloc : memref<!tpu.dma_semaphore, #tpu.memory_space<semaphore_mem>>
      %dma_start3A_398 = tpu.memref_slice %arg20[%add3A_85] : memref<163840xf32, #tpu.memory_space<vmem_shared>> -> memref<640xf32, #tpu.memory_space<vmem_shared>>
      %dma_start3A_399 = tpu.memref_slice %arg20[%add3A_85] : memref<163840xf32, #tpu.memory_space<vmem_shared>> -> memref<640xf32, #tpu.memory_space<vmem_shared>>
      tpu.enqueue_dma source(%dma_start3A_399 : memref<640xf32, #tpu.memory_space<vmem_shared>>) target(%arg11 : memref<640xf32, #tpu.memory_space<vmem>>) target_semaphore(%run_scoped3A : memref<!tpu.dma_semaphore, #tpu.memory_space<semaphore_mem>>)
      %dma_wait3A_400 = tpu.memref_slice %arg20[%add3A_85] : memref<163840xf32, #tpu.memory_space<vmem_shared>> -> memref<640xf32, #tpu.memory_space<vmem_shared>>
      %dma_wait3A_401 = tpu.memref_slice %arg20[%add3A_85] : memref<163840xf32, #tpu.memory_space<vmem_shared>> -> memref<640xf32, #tpu.memory_space<vmem_shared>>
      tpu.wait_dma2 semaphore(%run_scoped3A : memref<!tpu.dma_semaphore, #tpu.memory_space<semaphore_mem>>) src(%dma_wait3A_401 : memref<640xf32, #tpu.memory_space<vmem_shared>>) dst(%arg11 : memref<640xf32, #tpu.memory_space<vmem>>)
      tpu.yield
    }) : () -> ()
    %parallel_loop3A_86 = arith.constant 0 : i32
    %parallel_loop3A_87 = arith.constant 40 : i32
    %parallel_loop3A_88 = arith.constant 1 : i32
    scf.for %parallel_loop3A_398 = %parallel_loop3A_86 to %parallel_loop3A_87 step %parallel_loop3A_88  : i32 {
      %parallel_loop3A_399 = arith.constant 16 : i32
      %parallel_loop3A_400 = arith.muli %parallel_loop3A_398, %parallel_loop3A_399 : i32
      %parallel_loop3A_401 = arith.index_cast %parallel_loop3A_400 : i32 to index
      %parallel_loop3A_402 = tpu.vector_load %arg12[%parallel_loop3A_401] {strides = array<i32>} : memref<640xf32, #tpu.memory_space<vmem>>, vector<16xf32>,
      %parallel_loop3A_403 = arith.index_cast %parallel_loop3A_400 : i32 to index
      %parallel_loop3A_404 = tpu.vector_load %arg11[%parallel_loop3A_403] {strides = array<i32>} : memref<640xf32, #tpu.memory_space<vmem>>, vector<16xf32>,
      %parallel_loop3A_405 = arith.addf %parallel_loop3A_402, %parallel_loop3A_404 : vector<16xf32>
      %parallel_loop3A_406 = arith.index_cast %parallel_loop3A_400 : i32 to index
      %parallel_loop3A_407 = tpu.vector_load %arg12[%parallel_loop3A_406] {strides = array<i32>} : memref<640xf32, #tpu.memory_space<vmem>>, vector<16xf32>,
      tpu.vector_store %arg12[%parallel_loop3A_406], %parallel_loop3A_405 {strides = array<i32>} : memref<640xf32, #tpu.memory_space<vmem>>, vector<16xf32>,
    } {sc.loop_unroll_factor = 4 : i64, sc.parallel_access}
    %add3A_89 = arith.constant 61440 : i32
    %add3A_90 = arith.addi %add3A_89, %multiple_of3A_58 : i32
    "tpu.region"() ({
      %run_scoped3A = tpu.sem_alloc : memref<!tpu.dma_semaphore, #tpu.memory_space<semaphore_mem>>
      %dma_start3A_398 = tpu.memref_slice %arg20[%add3A_90] : memref<163840xf32, #tpu.memory_space<vmem_shared>> -> memref<640xf32, #tpu.memory_space<vmem_shared>>
      %dma_start3A_399 = tpu.memref_slice %arg20[%add3A_90] : memref<163840xf32, #tpu.memory_space<vmem_shared>> -> memref<640xf32, #tpu.memory_space<vmem_shared>>
      tpu.enqueue_dma source(%dma_start3A_399 : memref<640xf32, #tpu.memory_space<vmem_shared>>) target(%arg11 : memref<640xf32, #tpu.memory_space<vmem>>) target_semaphore(%run_scoped3A : memref<!tpu.dma_semaphore, #tpu.memory_space<semaphore_mem>>)
      %dma_wait3A_400 = tpu.memref_slice %arg20[%add3A_90] : memref<163840xf32, #tpu.memory_space<vmem_shared>> -> memref<640xf32, #tpu.memory_space<vmem_shared>>
      %dma_wait3A_401 = tpu.memref_slice %arg20[%add3A_90] : memref<163840xf32, #tpu.memory_space<vmem_shared>> -> memref<640xf32, #tpu.memory_space<vmem_shared>>
      tpu.wait_dma2 semaphore(%run_scoped3A : memref<!tpu.dma_semaphore, #tpu.memory_space<semaphore_mem>>) src(%dma_wait3A_401 : memref<640xf32, #tpu.memory_space<vmem_shared>>) dst(%arg11 : memref<640xf32, #tpu.memory_space<vmem>>)
      tpu.yield
    }) : () -> ()
    %parallel_loop3A_91 = arith.constant 0 : i32
    %parallel_loop3A_92 = arith.constant 40 : i32
    %parallel_loop3A_93 = arith.constant 1 : i32
    scf.for %parallel_loop3A_398 = %parallel_loop3A_91 to %parallel_loop3A_92 step %parallel_loop3A_93  : i32 {
      %parallel_loop3A_399 = arith.constant 16 : i32
      %parallel_loop3A_400 = arith.muli %parallel_loop3A_398, %parallel_loop3A_399 : i32
      %parallel_loop3A_401 = arith.index_cast %parallel_loop3A_400 : i32 to index
      %parallel_loop3A_402 = tpu.vector_load %arg12[%parallel_loop3A_401] {strides = array<i32>} : memref<640xf32, #tpu.memory_space<vmem>>, vector<16xf32>,
      %parallel_loop3A_403 = arith.index_cast %parallel_loop3A_400 : i32 to index
      %parallel_loop3A_404 = tpu.vector_load %arg11[%parallel_loop3A_403] {strides = array<i32>} : memref<640xf32, #tpu.memory_space<vmem>>, vector<16xf32>,
      %parallel_loop3A_405 = arith.addf %parallel_loop3A_402, %parallel_loop3A_404 : vector<16xf32>
      %parallel_loop3A_406 = arith.index_cast %parallel_loop3A_400 : i32 to index
      %parallel_loop3A_407 = tpu.vector_load %arg12[%parallel_loop3A_406] {strides = array<i32>} : memref<640xf32, #tpu.memory_space<vmem>>, vector<16xf32>,
      tpu.vector_store %arg12[%parallel_loop3A_406], %parallel_loop3A_405 {strides = array<i32>} : memref<640xf32, #tpu.memory_space<vmem>>, vector<16xf32>,
    } {sc.loop_unroll_factor = 4 : i64, sc.parallel_access}
    %add3A_94 = arith.constant 71680 : i32
    %add3A_95 = arith.addi %add3A_94, %multiple_of3A_58 : i32
    "tpu.region"() ({
      %run_scoped3A = tpu.sem_alloc : memref<!tpu.dma_semaphore, #tpu.memory_space<semaphore_mem>>
      %dma_start3A_398 = tpu.memref_slice %arg20[%add3A_95] : memref<163840xf32, #tpu.memory_space<vmem_shared>> -> memref<640xf32, #tpu.memory_space<vmem_shared>>
      %dma_start3A_399 = tpu.memref_slice %arg20[%add3A_95] : memref<163840xf32, #tpu.memory_space<vmem_shared>> -> memref<640xf32, #tpu.memory_space<vmem_shared>>
      tpu.enqueue_dma source(%dma_start3A_399 : memref<640xf32, #tpu.memory_space<vmem_shared>>) target(%arg11 : memref<640xf32, #tpu.memory_space<vmem>>) target_semaphore(%run_scoped3A : memref<!tpu.dma_semaphore, #tpu.memory_space<semaphore_mem>>)
      %dma_wait3A_400 = tpu.memref_slice %arg20[%add3A_95] : memref<163840xf32, #tpu.memory_space<vmem_shared>> -> memref<640xf32, #tpu.memory_space<vmem_shared>>
      %dma_wait3A_401 = tpu.memref_slice %arg20[%add3A_95] : memref<163840xf32, #tpu.memory_space<vmem_shared>> -> memref<640xf32, #tpu.memory_space<vmem_shared>>
      tpu.wait_dma2 semaphore(%run_scoped3A : memref<!tpu.dma_semaphore, #tpu.memory_space<semaphore_mem>>) src(%dma_wait3A_401 : memref<640xf32, #tpu.memory_space<vmem_shared>>) dst(%arg11 : memref<640xf32, #tpu.memory_space<vmem>>)
      tpu.yield
    }) : () -> ()
    %parallel_loop3A_96 = arith.constant 0 : i32
    %parallel_loop3A_97 = arith.constant 40 : i32
    %parallel_loop3A_98 = arith.constant 1 : i32
    scf.for %parallel_loop3A_398 = %parallel_loop3A_96 to %parallel_loop3A_97 step %parallel_loop3A_98  : i32 {
      %parallel_loop3A_399 = arith.constant 16 : i32
      %parallel_loop3A_400 = arith.muli %parallel_loop3A_398, %parallel_loop3A_399 : i32
      %parallel_loop3A_401 = arith.index_cast %parallel_loop3A_400 : i32 to index
      %parallel_loop3A_402 = tpu.vector_load %arg12[%parallel_loop3A_401] {strides = array<i32>} : memref<640xf32, #tpu.memory_space<vmem>>, vector<16xf32>,
      %parallel_loop3A_403 = arith.index_cast %parallel_loop3A_400 : i32 to index
      %parallel_loop3A_404 = tpu.vector_load %arg11[%parallel_loop3A_403] {strides = array<i32>} : memref<640xf32, #tpu.memory_space<vmem>>, vector<16xf32>,
      %parallel_loop3A_405 = arith.addf %parallel_loop3A_402, %parallel_loop3A_404 : vector<16xf32>
      %parallel_loop3A_406 = arith.index_cast %parallel_loop3A_400 : i32 to index
      %parallel_loop3A_407 = tpu.vector_load %arg12[%parallel_loop3A_406] {strides = array<i32>} : memref<640xf32, #tpu.memory_space<vmem>>, vector<16xf32>,
      tpu.vector_store %arg12[%parallel_loop3A_406], %parallel_loop3A_405 {strides = array<i32>} : memref<640xf32, #tpu.memory_space<vmem>>, vector<16xf32>,
    } {sc.loop_unroll_factor = 4 : i64, sc.parallel_access}
    %add3A_99 = arith.constant 81920 : i32
    %add3A_100 = arith.addi %add3A_99, %multiple_of3A_58 : i32
    "tpu.region"() ({
      %run_scoped3A = tpu.sem_alloc : memref<!tpu.dma_semaphore, #tpu.memory_space<semaphore_mem>>
      %dma_start3A_398 = tpu.memref_slice %arg20[%add3A_100] : memref<163840xf32, #tpu.memory_space<vmem_shared>> -> memref<640xf32, #tpu.memory_space<vmem_shared>>
      %dma_start3A_399 = tpu.memref_slice %arg20[%add3A_100] : memref<163840xf32, #tpu.memory_space<vmem_shared>> -> memref<640xf32, #tpu.memory_space<vmem_shared>>
      tpu.enqueue_dma source(%dma_start3A_399 : memref<640xf32, #tpu.memory_space<vmem_shared>>) target(%arg11 : memref<640xf32, #tpu.memory_space<vmem>>) target_semaphore(%run_scoped3A : memref<!tpu.dma_semaphore, #tpu.memory_space<semaphore_mem>>)
      %dma_wait3A_400 = tpu.memref_slice %arg20[%add3A_100] : memref<163840xf32, #tpu.memory_space<vmem_shared>> -> memref<640xf32, #tpu.memory_space<vmem_shared>>
      %dma_wait3A_401 = tpu.memref_slice %arg20[%add3A_100] : memref<163840xf32, #tpu.memory_space<vmem_shared>> -> memref<640xf32, #tpu.memory_space<vmem_shared>>
      tpu.wait_dma2 semaphore(%run_scoped3A : memref<!tpu.dma_semaphore, #tpu.memory_space<semaphore_mem>>) src(%dma_wait3A_401 : memref<640xf32, #tpu.memory_space<vmem_shared>>) dst(%arg11 : memref<640xf32, #tpu.memory_space<vmem>>)
      tpu.yield
    }) : () -> ()
    %parallel_loop3A_101 = arith.constant 0 : i32
    %parallel_loop3A_102 = arith.constant 40 : i32
    %parallel_loop3A_103 = arith.constant 1 : i32
    scf.for %parallel_loop3A_398 = %parallel_loop3A_101 to %parallel_loop3A_102 step %parallel_loop3A_103  : i32 {
      %parallel_loop3A_399 = arith.constant 16 : i32
      %parallel_loop3A_400 = arith.muli %parallel_loop3A_398, %parallel_loop3A_399 : i32
      %parallel_loop3A_401 = arith.index_cast %parallel_loop3A_400 : i32 to index
      %parallel_loop3A_402 = tpu.vector_load %arg12[%parallel_loop3A_401] {strides = array<i32>} : memref<640xf32, #tpu.memory_space<vmem>>, vector<16xf32>,
      %parallel_loop3A_403 = arith.index_cast %parallel_loop3A_400 : i32 to index
      %parallel_loop3A_404 = tpu.vector_load %arg11[%parallel_loop3A_403] {strides = array<i32>} : memref<640xf32, #tpu.memory_space<vmem>>, vector<16xf32>,
      %parallel_loop3A_405 = arith.addf %parallel_loop3A_402, %parallel_loop3A_404 : vector<16xf32>
      %parallel_loop3A_406 = arith.index_cast %parallel_loop3A_400 : i32 to index
      %parallel_loop3A_407 = tpu.vector_load %arg12[%parallel_loop3A_406] {strides = array<i32>} : memref<640xf32, #tpu.memory_space<vmem>>, vector<16xf32>,
      tpu.vector_store %arg12[%parallel_loop3A_406], %parallel_loop3A_405 {strides = array<i32>} : memref<640xf32, #tpu.memory_space<vmem>>, vector<16xf32>,
    } {sc.loop_unroll_factor = 4 : i64, sc.parallel_access}
    %add3A_104 = arith.constant 92160 : i32
    %add3A_105 = arith.addi %add3A_104, %multiple_of3A_58 : i32
    "tpu.region"() ({
      %run_scoped3A = tpu.sem_alloc : memref<!tpu.dma_semaphore, #tpu.memory_space<semaphore_mem>>
      %dma_start3A_398 = tpu.memref_slice %arg20[%add3A_105] : memref<163840xf32, #tpu.memory_space<vmem_shared>> -> memref<640xf32, #tpu.memory_space<vmem_shared>>
      %dma_start3A_399 = tpu.memref_slice %arg20[%add3A_105] : memref<163840xf32, #tpu.memory_space<vmem_shared>> -> memref<640xf32, #tpu.memory_space<vmem_shared>>
      tpu.enqueue_dma source(%dma_start3A_399 : memref<640xf32, #tpu.memory_space<vmem_shared>>) target(%arg11 : memref<640xf32, #tpu.memory_space<vmem>>) target_semaphore(%run_scoped3A : memref<!tpu.dma_semaphore, #tpu.memory_space<semaphore_mem>>)
      %dma_wait3A_400 = tpu.memref_slice %arg20[%add3A_105] : memref<163840xf32, #tpu.memory_space<vmem_shared>> -> memref<640xf32, #tpu.memory_space<vmem_shared>>
      %dma_wait3A_401 = tpu.memref_slice %arg20[%add3A_105] : memref<163840xf32, #tpu.memory_space<vmem_shared>> -> memref<640xf32, #tpu.memory_space<vmem_shared>>
      tpu.wait_dma2 semaphore(%run_scoped3A : memref<!tpu.dma_semaphore, #tpu.memory_space<semaphore_mem>>) src(%dma_wait3A_401 : memref<640xf32, #tpu.memory_space<vmem_shared>>) dst(%arg11 : memref<640xf32, #tpu.memory_space<vmem>>)
      tpu.yield
    }) : () -> ()
    %parallel_loop3A_106 = arith.constant 0 : i32
    %parallel_loop3A_107 = arith.constant 40 : i32
    %parallel_loop3A_108 = arith.constant 1 : i32
    scf.for %parallel_loop3A_398 = %parallel_loop3A_106 to %parallel_loop3A_107 step %parallel_loop3A_108  : i32 {
      %parallel_loop3A_399 = arith.constant 16 : i32
      %parallel_loop3A_400 = arith.muli %parallel_loop3A_398, %parallel_loop3A_399 : i32
      %parallel_loop3A_401 = arith.index_cast %parallel_loop3A_400 : i32 to index
      %parallel_loop3A_402 = tpu.vector_load %arg12[%parallel_loop3A_401] {strides = array<i32>} : memref<640xf32, #tpu.memory_space<vmem>>, vector<16xf32>,
      %parallel_loop3A_403 = arith.index_cast %parallel_loop3A_400 : i32 to index
      %parallel_loop3A_404 = tpu.vector_load %arg11[%parallel_loop3A_403] {strides = array<i32>} : memref<640xf32, #tpu.memory_space<vmem>>, vector<16xf32>,
      %parallel_loop3A_405 = arith.addf %parallel_loop3A_402, %parallel_loop3A_404 : vector<16xf32>
      %parallel_loop3A_406 = arith.index_cast %parallel_loop3A_400 : i32 to index
      %parallel_loop3A_407 = tpu.vector_load %arg12[%parallel_loop3A_406] {strides = array<i32>} : memref<640xf32, #tpu.memory_space<vmem>>, vector<16xf32>,
      tpu.vector_store %arg12[%parallel_loop3A_406], %parallel_loop3A_405 {strides = array<i32>} : memref<640xf32, #tpu.memory_space<vmem>>, vector<16xf32>,
    } {sc.loop_unroll_factor = 4 : i64, sc.parallel_access}
    %add3A_109 = arith.constant 102400 : i32
    %add3A_110 = arith.addi %add3A_109, %multiple_of3A_58 : i32
    "tpu.region"() ({
      %run_scoped3A = tpu.sem_alloc : memref<!tpu.dma_semaphore, #tpu.memory_space<semaphore_mem>>
      %dma_start3A_398 = tpu.memref_slice %arg20[%add3A_110] : memref<163840xf32, #tpu.memory_space<vmem_shared>> -> memref<640xf32, #tpu.memory_space<vmem_shared>>
      %dma_start3A_399 = tpu.memref_slice %arg20[%add3A_110] : memref<163840xf32, #tpu.memory_space<vmem_shared>> -> memref<640xf32, #tpu.memory_space<vmem_shared>>
      tpu.enqueue_dma source(%dma_start3A_399 : memref<640xf32, #tpu.memory_space<vmem_shared>>) target(%arg11 : memref<640xf32, #tpu.memory_space<vmem>>) target_semaphore(%run_scoped3A : memref<!tpu.dma_semaphore, #tpu.memory_space<semaphore_mem>>)
      %dma_wait3A_400 = tpu.memref_slice %arg20[%add3A_110] : memref<163840xf32, #tpu.memory_space<vmem_shared>> -> memref<640xf32, #tpu.memory_space<vmem_shared>>
      %dma_wait3A_401 = tpu.memref_slice %arg20[%add3A_110] : memref<163840xf32, #tpu.memory_space<vmem_shared>> -> memref<640xf32, #tpu.memory_space<vmem_shared>>
      tpu.wait_dma2 semaphore(%run_scoped3A : memref<!tpu.dma_semaphore, #tpu.memory_space<semaphore_mem>>) src(%dma_wait3A_401 : memref<640xf32, #tpu.memory_space<vmem_shared>>) dst(%arg11 : memref<640xf32, #tpu.memory_space<vmem>>)
      tpu.yield
    }) : () -> ()
    %parallel_loop3A_111 = arith.constant 0 : i32
    %parallel_loop3A_112 = arith.constant 40 : i32
    %parallel_loop3A_113 = arith.constant 1 : i32
    scf.for %parallel_loop3A_398 = %parallel_loop3A_111 to %parallel_loop3A_112 step %parallel_loop3A_113  : i32 {
      %parallel_loop3A_399 = arith.constant 16 : i32
      %parallel_loop3A_400 = arith.muli %parallel_loop3A_398, %parallel_loop3A_399 : i32
      %parallel_loop3A_401 = arith.index_cast %parallel_loop3A_400 : i32 to index
      %parallel_loop3A_402 = tpu.vector_load %arg12[%parallel_loop3A_401] {strides = array<i32>} : memref<640xf32, #tpu.memory_space<vmem>>, vector<16xf32>,
      %parallel_loop3A_403 = arith.index_cast %parallel_loop3A_400 : i32 to index
      %parallel_loop3A_404 = tpu.vector_load %arg11[%parallel_loop3A_403] {strides = array<i32>} : memref<640xf32, #tpu.memory_space<vmem>>, vector<16xf32>,
      %parallel_loop3A_405 = arith.addf %parallel_loop3A_402, %parallel_loop3A_404 : vector<16xf32>
      %parallel_loop3A_406 = arith.index_cast %parallel_loop3A_400 : i32 to index
      %parallel_loop3A_407 = tpu.vector_load %arg12[%parallel_loop3A_406] {strides = array<i32>} : memref<640xf32, #tpu.memory_space<vmem>>, vector<16xf32>,
      tpu.vector_store %arg12[%parallel_loop3A_406], %parallel_loop3A_405 {strides = array<i32>} : memref<640xf32, #tpu.memory_space<vmem>>, vector<16xf32>,
    } {sc.loop_unroll_factor = 4 : i64, sc.parallel_access}
    %add3A_114 = arith.constant 112640 : i32
    %add3A_115 = arith.addi %add3A_114, %multiple_of3A_58 : i32
    "tpu.region"() ({
      %run_scoped3A = tpu.sem_alloc : memref<!tpu.dma_semaphore, #tpu.memory_space<semaphore_mem>>
      %dma_start3A_398 = tpu.memref_slice %arg20[%add3A_115] : memref<163840xf32, #tpu.memory_space<vmem_shared>> -> memref<640xf32, #tpu.memory_space<vmem_shared>>
      %dma_start3A_399 = tpu.memref_slice %arg20[%add3A_115] : memref<163840xf32, #tpu.memory_space<vmem_shared>> -> memref<640xf32, #tpu.memory_space<vmem_shared>>
      tpu.enqueue_dma source(%dma_start3A_399 : memref<640xf32, #tpu.memory_space<vmem_shared>>) target(%arg11 : memref<640xf32, #tpu.memory_space<vmem>>) target_semaphore(%run_scoped3A : memref<!tpu.dma_semaphore, #tpu.memory_space<semaphore_mem>>)
      %dma_wait3A_400 = tpu.memref_slice %arg20[%add3A_115] : memref<163840xf32, #tpu.memory_space<vmem_shared>> -> memref<640xf32, #tpu.memory_space<vmem_shared>>
      %dma_wait3A_401 = tpu.memref_slice %arg20[%add3A_115] : memref<163840xf32, #tpu.memory_space<vmem_shared>> -> memref<640xf32, #tpu.memory_space<vmem_shared>>
      tpu.wait_dma2 semaphore(%run_scoped3A : memref<!tpu.dma_semaphore, #tpu.memory_space<semaphore_mem>>) src(%dma_wait3A_401 : memref<640xf32, #tpu.memory_space<vmem_shared>>) dst(%arg11 : memref<640xf32, #tpu.memory_space<vmem>>)
      tpu.yield
    }) : () -> ()
    %parallel_loop3A_116 = arith.constant 0 : i32
    %parallel_loop3A_117 = arith.constant 40 : i32
    %parallel_loop3A_118 = arith.constant 1 : i32
    scf.for %parallel_loop3A_398 = %parallel_loop3A_116 to %parallel_loop3A_117 step %parallel_loop3A_118  : i32 {
      %parallel_loop3A_399 = arith.constant 16 : i32
      %parallel_loop3A_400 = arith.muli %parallel_loop3A_398, %parallel_loop3A_399 : i32
      %parallel_loop3A_401 = arith.index_cast %parallel_loop3A_400 : i32 to index
      %parallel_loop3A_402 = tpu.vector_load %arg12[%parallel_loop3A_401] {strides = array<i32>} : memref<640xf32, #tpu.memory_space<vmem>>, vector<16xf32>,
      %parallel_loop3A_403 = arith.index_cast %parallel_loop3A_400 : i32 to index
      %parallel_loop3A_404 = tpu.vector_load %arg11[%parallel_loop3A_403] {strides = array<i32>} : memref<640xf32, #tpu.memory_space<vmem>>, vector<16xf32>,
      %parallel_loop3A_405 = arith.addf %parallel_loop3A_402, %parallel_loop3A_404 : vector<16xf32>
      %parallel_loop3A_406 = arith.index_cast %parallel_loop3A_400 : i32 to index
      %parallel_loop3A_407 = tpu.vector_load %arg12[%parallel_loop3A_406] {strides = array<i32>} : memref<640xf32, #tpu.memory_space<vmem>>, vector<16xf32>,
      tpu.vector_store %arg12[%parallel_loop3A_406], %parallel_loop3A_405 {strides = array<i32>} : memref<640xf32, #tpu.memory_space<vmem>>, vector<16xf32>,
    } {sc.loop_unroll_factor = 4 : i64, sc.parallel_access}
    %add3A_119 = arith.constant 122880 : i32
    %add3A_120 = arith.addi %add3A_119, %multiple_of3A_58 : i32
    "tpu.region"() ({
      %run_scoped3A = tpu.sem_alloc : memref<!tpu.dma_semaphore, #tpu.memory_space<semaphore_mem>>
      %dma_start3A_398 = tpu.memref_slice %arg20[%add3A_120] : memref<163840xf32, #tpu.memory_space<vmem_shared>> -> memref<640xf32, #tpu.memory_space<vmem_shared>>
      %dma_start3A_399 = tpu.memref_slice %arg20[%add3A_120] : memref<163840xf32, #tpu.memory_space<vmem_shared>> -> memref<640xf32, #tpu.memory_space<vmem_shared>>
      tpu.enqueue_dma source(%dma_start3A_399 : memref<640xf32, #tpu.memory_space<vmem_shared>>) target(%arg11 : memref<640xf32, #tpu.memory_space<vmem>>) target_semaphore(%run_scoped3A : memref<!tpu.dma_semaphore, #tpu.memory_space<semaphore_mem>>)
      %dma_wait3A_400 = tpu.memref_slice %arg20[%add3A_120] : memref<163840xf32, #tpu.memory_space<vmem_shared>> -> memref<640xf32, #tpu.memory_space<vmem_shared>>
      %dma_wait3A_401 = tpu.memref_slice %arg20[%add3A_120] : memref<163840xf32, #tpu.memory_space<vmem_shared>> -> memref<640xf32, #tpu.memory_space<vmem_shared>>
      tpu.wait_dma2 semaphore(%run_scoped3A : memref<!tpu.dma_semaphore, #tpu.memory_space<semaphore_mem>>) src(%dma_wait3A_401 : memref<640xf32, #tpu.memory_space<vmem_shared>>) dst(%arg11 : memref<640xf32, #tpu.memory_space<vmem>>)
      tpu.yield
    }) : () -> ()
    %parallel_loop3A_121 = arith.constant 0 : i32
    %parallel_loop3A_122 = arith.constant 40 : i32
    %parallel_loop3A_123 = arith.constant 1 : i32
    scf.for %parallel_loop3A_398 = %parallel_loop3A_121 to %parallel_loop3A_122 step %parallel_loop3A_123  : i32 {
      %parallel_loop3A_399 = arith.constant 16 : i32
      %parallel_loop3A_400 = arith.muli %parallel_loop3A_398, %parallel_loop3A_399 : i32
      %parallel_loop3A_401 = arith.index_cast %parallel_loop3A_400 : i32 to index
      %parallel_loop3A_402 = tpu.vector_load %arg12[%parallel_loop3A_401] {strides = array<i32>} : memref<640xf32, #tpu.memory_space<vmem>>, vector<16xf32>,
      %parallel_loop3A_403 = arith.index_cast %parallel_loop3A_400 : i32 to index
      %parallel_loop3A_404 = tpu.vector_load %arg11[%parallel_loop3A_403] {strides = array<i32>} : memref<640xf32, #tpu.memory_space<vmem>>, vector<16xf32>,
      %parallel_loop3A_405 = arith.addf %parallel_loop3A_402, %parallel_loop3A_404 : vector<16xf32>
      %parallel_loop3A_406 = arith.index_cast %parallel_loop3A_400 : i32 to index
      %parallel_loop3A_407 = tpu.vector_load %arg12[%parallel_loop3A_406] {strides = array<i32>} : memref<640xf32, #tpu.memory_space<vmem>>, vector<16xf32>,
      tpu.vector_store %arg12[%parallel_loop3A_406], %parallel_loop3A_405 {strides = array<i32>} : memref<640xf32, #tpu.memory_space<vmem>>, vector<16xf32>,
    } {sc.loop_unroll_factor = 4 : i64, sc.parallel_access}
    %add3A_124 = arith.constant 133120 : i32
    %add3A_125 = arith.addi %add3A_124, %multiple_of3A_58 : i32
    "tpu.region"() ({
      %run_scoped3A = tpu.sem_alloc : memref<!tpu.dma_semaphore, #tpu.memory_space<semaphore_mem>>
      %dma_start3A_398 = tpu.memref_slice %arg20[%add3A_125] : memref<163840xf32, #tpu.memory_space<vmem_shared>> -> memref<640xf32, #tpu.memory_space<vmem_shared>>
      %dma_start3A_399 = tpu.memref_slice %arg20[%add3A_125] : memref<163840xf32, #tpu.memory_space<vmem_shared>> -> memref<640xf32, #tpu.memory_space<vmem_shared>>
      tpu.enqueue_dma source(%dma_start3A_399 : memref<640xf32, #tpu.memory_space<vmem_shared>>) target(%arg11 : memref<640xf32, #tpu.memory_space<vmem>>) target_semaphore(%run_scoped3A : memref<!tpu.dma_semaphore, #tpu.memory_space<semaphore_mem>>)
      %dma_wait3A_400 = tpu.memref_slice %arg20[%add3A_125] : memref<163840xf32, #tpu.memory_space<vmem_shared>> -> memref<640xf32, #tpu.memory_space<vmem_shared>>
      %dma_wait3A_401 = tpu.memref_slice %arg20[%add3A_125] : memref<163840xf32, #tpu.memory_space<vmem_shared>> -> memref<640xf32, #tpu.memory_space<vmem_shared>>
      tpu.wait_dma2 semaphore(%run_scoped3A : memref<!tpu.dma_semaphore, #tpu.memory_space<semaphore_mem>>) src(%dma_wait3A_401 : memref<640xf32, #tpu.memory_space<vmem_shared>>) dst(%arg11 : memref<640xf32, #tpu.memory_space<vmem>>)
      tpu.yield
    }) : () -> ()
    %parallel_loop3A_126 = arith.constant 0 : i32
    %parallel_loop3A_127 = arith.constant 40 : i32
    %parallel_loop3A_128 = arith.constant 1 : i32
    scf.for %parallel_loop3A_398 = %parallel_loop3A_126 to %parallel_loop3A_127 step %parallel_loop3A_128  : i32 {
      %parallel_loop3A_399 = arith.constant 16 : i32
      %parallel_loop3A_400 = arith.muli %parallel_loop3A_398, %parallel_loop3A_399 : i32
      %parallel_loop3A_401 = arith.index_cast %parallel_loop3A_400 : i32 to index
      %parallel_loop3A_402 = tpu.vector_load %arg12[%parallel_loop3A_401] {strides = array<i32>} : memref<640xf32, #tpu.memory_space<vmem>>, vector<16xf32>,
      %parallel_loop3A_403 = arith.index_cast %parallel_loop3A_400 : i32 to index
      %parallel_loop3A_404 = tpu.vector_load %arg11[%parallel_loop3A_403] {strides = array<i32>} : memref<640xf32, #tpu.memory_space<vmem>>, vector<16xf32>,
      %parallel_loop3A_405 = arith.addf %parallel_loop3A_402, %parallel_loop3A_404 : vector<16xf32>
      %parallel_loop3A_406 = arith.index_cast %parallel_loop3A_400 : i32 to index
      %parallel_loop3A_407 = tpu.vector_load %arg12[%parallel_loop3A_406] {strides = array<i32>} : memref<640xf32, #tpu.memory_space<vmem>>, vector<16xf32>,
      tpu.vector_store %arg12[%parallel_loop3A_406], %parallel_loop3A_405 {strides = array<i32>} : memref<640xf32, #tpu.memory_space<vmem>>, vector<16xf32>,
    } {sc.loop_unroll_factor = 4 : i64, sc.parallel_access}
    %add3A_129 = arith.constant 143360 : i32
    %add3A_130 = arith.addi %add3A_129, %multiple_of3A_58 : i32
    "tpu.region"() ({
      %run_scoped3A = tpu.sem_alloc : memref<!tpu.dma_semaphore, #tpu.memory_space<semaphore_mem>>
      %dma_start3A_398 = tpu.memref_slice %arg20[%add3A_130] : memref<163840xf32, #tpu.memory_space<vmem_shared>> -> memref<640xf32, #tpu.memory_space<vmem_shared>>
      %dma_start3A_399 = tpu.memref_slice %arg20[%add3A_130] : memref<163840xf32, #tpu.memory_space<vmem_shared>> -> memref<640xf32, #tpu.memory_space<vmem_shared>>
      tpu.enqueue_dma source(%dma_start3A_399 : memref<640xf32, #tpu.memory_space<vmem_shared>>) target(%arg11 : memref<640xf32, #tpu.memory_space<vmem>>) target_semaphore(%run_scoped3A : memref<!tpu.dma_semaphore, #tpu.memory_space<semaphore_mem>>)
      %dma_wait3A_400 = tpu.memref_slice %arg20[%add3A_130] : memref<163840xf32, #tpu.memory_space<vmem_shared>> -> memref<640xf32, #tpu.memory_space<vmem_shared>>
      %dma_wait3A_401 = tpu.memref_slice %arg20[%add3A_130] : memref<163840xf32, #tpu.memory_space<vmem_shared>> -> memref<640xf32, #tpu.memory_space<vmem_shared>>
      tpu.wait_dma2 semaphore(%run_scoped3A : memref<!tpu.dma_semaphore, #tpu.memory_space<semaphore_mem>>) src(%dma_wait3A_401 : memref<640xf32, #tpu.memory_space<vmem_shared>>) dst(%arg11 : memref<640xf32, #tpu.memory_space<vmem>>)
      tpu.yield
    }) : () -> ()
    %parallel_loop3A_131 = arith.constant 0 : i32
    %parallel_loop3A_132 = arith.constant 40 : i32
    %parallel_loop3A_133 = arith.constant 1 : i32
    scf.for %parallel_loop3A_398 = %parallel_loop3A_131 to %parallel_loop3A_132 step %parallel_loop3A_133  : i32 {
      %parallel_loop3A_399 = arith.constant 16 : i32
      %parallel_loop3A_400 = arith.muli %parallel_loop3A_398, %parallel_loop3A_399 : i32
      %parallel_loop3A_401 = arith.index_cast %parallel_loop3A_400 : i32 to index
      %parallel_loop3A_402 = tpu.vector_load %arg12[%parallel_loop3A_401] {strides = array<i32>} : memref<640xf32, #tpu.memory_space<vmem>>, vector<16xf32>,
      %parallel_loop3A_403 = arith.index_cast %parallel_loop3A_400 : i32 to index
      %parallel_loop3A_404 = tpu.vector_load %arg11[%parallel_loop3A_403] {strides = array<i32>} : memref<640xf32, #tpu.memory_space<vmem>>, vector<16xf32>,
      %parallel_loop3A_405 = arith.addf %parallel_loop3A_402, %parallel_loop3A_404 : vector<16xf32>
      %parallel_loop3A_406 = arith.index_cast %parallel_loop3A_400 : i32 to index
      %parallel_loop3A_407 = tpu.vector_load %arg12[%parallel_loop3A_406] {strides = array<i32>} : memref<640xf32, #tpu.memory_space<vmem>>, vector<16xf32>,
      tpu.vector_store %arg12[%parallel_loop3A_406], %parallel_loop3A_405 {strides = array<i32>} : memref<640xf32, #tpu.memory_space<vmem>>, vector<16xf32>,
    } {sc.loop_unroll_factor = 4 : i64, sc.parallel_access}
    %add3A_134 = arith.constant 153600 : i32
    %add3A_135 = arith.addi %add3A_134, %multiple_of3A_58 : i32
    "tpu.region"() ({
      %run_scoped3A = tpu.sem_alloc : memref<!tpu.dma_semaphore, #tpu.memory_space<semaphore_mem>>
      %dma_start3A_398 = tpu.memref_slice %arg20[%add3A_135] : memref<163840xf32, #tpu.memory_space<vmem_shared>> -> memref<640xf32, #tpu.memory_space<vmem_shared>>
      %dma_start3A_399 = tpu.memref_slice %arg20[%add3A_135] : memref<163840xf32, #tpu.memory_space<vmem_shared>> -> memref<640xf32, #tpu.memory_space<vmem_shared>>
      tpu.enqueue_dma source(%dma_start3A_399 : memref<640xf32, #tpu.memory_space<vmem_shared>>) target(%arg11 : memref<640xf32, #tpu.memory_space<vmem>>) target_semaphore(%run_scoped3A : memref<!tpu.dma_semaphore, #tpu.memory_space<semaphore_mem>>)
      %dma_wait3A_400 = tpu.memref_slice %arg20[%add3A_135] : memref<163840xf32, #tpu.memory_space<vmem_shared>> -> memref<640xf32, #tpu.memory_space<vmem_shared>>
      %dma_wait3A_401 = tpu.memref_slice %arg20[%add3A_135] : memref<163840xf32, #tpu.memory_space<vmem_shared>> -> memref<640xf32, #tpu.memory_space<vmem_shared>>
      tpu.wait_dma2 semaphore(%run_scoped3A : memref<!tpu.dma_semaphore, #tpu.memory_space<semaphore_mem>>) src(%dma_wait3A_401 : memref<640xf32, #tpu.memory_space<vmem_shared>>) dst(%arg11 : memref<640xf32, #tpu.memory_space<vmem>>)
      tpu.yield
    }) : () -> ()
    %parallel_loop3A_136 = arith.constant 0 : i32
    %parallel_loop3A_137 = arith.constant 40 : i32
    %parallel_loop3A_138 = arith.constant 1 : i32
    scf.for %parallel_loop3A_398 = %parallel_loop3A_136 to %parallel_loop3A_137 step %parallel_loop3A_138  : i32 {
      %parallel_loop3A_399 = arith.constant 16 : i32
      %parallel_loop3A_400 = arith.muli %parallel_loop3A_398, %parallel_loop3A_399 : i32
      %parallel_loop3A_401 = arith.index_cast %parallel_loop3A_400 : i32 to index
      %parallel_loop3A_402 = tpu.vector_load %arg12[%parallel_loop3A_401] {strides = array<i32>} : memref<640xf32, #tpu.memory_space<vmem>>, vector<16xf32>,
      %parallel_loop3A_403 = arith.index_cast %parallel_loop3A_400 : i32 to index
      %parallel_loop3A_404 = tpu.vector_load %arg11[%parallel_loop3A_403] {strides = array<i32>} : memref<640xf32, #tpu.memory_space<vmem>>, vector<16xf32>,
      %parallel_loop3A_405 = arith.addf %parallel_loop3A_402, %parallel_loop3A_404 : vector<16xf32>
      %parallel_loop3A_406 = arith.index_cast %parallel_loop3A_400 : i32 to index
      %parallel_loop3A_407 = tpu.vector_load %arg12[%parallel_loop3A_406] {strides = array<i32>} : memref<640xf32, #tpu.memory_space<vmem>>, vector<16xf32>,
      tpu.vector_store %arg12[%parallel_loop3A_406], %parallel_loop3A_405 {strides = array<i32>} : memref<640xf32, #tpu.memory_space<vmem>>, vector<16xf32>,
    } {sc.loop_unroll_factor = 4 : i64, sc.parallel_access}
    "tpu.region"() ({
      %run_scoped3A = tpu.sem_alloc : memref<!tpu.dma_semaphore, #tpu.memory_space<semaphore_mem>>
      %dma_start3A_398 = tpu.memref_slice %arg22[%multiple_of3A_58] : memref<10240xf32, #tpu.memory_space<vmem_shared>> -> memref<640xf32, #tpu.memory_space<vmem_shared>>
      %dma_start3A_399 = tpu.memref_slice %arg22[%multiple_of3A_58] : memref<10240xf32, #tpu.memory_space<vmem_shared>> -> memref<640xf32, #tpu.memory_space<vmem_shared>>
      tpu.enqueue_dma source(%arg12 : memref<640xf32, #tpu.memory_space<vmem>>) target(%dma_start3A_399 : memref<640xf32, #tpu.memory_space<vmem_shared>>) target_semaphore(%run_scoped3A : memref<!tpu.dma_semaphore, #tpu.memory_space<semaphore_mem>>)
      %dma_wait3A_400 = tpu.memref_slice %arg22[%multiple_of3A_58] : memref<10240xf32, #tpu.memory_space<vmem_shared>> -> memref<640xf32, #tpu.memory_space<vmem_shared>>
      %dma_wait3A_401 = tpu.memref_slice %arg22[%multiple_of3A_58] : memref<10240xf32, #tpu.memory_space<vmem_shared>> -> memref<640xf32, #tpu.memory_space<vmem_shared>>
      tpu.wait_dma2 semaphore(%run_scoped3A : memref<!tpu.dma_semaphore, #tpu.memory_space<semaphore_mem>>) src(%arg12 : memref<640xf32, #tpu.memory_space<vmem>>) dst(%dma_wait3A_401 : memref<640xf32, #tpu.memory_space<vmem_shared>>)
      tpu.yield
    }) : () -> ()
    %add3A_139 = arith.constant 0 : i32
    %add3A_140 = arith.addi %add3A_139, %multiple_of3A_58 : i32
    "tpu.region"() ({
      %run_scoped3A = tpu.sem_alloc : memref<!tpu.dma_semaphore, #tpu.memory_space<semaphore_mem>>
      %dma_start3A_398 = tpu.memref_slice %arg21[%add3A_140] : memref<163840xf32, #tpu.memory_space<vmem_shared>> -> memref<640xf32, #tpu.memory_space<vmem_shared>>
      %dma_start3A_399 = tpu.memref_slice %arg21[%add3A_140] : memref<163840xf32, #tpu.memory_space<vmem_shared>> -> memref<640xf32, #tpu.memory_space<vmem_shared>>
      tpu.enqueue_dma source(%dma_start3A_399 : memref<640xf32, #tpu.memory_space<vmem_shared>>) target(%arg11 : memref<640xf32, #tpu.memory_space<vmem>>) target_semaphore(%run_scoped3A : memref<!tpu.dma_semaphore, #tpu.memory_space<semaphore_mem>>)
      %dma_wait3A_400 = tpu.memref_slice %arg21[%add3A_140] : memref<163840xf32, #tpu.memory_space<vmem_shared>> -> memref<640xf32, #tpu.memory_space<vmem_shared>>
      %dma_wait3A_401 = tpu.memref_slice %arg21[%add3A_140] : memref<163840xf32, #tpu.memory_space<vmem_shared>> -> memref<640xf32, #tpu.memory_space<vmem_shared>>
      tpu.wait_dma2 semaphore(%run_scoped3A : memref<!tpu.dma_semaphore, #tpu.memory_space<semaphore_mem>>) src(%dma_wait3A_401 : memref<640xf32, #tpu.memory_space<vmem_shared>>) dst(%arg11 : memref<640xf32, #tpu.memory_space<vmem>>)
      tpu.yield
    }) : () -> ()
    %parallel_loop3A_141 = arith.constant 0 : i32
    %parallel_loop3A_142 = arith.constant 40 : i32
    %parallel_loop3A_143 = arith.constant 1 : i32
    scf.for %parallel_loop3A_398 = %parallel_loop3A_141 to %parallel_loop3A_142 step %parallel_loop3A_143  : i32 {
      %parallel_loop3A_399 = arith.constant 16 : i32
      %parallel_loop3A_400 = arith.muli %parallel_loop3A_398, %parallel_loop3A_399 : i32
      %parallel_loop3A_401 = arith.index_cast %parallel_loop3A_400 : i32 to index
      %parallel_loop3A_402 = tpu.vector_load %arg11[%parallel_loop3A_401] {strides = array<i32>} : memref<640xf32, #tpu.memory_space<vmem>>, vector<16xf32>,
      %parallel_loop3A_403 = arith.index_cast %parallel_loop3A_400 : i32 to index
      %parallel_loop3A_404 = tpu.vector_load %arg12[%parallel_loop3A_403] {strides = array<i32>} : memref<640xf32, #tpu.memory_space<vmem>>, vector<16xf32>,
      tpu.vector_store %arg12[%parallel_loop3A_403], %parallel_loop3A_402 {strides = array<i32>} : memref<640xf32, #tpu.memory_space<vmem>>, vector<16xf32>,
    } {sc.loop_unroll_factor = 4 : i64, sc.parallel_access}
    %add3A_144 = arith.constant 10240 : i32
    %add3A_145 = arith.addi %add3A_144, %multiple_of3A_58 : i32
    "tpu.region"() ({
      %run_scoped3A = tpu.sem_alloc : memref<!tpu.dma_semaphore, #tpu.memory_space<semaphore_mem>>
      %dma_start3A_398 = tpu.memref_slice %arg21[%add3A_145] : memref<163840xf32, #tpu.memory_space<vmem_shared>> -> memref<640xf32, #tpu.memory_space<vmem_shared>>
      %dma_start3A_399 = tpu.memref_slice %arg21[%add3A_145] : memref<163840xf32, #tpu.memory_space<vmem_shared>> -> memref<640xf32, #tpu.memory_space<vmem_shared>>
      tpu.enqueue_dma source(%dma_start3A_399 : memref<640xf32, #tpu.memory_space<vmem_shared>>) target(%arg11 : memref<640xf32, #tpu.memory_space<vmem>>) target_semaphore(%run_scoped3A : memref<!tpu.dma_semaphore, #tpu.memory_space<semaphore_mem>>)
      %dma_wait3A_400 = tpu.memref_slice %arg21[%add3A_145] : memref<163840xf32, #tpu.memory_space<vmem_shared>> -> memref<640xf32, #tpu.memory_space<vmem_shared>>
      %dma_wait3A_401 = tpu.memref_slice %arg21[%add3A_145] : memref<163840xf32, #tpu.memory_space<vmem_shared>> -> memref<640xf32, #tpu.memory_space<vmem_shared>>
      tpu.wait_dma2 semaphore(%run_scoped3A : memref<!tpu.dma_semaphore, #tpu.memory_space<semaphore_mem>>) src(%dma_wait3A_401 : memref<640xf32, #tpu.memory_space<vmem_shared>>) dst(%arg11 : memref<640xf32, #tpu.memory_space<vmem>>)
      tpu.yield
    }) : () -> ()
    %parallel_loop3A_146 = arith.constant 0 : i32
    %parallel_loop3A_147 = arith.constant 40 : i32
    %parallel_loop3A_148 = arith.constant 1 : i32
    scf.for %parallel_loop3A_398 = %parallel_loop3A_146 to %parallel_loop3A_147 step %parallel_loop3A_148  : i32 {
      %parallel_loop3A_399 = arith.constant 16 : i32
      %parallel_loop3A_400 = arith.muli %parallel_loop3A_398, %parallel_loop3A_399 : i32
      %parallel_loop3A_401 = arith.index_cast %parallel_loop3A_400 : i32 to index
      %parallel_loop3A_402 = tpu.vector_load %arg12[%parallel_loop3A_401] {strides = array<i32>} : memref<640xf32, #tpu.memory_space<vmem>>, vector<16xf32>,
      %parallel_loop3A_403 = arith.index_cast %parallel_loop3A_400 : i32 to index
      %parallel_loop3A_404 = tpu.vector_load %arg11[%parallel_loop3A_403] {strides = array<i32>} : memref<640xf32, #tpu.memory_space<vmem>>, vector<16xf32>,
      %parallel_loop3A_405 = arith.addf %parallel_loop3A_402, %parallel_loop3A_404 : vector<16xf32>
      %parallel_loop3A_406 = arith.index_cast %parallel_loop3A_400 : i32 to index
      %parallel_loop3A_407 = tpu.vector_load %arg12[%parallel_loop3A_406] {strides = array<i32>} : memref<640xf32, #tpu.memory_space<vmem>>, vector<16xf32>,
      tpu.vector_store %arg12[%parallel_loop3A_406], %parallel_loop3A_405 {strides = array<i32>} : memref<640xf32, #tpu.memory_space<vmem>>, vector<16xf32>,
    } {sc.loop_unroll_factor = 4 : i64, sc.parallel_access}
    %add3A_149 = arith.constant 20480 : i32
    %add3A_150 = arith.addi %add3A_149, %multiple_of3A_58 : i32
    "tpu.region"() ({
      %run_scoped3A = tpu.sem_alloc : memref<!tpu.dma_semaphore, #tpu.memory_space<semaphore_mem>>
      %dma_start3A_398 = tpu.memref_slice %arg21[%add3A_150] : memref<163840xf32, #tpu.memory_space<vmem_shared>> -> memref<640xf32, #tpu.memory_space<vmem_shared>>
      %dma_start3A_399 = tpu.memref_slice %arg21[%add3A_150] : memref<163840xf32, #tpu.memory_space<vmem_shared>> -> memref<640xf32, #tpu.memory_space<vmem_shared>>
      tpu.enqueue_dma source(%dma_start3A_399 : memref<640xf32, #tpu.memory_space<vmem_shared>>) target(%arg11 : memref<640xf32, #tpu.memory_space<vmem>>) target_semaphore(%run_scoped3A : memref<!tpu.dma_semaphore, #tpu.memory_space<semaphore_mem>>)
      %dma_wait3A_400 = tpu.memref_slice %arg21[%add3A_150] : memref<163840xf32, #tpu.memory_space<vmem_shared>> -> memref<640xf32, #tpu.memory_space<vmem_shared>>
      %dma_wait3A_401 = tpu.memref_slice %arg21[%add3A_150] : memref<163840xf32, #tpu.memory_space<vmem_shared>> -> memref<640xf32, #tpu.memory_space<vmem_shared>>
      tpu.wait_dma2 semaphore(%run_scoped3A : memref<!tpu.dma_semaphore, #tpu.memory_space<semaphore_mem>>) src(%dma_wait3A_401 : memref<640xf32, #tpu.memory_space<vmem_shared>>) dst(%arg11 : memref<640xf32, #tpu.memory_space<vmem>>)
      tpu.yield
    }) : () -> ()
    %parallel_loop3A_151 = arith.constant 0 : i32
    %parallel_loop3A_152 = arith.constant 40 : i32
    %parallel_loop3A_153 = arith.constant 1 : i32
    scf.for %parallel_loop3A_398 = %parallel_loop3A_151 to %parallel_loop3A_152 step %parallel_loop3A_153  : i32 {
      %parallel_loop3A_399 = arith.constant 16 : i32
      %parallel_loop3A_400 = arith.muli %parallel_loop3A_398, %parallel_loop3A_399 : i32
      %parallel_loop3A_401 = arith.index_cast %parallel_loop3A_400 : i32 to index
      %parallel_loop3A_402 = tpu.vector_load %arg12[%parallel_loop3A_401] {strides = array<i32>} : memref<640xf32, #tpu.memory_space<vmem>>, vector<16xf32>,
      %parallel_loop3A_403 = arith.index_cast %parallel_loop3A_400 : i32 to index
      %parallel_loop3A_404 = tpu.vector_load %arg11[%parallel_loop3A_403] {strides = array<i32>} : memref<640xf32, #tpu.memory_space<vmem>>, vector<16xf32>,
      %parallel_loop3A_405 = arith.addf %parallel_loop3A_402, %parallel_loop3A_404 : vector<16xf32>
      %parallel_loop3A_406 = arith.index_cast %parallel_loop3A_400 : i32 to index
      %parallel_loop3A_407 = tpu.vector_load %arg12[%parallel_loop3A_406] {strides = array<i32>} : memref<640xf32, #tpu.memory_space<vmem>>, vector<16xf32>,
      tpu.vector_store %arg12[%parallel_loop3A_406], %parallel_loop3A_405 {strides = array<i32>} : memref<640xf32, #tpu.memory_space<vmem>>, vector<16xf32>,
    } {sc.loop_unroll_factor = 4 : i64, sc.parallel_access}
    %add3A_154 = arith.constant 30720 : i32
    %add3A_155 = arith.addi %add3A_154, %multiple_of3A_58 : i32
    "tpu.region"() ({
      %run_scoped3A = tpu.sem_alloc : memref<!tpu.dma_semaphore, #tpu.memory_space<semaphore_mem>>
      %dma_start3A_398 = tpu.memref_slice %arg21[%add3A_155] : memref<163840xf32, #tpu.memory_space<vmem_shared>> -> memref<640xf32, #tpu.memory_space<vmem_shared>>
      %dma_start3A_399 = tpu.memref_slice %arg21[%add3A_155] : memref<163840xf32, #tpu.memory_space<vmem_shared>> -> memref<640xf32, #tpu.memory_space<vmem_shared>>
      tpu.enqueue_dma source(%dma_start3A_399 : memref<640xf32, #tpu.memory_space<vmem_shared>>) target(%arg11 : memref<640xf32, #tpu.memory_space<vmem>>) target_semaphore(%run_scoped3A : memref<!tpu.dma_semaphore, #tpu.memory_space<semaphore_mem>>)
      %dma_wait3A_400 = tpu.memref_slice %arg21[%add3A_155] : memref<163840xf32, #tpu.memory_space<vmem_shared>> -> memref<640xf32, #tpu.memory_space<vmem_shared>>
      %dma_wait3A_401 = tpu.memref_slice %arg21[%add3A_155] : memref<163840xf32, #tpu.memory_space<vmem_shared>> -> memref<640xf32, #tpu.memory_space<vmem_shared>>
      tpu.wait_dma2 semaphore(%run_scoped3A : memref<!tpu.dma_semaphore, #tpu.memory_space<semaphore_mem>>) src(%dma_wait3A_401 : memref<640xf32, #tpu.memory_space<vmem_shared>>) dst(%arg11 : memref<640xf32, #tpu.memory_space<vmem>>)
      tpu.yield
    }) : () -> ()
    %parallel_loop3A_156 = arith.constant 0 : i32
    %parallel_loop3A_157 = arith.constant 40 : i32
    %parallel_loop3A_158 = arith.constant 1 : i32
    scf.for %parallel_loop3A_398 = %parallel_loop3A_156 to %parallel_loop3A_157 step %parallel_loop3A_158  : i32 {
      %parallel_loop3A_399 = arith.constant 16 : i32
      %parallel_loop3A_400 = arith.muli %parallel_loop3A_398, %parallel_loop3A_399 : i32
      %parallel_loop3A_401 = arith.index_cast %parallel_loop3A_400 : i32 to index
      %parallel_loop3A_402 = tpu.vector_load %arg12[%parallel_loop3A_401] {strides = array<i32>} : memref<640xf32, #tpu.memory_space<vmem>>, vector<16xf32>,
      %parallel_loop3A_403 = arith.index_cast %parallel_loop3A_400 : i32 to index
      %parallel_loop3A_404 = tpu.vector_load %arg11[%parallel_loop3A_403] {strides = array<i32>} : memref<640xf32, #tpu.memory_space<vmem>>, vector<16xf32>,
      %parallel_loop3A_405 = arith.addf %parallel_loop3A_402, %parallel_loop3A_404 : vector<16xf32>
      %parallel_loop3A_406 = arith.index_cast %parallel_loop3A_400 : i32 to index
      %parallel_loop3A_407 = tpu.vector_load %arg12[%parallel_loop3A_406] {strides = array<i32>} : memref<640xf32, #tpu.memory_space<vmem>>, vector<16xf32>,
      tpu.vector_store %arg12[%parallel_loop3A_406], %parallel_loop3A_405 {strides = array<i32>} : memref<640xf32, #tpu.memory_space<vmem>>, vector<16xf32>,
    } {sc.loop_unroll_factor = 4 : i64, sc.parallel_access}
    %add3A_159 = arith.constant 40960 : i32
    %add3A_160 = arith.addi %add3A_159, %multiple_of3A_58 : i32
    "tpu.region"() ({
      %run_scoped3A = tpu.sem_alloc : memref<!tpu.dma_semaphore, #tpu.memory_space<semaphore_mem>>
      %dma_start3A_398 = tpu.memref_slice %arg21[%add3A_160] : memref<163840xf32, #tpu.memory_space<vmem_shared>> -> memref<640xf32, #tpu.memory_space<vmem_shared>>
      %dma_start3A_399 = tpu.memref_slice %arg21[%add3A_160] : memref<163840xf32, #tpu.memory_space<vmem_shared>> -> memref<640xf32, #tpu.memory_space<vmem_shared>>
      tpu.enqueue_dma source(%dma_start3A_399 : memref<640xf32, #tpu.memory_space<vmem_shared>>) target(%arg11 : memref<640xf32, #tpu.memory_space<vmem>>) target_semaphore(%run_scoped3A : memref<!tpu.dma_semaphore, #tpu.memory_space<semaphore_mem>>)
      %dma_wait3A_400 = tpu.memref_slice %arg21[%add3A_160] : memref<163840xf32, #tpu.memory_space<vmem_shared>> -> memref<640xf32, #tpu.memory_space<vmem_shared>>
      %dma_wait3A_401 = tpu.memref_slice %arg21[%add3A_160] : memref<163840xf32, #tpu.memory_space<vmem_shared>> -> memref<640xf32, #tpu.memory_space<vmem_shared>>
      tpu.wait_dma2 semaphore(%run_scoped3A : memref<!tpu.dma_semaphore, #tpu.memory_space<semaphore_mem>>) src(%dma_wait3A_401 : memref<640xf32, #tpu.memory_space<vmem_shared>>) dst(%arg11 : memref<640xf32, #tpu.memory_space<vmem>>)
      tpu.yield
    }) : () -> ()
    %parallel_loop3A_161 = arith.constant 0 : i32
    %parallel_loop3A_162 = arith.constant 40 : i32
    %parallel_loop3A_163 = arith.constant 1 : i32
    scf.for %parallel_loop3A_398 = %parallel_loop3A_161 to %parallel_loop3A_162 step %parallel_loop3A_163  : i32 {
      %parallel_loop3A_399 = arith.constant 16 : i32
      %parallel_loop3A_400 = arith.muli %parallel_loop3A_398, %parallel_loop3A_399 : i32
      %parallel_loop3A_401 = arith.index_cast %parallel_loop3A_400 : i32 to index
      %parallel_loop3A_402 = tpu.vector_load %arg12[%parallel_loop3A_401] {strides = array<i32>} : memref<640xf32, #tpu.memory_space<vmem>>, vector<16xf32>,
      %parallel_loop3A_403 = arith.index_cast %parallel_loop3A_400 : i32 to index
      %parallel_loop3A_404 = tpu.vector_load %arg11[%parallel_loop3A_403] {strides = array<i32>} : memref<640xf32, #tpu.memory_space<vmem>>, vector<16xf32>,
      %parallel_loop3A_405 = arith.addf %parallel_loop3A_402, %parallel_loop3A_404 : vector<16xf32>
      %parallel_loop3A_406 = arith.index_cast %parallel_loop3A_400 : i32 to index
      %parallel_loop3A_407 = tpu.vector_load %arg12[%parallel_loop3A_406] {strides = array<i32>} : memref<640xf32, #tpu.memory_space<vmem>>, vector<16xf32>,
      tpu.vector_store %arg12[%parallel_loop3A_406], %parallel_loop3A_405 {strides = array<i32>} : memref<640xf32, #tpu.memory_space<vmem>>, vector<16xf32>,
    } {sc.loop_unroll_factor = 4 : i64, sc.parallel_access}
    %add3A_164 = arith.constant 51200 : i32
    %add3A_165 = arith.addi %add3A_164, %multiple_of3A_58 : i32
    "tpu.region"() ({
      %run_scoped3A = tpu.sem_alloc : memref<!tpu.dma_semaphore, #tpu.memory_space<semaphore_mem>>
      %dma_start3A_398 = tpu.memref_slice %arg21[%add3A_165] : memref<163840xf32, #tpu.memory_space<vmem_shared>> -> memref<640xf32, #tpu.memory_space<vmem_shared>>
      %dma_start3A_399 = tpu.memref_slice %arg21[%add3A_165] : memref<163840xf32, #tpu.memory_space<vmem_shared>> -> memref<640xf32, #tpu.memory_space<vmem_shared>>
      tpu.enqueue_dma source(%dma_start3A_399 : memref<640xf32, #tpu.memory_space<vmem_shared>>) target(%arg11 : memref<640xf32, #tpu.memory_space<vmem>>) target_semaphore(%run_scoped3A : memref<!tpu.dma_semaphore, #tpu.memory_space<semaphore_mem>>)
      %dma_wait3A_400 = tpu.memref_slice %arg21[%add3A_165] : memref<163840xf32, #tpu.memory_space<vmem_shared>> -> memref<640xf32, #tpu.memory_space<vmem_shared>>
      %dma_wait3A_401 = tpu.memref_slice %arg21[%add3A_165] : memref<163840xf32, #tpu.memory_space<vmem_shared>> -> memref<640xf32, #tpu.memory_space<vmem_shared>>
      tpu.wait_dma2 semaphore(%run_scoped3A : memref<!tpu.dma_semaphore, #tpu.memory_space<semaphore_mem>>) src(%dma_wait3A_401 : memref<640xf32, #tpu.memory_space<vmem_shared>>) dst(%arg11 : memref<640xf32, #tpu.memory_space<vmem>>)
      tpu.yield
    }) : () -> ()
    %parallel_loop3A_166 = arith.constant 0 : i32
    %parallel_loop3A_167 = arith.constant 40 : i32
    %parallel_loop3A_168 = arith.constant 1 : i32
    scf.for %parallel_loop3A_398 = %parallel_loop3A_166 to %parallel_loop3A_167 step %parallel_loop3A_168  : i32 {
      %parallel_loop3A_399 = arith.constant 16 : i32
      %parallel_loop3A_400 = arith.muli %parallel_loop3A_398, %parallel_loop3A_399 : i32
      %parallel_loop3A_401 = arith.index_cast %parallel_loop3A_400 : i32 to index
      %parallel_loop3A_402 = tpu.vector_load %arg12[%parallel_loop3A_401] {strides = array<i32>} : memref<640xf32, #tpu.memory_space<vmem>>, vector<16xf32>,
      %parallel_loop3A_403 = arith.index_cast %parallel_loop3A_400 : i32 to index
      %parallel_loop3A_404 = tpu.vector_load %arg11[%parallel_loop3A_403] {strides = array<i32>} : memref<640xf32, #tpu.memory_space<vmem>>, vector<16xf32>,
      %parallel_loop3A_405 = arith.addf %parallel_loop3A_402, %parallel_loop3A_404 : vector<16xf32>
      %parallel_loop3A_406 = arith.index_cast %parallel_loop3A_400 : i32 to index
      %parallel_loop3A_407 = tpu.vector_load %arg12[%parallel_loop3A_406] {strides = array<i32>} : memref<640xf32, #tpu.memory_space<vmem>>, vector<16xf32>,
      tpu.vector_store %arg12[%parallel_loop3A_406], %parallel_loop3A_405 {strides = array<i32>} : memref<640xf32, #tpu.memory_space<vmem>>, vector<16xf32>,
    } {sc.loop_unroll_factor = 4 : i64, sc.parallel_access}
    %add3A_169 = arith.constant 61440 : i32
    %add3A_170 = arith.addi %add3A_169, %multiple_of3A_58 : i32
    "tpu.region"() ({
      %run_scoped3A = tpu.sem_alloc : memref<!tpu.dma_semaphore, #tpu.memory_space<semaphore_mem>>
      %dma_start3A_398 = tpu.memref_slice %arg21[%add3A_170] : memref<163840xf32, #tpu.memory_space<vmem_shared>> -> memref<640xf32, #tpu.memory_space<vmem_shared>>
      %dma_start3A_399 = tpu.memref_slice %arg21[%add3A_170] : memref<163840xf32, #tpu.memory_space<vmem_shared>> -> memref<640xf32, #tpu.memory_space<vmem_shared>>
      tpu.enqueue_dma source(%dma_start3A_399 : memref<640xf32, #tpu.memory_space<vmem_shared>>) target(%arg11 : memref<640xf32, #tpu.memory_space<vmem>>) target_semaphore(%run_scoped3A : memref<!tpu.dma_semaphore, #tpu.memory_space<semaphore_mem>>)
      %dma_wait3A_400 = tpu.memref_slice %arg21[%add3A_170] : memref<163840xf32, #tpu.memory_space<vmem_shared>> -> memref<640xf32, #tpu.memory_space<vmem_shared>>
      %dma_wait3A_401 = tpu.memref_slice %arg21[%add3A_170] : memref<163840xf32, #tpu.memory_space<vmem_shared>> -> memref<640xf32, #tpu.memory_space<vmem_shared>>
      tpu.wait_dma2 semaphore(%run_scoped3A : memref<!tpu.dma_semaphore, #tpu.memory_space<semaphore_mem>>) src(%dma_wait3A_401 : memref<640xf32, #tpu.memory_space<vmem_shared>>) dst(%arg11 : memref<640xf32, #tpu.memory_space<vmem>>)
      tpu.yield
    }) : () -> ()
    %parallel_loop3A_171 = arith.constant 0 : i32
    %parallel_loop3A_172 = arith.constant 40 : i32
    %parallel_loop3A_173 = arith.constant 1 : i32
    scf.for %parallel_loop3A_398 = %parallel_loop3A_171 to %parallel_loop3A_172 step %parallel_loop3A_173  : i32 {
      %parallel_loop3A_399 = arith.constant 16 : i32
      %parallel_loop3A_400 = arith.muli %parallel_loop3A_398, %parallel_loop3A_399 : i32
      %parallel_loop3A_401 = arith.index_cast %parallel_loop3A_400 : i32 to index
      %parallel_loop3A_402 = tpu.vector_load %arg12[%parallel_loop3A_401] {strides = array<i32>} : memref<640xf32, #tpu.memory_space<vmem>>, vector<16xf32>,
      %parallel_loop3A_403 = arith.index_cast %parallel_loop3A_400 : i32 to index
      %parallel_loop3A_404 = tpu.vector_load %arg11[%parallel_loop3A_403] {strides = array<i32>} : memref<640xf32, #tpu.memory_space<vmem>>, vector<16xf32>,
      %parallel_loop3A_405 = arith.addf %parallel_loop3A_402, %parallel_loop3A_404 : vector<16xf32>
      %parallel_loop3A_406 = arith.index_cast %parallel_loop3A_400 : i32 to index
      %parallel_loop3A_407 = tpu.vector_load %arg12[%parallel_loop3A_406] {strides = array<i32>} : memref<640xf32, #tpu.memory_space<vmem>>, vector<16xf32>,
      tpu.vector_store %arg12[%parallel_loop3A_406], %parallel_loop3A_405 {strides = array<i32>} : memref<640xf32, #tpu.memory_space<vmem>>, vector<16xf32>,
    } {sc.loop_unroll_factor = 4 : i64, sc.parallel_access}
    %add3A_174 = arith.constant 71680 : i32
    %add3A_175 = arith.addi %add3A_174, %multiple_of3A_58 : i32
    "tpu.region"() ({
      %run_scoped3A = tpu.sem_alloc : memref<!tpu.dma_semaphore, #tpu.memory_space<semaphore_mem>>
      %dma_start3A_398 = tpu.memref_slice %arg21[%add3A_175] : memref<163840xf32, #tpu.memory_space<vmem_shared>> -> memref<640xf32, #tpu.memory_space<vmem_shared>>
      %dma_start3A_399 = tpu.memref_slice %arg21[%add3A_175] : memref<163840xf32, #tpu.memory_space<vmem_shared>> -> memref<640xf32, #tpu.memory_space<vmem_shared>>
      tpu.enqueue_dma source(%dma_start3A_399 : memref<640xf32, #tpu.memory_space<vmem_shared>>) target(%arg11 : memref<640xf32, #tpu.memory_space<vmem>>) target_semaphore(%run_scoped3A : memref<!tpu.dma_semaphore, #tpu.memory_space<semaphore_mem>>)
      %dma_wait3A_400 = tpu.memref_slice %arg21[%add3A_175] : memref<163840xf32, #tpu.memory_space<vmem_shared>> -> memref<640xf32, #tpu.memory_space<vmem_shared>>
      %dma_wait3A_401 = tpu.memref_slice %arg21[%add3A_175] : memref<163840xf32, #tpu.memory_space<vmem_shared>> -> memref<640xf32, #tpu.memory_space<vmem_shared>>
      tpu.wait_dma2 semaphore(%run_scoped3A : memref<!tpu.dma_semaphore, #tpu.memory_space<semaphore_mem>>) src(%dma_wait3A_401 : memref<640xf32, #tpu.memory_space<vmem_shared>>) dst(%arg11 : memref<640xf32, #tpu.memory_space<vmem>>)
      tpu.yield
    }) : () -> ()
    %parallel_loop3A_176 = arith.constant 0 : i32
    %parallel_loop3A_177 = arith.constant 40 : i32
    %parallel_loop3A_178 = arith.constant 1 : i32
    scf.for %parallel_loop3A_398 = %parallel_loop3A_176 to %parallel_loop3A_177 step %parallel_loop3A_178  : i32 {
      %parallel_loop3A_399 = arith.constant 16 : i32
      %parallel_loop3A_400 = arith.muli %parallel_loop3A_398, %parallel_loop3A_399 : i32
      %parallel_loop3A_401 = arith.index_cast %parallel_loop3A_400 : i32 to index
      %parallel_loop3A_402 = tpu.vector_load %arg12[%parallel_loop3A_401] {strides = array<i32>} : memref<640xf32, #tpu.memory_space<vmem>>, vector<16xf32>,
      %parallel_loop3A_403 = arith.index_cast %parallel_loop3A_400 : i32 to index
      %parallel_loop3A_404 = tpu.vector_load %arg11[%parallel_loop3A_403] {strides = array<i32>} : memref<640xf32, #tpu.memory_space<vmem>>, vector<16xf32>,
      %parallel_loop3A_405 = arith.addf %parallel_loop3A_402, %parallel_loop3A_404 : vector<16xf32>
      %parallel_loop3A_406 = arith.index_cast %parallel_loop3A_400 : i32 to index
      %parallel_loop3A_407 = tpu.vector_load %arg12[%parallel_loop3A_406] {strides = array<i32>} : memref<640xf32, #tpu.memory_space<vmem>>, vector<16xf32>,
      tpu.vector_store %arg12[%parallel_loop3A_406], %parallel_loop3A_405 {strides = array<i32>} : memref<640xf32, #tpu.memory_space<vmem>>, vector<16xf32>,
    } {sc.loop_unroll_factor = 4 : i64, sc.parallel_access}
    %add3A_179 = arith.constant 81920 : i32
    %add3A_180 = arith.addi %add3A_179, %multiple_of3A_58 : i32
    "tpu.region"() ({
      %run_scoped3A = tpu.sem_alloc : memref<!tpu.dma_semaphore, #tpu.memory_space<semaphore_mem>>
      %dma_start3A_398 = tpu.memref_slice %arg21[%add3A_180] : memref<163840xf32, #tpu.memory_space<vmem_shared>> -> memref<640xf32, #tpu.memory_space<vmem_shared>>
      %dma_start3A_399 = tpu.memref_slice %arg21[%add3A_180] : memref<163840xf32, #tpu.memory_space<vmem_shared>> -> memref<640xf32, #tpu.memory_space<vmem_shared>>
      tpu.enqueue_dma source(%dma_start3A_399 : memref<640xf32, #tpu.memory_space<vmem_shared>>) target(%arg11 : memref<640xf32, #tpu.memory_space<vmem>>) target_semaphore(%run_scoped3A : memref<!tpu.dma_semaphore, #tpu.memory_space<semaphore_mem>>)
      %dma_wait3A_400 = tpu.memref_slice %arg21[%add3A_180] : memref<163840xf32, #tpu.memory_space<vmem_shared>> -> memref<640xf32, #tpu.memory_space<vmem_shared>>
      %dma_wait3A_401 = tpu.memref_slice %arg21[%add3A_180] : memref<163840xf32, #tpu.memory_space<vmem_shared>> -> memref<640xf32, #tpu.memory_space<vmem_shared>>
      tpu.wait_dma2 semaphore(%run_scoped3A : memref<!tpu.dma_semaphore, #tpu.memory_space<semaphore_mem>>) src(%dma_wait3A_401 : memref<640xf32, #tpu.memory_space<vmem_shared>>) dst(%arg11 : memref<640xf32, #tpu.memory_space<vmem>>)
      tpu.yield
    }) : () -> ()
    %parallel_loop3A_181 = arith.constant 0 : i32
    %parallel_loop3A_182 = arith.constant 40 : i32
    %parallel_loop3A_183 = arith.constant 1 : i32
    scf.for %parallel_loop3A_398 = %parallel_loop3A_181 to %parallel_loop3A_182 step %parallel_loop3A_183  : i32 {
      %parallel_loop3A_399 = arith.constant 16 : i32
      %parallel_loop3A_400 = arith.muli %parallel_loop3A_398, %parallel_loop3A_399 : i32
      %parallel_loop3A_401 = arith.index_cast %parallel_loop3A_400 : i32 to index
      %parallel_loop3A_402 = tpu.vector_load %arg12[%parallel_loop3A_401] {strides = array<i32>} : memref<640xf32, #tpu.memory_space<vmem>>, vector<16xf32>,
      %parallel_loop3A_403 = arith.index_cast %parallel_loop3A_400 : i32 to index
      %parallel_loop3A_404 = tpu.vector_load %arg11[%parallel_loop3A_403] {strides = array<i32>} : memref<640xf32, #tpu.memory_space<vmem>>, vector<16xf32>,
      %parallel_loop3A_405 = arith.addf %parallel_loop3A_402, %parallel_loop3A_404 : vector<16xf32>
      %parallel_loop3A_406 = arith.index_cast %parallel_loop3A_400 : i32 to index
      %parallel_loop3A_407 = tpu.vector_load %arg12[%parallel_loop3A_406] {strides = array<i32>} : memref<640xf32, #tpu.memory_space<vmem>>, vector<16xf32>,
      tpu.vector_store %arg12[%parallel_loop3A_406], %parallel_loop3A_405 {strides = array<i32>} : memref<640xf32, #tpu.memory_space<vmem>>, vector<16xf32>,
    } {sc.loop_unroll_factor = 4 : i64, sc.parallel_access}
    %add3A_184 = arith.constant 92160 : i32
    %add3A_185 = arith.addi %add3A_184, %multiple_of3A_58 : i32
    "tpu.region"() ({
      %run_scoped3A = tpu.sem_alloc : memref<!tpu.dma_semaphore, #tpu.memory_space<semaphore_mem>>
      %dma_start3A_398 = tpu.memref_slice %arg21[%add3A_185] : memref<163840xf32, #tpu.memory_space<vmem_shared>> -> memref<640xf32, #tpu.memory_space<vmem_shared>>
      %dma_start3A_399 = tpu.memref_slice %arg21[%add3A_185] : memref<163840xf32, #tpu.memory_space<vmem_shared>> -> memref<640xf32, #tpu.memory_space<vmem_shared>>
      tpu.enqueue_dma source(%dma_start3A_399 : memref<640xf32, #tpu.memory_space<vmem_shared>>) target(%arg11 : memref<640xf32, #tpu.memory_space<vmem>>) target_semaphore(%run_scoped3A : memref<!tpu.dma_semaphore, #tpu.memory_space<semaphore_mem>>)
      %dma_wait3A_400 = tpu.memref_slice %arg21[%add3A_185] : memref<163840xf32, #tpu.memory_space<vmem_shared>> -> memref<640xf32, #tpu.memory_space<vmem_shared>>
      %dma_wait3A_401 = tpu.memref_slice %arg21[%add3A_185] : memref<163840xf32, #tpu.memory_space<vmem_shared>> -> memref<640xf32, #tpu.memory_space<vmem_shared>>
      tpu.wait_dma2 semaphore(%run_scoped3A : memref<!tpu.dma_semaphore, #tpu.memory_space<semaphore_mem>>) src(%dma_wait3A_401 : memref<640xf32, #tpu.memory_space<vmem_shared>>) dst(%arg11 : memref<640xf32, #tpu.memory_space<vmem>>)
      tpu.yield
    }) : () -> ()
    %parallel_loop3A_186 = arith.constant 0 : i32
    %parallel_loop3A_187 = arith.constant 40 : i32
    %parallel_loop3A_188 = arith.constant 1 : i32
    scf.for %parallel_loop3A_398 = %parallel_loop3A_186 to %parallel_loop3A_187 step %parallel_loop3A_188  : i32 {
      %parallel_loop3A_399 = arith.constant 16 : i32
      %parallel_loop3A_400 = arith.muli %parallel_loop3A_398, %parallel_loop3A_399 : i32
      %parallel_loop3A_401 = arith.index_cast %parallel_loop3A_400 : i32 to index
      %parallel_loop3A_402 = tpu.vector_load %arg12[%parallel_loop3A_401] {strides = array<i32>} : memref<640xf32, #tpu.memory_space<vmem>>, vector<16xf32>,
      %parallel_loop3A_403 = arith.index_cast %parallel_loop3A_400 : i32 to index
      %parallel_loop3A_404 = tpu.vector_load %arg11[%parallel_loop3A_403] {strides = array<i32>} : memref<640xf32, #tpu.memory_space<vmem>>, vector<16xf32>,
      %parallel_loop3A_405 = arith.addf %parallel_loop3A_402, %parallel_loop3A_404 : vector<16xf32>
      %parallel_loop3A_406 = arith.index_cast %parallel_loop3A_400 : i32 to index
      %parallel_loop3A_407 = tpu.vector_load %arg12[%parallel_loop3A_406] {strides = array<i32>} : memref<640xf32, #tpu.memory_space<vmem>>, vector<16xf32>,
      tpu.vector_store %arg12[%parallel_loop3A_406], %parallel_loop3A_405 {strides = array<i32>} : memref<640xf32, #tpu.memory_space<vmem>>, vector<16xf32>,
    } {sc.loop_unroll_factor = 4 : i64, sc.parallel_access}
    %add3A_189 = arith.constant 102400 : i32
    %add3A_190 = arith.addi %add3A_189, %multiple_of3A_58 : i32
    "tpu.region"() ({
      %run_scoped3A = tpu.sem_alloc : memref<!tpu.dma_semaphore, #tpu.memory_space<semaphore_mem>>
      %dma_start3A_398 = tpu.memref_slice %arg21[%add3A_190] : memref<163840xf32, #tpu.memory_space<vmem_shared>> -> memref<640xf32, #tpu.memory_space<vmem_shared>>
      %dma_start3A_399 = tpu.memref_slice %arg21[%add3A_190] : memref<163840xf32, #tpu.memory_space<vmem_shared>> -> memref<640xf32, #tpu.memory_space<vmem_shared>>
      tpu.enqueue_dma source(%dma_start3A_399 : memref<640xf32, #tpu.memory_space<vmem_shared>>) target(%arg11 : memref<640xf32, #tpu.memory_space<vmem>>) target_semaphore(%run_scoped3A : memref<!tpu.dma_semaphore, #tpu.memory_space<semaphore_mem>>)
      %dma_wait3A_400 = tpu.memref_slice %arg21[%add3A_190] : memref<163840xf32, #tpu.memory_space<vmem_shared>> -> memref<640xf32, #tpu.memory_space<vmem_shared>>
      %dma_wait3A_401 = tpu.memref_slice %arg21[%add3A_190] : memref<163840xf32, #tpu.memory_space<vmem_shared>> -> memref<640xf32, #tpu.memory_space<vmem_shared>>
      tpu.wait_dma2 semaphore(%run_scoped3A : memref<!tpu.dma_semaphore, #tpu.memory_space<semaphore_mem>>) src(%dma_wait3A_401 : memref<640xf32, #tpu.memory_space<vmem_shared>>) dst(%arg11 : memref<640xf32, #tpu.memory_space<vmem>>)
      tpu.yield
    }) : () -> ()
    %parallel_loop3A_191 = arith.constant 0 : i32
    %parallel_loop3A_192 = arith.constant 40 : i32
    %parallel_loop3A_193 = arith.constant 1 : i32
    scf.for %parallel_loop3A_398 = %parallel_loop3A_191 to %parallel_loop3A_192 step %parallel_loop3A_193  : i32 {
      %parallel_loop3A_399 = arith.constant 16 : i32
      %parallel_loop3A_400 = arith.muli %parallel_loop3A_398, %parallel_loop3A_399 : i32
      %parallel_loop3A_401 = arith.index_cast %parallel_loop3A_400 : i32 to index
      %parallel_loop3A_402 = tpu.vector_load %arg12[%parallel_loop3A_401] {strides = array<i32>} : memref<640xf32, #tpu.memory_space<vmem>>, vector<16xf32>,
      %parallel_loop3A_403 = arith.index_cast %parallel_loop3A_400 : i32 to index
      %parallel_loop3A_404 = tpu.vector_load %arg11[%parallel_loop3A_403] {strides = array<i32>} : memref<640xf32, #tpu.memory_space<vmem>>, vector<16xf32>,
      %parallel_loop3A_405 = arith.addf %parallel_loop3A_402, %parallel_loop3A_404 : vector<16xf32>
      %parallel_loop3A_406 = arith.index_cast %parallel_loop3A_400 : i32 to index
      %parallel_loop3A_407 = tpu.vector_load %arg12[%parallel_loop3A_406] {strides = array<i32>} : memref<640xf32, #tpu.memory_space<vmem>>, vector<16xf32>,
      tpu.vector_store %arg12[%parallel_loop3A_406], %parallel_loop3A_405 {strides = array<i32>} : memref<640xf32, #tpu.memory_space<vmem>>, vector<16xf32>,
    } {sc.loop_unroll_factor = 4 : i64, sc.parallel_access}
    %add3A_194 = arith.constant 112640 : i32
    %add3A_195 = arith.addi %add3A_194, %multiple_of3A_58 : i32
    "tpu.region"() ({
      %run_scoped3A = tpu.sem_alloc : memref<!tpu.dma_semaphore, #tpu.memory_space<semaphore_mem>>
      %dma_start3A_398 = tpu.memref_slice %arg21[%add3A_195] : memref<163840xf32, #tpu.memory_space<vmem_shared>> -> memref<640xf32, #tpu.memory_space<vmem_shared>>
      %dma_start3A_399 = tpu.memref_slice %arg21[%add3A_195] : memref<163840xf32, #tpu.memory_space<vmem_shared>> -> memref<640xf32, #tpu.memory_space<vmem_shared>>
      tpu.enqueue_dma source(%dma_start3A_399 : memref<640xf32, #tpu.memory_space<vmem_shared>>) target(%arg11 : memref<640xf32, #tpu.memory_space<vmem>>) target_semaphore(%run_scoped3A : memref<!tpu.dma_semaphore, #tpu.memory_space<semaphore_mem>>)
      %dma_wait3A_400 = tpu.memref_slice %arg21[%add3A_195] : memref<163840xf32, #tpu.memory_space<vmem_shared>> -> memref<640xf32, #tpu.memory_space<vmem_shared>>
      %dma_wait3A_401 = tpu.memref_slice %arg21[%add3A_195] : memref<163840xf32, #tpu.memory_space<vmem_shared>> -> memref<640xf32, #tpu.memory_space<vmem_shared>>
      tpu.wait_dma2 semaphore(%run_scoped3A : memref<!tpu.dma_semaphore, #tpu.memory_space<semaphore_mem>>) src(%dma_wait3A_401 : memref<640xf32, #tpu.memory_space<vmem_shared>>) dst(%arg11 : memref<640xf32, #tpu.memory_space<vmem>>)
      tpu.yield
    }) : () -> ()
    %parallel_loop3A_196 = arith.constant 0 : i32
    %parallel_loop3A_197 = arith.constant 40 : i32
    %parallel_loop3A_198 = arith.constant 1 : i32
    scf.for %parallel_loop3A_398 = %parallel_loop3A_196 to %parallel_loop3A_197 step %parallel_loop3A_198  : i32 {
      %parallel_loop3A_399 = arith.constant 16 : i32
      %parallel_loop3A_400 = arith.muli %parallel_loop3A_398, %parallel_loop3A_399 : i32
      %parallel_loop3A_401 = arith.index_cast %parallel_loop3A_400 : i32 to index
      %parallel_loop3A_402 = tpu.vector_load %arg12[%parallel_loop3A_401] {strides = array<i32>} : memref<640xf32, #tpu.memory_space<vmem>>, vector<16xf32>,
      %parallel_loop3A_403 = arith.index_cast %parallel_loop3A_400 : i32 to index
      %parallel_loop3A_404 = tpu.vector_load %arg11[%parallel_loop3A_403] {strides = array<i32>} : memref<640xf32, #tpu.memory_space<vmem>>, vector<16xf32>,
      %parallel_loop3A_405 = arith.addf %parallel_loop3A_402, %parallel_loop3A_404 : vector<16xf32>
      %parallel_loop3A_406 = arith.index_cast %parallel_loop3A_400 : i32 to index
      %parallel_loop3A_407 = tpu.vector_load %arg12[%parallel_loop3A_406] {strides = array<i32>} : memref<640xf32, #tpu.memory_space<vmem>>, vector<16xf32>,
      tpu.vector_store %arg12[%parallel_loop3A_406], %parallel_loop3A_405 {strides = array<i32>} : memref<640xf32, #tpu.memory_space<vmem>>, vector<16xf32>,
    } {sc.loop_unroll_factor = 4 : i64, sc.parallel_access}
    %add3A_199 = arith.constant 122880 : i32
    %add3A_200 = arith.addi %add3A_199, %multiple_of3A_58 : i32
    "tpu.region"() ({
      %run_scoped3A = tpu.sem_alloc : memref<!tpu.dma_semaphore, #tpu.memory_space<semaphore_mem>>
      %dma_start3A_398 = tpu.memref_slice %arg21[%add3A_200] : memref<163840xf32, #tpu.memory_space<vmem_shared>> -> memref<640xf32, #tpu.memory_space<vmem_shared>>
      %dma_start3A_399 = tpu.memref_slice %arg21[%add3A_200] : memref<163840xf32, #tpu.memory_space<vmem_shared>> -> memref<640xf32, #tpu.memory_space<vmem_shared>>
      tpu.enqueue_dma source(%dma_start3A_399 : memref<640xf32, #tpu.memory_space<vmem_shared>>) target(%arg11 : memref<640xf32, #tpu.memory_space<vmem>>) target_semaphore(%run_scoped3A : memref<!tpu.dma_semaphore, #tpu.memory_space<semaphore_mem>>)
      %dma_wait3A_400 = tpu.memref_slice %arg21[%add3A_200] : memref<163840xf32, #tpu.memory_space<vmem_shared>> -> memref<640xf32, #tpu.memory_space<vmem_shared>>
      %dma_wait3A_401 = tpu.memref_slice %arg21[%add3A_200] : memref<163840xf32, #tpu.memory_space<vmem_shared>> -> memref<640xf32, #tpu.memory_space<vmem_shared>>
      tpu.wait_dma2 semaphore(%run_scoped3A : memref<!tpu.dma_semaphore, #tpu.memory_space<semaphore_mem>>) src(%dma_wait3A_401 : memref<640xf32, #tpu.memory_space<vmem_shared>>) dst(%arg11 : memref<640xf32, #tpu.memory_space<vmem>>)
      tpu.yield
    }) : () -> ()
    %parallel_loop3A_201 = arith.constant 0 : i32
    %parallel_loop3A_202 = arith.constant 40 : i32
    %parallel_loop3A_203 = arith.constant 1 : i32
    scf.for %parallel_loop3A_398 = %parallel_loop3A_201 to %parallel_loop3A_202 step %parallel_loop3A_203  : i32 {
      %parallel_loop3A_399 = arith.constant 16 : i32
      %parallel_loop3A_400 = arith.muli %parallel_loop3A_398, %parallel_loop3A_399 : i32
      %parallel_loop3A_401 = arith.index_cast %parallel_loop3A_400 : i32 to index
      %parallel_loop3A_402 = tpu.vector_load %arg12[%parallel_loop3A_401] {strides = array<i32>} : memref<640xf32, #tpu.memory_space<vmem>>, vector<16xf32>,
      %parallel_loop3A_403 = arith.index_cast %parallel_loop3A_400 : i32 to index
      %parallel_loop3A_404 = tpu.vector_load %arg11[%parallel_loop3A_403] {strides = array<i32>} : memref<640xf32, #tpu.memory_space<vmem>>, vector<16xf32>,
      %parallel_loop3A_405 = arith.addf %parallel_loop3A_402, %parallel_loop3A_404 : vector<16xf32>
      %parallel_loop3A_406 = arith.index_cast %parallel_loop3A_400 : i32 to index
      %parallel_loop3A_407 = tpu.vector_load %arg12[%parallel_loop3A_406] {strides = array<i32>} : memref<640xf32, #tpu.memory_space<vmem>>, vector<16xf32>,
      tpu.vector_store %arg12[%parallel_loop3A_406], %parallel_loop3A_405 {strides = array<i32>} : memref<640xf32, #tpu.memory_space<vmem>>, vector<16xf32>,
    } {sc.loop_unroll_factor = 4 : i64, sc.parallel_access}
    %add3A_204 = arith.constant 133120 : i32
    %add3A_205 = arith.addi %add3A_204, %multiple_of3A_58 : i32
    "tpu.region"() ({
      %run_scoped3A = tpu.sem_alloc : memref<!tpu.dma_semaphore, #tpu.memory_space<semaphore_mem>>
      %dma_start3A_398 = tpu.memref_slice %arg21[%add3A_205] : memref<163840xf32, #tpu.memory_space<vmem_shared>> -> memref<640xf32, #tpu.memory_space<vmem_shared>>
      %dma_start3A_399 = tpu.memref_slice %arg21[%add3A_205] : memref<163840xf32, #tpu.memory_space<vmem_shared>> -> memref<640xf32, #tpu.memory_space<vmem_shared>>
      tpu.enqueue_dma source(%dma_start3A_399 : memref<640xf32, #tpu.memory_space<vmem_shared>>) target(%arg11 : memref<640xf32, #tpu.memory_space<vmem>>) target_semaphore(%run_scoped3A : memref<!tpu.dma_semaphore, #tpu.memory_space<semaphore_mem>>)
      %dma_wait3A_400 = tpu.memref_slice %arg21[%add3A_205] : memref<163840xf32, #tpu.memory_space<vmem_shared>> -> memref<640xf32, #tpu.memory_space<vmem_shared>>
      %dma_wait3A_401 = tpu.memref_slice %arg21[%add3A_205] : memref<163840xf32, #tpu.memory_space<vmem_shared>> -> memref<640xf32, #tpu.memory_space<vmem_shared>>
      tpu.wait_dma2 semaphore(%run_scoped3A : memref<!tpu.dma_semaphore, #tpu.memory_space<semaphore_mem>>) src(%dma_wait3A_401 : memref<640xf32, #tpu.memory_space<vmem_shared>>) dst(%arg11 : memref<640xf32, #tpu.memory_space<vmem>>)
      tpu.yield
    }) : () -> ()
    %parallel_loop3A_206 = arith.constant 0 : i32
    %parallel_loop3A_207 = arith.constant 40 : i32
    %parallel_loop3A_208 = arith.constant 1 : i32
    scf.for %parallel_loop3A_398 = %parallel_loop3A_206 to %parallel_loop3A_207 step %parallel_loop3A_208  : i32 {
      %parallel_loop3A_399 = arith.constant 16 : i32
      %parallel_loop3A_400 = arith.muli %parallel_loop3A_398, %parallel_loop3A_399 : i32
      %parallel_loop3A_401 = arith.index_cast %parallel_loop3A_400 : i32 to index
      %parallel_loop3A_402 = tpu.vector_load %arg12[%parallel_loop3A_401] {strides = array<i32>} : memref<640xf32, #tpu.memory_space<vmem>>, vector<16xf32>,
      %parallel_loop3A_403 = arith.index_cast %parallel_loop3A_400 : i32 to index
      %parallel_loop3A_404 = tpu.vector_load %arg11[%parallel_loop3A_403] {strides = array<i32>} : memref<640xf32, #tpu.memory_space<vmem>>, vector<16xf32>,
      %parallel_loop3A_405 = arith.addf %parallel_loop3A_402, %parallel_loop3A_404 : vector<16xf32>
      %parallel_loop3A_406 = arith.index_cast %parallel_loop3A_400 : i32 to index
      %parallel_loop3A_407 = tpu.vector_load %arg12[%parallel_loop3A_406] {strides = array<i32>} : memref<640xf32, #tpu.memory_space<vmem>>, vector<16xf32>,
      tpu.vector_store %arg12[%parallel_loop3A_406], %parallel_loop3A_405 {strides = array<i32>} : memref<640xf32, #tpu.memory_space<vmem>>, vector<16xf32>,
    } {sc.loop_unroll_factor = 4 : i64, sc.parallel_access}
    %add3A_209 = arith.constant 143360 : i32
    %add3A_210 = arith.addi %add3A_209, %multiple_of3A_58 : i32
    "tpu.region"() ({
      %run_scoped3A = tpu.sem_alloc : memref<!tpu.dma_semaphore, #tpu.memory_space<semaphore_mem>>
      %dma_start3A_398 = tpu.memref_slice %arg21[%add3A_210] : memref<163840xf32, #tpu.memory_space<vmem_shared>> -> memref<640xf32, #tpu.memory_space<vmem_shared>>
      %dma_start3A_399 = tpu.memref_slice %arg21[%add3A_210] : memref<163840xf32, #tpu.memory_space<vmem_shared>> -> memref<640xf32, #tpu.memory_space<vmem_shared>>
      tpu.enqueue_dma source(%dma_start3A_399 : memref<640xf32, #tpu.memory_space<vmem_shared>>) target(%arg11 : memref<640xf32, #tpu.memory_space<vmem>>) target_semaphore(%run_scoped3A : memref<!tpu.dma_semaphore, #tpu.memory_space<semaphore_mem>>)
      %dma_wait3A_400 = tpu.memref_slice %arg21[%add3A_210] : memref<163840xf32, #tpu.memory_space<vmem_shared>> -> memref<640xf32, #tpu.memory_space<vmem_shared>>
      %dma_wait3A_401 = tpu.memref_slice %arg21[%add3A_210] : memref<163840xf32, #tpu.memory_space<vmem_shared>> -> memref<640xf32, #tpu.memory_space<vmem_shared>>
      tpu.wait_dma2 semaphore(%run_scoped3A : memref<!tpu.dma_semaphore, #tpu.memory_space<semaphore_mem>>) src(%dma_wait3A_401 : memref<640xf32, #tpu.memory_space<vmem_shared>>) dst(%arg11 : memref<640xf32, #tpu.memory_space<vmem>>)
      tpu.yield
    }) : () -> ()
    %parallel_loop3A_211 = arith.constant 0 : i32
    %parallel_loop3A_212 = arith.constant 40 : i32
    %parallel_loop3A_213 = arith.constant 1 : i32
    scf.for %parallel_loop3A_398 = %parallel_loop3A_211 to %parallel_loop3A_212 step %parallel_loop3A_213  : i32 {
      %parallel_loop3A_399 = arith.constant 16 : i32
      %parallel_loop3A_400 = arith.muli %parallel_loop3A_398, %parallel_loop3A_399 : i32
      %parallel_loop3A_401 = arith.index_cast %parallel_loop3A_400 : i32 to index
      %parallel_loop3A_402 = tpu.vector_load %arg12[%parallel_loop3A_401] {strides = array<i32>} : memref<640xf32, #tpu.memory_space<vmem>>, vector<16xf32>,
      %parallel_loop3A_403 = arith.index_cast %parallel_loop3A_400 : i32 to index
      %parallel_loop3A_404 = tpu.vector_load %arg11[%parallel_loop3A_403] {strides = array<i32>} : memref<640xf32, #tpu.memory_space<vmem>>, vector<16xf32>,
      %parallel_loop3A_405 = arith.addf %parallel_loop3A_402, %parallel_loop3A_404 : vector<16xf32>
      %parallel_loop3A_406 = arith.index_cast %parallel_loop3A_400 : i32 to index
      %parallel_loop3A_407 = tpu.vector_load %arg12[%parallel_loop3A_406] {strides = array<i32>} : memref<640xf32, #tpu.memory_space<vmem>>, vector<16xf32>,
      tpu.vector_store %arg12[%parallel_loop3A_406], %parallel_loop3A_405 {strides = array<i32>} : memref<640xf32, #tpu.memory_space<vmem>>, vector<16xf32>,
    } {sc.loop_unroll_factor = 4 : i64, sc.parallel_access}
    %add3A_214 = arith.constant 153600 : i32
    %add3A_215 = arith.addi %add3A_214, %multiple_of3A_58 : i32
    "tpu.region"() ({
      %run_scoped3A = tpu.sem_alloc : memref<!tpu.dma_semaphore, #tpu.memory_space<semaphore_mem>>
      %dma_start3A_398 = tpu.memref_slice %arg21[%add3A_215] : memref<163840xf32, #tpu.memory_space<vmem_shared>> -> memref<640xf32, #tpu.memory_space<vmem_shared>>
      %dma_start3A_399 = tpu.memref_slice %arg21[%add3A_215] : memref<163840xf32, #tpu.memory_space<vmem_shared>> -> memref<640xf32, #tpu.memory_space<vmem_shared>>
      tpu.enqueue_dma source(%dma_start3A_399 : memref<640xf32, #tpu.memory_space<vmem_shared>>) target(%arg11 : memref<640xf32, #tpu.memory_space<vmem>>) target_semaphore(%run_scoped3A : memref<!tpu.dma_semaphore, #tpu.memory_space<semaphore_mem>>)
      %dma_wait3A_400 = tpu.memref_slice %arg21[%add3A_215] : memref<163840xf32, #tpu.memory_space<vmem_shared>> -> memref<640xf32, #tpu.memory_space<vmem_shared>>
      %dma_wait3A_401 = tpu.memref_slice %arg21[%add3A_215] : memref<163840xf32, #tpu.memory_space<vmem_shared>> -> memref<640xf32, #tpu.memory_space<vmem_shared>>
      tpu.wait_dma2 semaphore(%run_scoped3A : memref<!tpu.dma_semaphore, #tpu.memory_space<semaphore_mem>>) src(%dma_wait3A_401 : memref<640xf32, #tpu.memory_space<vmem_shared>>) dst(%arg11 : memref<640xf32, #tpu.memory_space<vmem>>)
      tpu.yield
    }) : () -> ()
    %parallel_loop3A_216 = arith.constant 0 : i32
    %parallel_loop3A_217 = arith.constant 40 : i32
    %parallel_loop3A_218 = arith.constant 1 : i32
    scf.for %parallel_loop3A_398 = %parallel_loop3A_216 to %parallel_loop3A_217 step %parallel_loop3A_218  : i32 {
      %parallel_loop3A_399 = arith.constant 16 : i32
      %parallel_loop3A_400 = arith.muli %parallel_loop3A_398, %parallel_loop3A_399 : i32
      %parallel_loop3A_401 = arith.index_cast %parallel_loop3A_400 : i32 to index
      %parallel_loop3A_402 = tpu.vector_load %arg12[%parallel_loop3A_401] {strides = array<i32>} : memref<640xf32, #tpu.memory_space<vmem>>, vector<16xf32>,
      %parallel_loop3A_403 = arith.index_cast %parallel_loop3A_400 : i32 to index
      %parallel_loop3A_404 = tpu.vector_load %arg11[%parallel_loop3A_403] {strides = array<i32>} : memref<640xf32, #tpu.memory_space<vmem>>, vector<16xf32>,
      %parallel_loop3A_405 = arith.addf %parallel_loop3A_402, %parallel_loop3A_404 : vector<16xf32>
      %parallel_loop3A_406 = arith.index_cast %parallel_loop3A_400 : i32 to index
      %parallel_loop3A_407 = tpu.vector_load %arg12[%parallel_loop3A_406] {strides = array<i32>} : memref<640xf32, #tpu.memory_space<vmem>>, vector<16xf32>,
      tpu.vector_store %arg12[%parallel_loop3A_406], %parallel_loop3A_405 {strides = array<i32>} : memref<640xf32, #tpu.memory_space<vmem>>, vector<16xf32>,
    } {sc.loop_unroll_factor = 4 : i64, sc.parallel_access}
    "tpu.region"() ({
      %run_scoped3A = tpu.sem_alloc : memref<!tpu.dma_semaphore, #tpu.memory_space<semaphore_mem>>
      %dma_start3A_398 = tpu.memref_slice %arg23[%multiple_of3A_58] : memref<10240xf32, #tpu.memory_space<vmem_shared>> -> memref<640xf32, #tpu.memory_space<vmem_shared>>
      %dma_start3A_399 = tpu.memref_slice %arg23[%multiple_of3A_58] : memref<10240xf32, #tpu.memory_space<vmem_shared>> -> memref<640xf32, #tpu.memory_space<vmem_shared>>
      tpu.enqueue_dma source(%arg12 : memref<640xf32, #tpu.memory_space<vmem>>) target(%dma_start3A_399 : memref<640xf32, #tpu.memory_space<vmem_shared>>) target_semaphore(%run_scoped3A : memref<!tpu.dma_semaphore, #tpu.memory_space<semaphore_mem>>)
      %dma_wait3A_400 = tpu.memref_slice %arg23[%multiple_of3A_58] : memref<10240xf32, #tpu.memory_space<vmem_shared>> -> memref<640xf32, #tpu.memory_space<vmem_shared>>
      %dma_wait3A_401 = tpu.memref_slice %arg23[%multiple_of3A_58] : memref<10240xf32, #tpu.memory_space<vmem_shared>> -> memref<640xf32, #tpu.memory_space<vmem_shared>>
      tpu.wait_dma2 semaphore(%run_scoped3A : memref<!tpu.dma_semaphore, #tpu.memory_space<semaphore_mem>>) src(%arg12 : memref<640xf32, #tpu.memory_space<vmem>>) dst(%dma_wait3A_401 : memref<640xf32, #tpu.memory_space<vmem_shared>>)
      tpu.yield
    }) : () -> ()
    %barrier3A_219 = arith.constant 0 : index
    tpu.barrier barrier_id(%barrier3A_219)
    "tpu.region"() ({
      %run_scoped3A = tpu.sem_alloc : memref<!tpu.dma_semaphore, #tpu.memory_space<semaphore_mem>>
      tpu.enqueue_dma source(%arg22 : memref<10240xf32, #tpu.memory_space<vmem_shared>>) target(%arg7 : memref<10240xf32, #tpu.memory_space<vmem>>) target_semaphore(%run_scoped3A : memref<!tpu.dma_semaphore, #tpu.memory_space<semaphore_mem>>)
      tpu.wait_dma2 semaphore(%run_scoped3A : memref<!tpu.dma_semaphore, #tpu.memory_space<semaphore_mem>>) src(%arg22 : memref<10240xf32, #tpu.memory_space<vmem_shared>>) dst(%arg7 : memref<10240xf32, #tpu.memory_space<vmem>>)
      tpu.yield
    }) : () -> ()
    "tpu.region"() ({
      %run_scoped3A = tpu.sem_alloc : memref<!tpu.dma_semaphore, #tpu.memory_space<semaphore_mem>>
      tpu.enqueue_dma source(%arg23 : memref<10240xf32, #tpu.memory_space<vmem_shared>>) target(%arg8 : memref<10240xf32, #tpu.memory_space<vmem>>) target_semaphore(%run_scoped3A : memref<!tpu.dma_semaphore, #tpu.memory_space<semaphore_mem>>)
      tpu.wait_dma2 semaphore(%run_scoped3A : memref<!tpu.dma_semaphore, #tpu.memory_space<semaphore_mem>>) src(%arg23 : memref<10240xf32, #tpu.memory_space<vmem_shared>>) dst(%arg8 : memref<10240xf32, #tpu.memory_space<vmem>>)
      tpu.yield
    }) : () -> ()
    %mul3A_220 = arith.constant 10000 : i32
    %mul3A_221 = arith.muli %add3A, %mul3A_220 : i32
    %multiple_of3A_222 = tpu.assume_multiple %mul3A_221, 10000 : i32
    "tpu.region"() ({
      %run_scoped3A = tpu.sem_alloc : memref<!tpu.dma_semaphore, #tpu.memory_space<semaphore_mem>>
      %dma_start3A_398 = tpu.memref_slice %arg2[%multiple_of3A_222] : memref<320000xi32, #tpu.memory_space<hbm>> -> memref<10000xi32, #tpu.memory_space<hbm>>
      %dma_start3A_399 = tpu.memref_slice %arg2[%multiple_of3A_222] : memref<320000xi32, #tpu.memory_space<hbm>> -> memref<10000xi32, #tpu.memory_space<hbm>>
      tpu.enqueue_dma source(%dma_start3A_399 : memref<10000xi32, #tpu.memory_space<hbm>>) target(%arg9 : memref<10000xi32, #tpu.memory_space<vmem>>) target_semaphore(%run_scoped3A : memref<!tpu.dma_semaphore, #tpu.memory_space<semaphore_mem>>)
      %dma_wait3A_400 = tpu.memref_slice %arg2[%multiple_of3A_222] : memref<320000xi32, #tpu.memory_space<hbm>> -> memref<10000xi32, #tpu.memory_space<hbm>>
      %dma_wait3A_401 = tpu.memref_slice %arg2[%multiple_of3A_222] : memref<320000xi32, #tpu.memory_space<hbm>> -> memref<10000xi32, #tpu.memory_space<hbm>>
      tpu.wait_dma2 semaphore(%run_scoped3A : memref<!tpu.dma_semaphore, #tpu.memory_space<semaphore_mem>>) src(%dma_wait3A_401 : memref<10000xi32, #tpu.memory_space<hbm>>) dst(%arg9 : memref<10000xi32, #tpu.memory_space<vmem>>)
      tpu.yield
    }) : () -> ()
    "tpu.region"() ({
      %run_scoped3A = tpu.sem_alloc : memref<!tpu.dma_semaphore, #tpu.memory_space<semaphore_mem>>
      %dma_start3A_398 = tpu.memref_slice %arg3[%multiple_of3A_222] : memref<320000xi32, #tpu.memory_space<hbm>> -> memref<10000xi32, #tpu.memory_space<hbm>>
      %dma_start3A_399 = tpu.memref_slice %arg3[%multiple_of3A_222] : memref<320000xi32, #tpu.memory_space<hbm>> -> memref<10000xi32, #tpu.memory_space<hbm>>
      tpu.enqueue_dma source(%dma_start3A_399 : memref<10000xi32, #tpu.memory_space<hbm>>) target(%arg10 : memref<10000xi32, #tpu.memory_space<vmem>>) target_semaphore(%run_scoped3A : memref<!tpu.dma_semaphore, #tpu.memory_space<semaphore_mem>>)
      %dma_wait3A_400 = tpu.memref_slice %arg3[%multiple_of3A_222] : memref<320000xi32, #tpu.memory_space<hbm>> -> memref<10000xi32, #tpu.memory_space<hbm>>
      %dma_wait3A_401 = tpu.memref_slice %arg3[%multiple_of3A_222] : memref<320000xi32, #tpu.memory_space<hbm>> -> memref<10000xi32, #tpu.memory_space<hbm>>
      tpu.wait_dma2 semaphore(%run_scoped3A : memref<!tpu.dma_semaphore, #tpu.memory_space<semaphore_mem>>) src(%dma_wait3A_401 : memref<10000xi32, #tpu.memory_space<hbm>>) dst(%arg10 : memref<10000xi32, #tpu.memory_space<vmem>>)
      tpu.yield
    }) : () -> ()
    %multiple_of3A_223 = arith.constant 0 : i32
    %multiple_of3A_224 = tpu.assume_multiple %multiple_of3A_223, 80 : i32
    %dma_start3A = tpu.memref_slice %arg9[%multiple_of3A_224] : memref<10000xi32, #tpu.memory_space<vmem>> -> memref<80xi32, #tpu.memory_space<vmem>>
    %dma_start3A_225 = arith.constant 0 : i32
    %dma_start3A_226 = arith.constant 0 : i32
    %dma_start3A_227 = tpu.memref_slice %arg4[%dma_start3A_225, %dma_start3A_226] : memref<10000x128xf32, #tpu.memory_space<hbm>> -> memref<10000x128xf32, #tpu.memory_space<hbm>>
    tpu.enqueue_indirect_dma source(%dma_start3A_227 : memref<10000x128xf32, #tpu.memory_space<hbm>>) target(%arg13 : memref<80x128xf32, #tpu.memory_space<vmem>>) offsets(%dma_start3A : memref<80xi32, #tpu.memory_space<vmem>>) semaphore(%arg24 : memref<!tpu.dma_semaphore, #tpu.memory_space<semaphore_mem>>)
    %dma_start3A_228 = tpu.memref_slice %arg10[%multiple_of3A_224] : memref<10000xi32, #tpu.memory_space<vmem>> -> memref<80xi32, #tpu.memory_space<vmem>>
    %dma_start3A_229 = arith.constant 0 : i32
    %dma_start3A_230 = arith.constant 0 : i32
    %dma_start3A_231 = tpu.memref_slice %arg4[%dma_start3A_229, %dma_start3A_230] : memref<10000x128xf32, #tpu.memory_space<hbm>> -> memref<10000x128xf32, #tpu.memory_space<hbm>>
    tpu.enqueue_indirect_dma source(%dma_start3A_231 : memref<10000x128xf32, #tpu.memory_space<hbm>>) target(%arg15 : memref<80x128xf32, #tpu.memory_space<vmem>>) offsets(%dma_start3A_228 : memref<80xi32, #tpu.memory_space<vmem>>) semaphore(%arg26 : memref<!tpu.dma_semaphore, #tpu.memory_space<semaphore_mem>>)
    %scan3A_232 = arith.constant 0 : i32
    %scan3A_233 = arith.constant 62 : i32
    %scan3A_234 = arith.addi %scan3A_232, %scan3A_233 : i32
    %scan3A_235 = arith.constant 1 : i32
    scf.for %scan3A_398 = %scan3A_232 to %scan3A_234 step %scan3A_235  : i32 {
      %mul3A_399 = arith.constant 1 : i32
      %mul3A_400 = arith.muli %scan3A_398, %mul3A_399 : i32
      %add3A_401 = arith.constant 0 : i32
      %add3A_402 = arith.addi %add3A_401, %mul3A_400 : i32
      %mul3A_403 = arith.constant 2 : i32
      %mul3A_404 = arith.muli %mul3A_403, %add3A_402 : i32
      %add3A_405 = arith.constant 1 : i32
      %add3A_406 = arith.addi %mul3A_404, %add3A_405 : i32
      %mul3A_407 = arith.constant 80 : i32
      %mul3A_408 = arith.muli %add3A_406, %mul3A_407 : i32
      %multiple_of3A_409 = tpu.assume_multiple %mul3A_408, 80 : i32
      %dma_start3A_410 = tpu.memref_slice %arg9[%multiple_of3A_409] : memref<10000xi32, #tpu.memory_space<vmem>> -> memref<80xi32, #tpu.memory_space<vmem>>
      %dma_start3A_411 = arith.constant 0 : i32
      %dma_start3A_412 = arith.constant 0 : i32
      %dma_start3A_413 = tpu.memref_slice %arg4[%dma_start3A_411, %dma_start3A_412] : memref<10000x128xf32, #tpu.memory_space<hbm>> -> memref<10000x128xf32, #tpu.memory_space<hbm>>
      tpu.enqueue_indirect_dma source(%dma_start3A_413 : memref<10000x128xf32, #tpu.memory_space<hbm>>) target(%arg14 : memref<80x128xf32, #tpu.memory_space<vmem>>) offsets(%dma_start3A_410 : memref<80xi32, #tpu.memory_space<vmem>>) semaphore(%arg25 : memref<!tpu.dma_semaphore, #tpu.memory_space<semaphore_mem>>)
      %dma_start3A_414 = tpu.memref_slice %arg10[%multiple_of3A_409] : memref<10000xi32, #tpu.memory_space<vmem>> -> memref<80xi32, #tpu.memory_space<vmem>>
      %dma_start3A_415 = arith.constant 0 : i32
      %dma_start3A_416 = arith.constant 0 : i32
      %dma_start3A_417 = tpu.memref_slice %arg4[%dma_start3A_415, %dma_start3A_416] : memref<10000x128xf32, #tpu.memory_space<hbm>> -> memref<10000x128xf32, #tpu.memory_space<hbm>>
      tpu.enqueue_indirect_dma source(%dma_start3A_417 : memref<10000x128xf32, #tpu.memory_space<hbm>>) target(%arg16 : memref<80x128xf32, #tpu.memory_space<vmem>>) offsets(%dma_start3A_414 : memref<80xi32, #tpu.memory_space<vmem>>) semaphore(%arg27 : memref<!tpu.dma_semaphore, #tpu.memory_space<semaphore_mem>>)
      %mul3A_418 = arith.constant 80 : i32
      %mul3A_419 = arith.muli %mul3A_404, %mul3A_418 : i32
      %multiple_of3A_420 = tpu.assume_multiple %mul3A_419, 80 : i32
      %dma_wait3A_421 = tpu.memref_slice %arg9[%multiple_of3A_420] : memref<10000xi32, #tpu.memory_space<vmem>> -> memref<80xi32, #tpu.memory_space<vmem>>
      %dma_wait3A_422 = arith.constant 0 : i32
      %dma_wait3A_423 = arith.constant 0 : i32
      %dma_wait3A_424 = tpu.memref_slice %arg4[%dma_wait3A_422, %dma_wait3A_423] : memref<10000x128xf32, #tpu.memory_space<hbm>> -> memref<10000x128xf32, #tpu.memory_space<hbm>>
      tpu.wait_indirect_dma semaphore(%arg24 : memref<!tpu.dma_semaphore, #tpu.memory_space<semaphore_mem>>) src(%dma_wait3A_424 : memref<10000x128xf32, #tpu.memory_space<hbm>>) dst(%arg13 : memref<80x128xf32, #tpu.memory_space<vmem>>)
      %dma_wait3A_425 = tpu.memref_slice %arg10[%multiple_of3A_420] : memref<10000xi32, #tpu.memory_space<vmem>> -> memref<80xi32, #tpu.memory_space<vmem>>
      %dma_wait3A_426 = arith.constant 0 : i32
      %dma_wait3A_427 = arith.constant 0 : i32
      %dma_wait3A_428 = tpu.memref_slice %arg4[%dma_wait3A_426, %dma_wait3A_427] : memref<10000x128xf32, #tpu.memory_space<hbm>> -> memref<10000x128xf32, #tpu.memory_space<hbm>>
      tpu.wait_indirect_dma semaphore(%arg26 : memref<!tpu.dma_semaphore, #tpu.memory_space<semaphore_mem>>) src(%dma_wait3A_428 : memref<10000x128xf32, #tpu.memory_space<hbm>>) dst(%arg15 : memref<80x128xf32, #tpu.memory_space<vmem>>)
      %mul3A_429 = arith.constant 80 : i32
      %mul3A_430 = arith.muli %mul3A_404, %mul3A_429 : i32
      %add3A_431 = arith.addi %multiple_of3A_222, %mul3A_430 : i32
      %jit3A_432 = arith.constant 4 : i32
      %div3A_433 = arith.divsi %add3A_431, %jit3A_432 : i32
      %sign3A_434 = arith.constant 0 : i32
      %sign3A_435 = arith.cmpi sgt, %add3A_431, %sign3A_434 : i32
      %sign3A_436 = arith.extui %sign3A_435 : i1 to i32
      %sign3A_437 = arith.constant 0 : i32
      %sign3A_438 = arith.cmpi slt, %add3A_431, %sign3A_437 : i32
      %sign3A_439 = arith.extui %sign3A_438 : i1 to i32
      %sign3A_440 = arith.subi %sign3A_436, %sign3A_439 : i32
      %sign3A_441 = arith.constant 0 : i32
      %sign3A_442 = arith.cmpi sgt, %jit3A_432, %sign3A_441 : i32
      %sign3A_443 = arith.extui %sign3A_442 : i1 to i32
      %sign3A_444 = arith.constant 0 : i32
      %sign3A_445 = arith.cmpi slt, %jit3A_432, %sign3A_444 : i32
      %sign3A_446 = arith.extui %sign3A_445 : i1 to i32
      %sign3A_447 = arith.subi %sign3A_443, %sign3A_446 : i32
      %ne3A_448 = arith.cmpi ne, %sign3A_440, %sign3A_447 : i32
      %rem3A_449 = arith.remsi %add3A_431, %jit3A_432 : i32
      %ne3A_450 = arith.constant 0 : i32
      %ne3A_451 = arith.cmpi ne, %rem3A_449, %ne3A_450 : i32
      %and3A_452 = arith.andi %ne3A_448, %ne3A_451 : i1
      %sub3A_453 = arith.constant 1 : i32
      %sub3A_454 = arith.subi %div3A_433, %sub3A_453 : i32
      %select_n3A_455 = arith.select %and3A_452, %sub3A_454, %div3A_433 : i32
      %mul3A_456 = arith.constant 128 : i32
      %mul3A_457 = arith.muli %select_n3A_455, %mul3A_456 : i32
      %multiple_of3A_458 = tpu.assume_multiple %mul3A_457, 2560 : i32
      %ge3A = arith.constant 2 : i32
      %ge3A_459 = arith.cmpi sge, %mul3A_404, %ge3A : i32
      %convert_element_type3A = arith.extui %ge3A_459 : i1 to i32
      %cond3A = arith.constant 0 : i32
      %cond3A_460 = arith.cmpi ne, %convert_element_type3A, %cond3A : i32
      scf.if %cond3A_460 {
        %dma_wait3A_662 = tpu.memref_slice %arg5[%multiple_of3A_458] : memref<10240000xi32, #tpu.memory_space<hbm>> -> memref<2560xi32, #tpu.memory_space<hbm>>
        %dma_wait3A_663 = tpu.memref_slice %arg5[%multiple_of3A_458] : memref<10240000xi32, #tpu.memory_space<hbm>> -> memref<2560xi32, #tpu.memory_space<hbm>>
        tpu.wait_dma2 semaphore(%arg28 : memref<!tpu.dma_semaphore, #tpu.memory_space<semaphore_mem>>) src(%arg17 : memref<2560xi32, #tpu.memory_space<vmem>>) dst(%dma_wait3A_663 : memref<2560xi32, #tpu.memory_space<hbm>>)
      } else {
      }
      %parallel_loop3A_461 = arith.constant 0 : i32
      %parallel_loop3A_462 = arith.constant 20 : i32
      %parallel_loop3A_463 = arith.constant 1 : i32
      scf.for %parallel_loop3A_662 = %parallel_loop3A_461 to %parallel_loop3A_462 step %parallel_loop3A_463  : i32 {
        %parallel_loop3A_663 = arith.constant 4 : i32
        %parallel_loop3A_664 = arith.muli %parallel_loop3A_663, %parallel_loop3A_662 : i32
        %parallel_loop3A_665 = arith.constant 128 : i32
        %parallel_loop3A_666 = arith.muli %parallel_loop3A_662, %parallel_loop3A_665 : i32
        %parallel_loop3A_667 = arith.index_cast %parallel_loop3A_664 : i32 to index
        %parallel_loop3A_668 = arith.constant 0 : index
        %parallel_loop3A_669 = tpu.vector_load %arg13[%parallel_loop3A_667, %parallel_loop3A_668] {strides = array<i32>} : memref<80x128xf32, #tpu.memory_space<vmem>>, vector<16xf32>,
        %parallel_loop3A_670 = arith.index_cast %parallel_loop3A_664 : i32 to index
        %parallel_loop3A_671 = arith.constant 64 : index
        %parallel_loop3A_672 = tpu.vector_load %arg15[%parallel_loop3A_670, %parallel_loop3A_671] {strides = array<i32>} : memref<80x128xf32, #tpu.memory_space<vmem>>, vector<16xf32>,
        %parallel_loop3A_673 = arith.addf %parallel_loop3A_669, %parallel_loop3A_672 : vector<16xf32>
        %parallel_loop3A_674 = arith.constant 1 : i32
        %parallel_loop3A_675 = arith.addi %parallel_loop3A_664, %parallel_loop3A_674 : i32
        %parallel_loop3A_676 = arith.index_cast %parallel_loop3A_675 : i32 to index
        %parallel_loop3A_677 = arith.constant 0 : index
        %parallel_loop3A_678 = tpu.vector_load %arg13[%parallel_loop3A_676, %parallel_loop3A_677] {strides = array<i32>} : memref<80x128xf32, #tpu.memory_space<vmem>>, vector<16xf32>,
        %parallel_loop3A_679 = arith.constant 1 : i32
        %parallel_loop3A_680 = arith.addi %parallel_loop3A_664, %parallel_loop3A_679 : i32
        %parallel_loop3A_681 = arith.index_cast %parallel_loop3A_680 : i32 to index
        %parallel_loop3A_682 = arith.constant 64 : index
        %parallel_loop3A_683 = tpu.vector_load %arg15[%parallel_loop3A_681, %parallel_loop3A_682] {strides = array<i32>} : memref<80x128xf32, #tpu.memory_space<vmem>>, vector<16xf32>,
        %parallel_loop3A_684 = arith.addf %parallel_loop3A_678, %parallel_loop3A_683 : vector<16xf32>
        %parallel_loop3A_685 = arith.constant 2 : i32
        %parallel_loop3A_686 = arith.addi %parallel_loop3A_664, %parallel_loop3A_685 : i32
        %parallel_loop3A_687 = arith.index_cast %parallel_loop3A_686 : i32 to index
        %parallel_loop3A_688 = arith.constant 0 : index
        %parallel_loop3A_689 = tpu.vector_load %arg13[%parallel_loop3A_687, %parallel_loop3A_688] {strides = array<i32>} : memref<80x128xf32, #tpu.memory_space<vmem>>, vector<16xf32>,
        %parallel_loop3A_690 = arith.constant 2 : i32
        %parallel_loop3A_691 = arith.addi %parallel_loop3A_664, %parallel_loop3A_690 : i32
        %parallel_loop3A_692 = arith.index_cast %parallel_loop3A_691 : i32 to index
        %parallel_loop3A_693 = arith.constant 64 : index
        %parallel_loop3A_694 = tpu.vector_load %arg15[%parallel_loop3A_692, %parallel_loop3A_693] {strides = array<i32>} : memref<80x128xf32, #tpu.memory_space<vmem>>, vector<16xf32>,
        %parallel_loop3A_695 = arith.addf %parallel_loop3A_689, %parallel_loop3A_694 : vector<16xf32>
        %parallel_loop3A_696 = arith.constant 3 : i32
        %parallel_loop3A_697 = arith.addi %parallel_loop3A_664, %parallel_loop3A_696 : i32
        %parallel_loop3A_698 = arith.index_cast %parallel_loop3A_697 : i32 to index
        %parallel_loop3A_699 = arith.constant 0 : index
        %parallel_loop3A_700 = tpu.vector_load %arg13[%parallel_loop3A_698, %parallel_loop3A_699] {strides = array<i32>} : memref<80x128xf32, #tpu.memory_space<vmem>>, vector<16xf32>,
        %parallel_loop3A_701 = arith.constant 3 : i32
        %parallel_loop3A_702 = arith.addi %parallel_loop3A_664, %parallel_loop3A_701 : i32
        %parallel_loop3A_703 = arith.index_cast %parallel_loop3A_702 : i32 to index
        %parallel_loop3A_704 = arith.constant 64 : index
        %parallel_loop3A_705 = tpu.vector_load %arg15[%parallel_loop3A_703, %parallel_loop3A_704] {strides = array<i32>} : memref<80x128xf32, #tpu.memory_space<vmem>>, vector<16xf32>,
        %parallel_loop3A_706 = arith.addf %parallel_loop3A_700, %parallel_loop3A_705 : vector<16xf32>
        %parallel_loop3A_707 = tpu.pack_subelements %parallel_loop3A_673, %parallel_loop3A_684 {pack_format = #tpu.pack_format<interleaved>, positions = array<i32: 0, 1>} : vector<16xf32>, vector<16xf32> -> vector<32xbf16>
        %parallel_loop3A_708 = vector.bitcast %parallel_loop3A_707 : vector<32xbf16> to vector<16xi32>
        %parallel_loop3A_709 = arith.constant 0 : i32
        %parallel_loop3A_710 = arith.addi %parallel_loop3A_666, %parallel_loop3A_709 : i32
        %parallel_loop3A_711 = arith.index_cast %parallel_loop3A_710 : i32 to index
        %parallel_loop3A_712 = tpu.vector_load %arg17[%parallel_loop3A_711] {strides = array<i32>} : memref<2560xi32, #tpu.memory_space<vmem>>, vector<16xi32>,
        tpu.vector_store %arg17[%parallel_loop3A_711], %parallel_loop3A_708 {strides = array<i32>} : memref<2560xi32, #tpu.memory_space<vmem>>, vector<16xi32>,
        %parallel_loop3A_713 = tpu.pack_subelements %parallel_loop3A_695, %parallel_loop3A_706 {pack_format = #tpu.pack_format<interleaved>, positions = array<i32: 0, 1>} : vector<16xf32>, vector<16xf32> -> vector<32xbf16>
        %parallel_loop3A_714 = vector.bitcast %parallel_loop3A_713 : vector<32xbf16> to vector<16xi32>
        %parallel_loop3A_715 = arith.constant 64 : i32
        %parallel_loop3A_716 = arith.addi %parallel_loop3A_666, %parallel_loop3A_715 : i32
        %parallel_loop3A_717 = arith.constant 0 : i32
        %parallel_loop3A_718 = arith.addi %parallel_loop3A_716, %parallel_loop3A_717 : i32
        %parallel_loop3A_719 = arith.index_cast %parallel_loop3A_718 : i32 to index
        %parallel_loop3A_720 = tpu.vector_load %arg17[%parallel_loop3A_719] {strides = array<i32>} : memref<2560xi32, #tpu.memory_space<vmem>>, vector<16xi32>,
        tpu.vector_store %arg17[%parallel_loop3A_719], %parallel_loop3A_714 {strides = array<i32>} : memref<2560xi32, #tpu.memory_space<vmem>>, vector<16xi32>,
        %parallel_loop3A_721 = arith.index_cast %parallel_loop3A_664 : i32 to index
        %parallel_loop3A_722 = arith.constant 16 : index
        %parallel_loop3A_723 = tpu.vector_load %arg13[%parallel_loop3A_721, %parallel_loop3A_722] {strides = array<i32>} : memref<80x128xf32, #tpu.memory_space<vmem>>, vector<16xf32>,
        %parallel_loop3A_724 = arith.index_cast %parallel_loop3A_664 : i32 to index
        %parallel_loop3A_725 = arith.constant 80 : index
        %parallel_loop3A_726 = tpu.vector_load %arg15[%parallel_loop3A_724, %parallel_loop3A_725] {strides = array<i32>} : memref<80x128xf32, #tpu.memory_space<vmem>>, vector<16xf32>,
        %parallel_loop3A_727 = arith.addf %parallel_loop3A_723, %parallel_loop3A_726 : vector<16xf32>
        %parallel_loop3A_728 = arith.constant 1 : i32
        %parallel_loop3A_729 = arith.addi %parallel_loop3A_664, %parallel_loop3A_728 : i32
        %parallel_loop3A_730 = arith.index_cast %parallel_loop3A_729 : i32 to index
        %parallel_loop3A_731 = arith.constant 16 : index
        %parallel_loop3A_732 = tpu.vector_load %arg13[%parallel_loop3A_730, %parallel_loop3A_731] {strides = array<i32>} : memref<80x128xf32, #tpu.memory_space<vmem>>, vector<16xf32>,
        %parallel_loop3A_733 = arith.constant 1 : i32
        %parallel_loop3A_734 = arith.addi %parallel_loop3A_664, %parallel_loop3A_733 : i32
        %parallel_loop3A_735 = arith.index_cast %parallel_loop3A_734 : i32 to index
        %parallel_loop3A_736 = arith.constant 80 : index
        %parallel_loop3A_737 = tpu.vector_load %arg15[%parallel_loop3A_735, %parallel_loop3A_736] {strides = array<i32>} : memref<80x128xf32, #tpu.memory_space<vmem>>, vector<16xf32>,
        %parallel_loop3A_738 = arith.addf %parallel_loop3A_732, %parallel_loop3A_737 : vector<16xf32>
        %parallel_loop3A_739 = arith.constant 2 : i32
        %parallel_loop3A_740 = arith.addi %parallel_loop3A_664, %parallel_loop3A_739 : i32
        %parallel_loop3A_741 = arith.index_cast %parallel_loop3A_740 : i32 to index
        %parallel_loop3A_742 = arith.constant 16 : index
        %parallel_loop3A_743 = tpu.vector_load %arg13[%parallel_loop3A_741, %parallel_loop3A_742] {strides = array<i32>} : memref<80x128xf32, #tpu.memory_space<vmem>>, vector<16xf32>,
        %parallel_loop3A_744 = arith.constant 2 : i32
        %parallel_loop3A_745 = arith.addi %parallel_loop3A_664, %parallel_loop3A_744 : i32
        %parallel_loop3A_746 = arith.index_cast %parallel_loop3A_745 : i32 to index
        %parallel_loop3A_747 = arith.constant 80 : index
        %parallel_loop3A_748 = tpu.vector_load %arg15[%parallel_loop3A_746, %parallel_loop3A_747] {strides = array<i32>} : memref<80x128xf32, #tpu.memory_space<vmem>>, vector<16xf32>,
        %parallel_loop3A_749 = arith.addf %parallel_loop3A_743, %parallel_loop3A_748 : vector<16xf32>
        %parallel_loop3A_750 = arith.constant 3 : i32
        %parallel_loop3A_751 = arith.addi %parallel_loop3A_664, %parallel_loop3A_750 : i32
        %parallel_loop3A_752 = arith.index_cast %parallel_loop3A_751 : i32 to index
        %parallel_loop3A_753 = arith.constant 16 : index
        %parallel_loop3A_754 = tpu.vector_load %arg13[%parallel_loop3A_752, %parallel_loop3A_753] {strides = array<i32>} : memref<80x128xf32, #tpu.memory_space<vmem>>, vector<16xf32>,
        %parallel_loop3A_755 = arith.constant 3 : i32
        %parallel_loop3A_756 = arith.addi %parallel_loop3A_664, %parallel_loop3A_755 : i32
        %parallel_loop3A_757 = arith.index_cast %parallel_loop3A_756 : i32 to index
        %parallel_loop3A_758 = arith.constant 80 : index
        %parallel_loop3A_759 = tpu.vector_load %arg15[%parallel_loop3A_757, %parallel_loop3A_758] {strides = array<i32>} : memref<80x128xf32, #tpu.memory_space<vmem>>, vector<16xf32>,
        %parallel_loop3A_760 = arith.addf %parallel_loop3A_754, %parallel_loop3A_759 : vector<16xf32>
        %parallel_loop3A_761 = tpu.pack_subelements %parallel_loop3A_727, %parallel_loop3A_738 {pack_format = #tpu.pack_format<interleaved>, positions = array<i32: 0, 1>} : vector<16xf32>, vector<16xf32> -> vector<32xbf16>
        %parallel_loop3A_762 = vector.bitcast %parallel_loop3A_761 : vector<32xbf16> to vector<16xi32>
        %parallel_loop3A_763 = arith.constant 16 : i32
        %parallel_loop3A_764 = arith.addi %parallel_loop3A_666, %parallel_loop3A_763 : i32
        %parallel_loop3A_765 = arith.index_cast %parallel_loop3A_764 : i32 to index
        %parallel_loop3A_766 = tpu.vector_load %arg17[%parallel_loop3A_765] {strides = array<i32>} : memref<2560xi32, #tpu.memory_space<vmem>>, vector<16xi32>,
        tpu.vector_store %arg17[%parallel_loop3A_765], %parallel_loop3A_762 {strides = array<i32>} : memref<2560xi32, #tpu.memory_space<vmem>>, vector<16xi32>,
        %parallel_loop3A_767 = tpu.pack_subelements %parallel_loop3A_749, %parallel_loop3A_760 {pack_format = #tpu.pack_format<interleaved>, positions = array<i32: 0, 1>} : vector<16xf32>, vector<16xf32> -> vector<32xbf16>
        %parallel_loop3A_768 = vector.bitcast %parallel_loop3A_767 : vector<32xbf16> to vector<16xi32>
        %parallel_loop3A_769 = arith.constant 64 : i32
        %parallel_loop3A_770 = arith.addi %parallel_loop3A_666, %parallel_loop3A_769 : i32
        %parallel_loop3A_771 = arith.constant 16 : i32
        %parallel_loop3A_772 = arith.addi %parallel_loop3A_770, %parallel_loop3A_771 : i32
        %parallel_loop3A_773 = arith.index_cast %parallel_loop3A_772 : i32 to index
        %parallel_loop3A_774 = tpu.vector_load %arg17[%parallel_loop3A_773] {strides = array<i32>} : memref<2560xi32, #tpu.memory_space<vmem>>, vector<16xi32>,
        tpu.vector_store %arg17[%parallel_loop3A_773], %parallel_loop3A_768 {strides = array<i32>} : memref<2560xi32, #tpu.memory_space<vmem>>, vector<16xi32>,
        %parallel_loop3A_775 = arith.index_cast %parallel_loop3A_664 : i32 to index
        %parallel_loop3A_776 = arith.constant 32 : index
        %parallel_loop3A_777 = tpu.vector_load %arg13[%parallel_loop3A_775, %parallel_loop3A_776] {strides = array<i32>} : memref<80x128xf32, #tpu.memory_space<vmem>>, vector<16xf32>,
        %parallel_loop3A_778 = arith.index_cast %parallel_loop3A_664 : i32 to index
        %parallel_loop3A_779 = arith.constant 96 : index
        %parallel_loop3A_780 = tpu.vector_load %arg15[%parallel_loop3A_778, %parallel_loop3A_779] {strides = array<i32>} : memref<80x128xf32, #tpu.memory_space<vmem>>, vector<16xf32>,
        %parallel_loop3A_781 = arith.addf %parallel_loop3A_777, %parallel_loop3A_780 : vector<16xf32>
        %parallel_loop3A_782 = arith.constant 1 : i32
        %parallel_loop3A_783 = arith.addi %parallel_loop3A_664, %parallel_loop3A_782 : i32
        %parallel_loop3A_784 = arith.index_cast %parallel_loop3A_783 : i32 to index
        %parallel_loop3A_785 = arith.constant 32 : index
        %parallel_loop3A_786 = tpu.vector_load %arg13[%parallel_loop3A_784, %parallel_loop3A_785] {strides = array<i32>} : memref<80x128xf32, #tpu.memory_space<vmem>>, vector<16xf32>,
        %parallel_loop3A_787 = arith.constant 1 : i32
        %parallel_loop3A_788 = arith.addi %parallel_loop3A_664, %parallel_loop3A_787 : i32
        %parallel_loop3A_789 = arith.index_cast %parallel_loop3A_788 : i32 to index
        %parallel_loop3A_790 = arith.constant 96 : index
        %parallel_loop3A_791 = tpu.vector_load %arg15[%parallel_loop3A_789, %parallel_loop3A_790] {strides = array<i32>} : memref<80x128xf32, #tpu.memory_space<vmem>>, vector<16xf32>,
        %parallel_loop3A_792 = arith.addf %parallel_loop3A_786, %parallel_loop3A_791 : vector<16xf32>
        %parallel_loop3A_793 = arith.constant 2 : i32
        %parallel_loop3A_794 = arith.addi %parallel_loop3A_664, %parallel_loop3A_793 : i32
        %parallel_loop3A_795 = arith.index_cast %parallel_loop3A_794 : i32 to index
        %parallel_loop3A_796 = arith.constant 32 : index
        %parallel_loop3A_797 = tpu.vector_load %arg13[%parallel_loop3A_795, %parallel_loop3A_796] {strides = array<i32>} : memref<80x128xf32, #tpu.memory_space<vmem>>, vector<16xf32>,
        %parallel_loop3A_798 = arith.constant 2 : i32
        %parallel_loop3A_799 = arith.addi %parallel_loop3A_664, %parallel_loop3A_798 : i32
        %parallel_loop3A_800 = arith.index_cast %parallel_loop3A_799 : i32 to index
        %parallel_loop3A_801 = arith.constant 96 : index
        %parallel_loop3A_802 = tpu.vector_load %arg15[%parallel_loop3A_800, %parallel_loop3A_801] {strides = array<i32>} : memref<80x128xf32, #tpu.memory_space<vmem>>, vector<16xf32>,
        %parallel_loop3A_803 = arith.addf %parallel_loop3A_797, %parallel_loop3A_802 : vector<16xf32>
        %parallel_loop3A_804 = arith.constant 3 : i32
        %parallel_loop3A_805 = arith.addi %parallel_loop3A_664, %parallel_loop3A_804 : i32
        %parallel_loop3A_806 = arith.index_cast %parallel_loop3A_805 : i32 to index
        %parallel_loop3A_807 = arith.constant 32 : index
        %parallel_loop3A_808 = tpu.vector_load %arg13[%parallel_loop3A_806, %parallel_loop3A_807] {strides = array<i32>} : memref<80x128xf32, #tpu.memory_space<vmem>>, vector<16xf32>,
        %parallel_loop3A_809 = arith.constant 3 : i32
        %parallel_loop3A_810 = arith.addi %parallel_loop3A_664, %parallel_loop3A_809 : i32
        %parallel_loop3A_811 = arith.index_cast %parallel_loop3A_810 : i32 to index
        %parallel_loop3A_812 = arith.constant 96 : index
        %parallel_loop3A_813 = tpu.vector_load %arg15[%parallel_loop3A_811, %parallel_loop3A_812] {strides = array<i32>} : memref<80x128xf32, #tpu.memory_space<vmem>>, vector<16xf32>,
        %parallel_loop3A_814 = arith.addf %parallel_loop3A_808, %parallel_loop3A_813 : vector<16xf32>
        %parallel_loop3A_815 = tpu.pack_subelements %parallel_loop3A_781, %parallel_loop3A_792 {pack_format = #tpu.pack_format<interleaved>, positions = array<i32: 0, 1>} : vector<16xf32>, vector<16xf32> -> vector<32xbf16>
        %parallel_loop3A_816 = vector.bitcast %parallel_loop3A_815 : vector<32xbf16> to vector<16xi32>
        %parallel_loop3A_817 = arith.constant 32 : i32
        %parallel_loop3A_818 = arith.addi %parallel_loop3A_666, %parallel_loop3A_817 : i32
        %parallel_loop3A_819 = arith.index_cast %parallel_loop3A_818 : i32 to index
        %parallel_loop3A_820 = tpu.vector_load %arg17[%parallel_loop3A_819] {strides = array<i32>} : memref<2560xi32, #tpu.memory_space<vmem>>, vector<16xi32>,
        tpu.vector_store %arg17[%parallel_loop3A_819], %parallel_loop3A_816 {strides = array<i32>} : memref<2560xi32, #tpu.memory_space<vmem>>, vector<16xi32>,
        %parallel_loop3A_821 = tpu.pack_subelements %parallel_loop3A_803, %parallel_loop3A_814 {pack_format = #tpu.pack_format<interleaved>, positions = array<i32: 0, 1>} : vector<16xf32>, vector<16xf32> -> vector<32xbf16>
        %parallel_loop3A_822 = vector.bitcast %parallel_loop3A_821 : vector<32xbf16> to vector<16xi32>
        %parallel_loop3A_823 = arith.constant 64 : i32
        %parallel_loop3A_824 = arith.addi %parallel_loop3A_666, %parallel_loop3A_823 : i32
        %parallel_loop3A_825 = arith.constant 32 : i32
        %parallel_loop3A_826 = arith.addi %parallel_loop3A_824, %parallel_loop3A_825 : i32
        %parallel_loop3A_827 = arith.index_cast %parallel_loop3A_826 : i32 to index
        %parallel_loop3A_828 = tpu.vector_load %arg17[%parallel_loop3A_827] {strides = array<i32>} : memref<2560xi32, #tpu.memory_space<vmem>>, vector<16xi32>,
        tpu.vector_store %arg17[%parallel_loop3A_827], %parallel_loop3A_822 {strides = array<i32>} : memref<2560xi32, #tpu.memory_space<vmem>>, vector<16xi32>,
        %parallel_loop3A_829 = arith.index_cast %parallel_loop3A_664 : i32 to index
        %parallel_loop3A_830 = arith.constant 48 : index
        %parallel_loop3A_831 = tpu.vector_load %arg13[%parallel_loop3A_829, %parallel_loop3A_830] {strides = array<i32>} : memref<80x128xf32, #tpu.memory_space<vmem>>, vector<16xf32>,
        %parallel_loop3A_832 = arith.index_cast %parallel_loop3A_664 : i32 to index
        %parallel_loop3A_833 = arith.constant 112 : index
        %parallel_loop3A_834 = tpu.vector_load %arg15[%parallel_loop3A_832, %parallel_loop3A_833] {strides = array<i32>} : memref<80x128xf32, #tpu.memory_space<vmem>>, vector<16xf32>,
        %parallel_loop3A_835 = arith.addf %parallel_loop3A_831, %parallel_loop3A_834 : vector<16xf32>
        %parallel_loop3A_836 = arith.constant 1 : i32
        %parallel_loop3A_837 = arith.addi %parallel_loop3A_664, %parallel_loop3A_836 : i32
        %parallel_loop3A_838 = arith.index_cast %parallel_loop3A_837 : i32 to index
        %parallel_loop3A_839 = arith.constant 48 : index
        %parallel_loop3A_840 = tpu.vector_load %arg13[%parallel_loop3A_838, %parallel_loop3A_839] {strides = array<i32>} : memref<80x128xf32, #tpu.memory_space<vmem>>, vector<16xf32>,
        %parallel_loop3A_841 = arith.constant 1 : i32
        %parallel_loop3A_842 = arith.addi %parallel_loop3A_664, %parallel_loop3A_841 : i32
        %parallel_loop3A_843 = arith.index_cast %parallel_loop3A_842 : i32 to index
        %parallel_loop3A_844 = arith.constant 112 : index
        %parallel_loop3A_845 = tpu.vector_load %arg15[%parallel_loop3A_843, %parallel_loop3A_844] {strides = array<i32>} : memref<80x128xf32, #tpu.memory_space<vmem>>, vector<16xf32>,
        %parallel_loop3A_846 = arith.addf %parallel_loop3A_840, %parallel_loop3A_845 : vector<16xf32>
        %parallel_loop3A_847 = arith.constant 2 : i32
        %parallel_loop3A_848 = arith.addi %parallel_loop3A_664, %parallel_loop3A_847 : i32
        %parallel_loop3A_849 = arith.index_cast %parallel_loop3A_848 : i32 to index
        %parallel_loop3A_850 = arith.constant 48 : index
        %parallel_loop3A_851 = tpu.vector_load %arg13[%parallel_loop3A_849, %parallel_loop3A_850] {strides = array<i32>} : memref<80x128xf32, #tpu.memory_space<vmem>>, vector<16xf32>,
        %parallel_loop3A_852 = arith.constant 2 : i32
        %parallel_loop3A_853 = arith.addi %parallel_loop3A_664, %parallel_loop3A_852 : i32
        %parallel_loop3A_854 = arith.index_cast %parallel_loop3A_853 : i32 to index
        %parallel_loop3A_855 = arith.constant 112 : index
        %parallel_loop3A_856 = tpu.vector_load %arg15[%parallel_loop3A_854, %parallel_loop3A_855] {strides = array<i32>} : memref<80x128xf32, #tpu.memory_space<vmem>>, vector<16xf32>,
        %parallel_loop3A_857 = arith.addf %parallel_loop3A_851, %parallel_loop3A_856 : vector<16xf32>
        %parallel_loop3A_858 = arith.constant 3 : i32
        %parallel_loop3A_859 = arith.addi %parallel_loop3A_664, %parallel_loop3A_858 : i32
        %parallel_loop3A_860 = arith.index_cast %parallel_loop3A_859 : i32 to index
        %parallel_loop3A_861 = arith.constant 48 : index
        %parallel_loop3A_862 = tpu.vector_load %arg13[%parallel_loop3A_860, %parallel_loop3A_861] {strides = array<i32>} : memref<80x128xf32, #tpu.memory_space<vmem>>, vector<16xf32>,
        %parallel_loop3A_863 = arith.constant 3 : i32
        %parallel_loop3A_864 = arith.addi %parallel_loop3A_664, %parallel_loop3A_863 : i32
        %parallel_loop3A_865 = arith.index_cast %parallel_loop3A_864 : i32 to index
        %parallel_loop3A_866 = arith.constant 112 : index
        %parallel_loop3A_867 = tpu.vector_load %arg15[%parallel_loop3A_865, %parallel_loop3A_866] {strides = array<i32>} : memref<80x128xf32, #tpu.memory_space<vmem>>, vector<16xf32>,
        %parallel_loop3A_868 = arith.addf %parallel_loop3A_862, %parallel_loop3A_867 : vector<16xf32>
        %parallel_loop3A_869 = tpu.pack_subelements %parallel_loop3A_835, %parallel_loop3A_846 {pack_format = #tpu.pack_format<interleaved>, positions = array<i32: 0, 1>} : vector<16xf32>, vector<16xf32> -> vector<32xbf16>
        %parallel_loop3A_870 = vector.bitcast %parallel_loop3A_869 : vector<32xbf16> to vector<16xi32>
        %parallel_loop3A_871 = arith.constant 48 : i32
        %parallel_loop3A_872 = arith.addi %parallel_loop3A_666, %parallel_loop3A_871 : i32
        %parallel_loop3A_873 = arith.index_cast %parallel_loop3A_872 : i32 to index
        %parallel_loop3A_874 = tpu.vector_load %arg17[%parallel_loop3A_873] {strides = array<i32>} : memref<2560xi32, #tpu.memory_space<vmem>>, vector<16xi32>,
        tpu.vector_store %arg17[%parallel_loop3A_873], %parallel_loop3A_870 {strides = array<i32>} : memref<2560xi32, #tpu.memory_space<vmem>>, vector<16xi32>,
        %parallel_loop3A_875 = tpu.pack_subelements %parallel_loop3A_857, %parallel_loop3A_868 {pack_format = #tpu.pack_format<interleaved>, positions = array<i32: 0, 1>} : vector<16xf32>, vector<16xf32> -> vector<32xbf16>
        %parallel_loop3A_876 = vector.bitcast %parallel_loop3A_875 : vector<32xbf16> to vector<16xi32>
        %parallel_loop3A_877 = arith.constant 64 : i32
        %parallel_loop3A_878 = arith.addi %parallel_loop3A_666, %parallel_loop3A_877 : i32
        %parallel_loop3A_879 = arith.constant 48 : i32
        %parallel_loop3A_880 = arith.addi %parallel_loop3A_878, %parallel_loop3A_879 : i32
        %parallel_loop3A_881 = arith.index_cast %parallel_loop3A_880 : i32 to index
        %parallel_loop3A_882 = tpu.vector_load %arg17[%parallel_loop3A_881] {strides = array<i32>} : memref<2560xi32, #tpu.memory_space<vmem>>, vector<16xi32>,
        tpu.vector_store %arg17[%parallel_loop3A_881], %parallel_loop3A_876 {strides = array<i32>} : memref<2560xi32, #tpu.memory_space<vmem>>, vector<16xi32>,
      } {sc.loop_unroll_factor = 2 : i64, sc.parallel_access}
      %add3A_464 = arith.constant 0 : i32
      %add3A_465 = arith.addi %multiple_of3A_420, %add3A_464 : i32
      %get3A_466 = arith.index_cast %add3A_465 : i32 to index
      %get3A_467 = tpu.vector_load %arg9[%get3A_466] {strides = array<i32>} : memref<10000xi32, #tpu.memory_space<vmem>>, vector<16xi32>,
      %gather3A_468 = tpu.vector_load_idx %arg7[%get3A_467] : memref<10240xf32, #tpu.memory_space<vmem>>[vector<16xi32>], vector<16xf32>,
      %max3A_469 = arith.maximumf %gather3A_468, %broadcast_in_dim3A_5 : vector<16xf32>
      %get3A_470 = arith.index_cast %add3A_465 : i32 to index
      %get3A_471 = tpu.vector_load %arg10[%get3A_470] {strides = array<i32>} : memref<10000xi32, #tpu.memory_space<vmem>>, vector<16xi32>,
      %gather3A_472 = tpu.vector_load_idx %arg8[%get3A_471] : memref<10240xf32, #tpu.memory_space<vmem>>[vector<16xi32>], vector<16xf32>,
      %max3A_473 = arith.maximumf %gather3A_472, %broadcast_in_dim3A_5 : vector<16xf32>
      %mul3A_474 = arith.mulf %max3A_469, %max3A_473 : vector<16xf32>
      %swap3A_475 = arith.index_cast %add3A_465 : i32 to index
      %swap3A_476 = tpu.vector_load %arg19[%swap3A_475] {strides = array<i32>} : memref<10000xf32, #tpu.memory_space<vmem>>, vector<16xf32>,
      tpu.vector_store %arg19[%swap3A_475], %mul3A_474 {strides = array<i32>} : memref<10000xf32, #tpu.memory_space<vmem>>, vector<16xf32>,
      %add3A_477 = arith.constant 16 : i32
      %add3A_478 = arith.addi %multiple_of3A_420, %add3A_477 : i32
      %get3A_479 = arith.index_cast %add3A_478 : i32 to index
      %get3A_480 = tpu.vector_load %arg9[%get3A_479] {strides = array<i32>} : memref<10000xi32, #tpu.memory_space<vmem>>, vector<16xi32>,
      %gather3A_481 = tpu.vector_load_idx %arg7[%get3A_480] : memref<10240xf32, #tpu.memory_space<vmem>>[vector<16xi32>], vector<16xf32>,
      %max3A_482 = arith.maximumf %gather3A_481, %broadcast_in_dim3A_5 : vector<16xf32>
      %get3A_483 = arith.index_cast %add3A_478 : i32 to index
      %get3A_484 = tpu.vector_load %arg10[%get3A_483] {strides = array<i32>} : memref<10000xi32, #tpu.memory_space<vmem>>, vector<16xi32>,
      %gather3A_485 = tpu.vector_load_idx %arg8[%get3A_484] : memref<10240xf32, #tpu.memory_space<vmem>>[vector<16xi32>], vector<16xf32>,
      %max3A_486 = arith.maximumf %gather3A_485, %broadcast_in_dim3A_5 : vector<16xf32>
      %mul3A_487 = arith.mulf %max3A_482, %max3A_486 : vector<16xf32>
      %swap3A_488 = arith.index_cast %add3A_478 : i32 to index
      %swap3A_489 = tpu.vector_load %arg19[%swap3A_488] {strides = array<i32>} : memref<10000xf32, #tpu.memory_space<vmem>>, vector<16xf32>,
      tpu.vector_store %arg19[%swap3A_488], %mul3A_487 {strides = array<i32>} : memref<10000xf32, #tpu.memory_space<vmem>>, vector<16xf32>,
      %add3A_490 = arith.constant 32 : i32
      %add3A_491 = arith.addi %multiple_of3A_420, %add3A_490 : i32
      %get3A_492 = arith.index_cast %add3A_491 : i32 to index
      %get3A_493 = tpu.vector_load %arg9[%get3A_492] {strides = array<i32>} : memref<10000xi32, #tpu.memory_space<vmem>>, vector<16xi32>,
      %gather3A_494 = tpu.vector_load_idx %arg7[%get3A_493] : memref<10240xf32, #tpu.memory_space<vmem>>[vector<16xi32>], vector<16xf32>,
      %max3A_495 = arith.maximumf %gather3A_494, %broadcast_in_dim3A_5 : vector<16xf32>
      %get3A_496 = arith.index_cast %add3A_491 : i32 to index
      %get3A_497 = tpu.vector_load %arg10[%get3A_496] {strides = array<i32>} : memref<10000xi32, #tpu.memory_space<vmem>>, vector<16xi32>,
      %gather3A_498 = tpu.vector_load_idx %arg8[%get3A_497] : memref<10240xf32, #tpu.memory_space<vmem>>[vector<16xi32>], vector<16xf32>,
      %max3A_499 = arith.maximumf %gather3A_498, %broadcast_in_dim3A_5 : vector<16xf32>
      %mul3A_500 = arith.mulf %max3A_495, %max3A_499 : vector<16xf32>
      %swap3A_501 = arith.index_cast %add3A_491 : i32 to index
      %swap3A_502 = tpu.vector_load %arg19[%swap3A_501] {strides = array<i32>} : memref<10000xf32, #tpu.memory_space<vmem>>, vector<16xf32>,
      tpu.vector_store %arg19[%swap3A_501], %mul3A_500 {strides = array<i32>} : memref<10000xf32, #tpu.memory_space<vmem>>, vector<16xf32>,
      %add3A_503 = arith.constant 48 : i32
      %add3A_504 = arith.addi %multiple_of3A_420, %add3A_503 : i32
      %get3A_505 = arith.index_cast %add3A_504 : i32 to index
      %get3A_506 = tpu.vector_load %arg9[%get3A_505] {strides = array<i32>} : memref<10000xi32, #tpu.memory_space<vmem>>, vector<16xi32>,
      %gather3A_507 = tpu.vector_load_idx %arg7[%get3A_506] : memref<10240xf32, #tpu.memory_space<vmem>>[vector<16xi32>], vector<16xf32>,
      %max3A_508 = arith.maximumf %gather3A_507, %broadcast_in_dim3A_5 : vector<16xf32>
      %get3A_509 = arith.index_cast %add3A_504 : i32 to index
      %get3A_510 = tpu.vector_load %arg10[%get3A_509] {strides = array<i32>} : memref<10000xi32, #tpu.memory_space<vmem>>, vector<16xi32>,
      %gather3A_511 = tpu.vector_load_idx %arg8[%get3A_510] : memref<10240xf32, #tpu.memory_space<vmem>>[vector<16xi32>], vector<16xf32>,
      %max3A_512 = arith.maximumf %gather3A_511, %broadcast_in_dim3A_5 : vector<16xf32>
      %mul3A_513 = arith.mulf %max3A_508, %max3A_512 : vector<16xf32>
      %swap3A_514 = arith.index_cast %add3A_504 : i32 to index
      %swap3A_515 = tpu.vector_load %arg19[%swap3A_514] {strides = array<i32>} : memref<10000xf32, #tpu.memory_space<vmem>>, vector<16xf32>,
      tpu.vector_store %arg19[%swap3A_514], %mul3A_513 {strides = array<i32>} : memref<10000xf32, #tpu.memory_space<vmem>>, vector<16xf32>,
      %add3A_516 = arith.constant 64 : i32
      %add3A_517 = arith.addi %multiple_of3A_420, %add3A_516 : i32
      %get3A_518 = arith.index_cast %add3A_517 : i32 to index
      %get3A_519 = tpu.vector_load %arg9[%get3A_518] {strides = array<i32>} : memref<10000xi32, #tpu.memory_space<vmem>>, vector<16xi32>,
      %gather3A_520 = tpu.vector_load_idx %arg7[%get3A_519] : memref<10240xf32, #tpu.memory_space<vmem>>[vector<16xi32>], vector<16xf32>,
      %max3A_521 = arith.maximumf %gather3A_520, %broadcast_in_dim3A_5 : vector<16xf32>
      %get3A_522 = arith.index_cast %add3A_517 : i32 to index
      %get3A_523 = tpu.vector_load %arg10[%get3A_522] {strides = array<i32>} : memref<10000xi32, #tpu.memory_space<vmem>>, vector<16xi32>,
      %gather3A_524 = tpu.vector_load_idx %arg8[%get3A_523] : memref<10240xf32, #tpu.memory_space<vmem>>[vector<16xi32>], vector<16xf32>,
      %max3A_525 = arith.maximumf %gather3A_524, %broadcast_in_dim3A_5 : vector<16xf32>
      %mul3A_526 = arith.mulf %max3A_521, %max3A_525 : vector<16xf32>
      %swap3A_527 = arith.index_cast %add3A_517 : i32 to index
      %swap3A_528 = tpu.vector_load %arg19[%swap3A_527] {strides = array<i32>} : memref<10000xf32, #tpu.memory_space<vmem>>, vector<16xf32>,
      tpu.vector_store %arg19[%swap3A_527], %mul3A_526 {strides = array<i32>} : memref<10000xf32, #tpu.memory_space<vmem>>, vector<16xf32>,
      %dma_start3A_529 = tpu.memref_slice %arg5[%multiple_of3A_458] : memref<10240000xi32, #tpu.memory_space<hbm>> -> memref<2560xi32, #tpu.memory_space<hbm>>
      %dma_start3A_530 = tpu.memref_slice %arg5[%multiple_of3A_458] : memref<10240000xi32, #tpu.memory_space<hbm>> -> memref<2560xi32, #tpu.memory_space<hbm>>
      tpu.enqueue_dma source(%arg17 : memref<2560xi32, #tpu.memory_space<vmem>>) target(%dma_start3A_530 : memref<2560xi32, #tpu.memory_space<hbm>>) target_semaphore(%arg28 : memref<!tpu.dma_semaphore, #tpu.memory_space<semaphore_mem>>)
      %add3A_531 = arith.constant 2 : i32
      %add3A_532 = arith.addi %mul3A_404, %add3A_531 : i32
      %mul3A_533 = arith.constant 80 : i32
      %mul3A_534 = arith.muli %add3A_532, %mul3A_533 : i32
      %multiple_of3A_535 = tpu.assume_multiple %mul3A_534, 80 : i32
      %dma_start3A_536 = tpu.memref_slice %arg9[%multiple_of3A_535] : memref<10000xi32, #tpu.memory_space<vmem>> -> memref<80xi32, #tpu.memory_space<vmem>>
      %dma_start3A_537 = arith.constant 0 : i32
      %dma_start3A_538 = arith.constant 0 : i32
      %dma_start3A_539 = tpu.memref_slice %arg4[%dma_start3A_537, %dma_start3A_538] : memref<10000x128xf32, #tpu.memory_space<hbm>> -> memref<10000x128xf32, #tpu.memory_space<hbm>>
      tpu.enqueue_indirect_dma source(%dma_start3A_539 : memref<10000x128xf32, #tpu.memory_space<hbm>>) target(%arg13 : memref<80x128xf32, #tpu.memory_space<vmem>>) offsets(%dma_start3A_536 : memref<80xi32, #tpu.memory_space<vmem>>) semaphore(%arg24 : memref<!tpu.dma_semaphore, #tpu.memory_space<semaphore_mem>>)
      %dma_start3A_540 = tpu.memref_slice %arg10[%multiple_of3A_535] : memref<10000xi32, #tpu.memory_space<vmem>> -> memref<80xi32, #tpu.memory_space<vmem>>
      %dma_start3A_541 = arith.constant 0 : i32
      %dma_start3A_542 = arith.constant 0 : i32
      %dma_start3A_543 = tpu.memref_slice %arg4[%dma_start3A_541, %dma_start3A_542] : memref<10000x128xf32, #tpu.memory_space<hbm>> -> memref<10000x128xf32, #tpu.memory_space<hbm>>
      tpu.enqueue_indirect_dma source(%dma_start3A_543 : memref<10000x128xf32, #tpu.memory_space<hbm>>) target(%arg15 : memref<80x128xf32, #tpu.memory_space<vmem>>) offsets(%dma_start3A_540 : memref<80xi32, #tpu.memory_space<vmem>>) semaphore(%arg26 : memref<!tpu.dma_semaphore, #tpu.memory_space<semaphore_mem>>)
      %add3A_544 = arith.constant 1 : i32
      %add3A_545 = arith.addi %mul3A_404, %add3A_544 : i32
      %mul3A_546 = arith.constant 80 : i32
      %mul3A_547 = arith.muli %add3A_545, %mul3A_546 : i32
      %multiple_of3A_548 = tpu.assume_multiple %mul3A_547, 80 : i32
      %dma_wait3A_549 = tpu.memref_slice %arg9[%multiple_of3A_548] : memref<10000xi32, #tpu.memory_space<vmem>> -> memref<80xi32, #tpu.memory_space<vmem>>
      %dma_wait3A_550 = arith.constant 0 : i32
      %dma_wait3A_551 = arith.constant 0 : i32
      %dma_wait3A_552 = tpu.memref_slice %arg4[%dma_wait3A_550, %dma_wait3A_551] : memref<10000x128xf32, #tpu.memory_space<hbm>> -> memref<10000x128xf32, #tpu.memory_space<hbm>>
      tpu.wait_indirect_dma semaphore(%arg25 : memref<!tpu.dma_semaphore, #tpu.memory_space<semaphore_mem>>) src(%dma_wait3A_552 : memref<10000x128xf32, #tpu.memory_space<hbm>>) dst(%arg14 : memref<80x128xf32, #tpu.memory_space<vmem>>)
      %dma_wait3A_553 = tpu.memref_slice %arg10[%multiple_of3A_548] : memref<10000xi32, #tpu.memory_space<vmem>> -> memref<80xi32, #tpu.memory_space<vmem>>
      %dma_wait3A_554 = arith.constant 0 : i32
      %dma_wait3A_555 = arith.constant 0 : i32
      %dma_wait3A_556 = tpu.memref_slice %arg4[%dma_wait3A_554, %dma_wait3A_555] : memref<10000x128xf32, #tpu.memory_space<hbm>> -> memref<10000x128xf32, #tpu.memory_space<hbm>>
      tpu.wait_indirect_dma semaphore(%arg27 : memref<!tpu.dma_semaphore, #tpu.memory_space<semaphore_mem>>) src(%dma_wait3A_556 : memref<10000x128xf32, #tpu.memory_space<hbm>>) dst(%arg16 : memref<80x128xf32, #tpu.memory_space<vmem>>)
      %mul3A_557 = arith.constant 80 : i32
      %mul3A_558 = arith.muli %add3A_545, %mul3A_557 : i32
      %add3A_559 = arith.addi %multiple_of3A_222, %mul3A_558 : i32
      %jit3A_560 = arith.constant 4 : i32
      %div3A_561 = arith.divsi %add3A_559, %jit3A_560 : i32
      %sign3A_562 = arith.constant 0 : i32
      %sign3A_563 = arith.cmpi sgt, %add3A_559, %sign3A_562 : i32
      %sign3A_564 = arith.extui %sign3A_563 : i1 to i32
      %sign3A_565 = arith.constant 0 : i32
      %sign3A_566 = arith.cmpi slt, %add3A_559, %sign3A_565 : i32
      %sign3A_567 = arith.extui %sign3A_566 : i1 to i32
      %sign3A_568 = arith.subi %sign3A_564, %sign3A_567 : i32
      %sign3A_569 = arith.constant 0 : i32
      %sign3A_570 = arith.cmpi sgt, %jit3A_560, %sign3A_569 : i32
      %sign3A_571 = arith.extui %sign3A_570 : i1 to i32
      %sign3A_572 = arith.constant 0 : i32
      %sign3A_573 = arith.cmpi slt, %jit3A_560, %sign3A_572 : i32
      %sign3A_574 = arith.extui %sign3A_573 : i1 to i32
      %sign3A_575 = arith.subi %sign3A_571, %sign3A_574 : i32
      %ne3A_576 = arith.cmpi ne, %sign3A_568, %sign3A_575 : i32
      %rem3A_577 = arith.remsi %add3A_559, %jit3A_560 : i32
      %ne3A_578 = arith.constant 0 : i32
      %ne3A_579 = arith.cmpi ne, %rem3A_577, %ne3A_578 : i32
      %and3A_580 = arith.andi %ne3A_576, %ne3A_579 : i1
      %sub3A_581 = arith.constant 1 : i32
      %sub3A_582 = arith.subi %div3A_561, %sub3A_581 : i32
      %select_n3A_583 = arith.select %and3A_580, %sub3A_582, %div3A_561 : i32
      %mul3A_584 = arith.constant 128 : i32
      %mul3A_585 = arith.muli %select_n3A_583, %mul3A_584 : i32
      %multiple_of3A_586 = tpu.assume_multiple %mul3A_585, 2560 : i32
      %ge3A_587 = arith.constant 2 : i32
      %ge3A_588 = arith.cmpi sge, %add3A_545, %ge3A_587 : i32
      %convert_element_type3A_589 = arith.extui %ge3A_588 : i1 to i32
      %cond3A_590 = arith.constant 0 : i32
      %cond3A_591 = arith.cmpi ne, %convert_element_type3A_589, %cond3A_590 : i32
      scf.if %cond3A_591 {
        %dma_wait3A_662 = tpu.memref_slice %arg5[%multiple_of3A_586] : memref<10240000xi32, #tpu.memory_space<hbm>> -> memref<2560xi32, #tpu.memory_space<hbm>>
        %dma_wait3A_663 = tpu.memref_slice %arg5[%multiple_of3A_586] : memref<10240000xi32, #tpu.memory_space<hbm>> -> memref<2560xi32, #tpu.memory_space<hbm>>
        tpu.wait_dma2 semaphore(%arg29 : memref<!tpu.dma_semaphore, #tpu.memory_space<semaphore_mem>>) src(%arg18 : memref<2560xi32, #tpu.memory_space<vmem>>) dst(%dma_wait3A_663 : memref<2560xi32, #tpu.memory_space<hbm>>)
      } else {
      }
      %parallel_loop3A_592 = arith.constant 0 : i32
      %parallel_loop3A_593 = arith.constant 20 : i32
      %parallel_loop3A_594 = arith.constant 1 : i32
      scf.for %parallel_loop3A_662 = %parallel_loop3A_592 to %parallel_loop3A_593 step %parallel_loop3A_594  : i32 {
        %parallel_loop3A_663 = arith.constant 4 : i32
        %parallel_loop3A_664 = arith.muli %parallel_loop3A_663, %parallel_loop3A_662 : i32
        %parallel_loop3A_665 = arith.constant 128 : i32
        %parallel_loop3A_666 = arith.muli %parallel_loop3A_662, %parallel_loop3A_665 : i32
        %parallel_loop3A_667 = arith.index_cast %parallel_loop3A_664 : i32 to index
        %parallel_loop3A_668 = arith.constant 0 : index
        %parallel_loop3A_669 = tpu.vector_load %arg14[%parallel_loop3A_667, %parallel_loop3A_668] {strides = array<i32>} : memref<80x128xf32, #tpu.memory_space<vmem>>, vector<16xf32>,
        %parallel_loop3A_670 = arith.index_cast %parallel_loop3A_664 : i32 to index
        %parallel_loop3A_671 = arith.constant 64 : index
        %parallel_loop3A_672 = tpu.vector_load %arg16[%parallel_loop3A_670, %parallel_loop3A_671] {strides = array<i32>} : memref<80x128xf32, #tpu.memory_space<vmem>>, vector<16xf32>,
        %parallel_loop3A_673 = arith.addf %parallel_loop3A_669, %parallel_loop3A_672 : vector<16xf32>
        %parallel_loop3A_674 = arith.constant 1 : i32
        %parallel_loop3A_675 = arith.addi %parallel_loop3A_664, %parallel_loop3A_674 : i32
        %parallel_loop3A_676 = arith.index_cast %parallel_loop3A_675 : i32 to index
        %parallel_loop3A_677 = arith.constant 0 : index
        %parallel_loop3A_678 = tpu.vector_load %arg14[%parallel_loop3A_676, %parallel_loop3A_677] {strides = array<i32>} : memref<80x128xf32, #tpu.memory_space<vmem>>, vector<16xf32>,
        %parallel_loop3A_679 = arith.constant 1 : i32
        %parallel_loop3A_680 = arith.addi %parallel_loop3A_664, %parallel_loop3A_679 : i32
        %parallel_loop3A_681 = arith.index_cast %parallel_loop3A_680 : i32 to index
        %parallel_loop3A_682 = arith.constant 64 : index
        %parallel_loop3A_683 = tpu.vector_load %arg16[%parallel_loop3A_681, %parallel_loop3A_682] {strides = array<i32>} : memref<80x128xf32, #tpu.memory_space<vmem>>, vector<16xf32>,
        %parallel_loop3A_684 = arith.addf %parallel_loop3A_678, %parallel_loop3A_683 : vector<16xf32>
        %parallel_loop3A_685 = arith.constant 2 : i32
        %parallel_loop3A_686 = arith.addi %parallel_loop3A_664, %parallel_loop3A_685 : i32
        %parallel_loop3A_687 = arith.index_cast %parallel_loop3A_686 : i32 to index
        %parallel_loop3A_688 = arith.constant 0 : index
        %parallel_loop3A_689 = tpu.vector_load %arg14[%parallel_loop3A_687, %parallel_loop3A_688] {strides = array<i32>} : memref<80x128xf32, #tpu.memory_space<vmem>>, vector<16xf32>,
        %parallel_loop3A_690 = arith.constant 2 : i32
        %parallel_loop3A_691 = arith.addi %parallel_loop3A_664, %parallel_loop3A_690 : i32
        %parallel_loop3A_692 = arith.index_cast %parallel_loop3A_691 : i32 to index
        %parallel_loop3A_693 = arith.constant 64 : index
        %parallel_loop3A_694 = tpu.vector_load %arg16[%parallel_loop3A_692, %parallel_loop3A_693] {strides = array<i32>} : memref<80x128xf32, #tpu.memory_space<vmem>>, vector<16xf32>,
        %parallel_loop3A_695 = arith.addf %parallel_loop3A_689, %parallel_loop3A_694 : vector<16xf32>
        %parallel_loop3A_696 = arith.constant 3 : i32
        %parallel_loop3A_697 = arith.addi %parallel_loop3A_664, %parallel_loop3A_696 : i32
        %parallel_loop3A_698 = arith.index_cast %parallel_loop3A_697 : i32 to index
        %parallel_loop3A_699 = arith.constant 0 : index
        %parallel_loop3A_700 = tpu.vector_load %arg14[%parallel_loop3A_698, %parallel_loop3A_699] {strides = array<i32>} : memref<80x128xf32, #tpu.memory_space<vmem>>, vector<16xf32>,
        %parallel_loop3A_701 = arith.constant 3 : i32
        %parallel_loop3A_702 = arith.addi %parallel_loop3A_664, %parallel_loop3A_701 : i32
        %parallel_loop3A_703 = arith.index_cast %parallel_loop3A_702 : i32 to index
        %parallel_loop3A_704 = arith.constant 64 : index
        %parallel_loop3A_705 = tpu.vector_load %arg16[%parallel_loop3A_703, %parallel_loop3A_704] {strides = array<i32>} : memref<80x128xf32, #tpu.memory_space<vmem>>, vector<16xf32>,
        %parallel_loop3A_706 = arith.addf %parallel_loop3A_700, %parallel_loop3A_705 : vector<16xf32>
        %parallel_loop3A_707 = tpu.pack_subelements %parallel_loop3A_673, %parallel_loop3A_684 {pack_format = #tpu.pack_format<interleaved>, positions = array<i32: 0, 1>} : vector<16xf32>, vector<16xf32> -> vector<32xbf16>
        %parallel_loop3A_708 = vector.bitcast %parallel_loop3A_707 : vector<32xbf16> to vector<16xi32>
        %parallel_loop3A_709 = arith.constant 0 : i32
        %parallel_loop3A_710 = arith.addi %parallel_loop3A_666, %parallel_loop3A_709 : i32
        %parallel_loop3A_711 = arith.index_cast %parallel_loop3A_710 : i32 to index
        %parallel_loop3A_712 = tpu.vector_load %arg18[%parallel_loop3A_711] {strides = array<i32>} : memref<2560xi32, #tpu.memory_space<vmem>>, vector<16xi32>,
        tpu.vector_store %arg18[%parallel_loop3A_711], %parallel_loop3A_708 {strides = array<i32>} : memref<2560xi32, #tpu.memory_space<vmem>>, vector<16xi32>,
        %parallel_loop3A_713 = tpu.pack_subelements %parallel_loop3A_695, %parallel_loop3A_706 {pack_format = #tpu.pack_format<interleaved>, positions = array<i32: 0, 1>} : vector<16xf32>, vector<16xf32> -> vector<32xbf16>
        %parallel_loop3A_714 = vector.bitcast %parallel_loop3A_713 : vector<32xbf16> to vector<16xi32>
        %parallel_loop3A_715 = arith.constant 64 : i32
        %parallel_loop3A_716 = arith.addi %parallel_loop3A_666, %parallel_loop3A_715 : i32
        %parallel_loop3A_717 = arith.constant 0 : i32
        %parallel_loop3A_718 = arith.addi %parallel_loop3A_716, %parallel_loop3A_717 : i32
        %parallel_loop3A_719 = arith.index_cast %parallel_loop3A_718 : i32 to index
        %parallel_loop3A_720 = tpu.vector_load %arg18[%parallel_loop3A_719] {strides = array<i32>} : memref<2560xi32, #tpu.memory_space<vmem>>, vector<16xi32>,
        tpu.vector_store %arg18[%parallel_loop3A_719], %parallel_loop3A_714 {strides = array<i32>} : memref<2560xi32, #tpu.memory_space<vmem>>, vector<16xi32>,
        %parallel_loop3A_721 = arith.index_cast %parallel_loop3A_664 : i32 to index
        %parallel_loop3A_722 = arith.constant 16 : index
        %parallel_loop3A_723 = tpu.vector_load %arg14[%parallel_loop3A_721, %parallel_loop3A_722] {strides = array<i32>} : memref<80x128xf32, #tpu.memory_space<vmem>>, vector<16xf32>,
        %parallel_loop3A_724 = arith.index_cast %parallel_loop3A_664 : i32 to index
        %parallel_loop3A_725 = arith.constant 80 : index
        %parallel_loop3A_726 = tpu.vector_load %arg16[%parallel_loop3A_724, %parallel_loop3A_725] {strides = array<i32>} : memref<80x128xf32, #tpu.memory_space<vmem>>, vector<16xf32>,
        %parallel_loop3A_727 = arith.addf %parallel_loop3A_723, %parallel_loop3A_726 : vector<16xf32>
        %parallel_loop3A_728 = arith.constant 1 : i32
        %parallel_loop3A_729 = arith.addi %parallel_loop3A_664, %parallel_loop3A_728 : i32
        %parallel_loop3A_730 = arith.index_cast %parallel_loop3A_729 : i32 to index
        %parallel_loop3A_731 = arith.constant 16 : index
        %parallel_loop3A_732 = tpu.vector_load %arg14[%parallel_loop3A_730, %parallel_loop3A_731] {strides = array<i32>} : memref<80x128xf32, #tpu.memory_space<vmem>>, vector<16xf32>,
        %parallel_loop3A_733 = arith.constant 1 : i32
        %parallel_loop3A_734 = arith.addi %parallel_loop3A_664, %parallel_loop3A_733 : i32
        %parallel_loop3A_735 = arith.index_cast %parallel_loop3A_734 : i32 to index
        %parallel_loop3A_736 = arith.constant 80 : index
        %parallel_loop3A_737 = tpu.vector_load %arg16[%parallel_loop3A_735, %parallel_loop3A_736] {strides = array<i32>} : memref<80x128xf32, #tpu.memory_space<vmem>>, vector<16xf32>,
        %parallel_loop3A_738 = arith.addf %parallel_loop3A_732, %parallel_loop3A_737 : vector<16xf32>
        %parallel_loop3A_739 = arith.constant 2 : i32
        %parallel_loop3A_740 = arith.addi %parallel_loop3A_664, %parallel_loop3A_739 : i32
        %parallel_loop3A_741 = arith.index_cast %parallel_loop3A_740 : i32 to index
        %parallel_loop3A_742 = arith.constant 16 : index
        %parallel_loop3A_743 = tpu.vector_load %arg14[%parallel_loop3A_741, %parallel_loop3A_742] {strides = array<i32>} : memref<80x128xf32, #tpu.memory_space<vmem>>, vector<16xf32>,
        %parallel_loop3A_744 = arith.constant 2 : i32
        %parallel_loop3A_745 = arith.addi %parallel_loop3A_664, %parallel_loop3A_744 : i32
        %parallel_loop3A_746 = arith.index_cast %parallel_loop3A_745 : i32 to index
        %parallel_loop3A_747 = arith.constant 80 : index
        %parallel_loop3A_748 = tpu.vector_load %arg16[%parallel_loop3A_746, %parallel_loop3A_747] {strides = array<i32>} : memref<80x128xf32, #tpu.memory_space<vmem>>, vector<16xf32>,
        %parallel_loop3A_749 = arith.addf %parallel_loop3A_743, %parallel_loop3A_748 : vector<16xf32>
        %parallel_loop3A_750 = arith.constant 3 : i32
        %parallel_loop3A_751 = arith.addi %parallel_loop3A_664, %parallel_loop3A_750 : i32
        %parallel_loop3A_752 = arith.index_cast %parallel_loop3A_751 : i32 to index
        %parallel_loop3A_753 = arith.constant 16 : index
        %parallel_loop3A_754 = tpu.vector_load %arg14[%parallel_loop3A_752, %parallel_loop3A_753] {strides = array<i32>} : memref<80x128xf32, #tpu.memory_space<vmem>>, vector<16xf32>,
        %parallel_loop3A_755 = arith.constant 3 : i32
        %parallel_loop3A_756 = arith.addi %parallel_loop3A_664, %parallel_loop3A_755 : i32
        %parallel_loop3A_757 = arith.index_cast %parallel_loop3A_756 : i32 to index
        %parallel_loop3A_758 = arith.constant 80 : index
        %parallel_loop3A_759 = tpu.vector_load %arg16[%parallel_loop3A_757, %parallel_loop3A_758] {strides = array<i32>} : memref<80x128xf32, #tpu.memory_space<vmem>>, vector<16xf32>,
        %parallel_loop3A_760 = arith.addf %parallel_loop3A_754, %parallel_loop3A_759 : vector<16xf32>
        %parallel_loop3A_761 = tpu.pack_subelements %parallel_loop3A_727, %parallel_loop3A_738 {pack_format = #tpu.pack_format<interleaved>, positions = array<i32: 0, 1>} : vector<16xf32>, vector<16xf32> -> vector<32xbf16>
        %parallel_loop3A_762 = vector.bitcast %parallel_loop3A_761 : vector<32xbf16> to vector<16xi32>
        %parallel_loop3A_763 = arith.constant 16 : i32
        %parallel_loop3A_764 = arith.addi %parallel_loop3A_666, %parallel_loop3A_763 : i32
        %parallel_loop3A_765 = arith.index_cast %parallel_loop3A_764 : i32 to index
        %parallel_loop3A_766 = tpu.vector_load %arg18[%parallel_loop3A_765] {strides = array<i32>} : memref<2560xi32, #tpu.memory_space<vmem>>, vector<16xi32>,
        tpu.vector_store %arg18[%parallel_loop3A_765], %parallel_loop3A_762 {strides = array<i32>} : memref<2560xi32, #tpu.memory_space<vmem>>, vector<16xi32>,
        %parallel_loop3A_767 = tpu.pack_subelements %parallel_loop3A_749, %parallel_loop3A_760 {pack_format = #tpu.pack_format<interleaved>, positions = array<i32: 0, 1>} : vector<16xf32>, vector<16xf32> -> vector<32xbf16>
        %parallel_loop3A_768 = vector.bitcast %parallel_loop3A_767 : vector<32xbf16> to vector<16xi32>
        %parallel_loop3A_769 = arith.constant 64 : i32
        %parallel_loop3A_770 = arith.addi %parallel_loop3A_666, %parallel_loop3A_769 : i32
        %parallel_loop3A_771 = arith.constant 16 : i32
        %parallel_loop3A_772 = arith.addi %parallel_loop3A_770, %parallel_loop3A_771 : i32
        %parallel_loop3A_773 = arith.index_cast %parallel_loop3A_772 : i32 to index
        %parallel_loop3A_774 = tpu.vector_load %arg18[%parallel_loop3A_773] {strides = array<i32>} : memref<2560xi32, #tpu.memory_space<vmem>>, vector<16xi32>,
        tpu.vector_store %arg18[%parallel_loop3A_773], %parallel_loop3A_768 {strides = array<i32>} : memref<2560xi32, #tpu.memory_space<vmem>>, vector<16xi32>,
        %parallel_loop3A_775 = arith.index_cast %parallel_loop3A_664 : i32 to index
        %parallel_loop3A_776 = arith.constant 32 : index
        %parallel_loop3A_777 = tpu.vector_load %arg14[%parallel_loop3A_775, %parallel_loop3A_776] {strides = array<i32>} : memref<80x128xf32, #tpu.memory_space<vmem>>, vector<16xf32>,
        %parallel_loop3A_778 = arith.index_cast %parallel_loop3A_664 : i32 to index
        %parallel_loop3A_779 = arith.constant 96 : index
        %parallel_loop3A_780 = tpu.vector_load %arg16[%parallel_loop3A_778, %parallel_loop3A_779] {strides = array<i32>} : memref<80x128xf32, #tpu.memory_space<vmem>>, vector<16xf32>,
        %parallel_loop3A_781 = arith.addf %parallel_loop3A_777, %parallel_loop3A_780 : vector<16xf32>
        %parallel_loop3A_782 = arith.constant 1 : i32
        %parallel_loop3A_783 = arith.addi %parallel_loop3A_664, %parallel_loop3A_782 : i32
        %parallel_loop3A_784 = arith.index_cast %parallel_loop3A_783 : i32 to index
        %parallel_loop3A_785 = arith.constant 32 : index
        %parallel_loop3A_786 = tpu.vector_load %arg14[%parallel_loop3A_784, %parallel_loop3A_785] {strides = array<i32>} : memref<80x128xf32, #tpu.memory_space<vmem>>, vector<16xf32>,
        %parallel_loop3A_787 = arith.constant 1 : i32
        %parallel_loop3A_788 = arith.addi %parallel_loop3A_664, %parallel_loop3A_787 : i32
        %parallel_loop3A_789 = arith.index_cast %parallel_loop3A_788 : i32 to index
        %parallel_loop3A_790 = arith.constant 96 : index
        %parallel_loop3A_791 = tpu.vector_load %arg16[%parallel_loop3A_789, %parallel_loop3A_790] {strides = array<i32>} : memref<80x128xf32, #tpu.memory_space<vmem>>, vector<16xf32>,
        %parallel_loop3A_792 = arith.addf %parallel_loop3A_786, %parallel_loop3A_791 : vector<16xf32>
        %parallel_loop3A_793 = arith.constant 2 : i32
        %parallel_loop3A_794 = arith.addi %parallel_loop3A_664, %parallel_loop3A_793 : i32
        %parallel_loop3A_795 = arith.index_cast %parallel_loop3A_794 : i32 to index
        %parallel_loop3A_796 = arith.constant 32 : index
        %parallel_loop3A_797 = tpu.vector_load %arg14[%parallel_loop3A_795, %parallel_loop3A_796] {strides = array<i32>} : memref<80x128xf32, #tpu.memory_space<vmem>>, vector<16xf32>,
        %parallel_loop3A_798 = arith.constant 2 : i32
        %parallel_loop3A_799 = arith.addi %parallel_loop3A_664, %parallel_loop3A_798 : i32
        %parallel_loop3A_800 = arith.index_cast %parallel_loop3A_799 : i32 to index
        %parallel_loop3A_801 = arith.constant 96 : index
        %parallel_loop3A_802 = tpu.vector_load %arg16[%parallel_loop3A_800, %parallel_loop3A_801] {strides = array<i32>} : memref<80x128xf32, #tpu.memory_space<vmem>>, vector<16xf32>,
        %parallel_loop3A_803 = arith.addf %parallel_loop3A_797, %parallel_loop3A_802 : vector<16xf32>
        %parallel_loop3A_804 = arith.constant 3 : i32
        %parallel_loop3A_805 = arith.addi %parallel_loop3A_664, %parallel_loop3A_804 : i32
        %parallel_loop3A_806 = arith.index_cast %parallel_loop3A_805 : i32 to index
        %parallel_loop3A_807 = arith.constant 32 : index
        %parallel_loop3A_808 = tpu.vector_load %arg14[%parallel_loop3A_806, %parallel_loop3A_807] {strides = array<i32>} : memref<80x128xf32, #tpu.memory_space<vmem>>, vector<16xf32>,
        %parallel_loop3A_809 = arith.constant 3 : i32
        %parallel_loop3A_810 = arith.addi %parallel_loop3A_664, %parallel_loop3A_809 : i32
        %parallel_loop3A_811 = arith.index_cast %parallel_loop3A_810 : i32 to index
        %parallel_loop3A_812 = arith.constant 96 : index
        %parallel_loop3A_813 = tpu.vector_load %arg16[%parallel_loop3A_811, %parallel_loop3A_812] {strides = array<i32>} : memref<80x128xf32, #tpu.memory_space<vmem>>, vector<16xf32>,
        %parallel_loop3A_814 = arith.addf %parallel_loop3A_808, %parallel_loop3A_813 : vector<16xf32>
        %parallel_loop3A_815 = tpu.pack_subelements %parallel_loop3A_781, %parallel_loop3A_792 {pack_format = #tpu.pack_format<interleaved>, positions = array<i32: 0, 1>} : vector<16xf32>, vector<16xf32> -> vector<32xbf16>
        %parallel_loop3A_816 = vector.bitcast %parallel_loop3A_815 : vector<32xbf16> to vector<16xi32>
        %parallel_loop3A_817 = arith.constant 32 : i32
        %parallel_loop3A_818 = arith.addi %parallel_loop3A_666, %parallel_loop3A_817 : i32
        %parallel_loop3A_819 = arith.index_cast %parallel_loop3A_818 : i32 to index
        %parallel_loop3A_820 = tpu.vector_load %arg18[%parallel_loop3A_819] {strides = array<i32>} : memref<2560xi32, #tpu.memory_space<vmem>>, vector<16xi32>,
        tpu.vector_store %arg18[%parallel_loop3A_819], %parallel_loop3A_816 {strides = array<i32>} : memref<2560xi32, #tpu.memory_space<vmem>>, vector<16xi32>,
        %parallel_loop3A_821 = tpu.pack_subelements %parallel_loop3A_803, %parallel_loop3A_814 {pack_format = #tpu.pack_format<interleaved>, positions = array<i32: 0, 1>} : vector<16xf32>, vector<16xf32> -> vector<32xbf16>
        %parallel_loop3A_822 = vector.bitcast %parallel_loop3A_821 : vector<32xbf16> to vector<16xi32>
        %parallel_loop3A_823 = arith.constant 64 : i32
        %parallel_loop3A_824 = arith.addi %parallel_loop3A_666, %parallel_loop3A_823 : i32
        %parallel_loop3A_825 = arith.constant 32 : i32
        %parallel_loop3A_826 = arith.addi %parallel_loop3A_824, %parallel_loop3A_825 : i32
        %parallel_loop3A_827 = arith.index_cast %parallel_loop3A_826 : i32 to index
        %parallel_loop3A_828 = tpu.vector_load %arg18[%parallel_loop3A_827] {strides = array<i32>} : memref<2560xi32, #tpu.memory_space<vmem>>, vector<16xi32>,
        tpu.vector_store %arg18[%parallel_loop3A_827], %parallel_loop3A_822 {strides = array<i32>} : memref<2560xi32, #tpu.memory_space<vmem>>, vector<16xi32>,
        %parallel_loop3A_829 = arith.index_cast %parallel_loop3A_664 : i32 to index
        %parallel_loop3A_830 = arith.constant 48 : index
        %parallel_loop3A_831 = tpu.vector_load %arg14[%parallel_loop3A_829, %parallel_loop3A_830] {strides = array<i32>} : memref<80x128xf32, #tpu.memory_space<vmem>>, vector<16xf32>,
        %parallel_loop3A_832 = arith.index_cast %parallel_loop3A_664 : i32 to index
        %parallel_loop3A_833 = arith.constant 112 : index
        %parallel_loop3A_834 = tpu.vector_load %arg16[%parallel_loop3A_832, %parallel_loop3A_833] {strides = array<i32>} : memref<80x128xf32, #tpu.memory_space<vmem>>, vector<16xf32>,
        %parallel_loop3A_835 = arith.addf %parallel_loop3A_831, %parallel_loop3A_834 : vector<16xf32>
        %parallel_loop3A_836 = arith.constant 1 : i32
        %parallel_loop3A_837 = arith.addi %parallel_loop3A_664, %parallel_loop3A_836 : i32
        %parallel_loop3A_838 = arith.index_cast %parallel_loop3A_837 : i32 to index
        %parallel_loop3A_839 = arith.constant 48 : index
        %parallel_loop3A_840 = tpu.vector_load %arg14[%parallel_loop3A_838, %parallel_loop3A_839] {strides = array<i32>} : memref<80x128xf32, #tpu.memory_space<vmem>>, vector<16xf32>,
        %parallel_loop3A_841 = arith.constant 1 : i32
        %parallel_loop3A_842 = arith.addi %parallel_loop3A_664, %parallel_loop3A_841 : i32
        %parallel_loop3A_843 = arith.index_cast %parallel_loop3A_842 : i32 to index
        %parallel_loop3A_844 = arith.constant 112 : index
        %parallel_loop3A_845 = tpu.vector_load %arg16[%parallel_loop3A_843, %parallel_loop3A_844] {strides = array<i32>} : memref<80x128xf32, #tpu.memory_space<vmem>>, vector<16xf32>,
        %parallel_loop3A_846 = arith.addf %parallel_loop3A_840, %parallel_loop3A_845 : vector<16xf32>
        %parallel_loop3A_847 = arith.constant 2 : i32
        %parallel_loop3A_848 = arith.addi %parallel_loop3A_664, %parallel_loop3A_847 : i32
        %parallel_loop3A_849 = arith.index_cast %parallel_loop3A_848 : i32 to index
        %parallel_loop3A_850 = arith.constant 48 : index
        %parallel_loop3A_851 = tpu.vector_load %arg14[%parallel_loop3A_849, %parallel_loop3A_850] {strides = array<i32>} : memref<80x128xf32, #tpu.memory_space<vmem>>, vector<16xf32>,
        %parallel_loop3A_852 = arith.constant 2 : i32
        %parallel_loop3A_853 = arith.addi %parallel_loop3A_664, %parallel_loop3A_852 : i32
        %parallel_loop3A_854 = arith.index_cast %parallel_loop3A_853 : i32 to index
        %parallel_loop3A_855 = arith.constant 112 : index
        %parallel_loop3A_856 = tpu.vector_load %arg16[%parallel_loop3A_854, %parallel_loop3A_855] {strides = array<i32>} : memref<80x128xf32, #tpu.memory_space<vmem>>, vector<16xf32>,
        %parallel_loop3A_857 = arith.addf %parallel_loop3A_851, %parallel_loop3A_856 : vector<16xf32>
        %parallel_loop3A_858 = arith.constant 3 : i32
        %parallel_loop3A_859 = arith.addi %parallel_loop3A_664, %parallel_loop3A_858 : i32
        %parallel_loop3A_860 = arith.index_cast %parallel_loop3A_859 : i32 to index
        %parallel_loop3A_861 = arith.constant 48 : index
        %parallel_loop3A_862 = tpu.vector_load %arg14[%parallel_loop3A_860, %parallel_loop3A_861] {strides = array<i32>} : memref<80x128xf32, #tpu.memory_space<vmem>>, vector<16xf32>,
        %parallel_loop3A_863 = arith.constant 3 : i32
        %parallel_loop3A_864 = arith.addi %parallel_loop3A_664, %parallel_loop3A_863 : i32
        %parallel_loop3A_865 = arith.index_cast %parallel_loop3A_864 : i32 to index
        %parallel_loop3A_866 = arith.constant 112 : index
        %parallel_loop3A_867 = tpu.vector_load %arg16[%parallel_loop3A_865, %parallel_loop3A_866] {strides = array<i32>} : memref<80x128xf32, #tpu.memory_space<vmem>>, vector<16xf32>,
        %parallel_loop3A_868 = arith.addf %parallel_loop3A_862, %parallel_loop3A_867 : vector<16xf32>
        %parallel_loop3A_869 = tpu.pack_subelements %parallel_loop3A_835, %parallel_loop3A_846 {pack_format = #tpu.pack_format<interleaved>, positions = array<i32: 0, 1>} : vector<16xf32>, vector<16xf32> -> vector<32xbf16>
        %parallel_loop3A_870 = vector.bitcast %parallel_loop3A_869 : vector<32xbf16> to vector<16xi32>
        %parallel_loop3A_871 = arith.constant 48 : i32
        %parallel_loop3A_872 = arith.addi %parallel_loop3A_666, %parallel_loop3A_871 : i32
        %parallel_loop3A_873 = arith.index_cast %parallel_loop3A_872 : i32 to index
        %parallel_loop3A_874 = tpu.vector_load %arg18[%parallel_loop3A_873] {strides = array<i32>} : memref<2560xi32, #tpu.memory_space<vmem>>, vector<16xi32>,
        tpu.vector_store %arg18[%parallel_loop3A_873], %parallel_loop3A_870 {strides = array<i32>} : memref<2560xi32, #tpu.memory_space<vmem>>, vector<16xi32>,
        %parallel_loop3A_875 = tpu.pack_subelements %parallel_loop3A_857, %parallel_loop3A_868 {pack_format = #tpu.pack_format<interleaved>, positions = array<i32: 0, 1>} : vector<16xf32>, vector<16xf32> -> vector<32xbf16>
        %parallel_loop3A_876 = vector.bitcast %parallel_loop3A_875 : vector<32xbf16> to vector<16xi32>
        %parallel_loop3A_877 = arith.constant 64 : i32
        %parallel_loop3A_878 = arith.addi %parallel_loop3A_666, %parallel_loop3A_877 : i32
        %parallel_loop3A_879 = arith.constant 48 : i32
        %parallel_loop3A_880 = arith.addi %parallel_loop3A_878, %parallel_loop3A_879 : i32
        %parallel_loop3A_881 = arith.index_cast %parallel_loop3A_880 : i32 to index
        %parallel_loop3A_882 = tpu.vector_load %arg18[%parallel_loop3A_881] {strides = array<i32>} : memref<2560xi32, #tpu.memory_space<vmem>>, vector<16xi32>,
        tpu.vector_store %arg18[%parallel_loop3A_881], %parallel_loop3A_876 {strides = array<i32>} : memref<2560xi32, #tpu.memory_space<vmem>>, vector<16xi32>,
      } {sc.loop_unroll_factor = 2 : i64, sc.parallel_access}
      %add3A_595 = arith.constant 0 : i32
      %add3A_596 = arith.addi %multiple_of3A_548, %add3A_595 : i32
      %get3A_597 = arith.index_cast %add3A_596 : i32 to index
      %get3A_598 = tpu.vector_load %arg9[%get3A_597] {strides = array<i32>} : memref<10000xi32, #tpu.memory_space<vmem>>, vector<16xi32>,
      %gather3A_599 = tpu.vector_load_idx %arg7[%get3A_598] : memref<10240xf32, #tpu.memory_space<vmem>>[vector<16xi32>], vector<16xf32>,
      %max3A_600 = arith.maximumf %gather3A_599, %broadcast_in_dim3A_5 : vector<16xf32>
      %get3A_601 = arith.index_cast %add3A_596 : i32 to index
      %get3A_602 = tpu.vector_load %arg10[%get3A_601] {strides = array<i32>} : memref<10000xi32, #tpu.memory_space<vmem>>, vector<16xi32>,
      %gather3A_603 = tpu.vector_load_idx %arg8[%get3A_602] : memref<10240xf32, #tpu.memory_space<vmem>>[vector<16xi32>], vector<16xf32>,
      %max3A_604 = arith.maximumf %gather3A_603, %broadcast_in_dim3A_5 : vector<16xf32>
      %mul3A_605 = arith.mulf %max3A_600, %max3A_604 : vector<16xf32>
      %swap3A_606 = arith.index_cast %add3A_596 : i32 to index
      %swap3A_607 = tpu.vector_load %arg19[%swap3A_606] {strides = array<i32>} : memref<10000xf32, #tpu.memory_space<vmem>>, vector<16xf32>,
      tpu.vector_store %arg19[%swap3A_606], %mul3A_605 {strides = array<i32>} : memref<10000xf32, #tpu.memory_space<vmem>>, vector<16xf32>,
      %add3A_608 = arith.constant 16 : i32
      %add3A_609 = arith.addi %multiple_of3A_548, %add3A_608 : i32
      %get3A_610 = arith.index_cast %add3A_609 : i32 to index
      %get3A_611 = tpu.vector_load %arg9[%get3A_610] {strides = array<i32>} : memref<10000xi32, #tpu.memory_space<vmem>>, vector<16xi32>,
      %gather3A_612 = tpu.vector_load_idx %arg7[%get3A_611] : memref<10240xf32, #tpu.memory_space<vmem>>[vector<16xi32>], vector<16xf32>,
      %max3A_613 = arith.maximumf %gather3A_612, %broadcast_in_dim3A_5 : vector<16xf32>
      %get3A_614 = arith.index_cast %add3A_609 : i32 to index
      %get3A_615 = tpu.vector_load %arg10[%get3A_614] {strides = array<i32>} : memref<10000xi32, #tpu.memory_space<vmem>>, vector<16xi32>,
      %gather3A_616 = tpu.vector_load_idx %arg8[%get3A_615] : memref<10240xf32, #tpu.memory_space<vmem>>[vector<16xi32>], vector<16xf32>,
      %max3A_617 = arith.maximumf %gather3A_616, %broadcast_in_dim3A_5 : vector<16xf32>
      %mul3A_618 = arith.mulf %max3A_613, %max3A_617 : vector<16xf32>
      %swap3A_619 = arith.index_cast %add3A_609 : i32 to index
      %swap3A_620 = tpu.vector_load %arg19[%swap3A_619] {strides = array<i32>} : memref<10000xf32, #tpu.memory_space<vmem>>, vector<16xf32>,
      tpu.vector_store %arg19[%swap3A_619], %mul3A_618 {strides = array<i32>} : memref<10000xf32, #tpu.memory_space<vmem>>, vector<16xf32>,
      %add3A_621 = arith.constant 32 : i32
      %add3A_622 = arith.addi %multiple_of3A_548, %add3A_621 : i32
      %get3A_623 = arith.index_cast %add3A_622 : i32 to index
      %get3A_624 = tpu.vector_load %arg9[%get3A_623] {strides = array<i32>} : memref<10000xi32, #tpu.memory_space<vmem>>, vector<16xi32>,
      %gather3A_625 = tpu.vector_load_idx %arg7[%get3A_624] : memref<10240xf32, #tpu.memory_space<vmem>>[vector<16xi32>], vector<16xf32>,
      %max3A_626 = arith.maximumf %gather3A_625, %broadcast_in_dim3A_5 : vector<16xf32>
      %get3A_627 = arith.index_cast %add3A_622 : i32 to index
      %get3A_628 = tpu.vector_load %arg10[%get3A_627] {strides = array<i32>} : memref<10000xi32, #tpu.memory_space<vmem>>, vector<16xi32>,
      %gather3A_629 = tpu.vector_load_idx %arg8[%get3A_628] : memref<10240xf32, #tpu.memory_space<vmem>>[vector<16xi32>], vector<16xf32>,
      %max3A_630 = arith.maximumf %gather3A_629, %broadcast_in_dim3A_5 : vector<16xf32>
      %mul3A_631 = arith.mulf %max3A_626, %max3A_630 : vector<16xf32>
      %swap3A_632 = arith.index_cast %add3A_622 : i32 to index
      %swap3A_633 = tpu.vector_load %arg19[%swap3A_632] {strides = array<i32>} : memref<10000xf32, #tpu.memory_space<vmem>>, vector<16xf32>,
      tpu.vector_store %arg19[%swap3A_632], %mul3A_631 {strides = array<i32>} : memref<10000xf32, #tpu.memory_space<vmem>>, vector<16xf32>,
      %add3A_634 = arith.constant 48 : i32
      %add3A_635 = arith.addi %multiple_of3A_548, %add3A_634 : i32
      %get3A_636 = arith.index_cast %add3A_635 : i32 to index
      %get3A_637 = tpu.vector_load %arg9[%get3A_636] {strides = array<i32>} : memref<10000xi32, #tpu.memory_space<vmem>>, vector<16xi32>,
      %gather3A_638 = tpu.vector_load_idx %arg7[%get3A_637] : memref<10240xf32, #tpu.memory_space<vmem>>[vector<16xi32>], vector<16xf32>,
      %max3A_639 = arith.maximumf %gather3A_638, %broadcast_in_dim3A_5 : vector<16xf32>
      %get3A_640 = arith.index_cast %add3A_635 : i32 to index
      %get3A_641 = tpu.vector_load %arg10[%get3A_640] {strides = array<i32>} : memref<10000xi32, #tpu.memory_space<vmem>>, vector<16xi32>,
      %gather3A_642 = tpu.vector_load_idx %arg8[%get3A_641] : memref<10240xf32, #tpu.memory_space<vmem>>[vector<16xi32>], vector<16xf32>,
      %max3A_643 = arith.maximumf %gather3A_642, %broadcast_in_dim3A_5 : vector<16xf32>
      %mul3A_644 = arith.mulf %max3A_639, %max3A_643 : vector<16xf32>
      %swap3A_645 = arith.index_cast %add3A_635 : i32 to index
      %swap3A_646 = tpu.vector_load %arg19[%swap3A_645] {strides = array<i32>} : memref<10000xf32, #tpu.memory_space<vmem>>, vector<16xf32>,
      tpu.vector_store %arg19[%swap3A_645], %mul3A_644 {strides = array<i32>} : memref<10000xf32, #tpu.memory_space<vmem>>, vector<16xf32>,
      %add3A_647 = arith.constant 64 : i32
      %add3A_648 = arith.addi %multiple_of3A_548, %add3A_647 : i32
      %get3A_649 = arith.index_cast %add3A_648 : i32 to index
      %get3A_650 = tpu.vector_load %arg9[%get3A_649] {strides = array<i32>} : memref<10000xi32, #tpu.memory_space<vmem>>, vector<16xi32>,
      %gather3A_651 = tpu.vector_load_idx %arg7[%get3A_650] : memref<10240xf32, #tpu.memory_space<vmem>>[vector<16xi32>], vector<16xf32>,
      %max3A_652 = arith.maximumf %gather3A_651, %broadcast_in_dim3A_5 : vector<16xf32>
      %get3A_653 = arith.index_cast %add3A_648 : i32 to index
      %get3A_654 = tpu.vector_load %arg10[%get3A_653] {strides = array<i32>} : memref<10000xi32, #tpu.memory_space<vmem>>, vector<16xi32>,
      %gather3A_655 = tpu.vector_load_idx %arg8[%get3A_654] : memref<10240xf32, #tpu.memory_space<vmem>>[vector<16xi32>], vector<16xf32>,
      %max3A_656 = arith.maximumf %gather3A_655, %broadcast_in_dim3A_5 : vector<16xf32>
      %mul3A_657 = arith.mulf %max3A_652, %max3A_656 : vector<16xf32>
      %swap3A_658 = arith.index_cast %add3A_648 : i32 to index
      %swap3A_659 = tpu.vector_load %arg19[%swap3A_658] {strides = array<i32>} : memref<10000xf32, #tpu.memory_space<vmem>>, vector<16xf32>,
      tpu.vector_store %arg19[%swap3A_658], %mul3A_657 {strides = array<i32>} : memref<10000xf32, #tpu.memory_space<vmem>>, vector<16xf32>,
      %dma_start3A_660 = tpu.memref_slice %arg5[%multiple_of3A_586] : memref<10240000xi32, #tpu.memory_space<hbm>> -> memref<2560xi32, #tpu.memory_space<hbm>>
      %dma_start3A_661 = tpu.memref_slice %arg5[%multiple_of3A_586] : memref<10240000xi32, #tpu.memory_space<hbm>> -> memref<2560xi32, #tpu.memory_space<hbm>>
      tpu.enqueue_dma source(%arg18 : memref<2560xi32, #tpu.memory_space<vmem>>) target(%dma_start3A_661 : memref<2560xi32, #tpu.memory_space<hbm>>) target_semaphore(%arg29 : memref<!tpu.dma_semaphore, #tpu.memory_space<semaphore_mem>>)
    }
    %scan3A_236 = arith.constant 62 : i32
    %multiple_of3A_237 = arith.constant 9920 : i32
    %multiple_of3A_238 = tpu.assume_multiple %multiple_of3A_237, 80 : i32
    %dma_wait3A = tpu.memref_slice %arg9[%multiple_of3A_238] : memref<10000xi32, #tpu.memory_space<vmem>> -> memref<80xi32, #tpu.memory_space<vmem>>
    %dma_wait3A_239 = arith.constant 0 : i32
    %dma_wait3A_240 = arith.constant 0 : i32
    %dma_wait3A_241 = tpu.memref_slice %arg4[%dma_wait3A_239, %dma_wait3A_240] : memref<10000x128xf32, #tpu.memory_space<hbm>> -> memref<10000x128xf32, #tpu.memory_space<hbm>>
    tpu.wait_indirect_dma semaphore(%arg24 : memref<!tpu.dma_semaphore, #tpu.memory_space<semaphore_mem>>) src(%dma_wait3A_241 : memref<10000x128xf32, #tpu.memory_space<hbm>>) dst(%arg13 : memref<80x128xf32, #tpu.memory_space<vmem>>)
    %dma_wait3A_242 = tpu.memref_slice %arg10[%multiple_of3A_238] : memref<10000xi32, #tpu.memory_space<vmem>> -> memref<80xi32, #tpu.memory_space<vmem>>
    %dma_wait3A_243 = arith.constant 0 : i32
    %dma_wait3A_244 = arith.constant 0 : i32
    %dma_wait3A_245 = tpu.memref_slice %arg4[%dma_wait3A_243, %dma_wait3A_244] : memref<10000x128xf32, #tpu.memory_space<hbm>> -> memref<10000x128xf32, #tpu.memory_space<hbm>>
    tpu.wait_indirect_dma semaphore(%arg26 : memref<!tpu.dma_semaphore, #tpu.memory_space<semaphore_mem>>) src(%dma_wait3A_245 : memref<10000x128xf32, #tpu.memory_space<hbm>>) dst(%arg15 : memref<80x128xf32, #tpu.memory_space<vmem>>)
    %add3A_246 = arith.constant 9920 : i32
    %add3A_247 = arith.addi %multiple_of3A_222, %add3A_246 : i32
    %jit3A = arith.constant 4 : i32
    %div3A = arith.divsi %add3A_247, %jit3A : i32
    %sign3A = arith.constant 0 : i32
    %sign3A_248 = arith.cmpi sgt, %add3A_247, %sign3A : i32
    %sign3A_249 = arith.extui %sign3A_248 : i1 to i32
    %sign3A_250 = arith.constant 0 : i32
    %sign3A_251 = arith.cmpi slt, %add3A_247, %sign3A_250 : i32
    %sign3A_252 = arith.extui %sign3A_251 : i1 to i32
    %sign3A_253 = arith.subi %sign3A_249, %sign3A_252 : i32
    %sign3A_254 = arith.constant 0 : i32
    %sign3A_255 = arith.cmpi sgt, %jit3A, %sign3A_254 : i32
    %sign3A_256 = arith.extui %sign3A_255 : i1 to i32
    %sign3A_257 = arith.constant 0 : i32
    %sign3A_258 = arith.cmpi slt, %jit3A, %sign3A_257 : i32
    %sign3A_259 = arith.extui %sign3A_258 : i1 to i32
    %sign3A_260 = arith.subi %sign3A_256, %sign3A_259 : i32
    %ne3A = arith.cmpi ne, %sign3A_253, %sign3A_260 : i32
    %rem3A = arith.remsi %add3A_247, %jit3A : i32
    %ne3A_261 = arith.constant 0 : i32
    %ne3A_262 = arith.cmpi ne, %rem3A, %ne3A_261 : i32
    %and3A = arith.andi %ne3A, %ne3A_262 : i1
    %sub3A = arith.constant 1 : i32
    %sub3A_263 = arith.subi %div3A, %sub3A : i32
    %select_n3A = arith.select %and3A, %sub3A_263, %div3A : i32
    %mul3A_264 = arith.constant 128 : i32
    %mul3A_265 = arith.muli %select_n3A, %mul3A_264 : i32
    %multiple_of3A_266 = tpu.assume_multiple %mul3A_265, 2560 : i32
    %dma_wait3A_267 = tpu.memref_slice %arg5[%multiple_of3A_266] : memref<10240000xi32, #tpu.memory_space<hbm>> -> memref<2560xi32, #tpu.memory_space<hbm>>
    %dma_wait3A_268 = tpu.memref_slice %arg5[%multiple_of3A_266] : memref<10240000xi32, #tpu.memory_space<hbm>> -> memref<2560xi32, #tpu.memory_space<hbm>>
    tpu.wait_dma2 semaphore(%arg28 : memref<!tpu.dma_semaphore, #tpu.memory_space<semaphore_mem>>) src(%arg17 : memref<2560xi32, #tpu.memory_space<vmem>>) dst(%dma_wait3A_268 : memref<2560xi32, #tpu.memory_space<hbm>>)
    %parallel_loop3A_269 = arith.constant 0 : i32
    %parallel_loop3A_270 = arith.constant 20 : i32
    %parallel_loop3A_271 = arith.constant 1 : i32
    scf.for %parallel_loop3A_398 = %parallel_loop3A_269 to %parallel_loop3A_270 step %parallel_loop3A_271  : i32 {
      %parallel_loop3A_399 = arith.constant 4 : i32
      %parallel_loop3A_400 = arith.muli %parallel_loop3A_399, %parallel_loop3A_398 : i32
      %parallel_loop3A_401 = arith.constant 128 : i32
      %parallel_loop3A_402 = arith.muli %parallel_loop3A_398, %parallel_loop3A_401 : i32
      %parallel_loop3A_403 = arith.index_cast %parallel_loop3A_400 : i32 to index
      %parallel_loop3A_404 = arith.constant 0 : index
      %parallel_loop3A_405 = tpu.vector_load %arg13[%parallel_loop3A_403, %parallel_loop3A_404] {strides = array<i32>} : memref<80x128xf32, #tpu.memory_space<vmem>>, vector<16xf32>,
      %parallel_loop3A_406 = arith.index_cast %parallel_loop3A_400 : i32 to index
      %parallel_loop3A_407 = arith.constant 64 : index
      %parallel_loop3A_408 = tpu.vector_load %arg15[%parallel_loop3A_406, %parallel_loop3A_407] {strides = array<i32>} : memref<80x128xf32, #tpu.memory_space<vmem>>, vector<16xf32>,
      %parallel_loop3A_409 = arith.addf %parallel_loop3A_405, %parallel_loop3A_408 : vector<16xf32>
      %parallel_loop3A_410 = arith.constant 1 : i32
      %parallel_loop3A_411 = arith.addi %parallel_loop3A_400, %parallel_loop3A_410 : i32
      %parallel_loop3A_412 = arith.index_cast %parallel_loop3A_411 : i32 to index
      %parallel_loop3A_413 = arith.constant 0 : index
      %parallel_loop3A_414 = tpu.vector_load %arg13[%parallel_loop3A_412, %parallel_loop3A_413] {strides = array<i32>} : memref<80x128xf32, #tpu.memory_space<vmem>>, vector<16xf32>,
      %parallel_loop3A_415 = arith.constant 1 : i32
      %parallel_loop3A_416 = arith.addi %parallel_loop3A_400, %parallel_loop3A_415 : i32
      %parallel_loop3A_417 = arith.index_cast %parallel_loop3A_416 : i32 to index
      %parallel_loop3A_418 = arith.constant 64 : index
      %parallel_loop3A_419 = tpu.vector_load %arg15[%parallel_loop3A_417, %parallel_loop3A_418] {strides = array<i32>} : memref<80x128xf32, #tpu.memory_space<vmem>>, vector<16xf32>,
      %parallel_loop3A_420 = arith.addf %parallel_loop3A_414, %parallel_loop3A_419 : vector<16xf32>
      %parallel_loop3A_421 = arith.constant 2 : i32
      %parallel_loop3A_422 = arith.addi %parallel_loop3A_400, %parallel_loop3A_421 : i32
      %parallel_loop3A_423 = arith.index_cast %parallel_loop3A_422 : i32 to index
      %parallel_loop3A_424 = arith.constant 0 : index
      %parallel_loop3A_425 = tpu.vector_load %arg13[%parallel_loop3A_423, %parallel_loop3A_424] {strides = array<i32>} : memref<80x128xf32, #tpu.memory_space<vmem>>, vector<16xf32>,
      %parallel_loop3A_426 = arith.constant 2 : i32
      %parallel_loop3A_427 = arith.addi %parallel_loop3A_400, %parallel_loop3A_426 : i32
      %parallel_loop3A_428 = arith.index_cast %parallel_loop3A_427 : i32 to index
      %parallel_loop3A_429 = arith.constant 64 : index
      %parallel_loop3A_430 = tpu.vector_load %arg15[%parallel_loop3A_428, %parallel_loop3A_429] {strides = array<i32>} : memref<80x128xf32, #tpu.memory_space<vmem>>, vector<16xf32>,
      %parallel_loop3A_431 = arith.addf %parallel_loop3A_425, %parallel_loop3A_430 : vector<16xf32>
      %parallel_loop3A_432 = arith.constant 3 : i32
      %parallel_loop3A_433 = arith.addi %parallel_loop3A_400, %parallel_loop3A_432 : i32
      %parallel_loop3A_434 = arith.index_cast %parallel_loop3A_433 : i32 to index
      %parallel_loop3A_435 = arith.constant 0 : index
      %parallel_loop3A_436 = tpu.vector_load %arg13[%parallel_loop3A_434, %parallel_loop3A_435] {strides = array<i32>} : memref<80x128xf32, #tpu.memory_space<vmem>>, vector<16xf32>,
      %parallel_loop3A_437 = arith.constant 3 : i32
      %parallel_loop3A_438 = arith.addi %parallel_loop3A_400, %parallel_loop3A_437 : i32
      %parallel_loop3A_439 = arith.index_cast %parallel_loop3A_438 : i32 to index
      %parallel_loop3A_440 = arith.constant 64 : index
      %parallel_loop3A_441 = tpu.vector_load %arg15[%parallel_loop3A_439, %parallel_loop3A_440] {strides = array<i32>} : memref<80x128xf32, #tpu.memory_space<vmem>>, vector<16xf32>,
      %parallel_loop3A_442 = arith.addf %parallel_loop3A_436, %parallel_loop3A_441 : vector<16xf32>
      %parallel_loop3A_443 = tpu.pack_subelements %parallel_loop3A_409, %parallel_loop3A_420 {pack_format = #tpu.pack_format<interleaved>, positions = array<i32: 0, 1>} : vector<16xf32>, vector<16xf32> -> vector<32xbf16>
      %parallel_loop3A_444 = vector.bitcast %parallel_loop3A_443 : vector<32xbf16> to vector<16xi32>
      %parallel_loop3A_445 = arith.constant 0 : i32
      %parallel_loop3A_446 = arith.addi %parallel_loop3A_402, %parallel_loop3A_445 : i32
      %parallel_loop3A_447 = arith.index_cast %parallel_loop3A_446 : i32 to index
      %parallel_loop3A_448 = tpu.vector_load %arg17[%parallel_loop3A_447] {strides = array<i32>} : memref<2560xi32, #tpu.memory_space<vmem>>, vector<16xi32>,
      tpu.vector_store %arg17[%parallel_loop3A_447], %parallel_loop3A_444 {strides = array<i32>} : memref<2560xi32, #tpu.memory_space<vmem>>, vector<16xi32>,
      %parallel_loop3A_449 = tpu.pack_subelements %parallel_loop3A_431, %parallel_loop3A_442 {pack_format = #tpu.pack_format<interleaved>, positions = array<i32: 0, 1>} : vector<16xf32>, vector<16xf32> -> vector<32xbf16>
      %parallel_loop3A_450 = vector.bitcast %parallel_loop3A_449 : vector<32xbf16> to vector<16xi32>
      %parallel_loop3A_451 = arith.constant 64 : i32
      %parallel_loop3A_452 = arith.addi %parallel_loop3A_402, %parallel_loop3A_451 : i32
      %parallel_loop3A_453 = arith.constant 0 : i32
      %parallel_loop3A_454 = arith.addi %parallel_loop3A_452, %parallel_loop3A_453 : i32
      %parallel_loop3A_455 = arith.index_cast %parallel_loop3A_454 : i32 to index
      %parallel_loop3A_456 = tpu.vector_load %arg17[%parallel_loop3A_455] {strides = array<i32>} : memref<2560xi32, #tpu.memory_space<vmem>>, vector<16xi32>,
      tpu.vector_store %arg17[%parallel_loop3A_455], %parallel_loop3A_450 {strides = array<i32>} : memref<2560xi32, #tpu.memory_space<vmem>>, vector<16xi32>,
      %parallel_loop3A_457 = arith.index_cast %parallel_loop3A_400 : i32 to index
      %parallel_loop3A_458 = arith.constant 16 : index
      %parallel_loop3A_459 = tpu.vector_load %arg13[%parallel_loop3A_457, %parallel_loop3A_458] {strides = array<i32>} : memref<80x128xf32, #tpu.memory_space<vmem>>, vector<16xf32>,
      %parallel_loop3A_460 = arith.index_cast %parallel_loop3A_400 : i32 to index
      %parallel_loop3A_461 = arith.constant 80 : index
      %parallel_loop3A_462 = tpu.vector_load %arg15[%parallel_loop3A_460, %parallel_loop3A_461] {strides = array<i32>} : memref<80x128xf32, #tpu.memory_space<vmem>>, vector<16xf32>,
      %parallel_loop3A_463 = arith.addf %parallel_loop3A_459, %parallel_loop3A_462 : vector<16xf32>
      %parallel_loop3A_464 = arith.constant 1 : i32
      %parallel_loop3A_465 = arith.addi %parallel_loop3A_400, %parallel_loop3A_464 : i32
      %parallel_loop3A_466 = arith.index_cast %parallel_loop3A_465 : i32 to index
      %parallel_loop3A_467 = arith.constant 16 : index
      %parallel_loop3A_468 = tpu.vector_load %arg13[%parallel_loop3A_466, %parallel_loop3A_467] {strides = array<i32>} : memref<80x128xf32, #tpu.memory_space<vmem>>, vector<16xf32>,
      %parallel_loop3A_469 = arith.constant 1 : i32
      %parallel_loop3A_470 = arith.addi %parallel_loop3A_400, %parallel_loop3A_469 : i32
      %parallel_loop3A_471 = arith.index_cast %parallel_loop3A_470 : i32 to index
      %parallel_loop3A_472 = arith.constant 80 : index
      %parallel_loop3A_473 = tpu.vector_load %arg15[%parallel_loop3A_471, %parallel_loop3A_472] {strides = array<i32>} : memref<80x128xf32, #tpu.memory_space<vmem>>, vector<16xf32>,
      %parallel_loop3A_474 = arith.addf %parallel_loop3A_468, %parallel_loop3A_473 : vector<16xf32>
      %parallel_loop3A_475 = arith.constant 2 : i32
      %parallel_loop3A_476 = arith.addi %parallel_loop3A_400, %parallel_loop3A_475 : i32
      %parallel_loop3A_477 = arith.index_cast %parallel_loop3A_476 : i32 to index
      %parallel_loop3A_478 = arith.constant 16 : index
      %parallel_loop3A_479 = tpu.vector_load %arg13[%parallel_loop3A_477, %parallel_loop3A_478] {strides = array<i32>} : memref<80x128xf32, #tpu.memory_space<vmem>>, vector<16xf32>,
      %parallel_loop3A_480 = arith.constant 2 : i32
      %parallel_loop3A_481 = arith.addi %parallel_loop3A_400, %parallel_loop3A_480 : i32
      %parallel_loop3A_482 = arith.index_cast %parallel_loop3A_481 : i32 to index
      %parallel_loop3A_483 = arith.constant 80 : index
      %parallel_loop3A_484 = tpu.vector_load %arg15[%parallel_loop3A_482, %parallel_loop3A_483] {strides = array<i32>} : memref<80x128xf32, #tpu.memory_space<vmem>>, vector<16xf32>,
      %parallel_loop3A_485 = arith.addf %parallel_loop3A_479, %parallel_loop3A_484 : vector<16xf32>
      %parallel_loop3A_486 = arith.constant 3 : i32
      %parallel_loop3A_487 = arith.addi %parallel_loop3A_400, %parallel_loop3A_486 : i32
      %parallel_loop3A_488 = arith.index_cast %parallel_loop3A_487 : i32 to index
      %parallel_loop3A_489 = arith.constant 16 : index
      %parallel_loop3A_490 = tpu.vector_load %arg13[%parallel_loop3A_488, %parallel_loop3A_489] {strides = array<i32>} : memref<80x128xf32, #tpu.memory_space<vmem>>, vector<16xf32>,
      %parallel_loop3A_491 = arith.constant 3 : i32
      %parallel_loop3A_492 = arith.addi %parallel_loop3A_400, %parallel_loop3A_491 : i32
      %parallel_loop3A_493 = arith.index_cast %parallel_loop3A_492 : i32 to index
      %parallel_loop3A_494 = arith.constant 80 : index
      %parallel_loop3A_495 = tpu.vector_load %arg15[%parallel_loop3A_493, %parallel_loop3A_494] {strides = array<i32>} : memref<80x128xf32, #tpu.memory_space<vmem>>, vector<16xf32>,
      %parallel_loop3A_496 = arith.addf %parallel_loop3A_490, %parallel_loop3A_495 : vector<16xf32>
      %parallel_loop3A_497 = tpu.pack_subelements %parallel_loop3A_463, %parallel_loop3A_474 {pack_format = #tpu.pack_format<interleaved>, positions = array<i32: 0, 1>} : vector<16xf32>, vector<16xf32> -> vector<32xbf16>
      %parallel_loop3A_498 = vector.bitcast %parallel_loop3A_497 : vector<32xbf16> to vector<16xi32>
      %parallel_loop3A_499 = arith.constant 16 : i32
      %parallel_loop3A_500 = arith.addi %parallel_loop3A_402, %parallel_loop3A_499 : i32
      %parallel_loop3A_501 = arith.index_cast %parallel_loop3A_500 : i32 to index
      %parallel_loop3A_502 = tpu.vector_load %arg17[%parallel_loop3A_501] {strides = array<i32>} : memref<2560xi32, #tpu.memory_space<vmem>>, vector<16xi32>,
      tpu.vector_store %arg17[%parallel_loop3A_501], %parallel_loop3A_498 {strides = array<i32>} : memref<2560xi32, #tpu.memory_space<vmem>>, vector<16xi32>,
      %parallel_loop3A_503 = tpu.pack_subelements %parallel_loop3A_485, %parallel_loop3A_496 {pack_format = #tpu.pack_format<interleaved>, positions = array<i32: 0, 1>} : vector<16xf32>, vector<16xf32> -> vector<32xbf16>
      %parallel_loop3A_504 = vector.bitcast %parallel_loop3A_503 : vector<32xbf16> to vector<16xi32>
      %parallel_loop3A_505 = arith.constant 64 : i32
      %parallel_loop3A_506 = arith.addi %parallel_loop3A_402, %parallel_loop3A_505 : i32
      %parallel_loop3A_507 = arith.constant 16 : i32
      %parallel_loop3A_508 = arith.addi %parallel_loop3A_506, %parallel_loop3A_507 : i32
      %parallel_loop3A_509 = arith.index_cast %parallel_loop3A_508 : i32 to index
      %parallel_loop3A_510 = tpu.vector_load %arg17[%parallel_loop3A_509] {strides = array<i32>} : memref<2560xi32, #tpu.memory_space<vmem>>, vector<16xi32>,
      tpu.vector_store %arg17[%parallel_loop3A_509], %parallel_loop3A_504 {strides = array<i32>} : memref<2560xi32, #tpu.memory_space<vmem>>, vector<16xi32>,
      %parallel_loop3A_511 = arith.index_cast %parallel_loop3A_400 : i32 to index
      %parallel_loop3A_512 = arith.constant 32 : index
      %parallel_loop3A_513 = tpu.vector_load %arg13[%parallel_loop3A_511, %parallel_loop3A_512] {strides = array<i32>} : memref<80x128xf32, #tpu.memory_space<vmem>>, vector<16xf32>,
      %parallel_loop3A_514 = arith.index_cast %parallel_loop3A_400 : i32 to index
      %parallel_loop3A_515 = arith.constant 96 : index
      %parallel_loop3A_516 = tpu.vector_load %arg15[%parallel_loop3A_514, %parallel_loop3A_515] {strides = array<i32>} : memref<80x128xf32, #tpu.memory_space<vmem>>, vector<16xf32>,
      %parallel_loop3A_517 = arith.addf %parallel_loop3A_513, %parallel_loop3A_516 : vector<16xf32>
      %parallel_loop3A_518 = arith.constant 1 : i32
      %parallel_loop3A_519 = arith.addi %parallel_loop3A_400, %parallel_loop3A_518 : i32
      %parallel_loop3A_520 = arith.index_cast %parallel_loop3A_519 : i32 to index
      %parallel_loop3A_521 = arith.constant 32 : index
      %parallel_loop3A_522 = tpu.vector_load %arg13[%parallel_loop3A_520, %parallel_loop3A_521] {strides = array<i32>} : memref<80x128xf32, #tpu.memory_space<vmem>>, vector<16xf32>,
      %parallel_loop3A_523 = arith.constant 1 : i32
      %parallel_loop3A_524 = arith.addi %parallel_loop3A_400, %parallel_loop3A_523 : i32
      %parallel_loop3A_525 = arith.index_cast %parallel_loop3A_524 : i32 to index
      %parallel_loop3A_526 = arith.constant 96 : index
      %parallel_loop3A_527 = tpu.vector_load %arg15[%parallel_loop3A_525, %parallel_loop3A_526] {strides = array<i32>} : memref<80x128xf32, #tpu.memory_space<vmem>>, vector<16xf32>,
      %parallel_loop3A_528 = arith.addf %parallel_loop3A_522, %parallel_loop3A_527 : vector<16xf32>
      %parallel_loop3A_529 = arith.constant 2 : i32
      %parallel_loop3A_530 = arith.addi %parallel_loop3A_400, %parallel_loop3A_529 : i32
      %parallel_loop3A_531 = arith.index_cast %parallel_loop3A_530 : i32 to index
      %parallel_loop3A_532 = arith.constant 32 : index
      %parallel_loop3A_533 = tpu.vector_load %arg13[%parallel_loop3A_531, %parallel_loop3A_532] {strides = array<i32>} : memref<80x128xf32, #tpu.memory_space<vmem>>, vector<16xf32>,
      %parallel_loop3A_534 = arith.constant 2 : i32
      %parallel_loop3A_535 = arith.addi %parallel_loop3A_400, %parallel_loop3A_534 : i32
      %parallel_loop3A_536 = arith.index_cast %parallel_loop3A_535 : i32 to index
      %parallel_loop3A_537 = arith.constant 96 : index
      %parallel_loop3A_538 = tpu.vector_load %arg15[%parallel_loop3A_536, %parallel_loop3A_537] {strides = array<i32>} : memref<80x128xf32, #tpu.memory_space<vmem>>, vector<16xf32>,
      %parallel_loop3A_539 = arith.addf %parallel_loop3A_533, %parallel_loop3A_538 : vector<16xf32>
      %parallel_loop3A_540 = arith.constant 3 : i32
      %parallel_loop3A_541 = arith.addi %parallel_loop3A_400, %parallel_loop3A_540 : i32
      %parallel_loop3A_542 = arith.index_cast %parallel_loop3A_541 : i32 to index
      %parallel_loop3A_543 = arith.constant 32 : index
      %parallel_loop3A_544 = tpu.vector_load %arg13[%parallel_loop3A_542, %parallel_loop3A_543] {strides = array<i32>} : memref<80x128xf32, #tpu.memory_space<vmem>>, vector<16xf32>,
      %parallel_loop3A_545 = arith.constant 3 : i32
      %parallel_loop3A_546 = arith.addi %parallel_loop3A_400, %parallel_loop3A_545 : i32
      %parallel_loop3A_547 = arith.index_cast %parallel_loop3A_546 : i32 to index
      %parallel_loop3A_548 = arith.constant 96 : index
      %parallel_loop3A_549 = tpu.vector_load %arg15[%parallel_loop3A_547, %parallel_loop3A_548] {strides = array<i32>} : memref<80x128xf32, #tpu.memory_space<vmem>>, vector<16xf32>,
      %parallel_loop3A_550 = arith.addf %parallel_loop3A_544, %parallel_loop3A_549 : vector<16xf32>
      %parallel_loop3A_551 = tpu.pack_subelements %parallel_loop3A_517, %parallel_loop3A_528 {pack_format = #tpu.pack_format<interleaved>, positions = array<i32: 0, 1>} : vector<16xf32>, vector<16xf32> -> vector<32xbf16>
      %parallel_loop3A_552 = vector.bitcast %parallel_loop3A_551 : vector<32xbf16> to vector<16xi32>
      %parallel_loop3A_553 = arith.constant 32 : i32
      %parallel_loop3A_554 = arith.addi %parallel_loop3A_402, %parallel_loop3A_553 : i32
      %parallel_loop3A_555 = arith.index_cast %parallel_loop3A_554 : i32 to index
      %parallel_loop3A_556 = tpu.vector_load %arg17[%parallel_loop3A_555] {strides = array<i32>} : memref<2560xi32, #tpu.memory_space<vmem>>, vector<16xi32>,
      tpu.vector_store %arg17[%parallel_loop3A_555], %parallel_loop3A_552 {strides = array<i32>} : memref<2560xi32, #tpu.memory_space<vmem>>, vector<16xi32>,
      %parallel_loop3A_557 = tpu.pack_subelements %parallel_loop3A_539, %parallel_loop3A_550 {pack_format = #tpu.pack_format<interleaved>, positions = array<i32: 0, 1>} : vector<16xf32>, vector<16xf32> -> vector<32xbf16>
      %parallel_loop3A_558 = vector.bitcast %parallel_loop3A_557 : vector<32xbf16> to vector<16xi32>
      %parallel_loop3A_559 = arith.constant 64 : i32
      %parallel_loop3A_560 = arith.addi %parallel_loop3A_402, %parallel_loop3A_559 : i32
      %parallel_loop3A_561 = arith.constant 32 : i32
      %parallel_loop3A_562 = arith.addi %parallel_loop3A_560, %parallel_loop3A_561 : i32
      %parallel_loop3A_563 = arith.index_cast %parallel_loop3A_562 : i32 to index
      %parallel_loop3A_564 = tpu.vector_load %arg17[%parallel_loop3A_563] {strides = array<i32>} : memref<2560xi32, #tpu.memory_space<vmem>>, vector<16xi32>,
      tpu.vector_store %arg17[%parallel_loop3A_563], %parallel_loop3A_558 {strides = array<i32>} : memref<2560xi32, #tpu.memory_space<vmem>>, vector<16xi32>,
      %parallel_loop3A_565 = arith.index_cast %parallel_loop3A_400 : i32 to index
      %parallel_loop3A_566 = arith.constant 48 : index
      %parallel_loop3A_567 = tpu.vector_load %arg13[%parallel_loop3A_565, %parallel_loop3A_566] {strides = array<i32>} : memref<80x128xf32, #tpu.memory_space<vmem>>, vector<16xf32>,
      %parallel_loop3A_568 = arith.index_cast %parallel_loop3A_400 : i32 to index
      %parallel_loop3A_569 = arith.constant 112 : index
      %parallel_loop3A_570 = tpu.vector_load %arg15[%parallel_loop3A_568, %parallel_loop3A_569] {strides = array<i32>} : memref<80x128xf32, #tpu.memory_space<vmem>>, vector<16xf32>,
      %parallel_loop3A_571 = arith.addf %parallel_loop3A_567, %parallel_loop3A_570 : vector<16xf32>
      %parallel_loop3A_572 = arith.constant 1 : i32
      %parallel_loop3A_573 = arith.addi %parallel_loop3A_400, %parallel_loop3A_572 : i32
      %parallel_loop3A_574 = arith.index_cast %parallel_loop3A_573 : i32 to index
      %parallel_loop3A_575 = arith.constant 48 : index
      %parallel_loop3A_576 = tpu.vector_load %arg13[%parallel_loop3A_574, %parallel_loop3A_575] {strides = array<i32>} : memref<80x128xf32, #tpu.memory_space<vmem>>, vector<16xf32>,
      %parallel_loop3A_577 = arith.constant 1 : i32
      %parallel_loop3A_578 = arith.addi %parallel_loop3A_400, %parallel_loop3A_577 : i32
      %parallel_loop3A_579 = arith.index_cast %parallel_loop3A_578 : i32 to index
      %parallel_loop3A_580 = arith.constant 112 : index
      %parallel_loop3A_581 = tpu.vector_load %arg15[%parallel_loop3A_579, %parallel_loop3A_580] {strides = array<i32>} : memref<80x128xf32, #tpu.memory_space<vmem>>, vector<16xf32>,
      %parallel_loop3A_582 = arith.addf %parallel_loop3A_576, %parallel_loop3A_581 : vector<16xf32>
      %parallel_loop3A_583 = arith.constant 2 : i32
      %parallel_loop3A_584 = arith.addi %parallel_loop3A_400, %parallel_loop3A_583 : i32
      %parallel_loop3A_585 = arith.index_cast %parallel_loop3A_584 : i32 to index
      %parallel_loop3A_586 = arith.constant 48 : index
      %parallel_loop3A_587 = tpu.vector_load %arg13[%parallel_loop3A_585, %parallel_loop3A_586] {strides = array<i32>} : memref<80x128xf32, #tpu.memory_space<vmem>>, vector<16xf32>,
      %parallel_loop3A_588 = arith.constant 2 : i32
      %parallel_loop3A_589 = arith.addi %parallel_loop3A_400, %parallel_loop3A_588 : i32
      %parallel_loop3A_590 = arith.index_cast %parallel_loop3A_589 : i32 to index
      %parallel_loop3A_591 = arith.constant 112 : index
      %parallel_loop3A_592 = tpu.vector_load %arg15[%parallel_loop3A_590, %parallel_loop3A_591] {strides = array<i32>} : memref<80x128xf32, #tpu.memory_space<vmem>>, vector<16xf32>,
      %parallel_loop3A_593 = arith.addf %parallel_loop3A_587, %parallel_loop3A_592 : vector<16xf32>
      %parallel_loop3A_594 = arith.constant 3 : i32
      %parallel_loop3A_595 = arith.addi %parallel_loop3A_400, %parallel_loop3A_594 : i32
      %parallel_loop3A_596 = arith.index_cast %parallel_loop3A_595 : i32 to index
      %parallel_loop3A_597 = arith.constant 48 : index
      %parallel_loop3A_598 = tpu.vector_load %arg13[%parallel_loop3A_596, %parallel_loop3A_597] {strides = array<i32>} : memref<80x128xf32, #tpu.memory_space<vmem>>, vector<16xf32>,
      %parallel_loop3A_599 = arith.constant 3 : i32
      %parallel_loop3A_600 = arith.addi %parallel_loop3A_400, %parallel_loop3A_599 : i32
      %parallel_loop3A_601 = arith.index_cast %parallel_loop3A_600 : i32 to index
      %parallel_loop3A_602 = arith.constant 112 : index
      %parallel_loop3A_603 = tpu.vector_load %arg15[%parallel_loop3A_601, %parallel_loop3A_602] {strides = array<i32>} : memref<80x128xf32, #tpu.memory_space<vmem>>, vector<16xf32>,
      %parallel_loop3A_604 = arith.addf %parallel_loop3A_598, %parallel_loop3A_603 : vector<16xf32>
      %parallel_loop3A_605 = tpu.pack_subelements %parallel_loop3A_571, %parallel_loop3A_582 {pack_format = #tpu.pack_format<interleaved>, positions = array<i32: 0, 1>} : vector<16xf32>, vector<16xf32> -> vector<32xbf16>
      %parallel_loop3A_606 = vector.bitcast %parallel_loop3A_605 : vector<32xbf16> to vector<16xi32>
      %parallel_loop3A_607 = arith.constant 48 : i32
      %parallel_loop3A_608 = arith.addi %parallel_loop3A_402, %parallel_loop3A_607 : i32
      %parallel_loop3A_609 = arith.index_cast %parallel_loop3A_608 : i32 to index
      %parallel_loop3A_610 = tpu.vector_load %arg17[%parallel_loop3A_609] {strides = array<i32>} : memref<2560xi32, #tpu.memory_space<vmem>>, vector<16xi32>,
      tpu.vector_store %arg17[%parallel_loop3A_609], %parallel_loop3A_606 {strides = array<i32>} : memref<2560xi32, #tpu.memory_space<vmem>>, vector<16xi32>,
      %parallel_loop3A_611 = tpu.pack_subelements %parallel_loop3A_593, %parallel_loop3A_604 {pack_format = #tpu.pack_format<interleaved>, positions = array<i32: 0, 1>} : vector<16xf32>, vector<16xf32> -> vector<32xbf16>
      %parallel_loop3A_612 = vector.bitcast %parallel_loop3A_611 : vector<32xbf16> to vector<16xi32>
      %parallel_loop3A_613 = arith.constant 64 : i32
      %parallel_loop3A_614 = arith.addi %parallel_loop3A_402, %parallel_loop3A_613 : i32
      %parallel_loop3A_615 = arith.constant 48 : i32
      %parallel_loop3A_616 = arith.addi %parallel_loop3A_614, %parallel_loop3A_615 : i32
      %parallel_loop3A_617 = arith.index_cast %parallel_loop3A_616 : i32 to index
      %parallel_loop3A_618 = tpu.vector_load %arg17[%parallel_loop3A_617] {strides = array<i32>} : memref<2560xi32, #tpu.memory_space<vmem>>, vector<16xi32>,
      tpu.vector_store %arg17[%parallel_loop3A_617], %parallel_loop3A_612 {strides = array<i32>} : memref<2560xi32, #tpu.memory_space<vmem>>, vector<16xi32>,
    } {sc.loop_unroll_factor = 2 : i64, sc.parallel_access}
    %add3A_272 = arith.constant 0 : i32
    %add3A_273 = arith.addi %multiple_of3A_238, %add3A_272 : i32
    %get3A_274 = arith.index_cast %add3A_273 : i32 to index
    %get3A_275 = tpu.vector_load %arg9[%get3A_274] {strides = array<i32>} : memref<10000xi32, #tpu.memory_space<vmem>>, vector<16xi32>,
    %gather3A = tpu.vector_load_idx %arg7[%get3A_275] : memref<10240xf32, #tpu.memory_space<vmem>>[vector<16xi32>], vector<16xf32>,
    %max3A = arith.maximumf %gather3A, %broadcast_in_dim3A_5 : vector<16xf32>
    %get3A_276 = arith.index_cast %add3A_273 : i32 to index
    %get3A_277 = tpu.vector_load %arg10[%get3A_276] {strides = array<i32>} : memref<10000xi32, #tpu.memory_space<vmem>>, vector<16xi32>,
    %gather3A_278 = tpu.vector_load_idx %arg8[%get3A_277] : memref<10240xf32, #tpu.memory_space<vmem>>[vector<16xi32>], vector<16xf32>,
    %max3A_279 = arith.maximumf %gather3A_278, %broadcast_in_dim3A_5 : vector<16xf32>
    %mul3A_280 = arith.mulf %max3A, %max3A_279 : vector<16xf32>
    %swap3A = arith.index_cast %add3A_273 : i32 to index
    %swap3A_281 = tpu.vector_load %arg19[%swap3A] {strides = array<i32>} : memref<10000xf32, #tpu.memory_space<vmem>>, vector<16xf32>,
    tpu.vector_store %arg19[%swap3A], %mul3A_280 {strides = array<i32>} : memref<10000xf32, #tpu.memory_space<vmem>>, vector<16xf32>,
    %add3A_282 = arith.constant 16 : i32
    %add3A_283 = arith.addi %multiple_of3A_238, %add3A_282 : i32
    %get3A_284 = arith.index_cast %add3A_283 : i32 to index
    %get3A_285 = tpu.vector_load %arg9[%get3A_284] {strides = array<i32>} : memref<10000xi32, #tpu.memory_space<vmem>>, vector<16xi32>,
    %gather3A_286 = tpu.vector_load_idx %arg7[%get3A_285] : memref<10240xf32, #tpu.memory_space<vmem>>[vector<16xi32>], vector<16xf32>,
    %max3A_287 = arith.maximumf %gather3A_286, %broadcast_in_dim3A_5 : vector<16xf32>
    %get3A_288 = arith.index_cast %add3A_283 : i32 to index
    %get3A_289 = tpu.vector_load %arg10[%get3A_288] {strides = array<i32>} : memref<10000xi32, #tpu.memory_space<vmem>>, vector<16xi32>,
    %gather3A_290 = tpu.vector_load_idx %arg8[%get3A_289] : memref<10240xf32, #tpu.memory_space<vmem>>[vector<16xi32>], vector<16xf32>,
    %max3A_291 = arith.maximumf %gather3A_290, %broadcast_in_dim3A_5 : vector<16xf32>
    %mul3A_292 = arith.mulf %max3A_287, %max3A_291 : vector<16xf32>
    %swap3A_293 = arith.index_cast %add3A_283 : i32 to index
    %swap3A_294 = tpu.vector_load %arg19[%swap3A_293] {strides = array<i32>} : memref<10000xf32, #tpu.memory_space<vmem>>, vector<16xf32>,
    tpu.vector_store %arg19[%swap3A_293], %mul3A_292 {strides = array<i32>} : memref<10000xf32, #tpu.memory_space<vmem>>, vector<16xf32>,
    %add3A_295 = arith.constant 32 : i32
    %add3A_296 = arith.addi %multiple_of3A_238, %add3A_295 : i32
    %get3A_297 = arith.index_cast %add3A_296 : i32 to index
    %get3A_298 = tpu.vector_load %arg9[%get3A_297] {strides = array<i32>} : memref<10000xi32, #tpu.memory_space<vmem>>, vector<16xi32>,
    %gather3A_299 = tpu.vector_load_idx %arg7[%get3A_298] : memref<10240xf32, #tpu.memory_space<vmem>>[vector<16xi32>], vector<16xf32>,
    %max3A_300 = arith.maximumf %gather3A_299, %broadcast_in_dim3A_5 : vector<16xf32>
    %get3A_301 = arith.index_cast %add3A_296 : i32 to index
    %get3A_302 = tpu.vector_load %arg10[%get3A_301] {strides = array<i32>} : memref<10000xi32, #tpu.memory_space<vmem>>, vector<16xi32>,
    %gather3A_303 = tpu.vector_load_idx %arg8[%get3A_302] : memref<10240xf32, #tpu.memory_space<vmem>>[vector<16xi32>], vector<16xf32>,
    %max3A_304 = arith.maximumf %gather3A_303, %broadcast_in_dim3A_5 : vector<16xf32>
    %mul3A_305 = arith.mulf %max3A_300, %max3A_304 : vector<16xf32>
    %swap3A_306 = arith.index_cast %add3A_296 : i32 to index
    %swap3A_307 = tpu.vector_load %arg19[%swap3A_306] {strides = array<i32>} : memref<10000xf32, #tpu.memory_space<vmem>>, vector<16xf32>,
    tpu.vector_store %arg19[%swap3A_306], %mul3A_305 {strides = array<i32>} : memref<10000xf32, #tpu.memory_space<vmem>>, vector<16xf32>,
    %add3A_308 = arith.constant 48 : i32
    %add3A_309 = arith.addi %multiple_of3A_238, %add3A_308 : i32
    %get3A_310 = arith.index_cast %add3A_309 : i32 to index
    %get3A_311 = tpu.vector_load %arg9[%get3A_310] {strides = array<i32>} : memref<10000xi32, #tpu.memory_space<vmem>>, vector<16xi32>,
    %gather3A_312 = tpu.vector_load_idx %arg7[%get3A_311] : memref<10240xf32, #tpu.memory_space<vmem>>[vector<16xi32>], vector<16xf32>,
    %max3A_313 = arith.maximumf %gather3A_312, %broadcast_in_dim3A_5 : vector<16xf32>
    %get3A_314 = arith.index_cast %add3A_309 : i32 to index
    %get3A_315 = tpu.vector_load %arg10[%get3A_314] {strides = array<i32>} : memref<10000xi32, #tpu.memory_space<vmem>>, vector<16xi32>,
    %gather3A_316 = tpu.vector_load_idx %arg8[%get3A_315] : memref<10240xf32, #tpu.memory_space<vmem>>[vector<16xi32>], vector<16xf32>,
    %max3A_317 = arith.maximumf %gather3A_316, %broadcast_in_dim3A_5 : vector<16xf32>
    %mul3A_318 = arith.mulf %max3A_313, %max3A_317 : vector<16xf32>
    %swap3A_319 = arith.index_cast %add3A_309 : i32 to index
    %swap3A_320 = tpu.vector_load %arg19[%swap3A_319] {strides = array<i32>} : memref<10000xf32, #tpu.memory_space<vmem>>, vector<16xf32>,
    tpu.vector_store %arg19[%swap3A_319], %mul3A_318 {strides = array<i32>} : memref<10000xf32, #tpu.memory_space<vmem>>, vector<16xf32>,
    %add3A_321 = arith.constant 64 : i32
    %add3A_322 = arith.addi %multiple_of3A_238, %add3A_321 : i32
    %get3A_323 = arith.index_cast %add3A_322 : i32 to index
    %get3A_324 = tpu.vector_load %arg9[%get3A_323] {strides = array<i32>} : memref<10000xi32, #tpu.memory_space<vmem>>, vector<16xi32>,
    %gather3A_325 = tpu.vector_load_idx %arg7[%get3A_324] : memref<10240xf32, #tpu.memory_space<vmem>>[vector<16xi32>], vector<16xf32>,
    %max3A_326 = arith.maximumf %gather3A_325, %broadcast_in_dim3A_5 : vector<16xf32>
    %get3A_327 = arith.index_cast %add3A_322 : i32 to index
    %get3A_328 = tpu.vector_load %arg10[%get3A_327] {strides = array<i32>} : memref<10000xi32, #tpu.memory_space<vmem>>, vector<16xi32>,
    %gather3A_329 = tpu.vector_load_idx %arg8[%get3A_328] : memref<10240xf32, #tpu.memory_space<vmem>>[vector<16xi32>], vector<16xf32>,
    %max3A_330 = arith.maximumf %gather3A_329, %broadcast_in_dim3A_5 : vector<16xf32>
    %mul3A_331 = arith.mulf %max3A_326, %max3A_330 : vector<16xf32>
    %swap3A_332 = arith.index_cast %add3A_322 : i32 to index
    %swap3A_333 = tpu.vector_load %arg19[%swap3A_332] {strides = array<i32>} : memref<10000xf32, #tpu.memory_space<vmem>>, vector<16xf32>,
    tpu.vector_store %arg19[%swap3A_332], %mul3A_331 {strides = array<i32>} : memref<10000xf32, #tpu.memory_space<vmem>>, vector<16xf32>,
    %dma_start3A_334 = tpu.memref_slice %arg5[%multiple_of3A_266] : memref<10240000xi32, #tpu.memory_space<hbm>> -> memref<2560xi32, #tpu.memory_space<hbm>>
    %dma_start3A_335 = tpu.memref_slice %arg5[%multiple_of3A_266] : memref<10240000xi32, #tpu.memory_space<hbm>> -> memref<2560xi32, #tpu.memory_space<hbm>>
    tpu.enqueue_dma source(%arg17 : memref<2560xi32, #tpu.memory_space<vmem>>) target(%dma_start3A_335 : memref<2560xi32, #tpu.memory_space<hbm>>) target_semaphore(%arg28 : memref<!tpu.dma_semaphore, #tpu.memory_space<semaphore_mem>>)
    %add3A_336 = arith.constant 9920 : i32
    %add3A_337 = arith.addi %multiple_of3A_222, %add3A_336 : i32
    %jit3A_338 = arith.constant 4 : i32
    %div3A_339 = arith.divsi %add3A_337, %jit3A_338 : i32
    %sign3A_340 = arith.constant 0 : i32
    %sign3A_341 = arith.cmpi sgt, %add3A_337, %sign3A_340 : i32
    %sign3A_342 = arith.extui %sign3A_341 : i1 to i32
    %sign3A_343 = arith.constant 0 : i32
    %sign3A_344 = arith.cmpi slt, %add3A_337, %sign3A_343 : i32
    %sign3A_345 = arith.extui %sign3A_344 : i1 to i32
    %sign3A_346 = arith.subi %sign3A_342, %sign3A_345 : i32
    %sign3A_347 = arith.constant 0 : i32
    %sign3A_348 = arith.cmpi sgt, %jit3A_338, %sign3A_347 : i32
    %sign3A_349 = arith.extui %sign3A_348 : i1 to i32
    %sign3A_350 = arith.constant 0 : i32
    %sign3A_351 = arith.cmpi slt, %jit3A_338, %sign3A_350 : i32
    %sign3A_352 = arith.extui %sign3A_351 : i1 to i32
    %sign3A_353 = arith.subi %sign3A_349, %sign3A_352 : i32
    %ne3A_354 = arith.cmpi ne, %sign3A_346, %sign3A_353 : i32
    %rem3A_355 = arith.remsi %add3A_337, %jit3A_338 : i32
    %ne3A_356 = arith.constant 0 : i32
    %ne3A_357 = arith.cmpi ne, %rem3A_355, %ne3A_356 : i32
    %and3A_358 = arith.andi %ne3A_354, %ne3A_357 : i1
    %sub3A_359 = arith.constant 1 : i32
    %sub3A_360 = arith.subi %div3A_339, %sub3A_359 : i32
    %select_n3A_361 = arith.select %and3A_358, %sub3A_360, %div3A_339 : i32
    %mul3A_362 = arith.constant 128 : i32
    %mul3A_363 = arith.muli %select_n3A_361, %mul3A_362 : i32
    %multiple_of3A_364 = tpu.assume_multiple %mul3A_363, 2560 : i32
    %dma_wait3A_365 = tpu.memref_slice %arg5[%multiple_of3A_364] : memref<10240000xi32, #tpu.memory_space<hbm>> -> memref<2560xi32, #tpu.memory_space<hbm>>
    %dma_wait3A_366 = tpu.memref_slice %arg5[%multiple_of3A_364] : memref<10240000xi32, #tpu.memory_space<hbm>> -> memref<2560xi32, #tpu.memory_space<hbm>>
    tpu.wait_dma2 semaphore(%arg28 : memref<!tpu.dma_semaphore, #tpu.memory_space<semaphore_mem>>) src(%arg17 : memref<2560xi32, #tpu.memory_space<vmem>>) dst(%dma_wait3A_366 : memref<2560xi32, #tpu.memory_space<hbm>>)
    %add3A_367 = arith.constant 9840 : i32
    %add3A_368 = arith.addi %multiple_of3A_222, %add3A_367 : i32
    %jit3A_369 = arith.constant 4 : i32
    %div3A_370 = arith.divsi %add3A_368, %jit3A_369 : i32
    %sign3A_371 = arith.constant 0 : i32
    %sign3A_372 = arith.cmpi sgt, %add3A_368, %sign3A_371 : i32
    %sign3A_373 = arith.extui %sign3A_372 : i1 to i32
    %sign3A_374 = arith.constant 0 : i32
    %sign3A_375 = arith.cmpi slt, %add3A_368, %sign3A_374 : i32
    %sign3A_376 = arith.extui %sign3A_375 : i1 to i32
    %sign3A_377 = arith.subi %sign3A_373, %sign3A_376 : i32
    %sign3A_378 = arith.constant 0 : i32
    %sign3A_379 = arith.cmpi sgt, %jit3A_369, %sign3A_378 : i32
    %sign3A_380 = arith.extui %sign3A_379 : i1 to i32
    %sign3A_381 = arith.constant 0 : i32
    %sign3A_382 = arith.cmpi slt, %jit3A_369, %sign3A_381 : i32
    %sign3A_383 = arith.extui %sign3A_382 : i1 to i32
    %sign3A_384 = arith.subi %sign3A_380, %sign3A_383 : i32
    %ne3A_385 = arith.cmpi ne, %sign3A_377, %sign3A_384 : i32
    %rem3A_386 = arith.remsi %add3A_368, %jit3A_369 : i32
    %ne3A_387 = arith.constant 0 : i32
    %ne3A_388 = arith.cmpi ne, %rem3A_386, %ne3A_387 : i32
    %and3A_389 = arith.andi %ne3A_385, %ne3A_388 : i1
    %sub3A_390 = arith.constant 1 : i32
    %sub3A_391 = arith.subi %div3A_370, %sub3A_390 : i32
    %select_n3A_392 = arith.select %and3A_389, %sub3A_391, %div3A_370 : i32
    %mul3A_393 = arith.constant 128 : i32
    %mul3A_394 = arith.muli %select_n3A_392, %mul3A_393 : i32
    %multiple_of3A_395 = tpu.assume_multiple %mul3A_394, 2560 : i32
    %dma_wait3A_396 = tpu.memref_slice %arg5[%multiple_of3A_395] : memref<10240000xi32, #tpu.memory_space<hbm>> -> memref<2560xi32, #tpu.memory_space<hbm>>
    %dma_wait3A_397 = tpu.memref_slice %arg5[%multiple_of3A_395] : memref<10240000xi32, #tpu.memory_space<hbm>> -> memref<2560xi32, #tpu.memory_space<hbm>>
    tpu.wait_dma2 semaphore(%arg29 : memref<!tpu.dma_semaphore, #tpu.memory_space<semaphore_mem>>) src(%arg18 : memref<2560xi32, #tpu.memory_space<vmem>>) dst(%dma_wait3A_397 : memref<2560xi32, #tpu.memory_space<hbm>>)
    "tpu.region"() ({
      %run_scoped3A = tpu.sem_alloc : memref<!tpu.dma_semaphore, #tpu.memory_space<semaphore_mem>>
      %dma_start3A_398 = tpu.memref_slice %arg6[%multiple_of3A_222] : memref<320000xf32, #tpu.memory_space<hbm>> -> memref<10000xf32, #tpu.memory_space<hbm>>
      %dma_start3A_399 = tpu.memref_slice %arg6[%multiple_of3A_222] : memref<320000xf32, #tpu.memory_space<hbm>> -> memref<10000xf32, #tpu.memory_space<hbm>>
      tpu.enqueue_dma source(%arg19 : memref<10000xf32, #tpu.memory_space<vmem>>) target(%dma_start3A_399 : memref<10000xf32, #tpu.memory_space<hbm>>) target_semaphore(%run_scoped3A : memref<!tpu.dma_semaphore, #tpu.memory_space<semaphore_mem>>)
      %dma_wait3A_400 = tpu.memref_slice %arg6[%multiple_of3A_222] : memref<320000xf32, #tpu.memory_space<hbm>> -> memref<10000xf32, #tpu.memory_space<hbm>>
      %dma_wait3A_401 = tpu.memref_slice %arg6[%multiple_of3A_222] : memref<320000xf32, #tpu.memory_space<hbm>> -> memref<10000xf32, #tpu.memory_space<hbm>>
      tpu.wait_dma2 semaphore(%run_scoped3A : memref<!tpu.dma_semaphore, #tpu.memory_space<semaphore_mem>>) src(%arg19 : memref<10000xf32, #tpu.memory_space<vmem>>) dst(%dma_wait3A_401 : memref<10000xf32, #tpu.memory_space<hbm>>)
      tpu.yield
    }) : () -> ()
    return
  }
}

module attributes {stable_mosaic.version = 14 : i64} {
  func.func @body(%arg0: memref<10000x128xf32, #tpu.memory_space<vmem>>, %arg1: memref<128x128xf32, #tpu.memory_space<vmem>>, %arg2: memref<1x128xf32, #tpu.memory_space<vmem>>, %arg3: memref<10000x128xf32, #tpu.memory_space<vmem>>) attributes {dimension_semantics = [], scalar_prefetch = 0 : i64, scratch_operands = 0 : i64, tpu.core_type = #tpu.core_type<tc>} {
    %get3A = arith.constant 0 : index
    %get3A_0 = arith.constant 0 : index
    %get3A_1 = vector.load %arg0[%get3A, %get3A_0] : memref<10000x128xf32, #tpu.memory_space<vmem>>, vector<10000x128xf32>
    %get3A_2 = arith.constant 0 : index
    %get3A_3 = arith.constant 0 : index
    %get3A_4 = vector.load %arg1[%get3A_2, %get3A_3] : memref<128x128xf32, #tpu.memory_space<vmem>>, vector<128x128xf32>
    %dot_general3A = arith.constant dense<0.000000e+00> : vector<10000x128xf32>
    %dot_general3A_5 = tpu.matmul %get3A_1, %get3A_4, %dot_general3A {dimension_numbers = #tpu.dot_dimension_numbers<[1], [0], [0], [1], [0, 0, 1, 1], [], []>, transpose_lhs_hint = false} : vector<10000x128xf32>, vector<128x128xf32>, vector<10000x128xf32> -> vector<10000x128xf32>
    %get3A_6 = arith.constant 0 : index
    %get3A_7 = arith.constant 0 : index
    %get3A_8 = vector.load %arg2[%get3A_6, %get3A_7] : memref<1x128xf32, #tpu.memory_space<vmem>>, vector<1x128xf32>
    %add3A = vector.broadcast %get3A_8 : vector<1x128xf32> to vector<10000x128xf32>
    %add3A_9 = arith.addf %dot_general3A_5, %add3A : vector<10000x128xf32>
    %swap3A = arith.constant 0 : index
    %swap3A_10 = arith.constant 0 : index
    %swap3A_11 = vector.load %arg3[%swap3A, %swap3A_10] : memref<10000x128xf32, #tpu.memory_space<vmem>>, vector<10000x128xf32>
    tpu.vector_store %arg3[%swap3A, %swap3A_10], %add3A_9 {strides = array<i32>} : memref<10000x128xf32, #tpu.memory_space<vmem>>, vector<10000x128xf32>,
    return
  }
}

module attributes {stable_mosaic.version = 14 : i64} {
  func.func @body(%arg0: i32, %arg1: memref<8000x128xi32, #tpu.memory_space<vmem>>, %arg2: memref<1x4x8000xf32, #tpu.memory_space<vmem>>, %arg3: memref<1x4x8000xf32, #tpu.memory_space<vmem>>, %arg4: memref<64x1xf32, #tpu.memory_space<vmem>>, %arg5: memref<64x1xf32, #tpu.memory_space<vmem>>, %arg6: memref<32x64xf32, #tpu.memory_space<vmem>>, %arg7: memref<32x1xf32, #tpu.memory_space<vmem>>, %arg8: memref<32x1xf32, #tpu.memory_space<vmem>>, %arg9: memref<32x1xf32, #tpu.memory_space<vmem>>, %arg10: memref<1x32xf32, #tpu.memory_space<vmem>>, %arg11: memref<1x1xf32, #tpu.memory_space<vmem>>, %arg12: memref<1x4x8000xf32, #tpu.memory_space<vmem>>) attributes {dimension_semantics = [#tpu.dimension_semantics<arbitrary>], iteration_bounds = array<i64: 10>, scalar_prefetch = 0 : i64, scratch_operands = 0 : i64, tpu.core_type = #tpu.core_type<tc>, window_params = [{transform_indices = @transform_0, window_bounds = array<i64: 8000, 128>}, {transform_indices = @transform_1, window_bounds = array<i64: 1, 4, 8000>}, {transform_indices = @transform_2, window_bounds = array<i64: 1, 4, 8000>}, {pipeline_mode = #tpu.pipeline_mode<synchronous>, transform_indices = @transform_3, window_bounds = array<i64: 64, 1>}, {pipeline_mode = #tpu.pipeline_mode<synchronous>, transform_indices = @transform_4, window_bounds = array<i64: 64, 1>}, {pipeline_mode = #tpu.pipeline_mode<synchronous>, transform_indices = @transform_5, window_bounds = array<i64: 32, 64>}, {pipeline_mode = #tpu.pipeline_mode<synchronous>, transform_indices = @transform_6, window_bounds = array<i64: 32, 1>}, {pipeline_mode = #tpu.pipeline_mode<synchronous>, transform_indices = @transform_7, window_bounds = array<i64: 32, 1>}, {pipeline_mode = #tpu.pipeline_mode<synchronous>, transform_indices = @transform_8, window_bounds = array<i64: 32, 1>}, {pipeline_mode = #tpu.pipeline_mode<synchronous>, transform_indices = @transform_9, window_bounds = array<i64: 1, 32>}, {pipeline_mode = #tpu.pipeline_mode<synchronous>, transform_indices = @transform_10, window_bounds = array<i64: 1, 1>}, {transform_indices = @transform_11, window_bounds = array<i64: 1, 4, 8000>}]} {
    %get3A = arith.constant 0 : index
    %get3A_0 = arith.constant 0 : index
    %get3A_1 = vector.load %arg4[%get3A, %get3A_0] : memref<64x1xf32, #tpu.memory_space<vmem>>, vector<64x1xf32>
    %get3A_2 = arith.constant 0 : index
    %get3A_3 = arith.constant 0 : index
    %get3A_4 = vector.load %arg5[%get3A_2, %get3A_3] : memref<64x1xf32, #tpu.memory_space<vmem>>, vector<64x1xf32>
    %get3A_5 = arith.constant 0 : index
    %get3A_6 = arith.constant 0 : index
    %get3A_7 = vector.load %arg6[%get3A_5, %get3A_6] : memref<32x64xf32, #tpu.memory_space<vmem>>, vector<32x64xf32>
    %get3A_8 = arith.constant 0 : index
    %get3A_9 = arith.constant 0 : index
    %get3A_10 = vector.load %arg7[%get3A_8, %get3A_9] : memref<32x1xf32, #tpu.memory_space<vmem>>, vector<32x1xf32>
    %get3A_11 = arith.constant 0 : index
    %get3A_12 = arith.constant 0 : index
    %get3A_13 = vector.load %arg8[%get3A_11, %get3A_12] : memref<32x1xf32, #tpu.memory_space<vmem>>, vector<32x1xf32>
    %get3A_14 = arith.constant 0 : index
    %get3A_15 = arith.constant 0 : index
    %get3A_16 = vector.load %arg9[%get3A_14, %get3A_15] : memref<32x1xf32, #tpu.memory_space<vmem>>, vector<32x1xf32>
    %get3A_17 = arith.constant 0 : index
    %get3A_18 = arith.constant 0 : index
    %get3A_19 = vector.load %arg10[%get3A_17, %get3A_18] : memref<1x32xf32, #tpu.memory_space<vmem>>, vector<1x32xf32>
    %get3A_20 = arith.constant 0 : index
    %get3A_21 = arith.constant 0 : index
    %get3A_22 = vector.load %arg11[%get3A_20, %get3A_21] : memref<1x1xf32, #tpu.memory_space<vmem>>, vector<1x1xf32>
    %get3A_23 = arith.constant 0 : index
    %get3A_24 = arith.constant 0 : index
    %get3A_25 = vector.load %arg1[%get3A_23, %get3A_24] : memref<8000x128xi32, #tpu.memory_space<vmem>>, vector<8000x128xi32>
    %transpose3A = tpu.transpose %get3A_25, [1, 0] : vector<8000x128xi32> -> vector<128x8000xi32>
    %shift_left3A = arith.constant 16 : i32
    %shift_left3A_26 = vector.broadcast %shift_left3A : i32 to vector<128x8000xi32>
    %shift_left3A_27 = arith.shli %transpose3A, %shift_left3A_26 : vector<128x8000xi32>
    %bitcast_convert_type3A = tpu.bitcast %shift_left3A_27 : vector<128x8000xi32> -> vector<128x8000xf32>
    %and3A = arith.constant -65536 : i32
    %and3A_28 = vector.broadcast %and3A : i32 to vector<128x8000xi32>
    %and3A_29 = arith.andi %transpose3A, %and3A_28 : vector<128x8000xi32>
    %bitcast_convert_type3A_30 = tpu.bitcast %and3A_29 : vector<128x8000xi32> -> vector<128x8000xf32>
    %slice3A = vector.extract_strided_slice %bitcast_convert_type3A {offsets = [0, 0], sizes = [64, 8000], strides = [1, 1]} : vector<128x8000xf32> to vector<64x8000xf32>
    %reduce_sum3A = arith.constant dense<0.000000e+00> : vector<8000xf32>
    %reduce_sum3A_31 = vector.multi_reduction <add>, %slice3A, %reduce_sum3A [0] : vector<64x8000xf32> to vector<8000xf32>
    %broadcast_in_dim3A = vector.shape_cast %reduce_sum3A_31 : vector<8000xf32> to vector<1x8000xf32>
    %div3A = arith.constant 6.400000e+01 : f32
    %div3A_32 = vector.broadcast %div3A : f32 to vector<1x8000xf32>
    %div3A_33 = arith.divf %broadcast_in_dim3A, %div3A_32 : vector<1x8000xf32>
    %sub3A = vector.broadcast %div3A_33 : vector<1x8000xf32> to vector<64x8000xf32>
    %sub3A_34 = arith.subf %slice3A, %sub3A : vector<64x8000xf32>
    %integer_pow3A = arith.mulf %sub3A_34, %sub3A_34 : vector<64x8000xf32>
    %reduce_sum3A_35 = arith.constant dense<0.000000e+00> : vector<8000xf32>
    %reduce_sum3A_36 = vector.multi_reduction <add>, %integer_pow3A, %reduce_sum3A_35 [0] : vector<64x8000xf32> to vector<8000xf32>
    %broadcast_in_dim3A_37 = vector.shape_cast %reduce_sum3A_36 : vector<8000xf32> to vector<1x8000xf32>
    %div3A_38 = arith.constant 6.400000e+01 : f32
    %div3A_39 = vector.broadcast %div3A_38 : f32 to vector<1x8000xf32>
    %div3A_40 = arith.divf %broadcast_in_dim3A_37, %div3A_39 : vector<1x8000xf32>
    %sub3A_41 = vector.broadcast %div3A_33 : vector<1x8000xf32> to vector<64x8000xf32>
    %sub3A_42 = arith.subf %slice3A, %sub3A_41 : vector<64x8000xf32>
    %add3A = arith.constant 9.99999974E-6 : f32
    %add3A_43 = vector.broadcast %add3A : f32 to vector<1x8000xf32>
    %add3A_44 = arith.addf %div3A_40, %add3A_43 : vector<1x8000xf32>
    %rsqrt3A = math.rsqrt %add3A_44 : vector<1x8000xf32>
    %mul3A = vector.broadcast %rsqrt3A : vector<1x8000xf32> to vector<64x8000xf32>
    %mul3A_45 = arith.mulf %sub3A_42, %mul3A : vector<64x8000xf32>
    %mul3A_46 = vector.broadcast %get3A_1 : vector<64x1xf32> to vector<64x8000xf32>
    %mul3A_47 = arith.mulf %mul3A_45, %mul3A_46 : vector<64x8000xf32>
    %add3A_48 = vector.broadcast %get3A_4 : vector<64x1xf32> to vector<64x8000xf32>
    %add3A_49 = arith.addf %mul3A_47, %add3A_48 : vector<64x8000xf32>
    %max3A = arith.constant 0.000000e+00 : f32
    %max3A_50 = vector.broadcast %max3A : f32 to vector<64x8000xf32>
    %max3A_51 = arith.maximumf %add3A_49, %max3A_50 : vector<64x8000xf32>
    %dot_general3A = arith.constant dense<0.000000e+00> : vector<32x8000xf32>
    %dot_general3A_52 = tpu.matmul %get3A_7, %max3A_51, %dot_general3A {dimension_numbers = #tpu.dot_dimension_numbers<[1], [0], [0], [1], [0, 0, 1, 1], [], []>, transpose_lhs_hint = false} : vector<32x64xf32>, vector<64x8000xf32>, vector<32x8000xf32> -> vector<32x8000xf32>
    %add3A_53 = vector.broadcast %get3A_10 : vector<32x1xf32> to vector<32x8000xf32>
    %add3A_54 = arith.addf %dot_general3A_52, %add3A_53 : vector<32x8000xf32>
    %reduce_sum3A_55 = arith.constant dense<0.000000e+00> : vector<8000xf32>
    %reduce_sum3A_56 = vector.multi_reduction <add>, %add3A_54, %reduce_sum3A_55 [0] : vector<32x8000xf32> to vector<8000xf32>
    %broadcast_in_dim3A_57 = vector.shape_cast %reduce_sum3A_56 : vector<8000xf32> to vector<1x8000xf32>
    %div3A_58 = arith.constant 3.200000e+01 : f32
    %div3A_59 = vector.broadcast %div3A_58 : f32 to vector<1x8000xf32>
    %div3A_60 = arith.divf %broadcast_in_dim3A_57, %div3A_59 : vector<1x8000xf32>
    %sub3A_61 = vector.broadcast %div3A_60 : vector<1x8000xf32> to vector<32x8000xf32>
    %sub3A_62 = arith.subf %add3A_54, %sub3A_61 : vector<32x8000xf32>
    %integer_pow3A_63 = arith.mulf %sub3A_62, %sub3A_62 : vector<32x8000xf32>
    %reduce_sum3A_64 = arith.constant dense<0.000000e+00> : vector<8000xf32>
    %reduce_sum3A_65 = vector.multi_reduction <add>, %integer_pow3A_63, %reduce_sum3A_64 [0] : vector<32x8000xf32> to vector<8000xf32>
    %broadcast_in_dim3A_66 = vector.shape_cast %reduce_sum3A_65 : vector<8000xf32> to vector<1x8000xf32>
    %div3A_67 = arith.constant 3.200000e+01 : f32
    %div3A_68 = vector.broadcast %div3A_67 : f32 to vector<1x8000xf32>
    %div3A_69 = arith.divf %broadcast_in_dim3A_66, %div3A_68 : vector<1x8000xf32>
    %sub3A_70 = vector.broadcast %div3A_60 : vector<1x8000xf32> to vector<32x8000xf32>
    %sub3A_71 = arith.subf %add3A_54, %sub3A_70 : vector<32x8000xf32>
    %add3A_72 = arith.constant 9.99999974E-6 : f32
    %add3A_73 = vector.broadcast %add3A_72 : f32 to vector<1x8000xf32>
    %add3A_74 = arith.addf %div3A_69, %add3A_73 : vector<1x8000xf32>
    %rsqrt3A_75 = math.rsqrt %add3A_74 : vector<1x8000xf32>
    %mul3A_76 = vector.broadcast %rsqrt3A_75 : vector<1x8000xf32> to vector<32x8000xf32>
    %mul3A_77 = arith.mulf %sub3A_71, %mul3A_76 : vector<32x8000xf32>
    %mul3A_78 = vector.broadcast %get3A_13 : vector<32x1xf32> to vector<32x8000xf32>
    %mul3A_79 = arith.mulf %mul3A_77, %mul3A_78 : vector<32x8000xf32>
    %add3A_80 = vector.broadcast %get3A_16 : vector<32x1xf32> to vector<32x8000xf32>
    %add3A_81 = arith.addf %mul3A_79, %add3A_80 : vector<32x8000xf32>
    %max3A_82 = arith.constant 0.000000e+00 : f32
    %max3A_83 = vector.broadcast %max3A_82 : f32 to vector<32x8000xf32>
    %max3A_84 = arith.maximumf %add3A_81, %max3A_83 : vector<32x8000xf32>
    %dot_general3A_85 = arith.constant dense<0.000000e+00> : vector<1x8000xf32>
    %dot_general3A_86 = tpu.matmul %get3A_19, %max3A_84, %dot_general3A_85 {dimension_numbers = #tpu.dot_dimension_numbers<[1], [0], [0], [1], [0, 0, 1, 1], [], []>, transpose_lhs_hint = false} : vector<1x32xf32>, vector<32x8000xf32>, vector<1x8000xf32> -> vector<1x8000xf32>
    %add3A_87 = vector.broadcast %get3A_22 : vector<1x1xf32> to vector<1x8000xf32>
    %add3A_88 = arith.addf %dot_general3A_86, %add3A_87 : vector<1x8000xf32>
    %slice3A_89 = vector.extract_strided_slice %bitcast_convert_type3A_30 {offsets = [0, 0], sizes = [64, 8000], strides = [1, 1]} : vector<128x8000xf32> to vector<64x8000xf32>
    %reduce_sum3A_90 = arith.constant dense<0.000000e+00> : vector<8000xf32>
    %reduce_sum3A_91 = vector.multi_reduction <add>, %slice3A_89, %reduce_sum3A_90 [0] : vector<64x8000xf32> to vector<8000xf32>
    %broadcast_in_dim3A_92 = vector.shape_cast %reduce_sum3A_91 : vector<8000xf32> to vector<1x8000xf32>
    %div3A_93 = arith.constant 6.400000e+01 : f32
    %div3A_94 = vector.broadcast %div3A_93 : f32 to vector<1x8000xf32>
    %div3A_95 = arith.divf %broadcast_in_dim3A_92, %div3A_94 : vector<1x8000xf32>
    %sub3A_96 = vector.broadcast %div3A_95 : vector<1x8000xf32> to vector<64x8000xf32>
    %sub3A_97 = arith.subf %slice3A_89, %sub3A_96 : vector<64x8000xf32>
    %integer_pow3A_98 = arith.mulf %sub3A_97, %sub3A_97 : vector<64x8000xf32>
    %reduce_sum3A_99 = arith.constant dense<0.000000e+00> : vector<8000xf32>
    %reduce_sum3A_100 = vector.multi_reduction <add>, %integer_pow3A_98, %reduce_sum3A_99 [0] : vector<64x8000xf32> to vector<8000xf32>
    %broadcast_in_dim3A_101 = vector.shape_cast %reduce_sum3A_100 : vector<8000xf32> to vector<1x8000xf32>
    %div3A_102 = arith.constant 6.400000e+01 : f32
    %div3A_103 = vector.broadcast %div3A_102 : f32 to vector<1x8000xf32>
    %div3A_104 = arith.divf %broadcast_in_dim3A_101, %div3A_103 : vector<1x8000xf32>
    %sub3A_105 = vector.broadcast %div3A_95 : vector<1x8000xf32> to vector<64x8000xf32>
    %sub3A_106 = arith.subf %slice3A_89, %sub3A_105 : vector<64x8000xf32>
    %add3A_107 = arith.constant 9.99999974E-6 : f32
    %add3A_108 = vector.broadcast %add3A_107 : f32 to vector<1x8000xf32>
    %add3A_109 = arith.addf %div3A_104, %add3A_108 : vector<1x8000xf32>
    %rsqrt3A_110 = math.rsqrt %add3A_109 : vector<1x8000xf32>
    %mul3A_111 = vector.broadcast %rsqrt3A_110 : vector<1x8000xf32> to vector<64x8000xf32>
    %mul3A_112 = arith.mulf %sub3A_106, %mul3A_111 : vector<64x8000xf32>
    %mul3A_113 = vector.broadcast %get3A_1 : vector<64x1xf32> to vector<64x8000xf32>
    %mul3A_114 = arith.mulf %mul3A_112, %mul3A_113 : vector<64x8000xf32>
    %add3A_115 = vector.broadcast %get3A_4 : vector<64x1xf32> to vector<64x8000xf32>
    %add3A_116 = arith.addf %mul3A_114, %add3A_115 : vector<64x8000xf32>
    %max3A_117 = arith.constant 0.000000e+00 : f32
    %max3A_118 = vector.broadcast %max3A_117 : f32 to vector<64x8000xf32>
    %max3A_119 = arith.maximumf %add3A_116, %max3A_118 : vector<64x8000xf32>
    %dot_general3A_120 = arith.constant dense<0.000000e+00> : vector<32x8000xf32>
    %dot_general3A_121 = tpu.matmul %get3A_7, %max3A_119, %dot_general3A_120 {dimension_numbers = #tpu.dot_dimension_numbers<[1], [0], [0], [1], [0, 0, 1, 1], [], []>, transpose_lhs_hint = false} : vector<32x64xf32>, vector<64x8000xf32>, vector<32x8000xf32> -> vector<32x8000xf32>
    %add3A_122 = vector.broadcast %get3A_10 : vector<32x1xf32> to vector<32x8000xf32>
    %add3A_123 = arith.addf %dot_general3A_121, %add3A_122 : vector<32x8000xf32>
    %reduce_sum3A_124 = arith.constant dense<0.000000e+00> : vector<8000xf32>
    %reduce_sum3A_125 = vector.multi_reduction <add>, %add3A_123, %reduce_sum3A_124 [0] : vector<32x8000xf32> to vector<8000xf32>
    %broadcast_in_dim3A_126 = vector.shape_cast %reduce_sum3A_125 : vector<8000xf32> to vector<1x8000xf32>
    %div3A_127 = arith.constant 3.200000e+01 : f32
    %div3A_128 = vector.broadcast %div3A_127 : f32 to vector<1x8000xf32>
    %div3A_129 = arith.divf %broadcast_in_dim3A_126, %div3A_128 : vector<1x8000xf32>
    %sub3A_130 = vector.broadcast %div3A_129 : vector<1x8000xf32> to vector<32x8000xf32>
    %sub3A_131 = arith.subf %add3A_123, %sub3A_130 : vector<32x8000xf32>
    %integer_pow3A_132 = arith.mulf %sub3A_131, %sub3A_131 : vector<32x8000xf32>
    %reduce_sum3A_133 = arith.constant dense<0.000000e+00> : vector<8000xf32>
    %reduce_sum3A_134 = vector.multi_reduction <add>, %integer_pow3A_132, %reduce_sum3A_133 [0] : vector<32x8000xf32> to vector<8000xf32>
    %broadcast_in_dim3A_135 = vector.shape_cast %reduce_sum3A_134 : vector<8000xf32> to vector<1x8000xf32>
    %div3A_136 = arith.constant 3.200000e+01 : f32
    %div3A_137 = vector.broadcast %div3A_136 : f32 to vector<1x8000xf32>
    %div3A_138 = arith.divf %broadcast_in_dim3A_135, %div3A_137 : vector<1x8000xf32>
    %sub3A_139 = vector.broadcast %div3A_129 : vector<1x8000xf32> to vector<32x8000xf32>
    %sub3A_140 = arith.subf %add3A_123, %sub3A_139 : vector<32x8000xf32>
    %add3A_141 = arith.constant 9.99999974E-6 : f32
    %add3A_142 = vector.broadcast %add3A_141 : f32 to vector<1x8000xf32>
    %add3A_143 = arith.addf %div3A_138, %add3A_142 : vector<1x8000xf32>
    %rsqrt3A_144 = math.rsqrt %add3A_143 : vector<1x8000xf32>
    %mul3A_145 = vector.broadcast %rsqrt3A_144 : vector<1x8000xf32> to vector<32x8000xf32>
    %mul3A_146 = arith.mulf %sub3A_140, %mul3A_145 : vector<32x8000xf32>
    %mul3A_147 = vector.broadcast %get3A_13 : vector<32x1xf32> to vector<32x8000xf32>
    %mul3A_148 = arith.mulf %mul3A_146, %mul3A_147 : vector<32x8000xf32>
    %add3A_149 = vector.broadcast %get3A_16 : vector<32x1xf32> to vector<32x8000xf32>
    %add3A_150 = arith.addf %mul3A_148, %add3A_149 : vector<32x8000xf32>
    %max3A_151 = arith.constant 0.000000e+00 : f32
    %max3A_152 = vector.broadcast %max3A_151 : f32 to vector<32x8000xf32>
    %max3A_153 = arith.maximumf %add3A_150, %max3A_152 : vector<32x8000xf32>
    %dot_general3A_154 = arith.constant dense<0.000000e+00> : vector<1x8000xf32>
    %dot_general3A_155 = tpu.matmul %get3A_19, %max3A_153, %dot_general3A_154 {dimension_numbers = #tpu.dot_dimension_numbers<[1], [0], [0], [1], [0, 0, 1, 1], [], []>, transpose_lhs_hint = false} : vector<1x32xf32>, vector<32x8000xf32>, vector<1x8000xf32> -> vector<1x8000xf32>
    %add3A_156 = vector.broadcast %get3A_22 : vector<1x1xf32> to vector<1x8000xf32>
    %add3A_157 = arith.addf %dot_general3A_155, %add3A_156 : vector<1x8000xf32>
    %slice3A_158 = vector.extract_strided_slice %bitcast_convert_type3A {offsets = [64, 0], sizes = [64, 8000], strides = [1, 1]} : vector<128x8000xf32> to vector<64x8000xf32>
    %reduce_sum3A_159 = arith.constant dense<0.000000e+00> : vector<8000xf32>
    %reduce_sum3A_160 = vector.multi_reduction <add>, %slice3A_158, %reduce_sum3A_159 [0] : vector<64x8000xf32> to vector<8000xf32>
    %broadcast_in_dim3A_161 = vector.shape_cast %reduce_sum3A_160 : vector<8000xf32> to vector<1x8000xf32>
    %div3A_162 = arith.constant 6.400000e+01 : f32
    %div3A_163 = vector.broadcast %div3A_162 : f32 to vector<1x8000xf32>
    %div3A_164 = arith.divf %broadcast_in_dim3A_161, %div3A_163 : vector<1x8000xf32>
    %sub3A_165 = vector.broadcast %div3A_164 : vector<1x8000xf32> to vector<64x8000xf32>
    %sub3A_166 = arith.subf %slice3A_158, %sub3A_165 : vector<64x8000xf32>
    %integer_pow3A_167 = arith.mulf %sub3A_166, %sub3A_166 : vector<64x8000xf32>
    %reduce_sum3A_168 = arith.constant dense<0.000000e+00> : vector<8000xf32>
    %reduce_sum3A_169 = vector.multi_reduction <add>, %integer_pow3A_167, %reduce_sum3A_168 [0] : vector<64x8000xf32> to vector<8000xf32>
    %broadcast_in_dim3A_170 = vector.shape_cast %reduce_sum3A_169 : vector<8000xf32> to vector<1x8000xf32>
    %div3A_171 = arith.constant 6.400000e+01 : f32
    %div3A_172 = vector.broadcast %div3A_171 : f32 to vector<1x8000xf32>
    %div3A_173 = arith.divf %broadcast_in_dim3A_170, %div3A_172 : vector<1x8000xf32>
    %sub3A_174 = vector.broadcast %div3A_164 : vector<1x8000xf32> to vector<64x8000xf32>
    %sub3A_175 = arith.subf %slice3A_158, %sub3A_174 : vector<64x8000xf32>
    %add3A_176 = arith.constant 9.99999974E-6 : f32
    %add3A_177 = vector.broadcast %add3A_176 : f32 to vector<1x8000xf32>
    %add3A_178 = arith.addf %div3A_173, %add3A_177 : vector<1x8000xf32>
    %rsqrt3A_179 = math.rsqrt %add3A_178 : vector<1x8000xf32>
    %mul3A_180 = vector.broadcast %rsqrt3A_179 : vector<1x8000xf32> to vector<64x8000xf32>
    %mul3A_181 = arith.mulf %sub3A_175, %mul3A_180 : vector<64x8000xf32>
    %mul3A_182 = vector.broadcast %get3A_1 : vector<64x1xf32> to vector<64x8000xf32>
    %mul3A_183 = arith.mulf %mul3A_181, %mul3A_182 : vector<64x8000xf32>
    %add3A_184 = vector.broadcast %get3A_4 : vector<64x1xf32> to vector<64x8000xf32>
    %add3A_185 = arith.addf %mul3A_183, %add3A_184 : vector<64x8000xf32>
    %max3A_186 = arith.constant 0.000000e+00 : f32
    %max3A_187 = vector.broadcast %max3A_186 : f32 to vector<64x8000xf32>
    %max3A_188 = arith.maximumf %add3A_185, %max3A_187 : vector<64x8000xf32>
    %dot_general3A_189 = arith.constant dense<0.000000e+00> : vector<32x8000xf32>
    %dot_general3A_190 = tpu.matmul %get3A_7, %max3A_188, %dot_general3A_189 {dimension_numbers = #tpu.dot_dimension_numbers<[1], [0], [0], [1], [0, 0, 1, 1], [], []>, transpose_lhs_hint = false} : vector<32x64xf32>, vector<64x8000xf32>, vector<32x8000xf32> -> vector<32x8000xf32>
    %add3A_191 = vector.broadcast %get3A_10 : vector<32x1xf32> to vector<32x8000xf32>
    %add3A_192 = arith.addf %dot_general3A_190, %add3A_191 : vector<32x8000xf32>
    %reduce_sum3A_193 = arith.constant dense<0.000000e+00> : vector<8000xf32>
    %reduce_sum3A_194 = vector.multi_reduction <add>, %add3A_192, %reduce_sum3A_193 [0] : vector<32x8000xf32> to vector<8000xf32>
    %broadcast_in_dim3A_195 = vector.shape_cast %reduce_sum3A_194 : vector<8000xf32> to vector<1x8000xf32>
    %div3A_196 = arith.constant 3.200000e+01 : f32
    %div3A_197 = vector.broadcast %div3A_196 : f32 to vector<1x8000xf32>
    %div3A_198 = arith.divf %broadcast_in_dim3A_195, %div3A_197 : vector<1x8000xf32>
    %sub3A_199 = vector.broadcast %div3A_198 : vector<1x8000xf32> to vector<32x8000xf32>
    %sub3A_200 = arith.subf %add3A_192, %sub3A_199 : vector<32x8000xf32>
    %integer_pow3A_201 = arith.mulf %sub3A_200, %sub3A_200 : vector<32x8000xf32>
    %reduce_sum3A_202 = arith.constant dense<0.000000e+00> : vector<8000xf32>
    %reduce_sum3A_203 = vector.multi_reduction <add>, %integer_pow3A_201, %reduce_sum3A_202 [0] : vector<32x8000xf32> to vector<8000xf32>
    %broadcast_in_dim3A_204 = vector.shape_cast %reduce_sum3A_203 : vector<8000xf32> to vector<1x8000xf32>
    %div3A_205 = arith.constant 3.200000e+01 : f32
    %div3A_206 = vector.broadcast %div3A_205 : f32 to vector<1x8000xf32>
    %div3A_207 = arith.divf %broadcast_in_dim3A_204, %div3A_206 : vector<1x8000xf32>
    %sub3A_208 = vector.broadcast %div3A_198 : vector<1x8000xf32> to vector<32x8000xf32>
    %sub3A_209 = arith.subf %add3A_192, %sub3A_208 : vector<32x8000xf32>
    %add3A_210 = arith.constant 9.99999974E-6 : f32
    %add3A_211 = vector.broadcast %add3A_210 : f32 to vector<1x8000xf32>
    %add3A_212 = arith.addf %div3A_207, %add3A_211 : vector<1x8000xf32>
    %rsqrt3A_213 = math.rsqrt %add3A_212 : vector<1x8000xf32>
    %mul3A_214 = vector.broadcast %rsqrt3A_213 : vector<1x8000xf32> to vector<32x8000xf32>
    %mul3A_215 = arith.mulf %sub3A_209, %mul3A_214 : vector<32x8000xf32>
    %mul3A_216 = vector.broadcast %get3A_13 : vector<32x1xf32> to vector<32x8000xf32>
    %mul3A_217 = arith.mulf %mul3A_215, %mul3A_216 : vector<32x8000xf32>
    %add3A_218 = vector.broadcast %get3A_16 : vector<32x1xf32> to vector<32x8000xf32>
    %add3A_219 = arith.addf %mul3A_217, %add3A_218 : vector<32x8000xf32>
    %max3A_220 = arith.constant 0.000000e+00 : f32
    %max3A_221 = vector.broadcast %max3A_220 : f32 to vector<32x8000xf32>
    %max3A_222 = arith.maximumf %add3A_219, %max3A_221 : vector<32x8000xf32>
    %dot_general3A_223 = arith.constant dense<0.000000e+00> : vector<1x8000xf32>
    %dot_general3A_224 = tpu.matmul %get3A_19, %max3A_222, %dot_general3A_223 {dimension_numbers = #tpu.dot_dimension_numbers<[1], [0], [0], [1], [0, 0, 1, 1], [], []>, transpose_lhs_hint = false} : vector<1x32xf32>, vector<32x8000xf32>, vector<1x8000xf32> -> vector<1x8000xf32>
    %add3A_225 = vector.broadcast %get3A_22 : vector<1x1xf32> to vector<1x8000xf32>
    %add3A_226 = arith.addf %dot_general3A_224, %add3A_225 : vector<1x8000xf32>
    %slice3A_227 = vector.extract_strided_slice %bitcast_convert_type3A_30 {offsets = [64, 0], sizes = [64, 8000], strides = [1, 1]} : vector<128x8000xf32> to vector<64x8000xf32>
    %reduce_sum3A_228 = arith.constant dense<0.000000e+00> : vector<8000xf32>
    %reduce_sum3A_229 = vector.multi_reduction <add>, %slice3A_227, %reduce_sum3A_228 [0] : vector<64x8000xf32> to vector<8000xf32>
    %broadcast_in_dim3A_230 = vector.shape_cast %reduce_sum3A_229 : vector<8000xf32> to vector<1x8000xf32>
    %div3A_231 = arith.constant 6.400000e+01 : f32
    %div3A_232 = vector.broadcast %div3A_231 : f32 to vector<1x8000xf32>
    %div3A_233 = arith.divf %broadcast_in_dim3A_230, %div3A_232 : vector<1x8000xf32>
    %sub3A_234 = vector.broadcast %div3A_233 : vector<1x8000xf32> to vector<64x8000xf32>
    %sub3A_235 = arith.subf %slice3A_227, %sub3A_234 : vector<64x8000xf32>
    %integer_pow3A_236 = arith.mulf %sub3A_235, %sub3A_235 : vector<64x8000xf32>
    %reduce_sum3A_237 = arith.constant dense<0.000000e+00> : vector<8000xf32>
    %reduce_sum3A_238 = vector.multi_reduction <add>, %integer_pow3A_236, %reduce_sum3A_237 [0] : vector<64x8000xf32> to vector<8000xf32>
    %broadcast_in_dim3A_239 = vector.shape_cast %reduce_sum3A_238 : vector<8000xf32> to vector<1x8000xf32>
    %div3A_240 = arith.constant 6.400000e+01 : f32
    %div3A_241 = vector.broadcast %div3A_240 : f32 to vector<1x8000xf32>
    %div3A_242 = arith.divf %broadcast_in_dim3A_239, %div3A_241 : vector<1x8000xf32>
    %sub3A_243 = vector.broadcast %div3A_233 : vector<1x8000xf32> to vector<64x8000xf32>
    %sub3A_244 = arith.subf %slice3A_227, %sub3A_243 : vector<64x8000xf32>
    %add3A_245 = arith.constant 9.99999974E-6 : f32
    %add3A_246 = vector.broadcast %add3A_245 : f32 to vector<1x8000xf32>
    %add3A_247 = arith.addf %div3A_242, %add3A_246 : vector<1x8000xf32>
    %rsqrt3A_248 = math.rsqrt %add3A_247 : vector<1x8000xf32>
    %mul3A_249 = vector.broadcast %rsqrt3A_248 : vector<1x8000xf32> to vector<64x8000xf32>
    %mul3A_250 = arith.mulf %sub3A_244, %mul3A_249 : vector<64x8000xf32>
    %mul3A_251 = vector.broadcast %get3A_1 : vector<64x1xf32> to vector<64x8000xf32>
    %mul3A_252 = arith.mulf %mul3A_250, %mul3A_251 : vector<64x8000xf32>
    %add3A_253 = vector.broadcast %get3A_4 : vector<64x1xf32> to vector<64x8000xf32>
    %add3A_254 = arith.addf %mul3A_252, %add3A_253 : vector<64x8000xf32>
    %max3A_255 = arith.constant 0.000000e+00 : f32
    %max3A_256 = vector.broadcast %max3A_255 : f32 to vector<64x8000xf32>
    %max3A_257 = arith.maximumf %add3A_254, %max3A_256 : vector<64x8000xf32>
    %dot_general3A_258 = arith.constant dense<0.000000e+00> : vector<32x8000xf32>
    %dot_general3A_259 = tpu.matmul %get3A_7, %max3A_257, %dot_general3A_258 {dimension_numbers = #tpu.dot_dimension_numbers<[1], [0], [0], [1], [0, 0, 1, 1], [], []>, transpose_lhs_hint = false} : vector<32x64xf32>, vector<64x8000xf32>, vector<32x8000xf32> -> vector<32x8000xf32>
    %add3A_260 = vector.broadcast %get3A_10 : vector<32x1xf32> to vector<32x8000xf32>
    %add3A_261 = arith.addf %dot_general3A_259, %add3A_260 : vector<32x8000xf32>
    %reduce_sum3A_262 = arith.constant dense<0.000000e+00> : vector<8000xf32>
    %reduce_sum3A_263 = vector.multi_reduction <add>, %add3A_261, %reduce_sum3A_262 [0] : vector<32x8000xf32> to vector<8000xf32>
    %broadcast_in_dim3A_264 = vector.shape_cast %reduce_sum3A_263 : vector<8000xf32> to vector<1x8000xf32>
    %div3A_265 = arith.constant 3.200000e+01 : f32
    %div3A_266 = vector.broadcast %div3A_265 : f32 to vector<1x8000xf32>
    %div3A_267 = arith.divf %broadcast_in_dim3A_264, %div3A_266 : vector<1x8000xf32>
    %sub3A_268 = vector.broadcast %div3A_267 : vector<1x8000xf32> to vector<32x8000xf32>
    %sub3A_269 = arith.subf %add3A_261, %sub3A_268 : vector<32x8000xf32>
    %integer_pow3A_270 = arith.mulf %sub3A_269, %sub3A_269 : vector<32x8000xf32>
    %reduce_sum3A_271 = arith.constant dense<0.000000e+00> : vector<8000xf32>
    %reduce_sum3A_272 = vector.multi_reduction <add>, %integer_pow3A_270, %reduce_sum3A_271 [0] : vector<32x8000xf32> to vector<8000xf32>
    %broadcast_in_dim3A_273 = vector.shape_cast %reduce_sum3A_272 : vector<8000xf32> to vector<1x8000xf32>
    %div3A_274 = arith.constant 3.200000e+01 : f32
    %div3A_275 = vector.broadcast %div3A_274 : f32 to vector<1x8000xf32>
    %div3A_276 = arith.divf %broadcast_in_dim3A_273, %div3A_275 : vector<1x8000xf32>
    %sub3A_277 = vector.broadcast %div3A_267 : vector<1x8000xf32> to vector<32x8000xf32>
    %sub3A_278 = arith.subf %add3A_261, %sub3A_277 : vector<32x8000xf32>
    %add3A_279 = arith.constant 9.99999974E-6 : f32
    %add3A_280 = vector.broadcast %add3A_279 : f32 to vector<1x8000xf32>
    %add3A_281 = arith.addf %div3A_276, %add3A_280 : vector<1x8000xf32>
    %rsqrt3A_282 = math.rsqrt %add3A_281 : vector<1x8000xf32>
    %mul3A_283 = vector.broadcast %rsqrt3A_282 : vector<1x8000xf32> to vector<32x8000xf32>
    %mul3A_284 = arith.mulf %sub3A_278, %mul3A_283 : vector<32x8000xf32>
    %mul3A_285 = vector.broadcast %get3A_13 : vector<32x1xf32> to vector<32x8000xf32>
    %mul3A_286 = arith.mulf %mul3A_284, %mul3A_285 : vector<32x8000xf32>
    %add3A_287 = vector.broadcast %get3A_16 : vector<32x1xf32> to vector<32x8000xf32>
    %add3A_288 = arith.addf %mul3A_286, %add3A_287 : vector<32x8000xf32>
    %max3A_289 = arith.constant 0.000000e+00 : f32
    %max3A_290 = vector.broadcast %max3A_289 : f32 to vector<32x8000xf32>
    %max3A_291 = arith.maximumf %add3A_288, %max3A_290 : vector<32x8000xf32>
    %dot_general3A_292 = arith.constant dense<0.000000e+00> : vector<1x8000xf32>
    %dot_general3A_293 = tpu.matmul %get3A_19, %max3A_291, %dot_general3A_292 {dimension_numbers = #tpu.dot_dimension_numbers<[1], [0], [0], [1], [0, 0, 1, 1], [], []>, transpose_lhs_hint = false} : vector<1x32xf32>, vector<32x8000xf32>, vector<1x8000xf32> -> vector<1x8000xf32>
    %add3A_294 = vector.broadcast %get3A_22 : vector<1x1xf32> to vector<1x8000xf32>
    %add3A_295 = arith.addf %dot_general3A_293, %add3A_294 : vector<1x8000xf32>
    %concatenate3A = tpu.concatenate %add3A_88, %add3A_157, %add3A_226, %add3A_295 in 0 : vector<1x8000xf32>, vector<1x8000xf32>, vector<1x8000xf32>, vector<1x8000xf32> -> vector<4x8000xf32>
    %get3A_296 = arith.constant 0 : index
    %get3A_297 = arith.constant 0 : index
    %get3A_298 = arith.constant 0 : index
    %get3A_299 = vector.load %arg2[%get3A_296, %get3A_297, %get3A_298] : memref<1x4x8000xf32, #tpu.memory_space<vmem>>, vector<1x4x8000xf32>
    %get3A_300 = vector.shape_cast %get3A_299 : vector<1x4x8000xf32> to vector<4x8000xf32>
    %log3A = math.log %get3A_300 : vector<4x8000xf32>
    %sub3A_301 = arith.constant 1.000000e+00 : f32
    %sub3A_302 = vector.broadcast %sub3A_301 : f32 to vector<4x8000xf32>
    %sub3A_303 = arith.subf %sub3A_302, %get3A_300 : vector<4x8000xf32>
    %log3A_304 = math.log %sub3A_303 : vector<4x8000xf32>
    %sub3A_305 = arith.subf %log3A, %log3A_304 : vector<4x8000xf32>
    %add3A_306 = arith.addf %sub3A_305, %concatenate3A : vector<4x8000xf32>
    %neg3A = arith.constant 0.000000e+00 : f32
    %neg3A_307 = vector.broadcast %neg3A : f32 to vector<4x8000xf32>
    %neg3A_308 = arith.subf %neg3A_307, %add3A_306 : vector<4x8000xf32>
    %exp3A = math.exp %neg3A_308 : vector<4x8000xf32>
    %add3A_309 = arith.constant 1.000000e+00 : f32
    %add3A_310 = vector.broadcast %add3A_309 : f32 to vector<4x8000xf32>
    %add3A_311 = arith.addf %add3A_310, %exp3A : vector<4x8000xf32>
    %div3A_312 = arith.constant 1.000000e+00 : f32
    %div3A_313 = vector.broadcast %div3A_312 : f32 to vector<4x8000xf32>
    %div3A_314 = arith.divf %div3A_313, %add3A_311 : vector<4x8000xf32>
    %get3A_315 = arith.constant 0 : index
    %get3A_316 = arith.constant 0 : index
    %get3A_317 = arith.constant 0 : index
    %get3A_318 = vector.load %arg3[%get3A_315, %get3A_316, %get3A_317] : memref<1x4x8000xf32, #tpu.memory_space<vmem>>, vector<1x4x8000xf32>
    %get3A_319 = vector.shape_cast %get3A_318 : vector<1x4x8000xf32> to vector<4x8000xf32>
    %rsqrt3A_320 = math.rsqrt %get3A_319 : vector<4x8000xf32>
    %mul3A_321 = arith.mulf %div3A_314, %rsqrt3A_320 : vector<4x8000xf32>
    %swap3A = arith.constant 0 : index
    %swap3A_322 = arith.constant 0 : index
    %swap3A_323 = arith.constant 0 : index
    %swap3A_324 = vector.load %arg12[%swap3A, %swap3A_322, %swap3A_323] : memref<1x4x8000xf32, #tpu.memory_space<vmem>>, vector<1x4x8000xf32>
    %swap3A_325 = vector.shape_cast %swap3A_324 : vector<1x4x8000xf32> to vector<4x8000xf32>
    %swap3A_326 = vector.shape_cast %mul3A_321 : vector<4x8000xf32> to vector<1x4x8000xf32>
    tpu.vector_store %arg12[%swap3A, %swap3A_322, %swap3A_323], %swap3A_326 {strides = array<i32>} : memref<1x4x8000xf32, #tpu.memory_space<vmem>>, vector<1x4x8000xf32>,
    return
  }
  func.func @transform_0(%arg0: i32) -> (i32, i32) {
    %c0_i32 = arith.constant 0 : i32
    %c0_i32_0 = arith.constant 0 : i32
    return %arg0, %c0_i32 : i32, i32
  }
  func.func @transform_1(%arg0: i32) -> (i32, i32, i32) {
    %c0_i32 = arith.constant 0 : i32
    %c0_i32_0 = arith.constant 0 : i32
    %c0_i32_1 = arith.constant 0 : i32
    return %arg0, %c0_i32, %c0_i32_0 : i32, i32, i32
  }
  func.func @transform_2(%arg0: i32) -> (i32, i32, i32) {
    %c0_i32 = arith.constant 0 : i32
    %c0_i32_0 = arith.constant 0 : i32
    %c0_i32_1 = arith.constant 0 : i32
    return %arg0, %c0_i32, %c0_i32_0 : i32, i32, i32
  }
  func.func @transform_3(%arg0: i32) -> (i32, i32) {
    %c0_i32 = arith.constant 0 : i32
    %c0_i32_0 = arith.constant 0 : i32
    %c0_i32_1 = arith.constant 0 : i32
    return %c0_i32, %c0_i32_0 : i32, i32
  }
  func.func @transform_4(%arg0: i32) -> (i32, i32) {
    %c0_i32 = arith.constant 0 : i32
    %c0_i32_0 = arith.constant 0 : i32
    %c0_i32_1 = arith.constant 0 : i32
    return %c0_i32, %c0_i32_0 : i32, i32
  }
  func.func @transform_5(%arg0: i32) -> (i32, i32) {
    %c0_i32 = arith.constant 0 : i32
    %c0_i32_0 = arith.constant 0 : i32
    %c0_i32_1 = arith.constant 0 : i32
    return %c0_i32, %c0_i32_0 : i32, i32
  }
  func.func @transform_6(%arg0: i32) -> (i32, i32) {
    %c0_i32 = arith.constant 0 : i32
    %c0_i32_0 = arith.constant 0 : i32
    %c0_i32_1 = arith.constant 0 : i32
    return %c0_i32, %c0_i32_0 : i32, i32
  }
  func.func @transform_7(%arg0: i32) -> (i32, i32) {
    %c0_i32 = arith.constant 0 : i32
    %c0_i32_0 = arith.constant 0 : i32
    %c0_i32_1 = arith.constant 0 : i32
    return %c0_i32, %c0_i32_0 : i32, i32
  }
  func.func @transform_8(%arg0: i32) -> (i32, i32) {
    %c0_i32 = arith.constant 0 : i32
    %c0_i32_0 = arith.constant 0 : i32
    %c0_i32_1 = arith.constant 0 : i32
    return %c0_i32, %c0_i32_0 : i32, i32
  }
  func.func @transform_9(%arg0: i32) -> (i32, i32) {
    %c0_i32 = arith.constant 0 : i32
    %c0_i32_0 = arith.constant 0 : i32
    %c0_i32_1 = arith.constant 0 : i32
    return %c0_i32, %c0_i32_0 : i32, i32
  }
  func.func @transform_10(%arg0: i32) -> (i32, i32) {
    %c0_i32 = arith.constant 0 : i32
    %c0_i32_0 = arith.constant 0 : i32
    %c0_i32_1 = arith.constant 0 : i32
    return %c0_i32, %c0_i32_0 : i32, i32
  }
  func.func @transform_11(%arg0: i32) -> (i32, i32, i32) {
    %c0_i32 = arith.constant 0 : i32
    %c0_i32_0 = arith.constant 0 : i32
    %c0_i32_1 = arith.constant 0 : i32
    return %arg0, %c0_i32, %c0_i32_0 : i32, i32, i32
  }
}

</mosaic_0001>

<sc_bundles>
// kernel: kernel.5.cloned.1.call-start
scs
__scs_entry_jumppad:
0x0: {  	(pc) =	sbr.rel $0x88, $3  }
0x1: {  	(tag) =	ssettag $0x0;
	lr =	simm.s32 $0x1  }
0x2: {  	[smem:$0x3F95] =	sst lr;
	_ =	strace $0xD0000000  }
0x3: {  	_ = 	snop  }
0x4: {  	_ = 	snop  }
0x5: {  	_ = 	snop  }
0x6: {  	_ = 	snop  }
0x7: {  	_ = 	snop  }
__scs_overlays_trampoline_lowered:
0x8: {  	[smem:$0x3FA4] =	sst s0  }
0x9: {  	[smem:$0x3FA5] =	sst s1  }
0xa: {  	[smem:$0x3FA6] =	sst s2  }
0xb: {  	[smem:$0x3FA7] =	sst s3  }
0xc: {  	[smem:$0x3FA8] =	sst s4  }
0xd: {  	[smem:$0x3FA9] =	sst s5  }
0xe: {  	[smem:$0x3FAA] =	sst s6  }
0xf: {  	[smem:$0x3FAB] =	sst s7  }
0x10: {  	[smem:$0x3FAC] =	sst s8  }
0x11: {  	[smem:$0x3FAD] =	sst s9;
	s0 =	simm.s32 @!p0 $0x0  }
0x12: {  	s1 =	sld [smem:$0x3F93];
	s0 =	simm.s32 @p0 $0x1  }
0x13: {  	[smem:$0x3FAE] =	sst s0;
	s0 =	simm.s32 @!p1 $0x0  }
0x14: {  	s2 =	sld [smem:$0x3F92];
	s0 =	simm.s32 @p1 $0x1  }
0x15: {  	[smem:$0x3FAF] =	sst s0;
	s0 =	simm.s32 @!p2 $0x0  }
0x16: {  	s3 =	sld [smem:$0x3FDB];
	s0 =	simm.s32 @p2 $0x1  }
0x17: {  	s4 =	simm.s32 $0x1BF5;
	[smem:$0x3FB1] =	sst s0  }
0x18: {  	s0 =	sld [smem:$0x3F94];
	_ =	swait.ge [sflag:s4], $0x0  }
0x19: {  	s7 =	sld [smem:$0x3F95]  }
0x1a: {  	s8 =	sadd.s32 $0xFFFFE003, lr  }
0x1b: {  	s9 =	sadd.s32 $0xFFFFFEF7, lr;
	s5 =	simm.s32 $0xFFFFFFFF;
	p2 =	slt.u32 s8, $0xFFFFF086  }
0x1c: {  	p1 =	slt.u32 s9, $0xF7A;
	s5 =	simm.s32 @!p2 $0x0  }
0x1d: {  	s5 =	simm.s32 @p1 $0x1;
	p0 =	seq.s32 s7, s2  }
0x1e: {  	s7 =	smul.u32 @!p0 $0xF7A, s2;
	p2 =	seq.s32 @!p0 s5, $0x0  }
0x1f: {  	s9 =	smul.u32 $0xF7A, s1;
	s8 =	simm.s32 @!p0 $0x1BF5;
	p2 =	por !p2, p0  }
0x20: {  	[sflag:s8] =	ssyncset.s32 @!p0 $0xFFFFF086;
	s6 =	sadd.s32 @!p0 s3, s7;
	s7 =	simm.s32 @!p0 $0x108  }
0x21: {  	s3 =	sadd.s32 s3, s9;
	s6 =	sadd.s32 @!p0 $0x88, s6;
	s7 =	simm.s32 @p2 $0x1082  }
0x22: {  	[simem:s7], [sflag:s8] =	dma.local @!p0 [hbm:s6], $0xF7A  }
0x23: {  	s9 =	sor.u32 $0xD0000000, s2;
	s6 =	simm.s32 $0x108;
	_ =	swait.ge @!p0 [sflag:s8], $0x0  }
0x24: {  	s3 =	sadd.s32 $0x88, s3;
	s6 =	simm.s32 @!p1 $0x1082;
	[sflag:s4] =	ssyncset.s32 $0xFFFFF086  }
0x25: {  	[simem:s6], [sflag:s4] =	dma.local [hbm:s3], $0xF7A  }
0x26: {  	[smem:$0x3F95] =	sst s1;
	(tag) =	ssettag s2;
	_ =	strace s9  }
0x27: {  	s1 =	sld [smem:$0x3FA5]  }
0x28: {  	s2 =	sld [smem:$0x3FA6]  }
0x29: {  	s4 =	sld [smem:$0x3FA8]  }
0x2a: {  	p0 =	seq.s32 s5, $0x0;
	s5 =	sld [smem:$0x3FA9]  }
0x2b: {  	s6 =	sld [smem:$0x3FAA]  }
0x2c: {  	s7 =	sld [smem:$0x3FAB]  }
0x2d: {  	s3 =	simm.s32 $0x108;
	s8 =	sld [smem:$0x3FAC]  }
0x2e: {  	s3 =	simm.s32 @!p0 $0x1082;
	s9 =	sld [smem:$0x3FAD]  }
0x2f: {  	lr =	sadd.s32 s0, s3;
	s0 =	sld [smem:$0x3FA4]  }
0x30: {  	s3 =	sld [smem:$0x3FA7]  }
0x31: {  	[smem:$0x3FB0] =	sst s10  }
0x32: {  	s10 =	sld [smem:$0x3FAE];
	_ =	sdelay $0x3  }
0x33: {  	p0 =	seq.s32 s10, $0x1;
	s10 =	sld [smem:$0x3FB0];
	_ =	sdelay $0x3  }
0x34: {  	[smem:$0x3FB0] =	sst s10  }
0x35: {  	s10 =	sld [smem:$0x3FAF];
	_ =	sdelay $0x3  }
0x36: {  	p1 =	seq.s32 s10, $0x1;
	s10 =	sld [smem:$0x3FB0];
	_ =	sdelay $0x3  }
0x37: {  	[smem:$0x3FB0] =	sst s10  }
0x38: {  	s10 =	sld [smem:$0x3FB1]  }
0x39: {  	_ = 	snop;
	(pc) =	sbr.ind lr, $3  }
0x3a: {  	_ = 	snop  }
0x3b: {  	_ = 	snop  }
0x3c: {  	p2 =	seq.s32 s10, $0x1;
	s10 =	sld [smem:$0x3FB0]  }
0x3d: {  	_ =	shalt  }
0x3e: {  	_ =	shalt  }
0x3f: {  	_ =	shalt  }
0x40: {  	_ =	shalt  }
0x41: {  	_ =	shalt  }
0x42: {  	_ =	shalt  }
0x43: {  	_ =	shalt  }
0x44: {  	_ =	shalt  }
0x45: {  	_ =	shalt  }
0x46: {  	_ =	shalt  }
0x47: {  	_ =	shalt  }
0x48: {  	_ =	shalt  }
0x49: {  	_ =	shalt  }
0x4a: {  	_ =	shalt  }
0x4b: {  	_ =	shalt  }
0x4c: {  	_ =	shalt  }
0x4d: {  	_ =	shalt  }
0x4e: {  	_ =	shalt  }
0x4f: {  	_ =	shalt  }
0x50: {  	_ =	shalt  }
0x51: {  	_ =	shalt  }
0x52: {  	_ =	shalt  }
0x53: {  	_ =	shalt  }
0x54: {  	_ =	shalt  }
0x55: {  	_ =	shalt  }
0x56: {  	_ =	shalt  }
0x57: {  	_ =	shalt  }
0x58: {  	_ =	shalt  }
0x59: {  	_ =	shalt  }
0x5a: {  	_ =	shalt  }
0x5b: {  	_ =	shalt  }
0x5c: {  	_ =	shalt  }
0x5d: {  	_ =	shalt  }
0x5e: {  	_ =	shalt  }
0x5f: {  	_ =	shalt  }
0x60: {  	_ =	shalt  }
0x61: {  	_ =	shalt  }
0x62: {  	_ =	shalt  }
0x63: {  	_ =	shalt  }
0x64: {  	_ =	shalt  }
0x65: {  	_ =	shalt  }
0x66: {  	_ =	shalt  }
0x67: {  	_ =	shalt  }
0x68: {  	_ =	shalt  }
0x69: {  	_ =	shalt  }
0x6a: {  	_ =	shalt  }
0x6b: {  	_ =	shalt  }
0x6c: {  	_ =	shalt  }
0x6d: {  	_ =	shalt  }
0x6e: {  	_ =	shalt  }
0x6f: {  	_ =	shalt  }
0x70: {  	_ =	shalt  }
0x71: {  	_ =	shalt  }
0x72: {  	_ =	shalt  }
0x73: {  	_ =	shalt  }
0x74: {  	_ =	shalt  }
0x75: {  	_ =	shalt  }
0x76: {  	_ =	shalt  }
0x77: {  	_ =	shalt  }
0x78: {  	_ =	shalt  }
0x79: {  	_ =	shalt  }
0x7a: {  	_ =	shalt  }
0x7b: {  	_ =	shalt  }
0x7c: {  	_ =	shalt  }
0x7d: {  	_ =	shalt  }
0x7e: {  	_ =	shalt  }
0x7f: {  	_ =	shalt  }
0x80: {  	_ =	shalt  }
0x81: {  	_ =	shalt  }
0x82: {  	_ =	shalt  }
0x83: {  	_ =	shalt  }
0x84: {  	_ =	shalt  }
0x85: {  	_ =	shalt  }
0x86: {  	_ =	shalt  }
0x87: {  	_ =	shalt  }
.Lfunc_end0:
.L_simem_size_0:
called_computation_lowered:
.L_overlay_start_0:
0x88: {  	s2 =	sld [smem:$0x3FD9]  }
0x89: {  	s3 =	sld [smem:$0x3FFE];
	_ =	sdelay $0x1  }
0x8a: {  	s1 =	srdreg.scid  }
0x8b: {  	s0 =	sand.u32 $0x1, s1  }
0x8c: {  	s17 =	sshll.u32 s0, $0xA;
	s2 =	sadd.s32 s3, s2  }
0x8d: {  	s2 =	sadd.s32 s2, s17  }
0x8e: {  	[smem:$0x3FBC] =	sst s2  }
0x8f: {  	_ = 	snop  }
0x90: {  	s2 =	sld [smem:$0x3FD0];
	(tm) =	ssettm $0x1  }
0x91: {  	s18 =	sld [smem:$0x3FFB];
	_ =	sdelay $0x3  }
0x92: {  	_ =	strace s18  }
0x93: {  	s3 =	sld [smem:$0x3FFC];
	_ =	sdelay $0x3  }
0x94: {  	_ =	strace s3  }
0x95: {  	s3 =	sld [smem:$0x3FFD];
	_ =	sdelay $0x3  }
0x96: {  	_ =	strace s3  }
0x97: {  	_ =	strace $0x8FFFFFFF  }
0x98: {  	s19 =	sld [smem:$0x3FDB];
	_ =	sdelay $0x1  }
0x99: {  	s4 =	simm.s32 $_scs_section_size  }
0x9a: {  	s5 =	simm.s32 $_size__tile_overlayer_lowered;
	s6 =	simm.s32 $_tile_overlayer_lowered  }
0x9b: {  	s22 =	simm.s32 $0x1BFF;
	s21 =	sshll.u32 s6, $0x1;
	s3 =	sadd.s32 s4, s19  }
0x9c: {  	s7 =	simm.s32 $0x0;
	s20 =	sshll.u32 s5, $0x1;
	s5 =	sadd.s32 s21, s3  }
0x9d: {  	[timem:s7], [sflag:s22] =	dma.local [hbm:s5], s20  }
0x9e: {  	_ =	swait.ge [sflag:s22], s20  }
0x9f: {  	s4 =	ssub.s32 $0x0, s20;
	[sflag:s22] =	ssyncset.done $0x0  }
0xa0: {  	[sflag:s22] =	ssyncadd.s32 s4;
	_ =	sdelay $0x1  }
0xa1: {  	s23 =	simm.s32 $0x1B8B  }
0xa2: {  	_ =	swait.ge [sflag:s23], $0x1  }
0xa3: {  	[sflag:s23] =	ssyncset.done $0x0  }
0xa4: {  	s25 =	simm.s32 $0x1B8E;
	s24 =	sld [smem:$0x3FFE];
	[sflag:s23] =	ssyncadd.s32 $0xFFFFFFFF  }
0xa5: {  	s26 =	simm.s32 $execute0_lowered;
	[smem:$0x3FD2] =	sst s25  }
0xa6: {  	s5 =	sshll.u32 s26, $0x1;
	_ =	strace $0x80000046;
	[dreg:$0x1] =	wrdreg $0xFFFFFFFF  }
0xa7: {  	s28 =	simm.s32 $_size_execute0_lowered;
	s3 =	sadd.s32 s3, s5;
	[dreg:$0x0] =	wrdreg $0x0  }
0xa8: {  	s5 =	sshll.u32 s28, $0x1;
	[dreg:$0x2] =	wrdreg s3  }
0xa9: {  	[dreg:$0x3] =	wrdreg s5  }
0xaa: {  	[dreg:$0x4] =	wrdreg $0xC0  }
0xab: {  	_ =	task [dreg:s7], $0x5FFFF  }
0xac: {  	[dreg:$0x1] =	wrdreg $0xFFFFFFFF  }
0xad: {  	[dreg:$0x0] =	wrdreg $0x60  }
0xae: {  	[dreg:$0x2] =	wrdreg s24  }
0xaf: {  	[dreg:$0x3] =	wrdreg s2  }
0xb0: {  	[dreg:$0x4] =	wrdreg $0x17F800  }
0xb1: {  	[dreg:$0x5] =	wrdreg $0x1A7800  }
0xb2: {  	[dreg:$0x6] =	wrdreg $0x1CF800  }
0xb3: {  	[dreg:$0x7] =	wrdreg $0x1D2000  }
0xb4: {  	[dreg:$0x8] =	wrdreg $0x9  }
0xb5: {  	_ =	task.clear_ibuf [dreg:s7], $0x9FFFF;
	_ =	strace $0x90000046  }
0xb6: {  	s29 =	simm.s32 $0x9;
	_ =	strace $0x80000048  }
0xb7: {  	_ =	swait.ge [sflag:s29], $0x1  }
0xb8: {  	[sflag:s29] =	ssyncadd.s32 $0xFFFFFFFF  }
0xb9: {  	_ =	strace $0x90000048  }
0xba: {  	_ =	sfence  }
0xbb: {  	s30 =	sld [smem:$0x0];
	_ =	sdelay $0x2  }
0xbc: {  	s31 =	sshll.u32 s1, $0xD;
	s1 =	sshrl.u32 s1, $0x2  }
0xbd: {  	s3 =	sand.u32 $0x4000, s31;
	s1 =	sadd.s32 s1, s30  }
0xbe: {  	s0 =	sor.u32 s3, s0;
	s1 =	sshll.u32 s1, $0x11  }
0xbf: {  	s0 =	sor.u32 s1, s0  }
0xc0: {  	s0 =	sadd.s32 $0x8F2B, s0  }
0xc1: {  	[sflag:s0] =	ssyncadd.remote.s32 $0x1  }
0xc2: {  	_ =	sfence.sel $0xFFFF  }
0xc3: {  	[dreg:$0x0] =	wrdreg $0xFFFFFFFF;
	(pc) =	sbr.abs _section_cstart, $3  }
0xc4: {  	[dreg:$0x1] =	wrdreg $0xFFFFFFFF  }
0xc5: {  	_ =	task.clear_ibuf [dreg:s7], $0x2FFFF;
	_ =	strace $0x9FFFFFFF  }
0xc6: {  	(tm) =	ssettm $0x7FFFFFFF  }
0xc7: {  	_ =	shalt  }
tec
execute0_lowered:
.L_overlay_start_1:
0x0: {  	(tag) =	ssettag $0x1  }
0x1: {  	s1 =	rddreg [dreg:$0x0]  }
0x2: {  	s9 =	rddreg [dreg:$0x1]  }
0x3: {  	s3 =	rddreg [dreg:$0x2]  }
0x4: {  	s0 =	rddreg [dreg:$0x3]  }
0x5: {  	s25 =	rddreg [dreg:$0x4]  }
0x6: {  	s26 =	rddreg [dreg:$0x5]  }
0x7: {  	s4 =	simm.s32 $0x0;
	s2 =	srdreg.scid;
	s15 =	stileid.u32  }
0x8: {  	[smem:$0x7FF] =	sst s4;
	s11 =	smul.u32 $0x4E20, s15  }
0x9: {  	s2 =	sand.u32 $0x1, s2;
	s5 =	sshll.u32 s15, $0x1;
	s14 =	smul.u32 $0x9C4, s15  }
0xa: {  	s10 =	sadd.s32 $0x1400, s1;
	s7 =	sadd.s32 $0x3C200, s1;
	s23 =	smul.u32 $0x2800, s15  }
0xb: {  	_ =	strace $0x80000047;
	s8 =	sor.u32 s2, s5;
	s5 =	sadd.s32 $0xB200, s1  }
0xc: {  	s2 =	ssub.s32 $0x2, s2;
	s6 =	smul.u32 $0x2710, s8;
	s22 =	sadd.s32 s10, s14  }
0xd: {  	s11 =	sshrl.u32 s11, $0x3;
	s14 =	sadd.s32 s9, s14;
	[dreg:$0x7] =	wrdreg s22  }
0xe: {  	s29 =	sadd.s32 s23, s3;
	s11 =	sadd.s32 $0x4E2, s11;
	[dreg:$0x8] =	wrdreg s14  }
0xf: {  	s14 =	smul.u32 $0x280, s15;
	[dreg:$0xb] =	wrdreg s29;
	s15 =	sadd.s32 s23, s0  }
0x10: {  	s13 =	sshrl.u32 s2, $0x1;
	s24 =	sadd.s32 s10, s11;
	[dreg:$0xc] =	wrdreg s15  }
0x11: {  	s2 =	ssub.s32 s2, s13;
	s11 =	sadd.s32 s9, s11;
	[dreg:$0x9] =	wrdreg s24  }
0x12: {  	s12 =	sshrl.u32 s6, $0x3;
	[dreg:$0xa] =	wrdreg s11;
	s16 =	sadd.s32 s14, s3  }
0x13: {  	s1 =	sadd.s32 s12, s1;
	s10 =	sadd.s32 s10, s12;
	[dreg:$0xd] =	wrdreg s16  }
0x14: {  	s11 =	sadd.s32 $0x2800, s14;
	s9 =	sadd.s32 s9, s12;
	[dreg:$0xe] =	wrdreg s10  }
0x15: {  	s13 =	sadd.s32 $0x5000, s14;
	[dreg:$0xf] =	wrdreg s9;
	s17 =	sadd.s32 s11, s3  }
0x16: {  	s12 =	sadd.s32 $0xC800, s14;
	s18 =	sadd.s32 s13, s3;
	[dreg:$0x10] =	wrdreg s17  }
0x17: {  	s15 =	sadd.s32 $0xF000, s14;
	s20 =	sadd.s32 s12, s3;
	[dreg:$0x11] =	wrdreg s18  }
0x18: {  	s21 =	sadd.s32 s15, s3;
	[dreg:$0x14] =	wrdreg s20  }
0x19: {  	s11 =	sadd.s32 s11, s0;
	[dreg:$0x15] =	wrdreg s21  }
0x1a: {  	s9 =	sadd.s32 $0x7800, s14;
	s13 =	sadd.s32 s13, s0;
	[dreg:$0x1f] =	wrdreg s11  }
0x1b: {  	s10 =	sadd.s32 $0xA000, s14;
	s19 =	sadd.s32 s9, s3;
	[smem:$0x7EA] =	sst s13  }
0x1c: {  	s16 =	sadd.s32 s10, s3;
	[dreg:$0x12] =	wrdreg s19  }
0x1d: {  	s17 =	sor.u32 $0x14000, s14;
	s11 =	sadd.s32 s15, s0;
	[dreg:$0x13] =	wrdreg s16  }
0x1e: {  	s18 =	sadd.s32 $0x16800, s14;
	s22 =	sadd.s32 s17, s3;
	[smem:$0x7EE] =	sst s11  }
0x1f: {  	s20 =	sadd.s32 $0x1B800, s14;
	s23 =	sadd.s32 s18, s3;
	[dreg:$0x17] =	wrdreg s22  }
0x20: {  	s21 =	sadd.s32 $0x1E000, s14;
	s24 =	sadd.s32 s20, s3;
	[dreg:$0x18] =	wrdreg s23  }
0x21: {  	s29 =	sadd.s32 s21, s3;
	[dreg:$0x1a] =	wrdreg s24  }
0x22: {  	s13 =	sadd.s32 s17, s0;
	[dreg:$0x1b] =	wrdreg s29  }
0x23: {  	s30 =	simm.s32 $0x2800;
	s15 =	sadd.s32 s18, s0;
	[smem:$0x7F0] =	sst s13  }
0x24: {  	s16 =	sadd.s32 $0x11800, s14;
	s17 =	sadd.s32 s20, s0;
	[smem:$0x7F1] =	sst s15  }
0x25: {  	s31 =	simm.s32 $0x9F00;
	s19 =	sadd.s32 s16, s3;
	[smem:$0x7F3] =	sst s17  }
0x26: {  	s18 =	smul.u32 $0x4E200, s8;
	s29 =	sadd.s32 s9, s0;
	[dreg:$0x16] =	wrdreg s19  }
0x27: {  	s8 =	simm.s32 $0x11C00;
	s9 =	sadd.s32 s10, s0;
	[smem:$0x7EB] =	sst s29  }
0x28: {  	s11 =	simm.s32 $0x14400;
	s10 =	sadd.s32 s12, s0;
	[smem:$0x7EC] =	sst s9  }
0x29: {  	s23 =	sadd.s32 $0x23000, s14;
	s12 =	sadd.s32 s16, s0;
	[smem:$0x7ED] =	sst s10  }
0x2a: {  	s19 =	sadd.s32 $0x19000, s14;
	[smem:$0x7EF] =	sst s12;
	s29 =	smax.u32 s2, $0x1  }
0x2b: {  	s24 =	sadd.s32 $0x25800, s14;
	s22 =	sadd.s32 s19, s3;
	[smem:$0x7FD] =	sst s29  }
0x2c: {  	s13 =	simm.s32 $0x4;
	s16 =	sadd.s32 s19, s0;
	[dreg:$0x19] =	wrdreg s22  }
0x2d: {  	s15 =	simm.s32 $0x5;
	s19 =	sadd.s32 s21, s0;
	[smem:$0x7F2] =	sst s16  }
0x2e: {  	s21 =	sadd.s32 s23, s0;
	s22 =	sadd.s32 $0x20800, s14;
	[smem:$0x7F4] =	sst s19  }
0x2f: {  	s17 =	simm.s32 $0x0;
	[smem:$0x7F6] =	sst s21;
	s28 =	sadd.s32 s22, s3  }
0x30: {  	s2 =	simm.s32 $0xA400;
	s20 =	sadd.s32 s22, s0;
	[dreg:$0x1c] =	wrdreg s28  }
0x31: {  	s9 =	simm.s32 $0x1;
	s22 =	sadd.s32 s24, s0;
	[smem:$0x7F5] =	sst s20  }
0x32: {  	s10 =	simm.s32 $0x3;
	s0 =	sadd.s32 s14, s0;
	[smem:$0x7F7] =	sst s22  }
0x33: {  	s12 =	simm.s32 $0x2;
	s28 =	sadd.s32 s23, s3;
	[smem:$0x7F8] =	sst s0  }
0x34: {  	s21 =	simm.s32 $0x5000;
	s3 =	sadd.s32 s24, s3;
	[dreg:$0x1d] =	wrdreg s28  }
0x35: {  	s23 =	sshrl.u32 s18, $0x3;
	s24 =	sadd.s32 s14, s25;
	[dreg:$0x1e] =	wrdreg s3  }
0x36: {  	s25 =	sadd.s32 s14, s26;
	s26 =	sadd.s32 $0x32400, s1;
	[smem:$0x7F9] =	sst s24  }
0x37: {  	s22 =	simm.s32 $0x7780;
	s1 =	simm.s32 $0xF400;
	[smem:$0x7FA] =	sst s25  }
0x38: {  	s14 =	simm.s32 $0x14E00;
	s0 =	sadd.s32 s7, s23;
	[smem:$0x7FC] =	sst s26  }
0x39: {  	s28 =	simm.s32 $0x7;
	s23 =	simm.s32 $0xA180;
	s0 =	sadd.s32 $0x9B00, s0  }
0x3a: {  	v0 =	vimm.f32 $0.0e+00;
	v1 =	vimm.f32 $1.000000000e+00;
	s3 =	simm.s32 $0xCC00;
	[smem:$0x7FB] =	sst s0;
	s0 =	simm.s32 $0x50  }
.LBB2_1:
0x3b: {  	s16 =	simm.s32 $0x40  }
0x3c: {  	[tilespmem:s16+$0x30] =	vst v0  }
0x3d: {  	[tilespmem:s16+$0xFFFFFFF0] =	vst v0  }
0x3e: {  	[tilespmem:s16+$0xFFFFFFC0] =	vst v0  }
0x3f: {  	[tilespmem:s16+$0xFFFFFFE0] =	vst v0  }
0x40: {  	[tilespmem:s16+$0x10] =	vst v0  }
0x41: {  	[tilespmem:s16+$0x20] =	vst v0  }
0x42: {  	[tilespmem:s16+$0x0] =	vst v0  }
0x43: {  	s18 =	simm.s32 $0x2840;
	[tilespmem:s16+$0xFFFFFFD0] =	vst v0  }
0x44: {  	[tilespmem:s18+$0xFFFFFFC0] =	vst v0  }
0x45: {  	[tilespmem:s18+$0x30] =	vst v0  }
0x46: {  	[tilespmem:s18+$0x20] =	vst v0  }
0x47: {  	[tilespmem:s18+$0x10] =	vst v0  }
0x48: {  	[tilespmem:s18+$0xFFFFFFE0] =	vst v0  }
0x49: {  	[tilespmem:s18+$0x0] =	vst v0  }
0x4a: {  	s19 =	simm.s32 $0x0;
	[tilespmem:s18+$0xFFFFFFF0] =	vst v0  }
.LBB2_2:
0x4b: {  	s19 =	sadd.s32 $0x8, s19;
	[tilespmem:s18+$0xFFFFFFD0] =	vst v0;
	s16 =	sadd.s32 $0x80, s16;
	s18 =	sadd.s32 $0x80, s18  }
0x4c: {  	[tilespmem:s16+$0x30] =	vst v0;
	p0 =	slt.u32 s19, $0x278  }
0x4d: {  	[tilespmem:s16+$0xFFFFFFF0] =	vst v0  }
0x4e: {  	[tilespmem:s16+$0xFFFFFFC0] =	vst v0  }
0x4f: {  	[tilespmem:s18+$0xFFFFFFC0] =	vst v0  }
0x50: {  	[tilespmem:s18+$0x30] =	vst v0  }
0x51: {  	[tilespmem:s16+$0xFFFFFFE0] =	vst v0  }
0x52: {  	[tilespmem:s16+$0x10] =	vst v0  }
0x53: {  	[tilespmem:s16+$0x20] =	vst v0  }
0x54: {  	[tilespmem:s18+$0x20] =	vst v0  }
0x55: {  	[tilespmem:s18+$0x10] =	vst v0  }
.Ltmp0:
0x56: {  	[tilespmem:s18+$0xFFFFFFE0] =	vst v0;
	(pc) =	sbr.rel @p0 .LBB2_2-.Ltmp0, $4  }
0x57: {  	[tilespmem:s16+$0x0] =	vst v0  }
0x58: {  	[tilespmem:s18+$0x0] =	vst v0  }
0x59: {  	[tilespmem:s18+$0xFFFFFFF0] =	vst v0  }
0x5a: {  	[tilespmem:s16+$0xFFFFFFD0] =	vst v0  }
0x5b: {  	[tilespmem:s18+$0xFFFFFFD0] =	vst v0  }
0x5c: {  	s16 =	rddreg [dreg:$0x7]  }
0x5d: {  	[tilespmem:s21], [sflag:$0x7] =	stream.linear.gather [hbm4b:s16+s4], $0x2710, $0x38;
	[tilespmem:$0x1D480] =	vst v63  }
0x5e: {  	_ =	swait.ge [sflag:s28], $0x2710  }
0x5f: {  	[sflag:s28] =	ssyncset.done $0x0  }
0x60: {  	s29 =	rddreg [dreg:$0x8];
	[sflag:s28] =	ssyncadd.s32 $0xFFFFD8F0  }
0x61: {  	[tilespmem:s22], [sflag:$0x7] =	stream.linear.gather [hbm4b:s29+s4], $0x2710, $0x38;
	[tilespmem:$0x1D480] =	vst v63  }
0x62: {  	_ =	swait.ge [sflag:s28], $0x2710  }
0x63: {  	s18 =	simm.s32 $0x5040;
	[sflag:s28] =	ssyncset.done $0x0  }
0x64: {  	s19 =	simm.s32 $0x77C0;
	s16 =	simm.s32 $0xFFFFFFF8;
	[sflag:s28] =	ssyncadd.s32 $0xFFFFD8F0  }
.LBB2_4:
0x65: {  	v2 =	vld [tilespmem:s18+$0xFFFFFFC0];
	_ =	sdelay $0x7  }
0x66: {  	[tilespmem:v2+s4+$0x0] =	vst.idx.add.f32.msk $0xffff, v1  }
0x67: {  	v2 =	vld [tilespmem:s19+$0xFFFFFFC0];
	_ =	sdelay $0x7  }
0x68: {  	[tilespmem:v2+s30+$0x0] =	vst.idx.add.f32.msk $0xffff, v1  }
0x69: {  	v2 =	vld [tilespmem:s18+$0xFFFFFFD0];
	_ =	sdelay $0x7  }
0x6a: {  	[tilespmem:v2+s4+$0x0] =	vst.idx.add.f32.msk $0xffff, v1  }
0x6b: {  	v2 =	vld [tilespmem:s19+$0xFFFFFFD0];
	_ =	sdelay $0x7  }
0x6c: {  	[tilespmem:v2+s30+$0x0] =	vst.idx.add.f32.msk $0xffff, v1  }
0x6d: {  	v2 =	vld [tilespmem:s18+$0xFFFFFFE0];
	_ =	sdelay $0x7  }
0x6e: {  	[tilespmem:v2+s4+$0x0] =	vst.idx.add.f32.msk $0xffff, v1  }
0x6f: {  	v2 =	vld [tilespmem:s19+$0xFFFFFFE0];
	_ =	sdelay $0x7  }
0x70: {  	[tilespmem:v2+s30+$0x0] =	vst.idx.add.f32.msk $0xffff, v1  }
0x71: {  	v2 =	vld [tilespmem:s18+$0xFFFFFFF0];
	_ =	sdelay $0x7  }
0x72: {  	[tilespmem:v2+s4+$0x0] =	vst.idx.add.f32.msk $0xffff, v1  }
0x73: {  	v2 =	vld [tilespmem:s19+$0xFFFFFFF0];
	_ =	sdelay $0x7  }
0x74: {  	[tilespmem:v2+s30+$0x0] =	vst.idx.add.f32.msk $0xffff, v1  }
0x75: {  	v2 =	vld [tilespmem:s18+$0x0];
	_ =	sdelay $0x7  }
0x76: {  	[tilespmem:v2+s4+$0x0] =	vst.idx.add.f32.msk $0xffff, v1  }
0x77: {  	v2 =	vld [tilespmem:s19+$0x0];
	_ =	sdelay $0x7  }
0x78: {  	[tilespmem:v2+s30+$0x0] =	vst.idx.add.f32.msk $0xffff, v1  }
0x79: {  	v2 =	vld [tilespmem:s18+$0x10];
	_ =	sdelay $0x7  }
0x7a: {  	[tilespmem:v2+s4+$0x0] =	vst.idx.add.f32.msk $0xffff, v1  }
0x7b: {  	v2 =	vld [tilespmem:s19+$0x10];
	_ =	sdelay $0x7  }
0x7c: {  	[tilespmem:v2+s30+$0x0] =	vst.idx.add.f32.msk $0xffff, v1  }
0x7d: {  	v2 =	vld [tilespmem:s18+$0x20];
	_ =	sdelay $0x7  }
0x7e: {  	[tilespmem:v2+s4+$0x0] =	vst.idx.add.f32.msk $0xffff, v1  }
0x7f: {  	v2 =	vld [tilespmem:s19+$0x20];
	_ =	sdelay $0x7  }
0x80: {  	[tilespmem:v2+s30+$0x0] =	vst.idx.add.f32.msk $0xffff, v1  }
0x81: {  	v2 =	vld [tilespmem:s18+$0x30];
	_ =	sdelay $0x7  }
0x82: {  	[tilespmem:v2+s4+$0x0] =	vst.idx.add.f32.msk $0xffff, v1  }
0x83: {  	v2 =	vld [tilespmem:s19+$0x30];
	_ =	sdelay $0x1  }
0x84: {  	s16 =	sadd.s32 $0x8, s16  }
0x85: {  	p0 =	slt.u32 s16, $0x268  }
.Ltmp1:
0x86: {  	_ = 	snop;
	(pc) =	sbr.rel @p0 .LBB2_4-.Ltmp1, $2  }
0x87: {  	_ =	sdelay $0x2  }
0x88: {  	s18 =	sadd.s32 $0x80, s18;
	s19 =	sadd.s32 $0x80, s19;
	[tilespmem:v2+s30+$0x0] =	vst.idx.add.f32.msk $0xffff, v1  }
0x89: {  	v2 =	vld [tilespmem:$0x7700];
	_ =	sdelay $0x7  }
0x8a: {  	[tilespmem:v2+s4+$0x0] =	vst.idx.add.f32.msk $0xffff, v1  }
0x8b: {  	v2 =	vld [tilespmem:$0x9E80];
	_ =	sdelay $0x7  }
0x8c: {  	s16 =	rddreg [dreg:$0x9];
	[tilespmem:v2+s30+$0x0] =	vst.idx.add.f32.msk $0xffff, v1  }
0x8d: {  	[tilespmem:s21], [sflag:$0x7] =	stream.linear.gather [hbm4b:s16+s4], $0x2710, $0x38;
	[tilespmem:$0x1D480] =	vst v63  }
0x8e: {  	_ =	swait.ge [sflag:s28], $0x2710  }
0x8f: {  	[sflag:s28] =	ssyncset.done $0x0  }
0x90: {  	s29 =	rddreg [dreg:$0xa];
	[sflag:s28] =	ssyncadd.s32 $0xFFFFD8F0  }
0x91: {  	[tilespmem:s22], [sflag:$0x7] =	stream.linear.gather [hbm4b:s29+s4], $0x2710, $0x38;
	[tilespmem:$0x1D480] =	vst v63  }
0x92: {  	_ =	swait.ge [sflag:s28], $0x2710  }
0x93: {  	s18 =	simm.s32 $0x5040;
	[sflag:s28] =	ssyncset.done $0x0  }
0x94: {  	s19 =	simm.s32 $0x77C0;
	s16 =	simm.s32 $0xFFFFFFF8;
	[sflag:s28] =	ssyncadd.s32 $0xFFFFD8F0  }
.LBB2_6:
0x95: {  	v2 =	vld [tilespmem:s18+$0xFFFFFFC0];
	_ =	sdelay $0x7  }
0x96: {  	[tilespmem:v2+s4+$0x0] =	vst.idx.add.f32.msk $0xffff, v1  }
0x97: {  	v2 =	vld [tilespmem:s19+$0xFFFFFFC0];
	_ =	sdelay $0x7  }
0x98: {  	[tilespmem:v2+s30+$0x0] =	vst.idx.add.f32.msk $0xffff, v1  }
0x99: {  	v2 =	vld [tilespmem:s18+$0xFFFFFFD0];
	_ =	sdelay $0x7  }
0x9a: {  	[tilespmem:v2+s4+$0x0] =	vst.idx.add.f32.msk $0xffff, v1  }
0x9b: {  	v2 =	vld [tilespmem:s19+$0xFFFFFFD0];
	_ =	sdelay $0x7  }
0x9c: {  	[tilespmem:v2+s30+$0x0] =	vst.idx.add.f32.msk $0xffff, v1  }
0x9d: {  	v2 =	vld [tilespmem:s18+$0xFFFFFFE0];
	_ =	sdelay $0x7  }
0x9e: {  	[tilespmem:v2+s4+$0x0] =	vst.idx.add.f32.msk $0xffff, v1  }
0x9f: {  	v2 =	vld [tilespmem:s19+$0xFFFFFFE0];
	_ =	sdelay $0x7  }
0xa0: {  	[tilespmem:v2+s30+$0x0] =	vst.idx.add.f32.msk $0xffff, v1  }
0xa1: {  	v2 =	vld [tilespmem:s18+$0xFFFFFFF0];
	_ =	sdelay $0x7  }
0xa2: {  	[tilespmem:v2+s4+$0x0] =	vst.idx.add.f32.msk $0xffff, v1  }
0xa3: {  	v2 =	vld [tilespmem:s19+$0xFFFFFFF0];
	_ =	sdelay $0x7  }
0xa4: {  	[tilespmem:v2+s30+$0x0] =	vst.idx.add.f32.msk $0xffff, v1  }
0xa5: {  	v2 =	vld [tilespmem:s18+$0x0];
	_ =	sdelay $0x7  }
0xa6: {  	[tilespmem:v2+s4+$0x0] =	vst.idx.add.f32.msk $0xffff, v1  }
0xa7: {  	v2 =	vld [tilespmem:s19+$0x0];
	_ =	sdelay $0x7  }
0xa8: {  	[tilespmem:v2+s30+$0x0] =	vst.idx.add.f32.msk $0xffff, v1  }
0xa9: {  	v2 =	vld [tilespmem:s18+$0x10];
	_ =	sdelay $0x7  }
0xaa: {  	[tilespmem:v2+s4+$0x0] =	vst.idx.add.f32.msk $0xffff, v1  }
0xab: {  	v2 =	vld [tilespmem:s19+$0x10];
	_ =	sdelay $0x7  }
0xac: {  	[tilespmem:v2+s30+$0x0] =	vst.idx.add.f32.msk $0xffff, v1  }
0xad: {  	v2 =	vld [tilespmem:s18+$0x20];
	_ =	sdelay $0x7  }
0xae: {  	[tilespmem:v2+s4+$0x0] =	vst.idx.add.f32.msk $0xffff, v1  }
0xaf: {  	v2 =	vld [tilespmem:s19+$0x20];
	_ =	sdelay $0x7  }
0xb0: {  	[tilespmem:v2+s30+$0x0] =	vst.idx.add.f32.msk $0xffff, v1  }
0xb1: {  	v2 =	vld [tilespmem:s18+$0x30];
	_ =	sdelay $0x7  }
0xb2: {  	[tilespmem:v2+s4+$0x0] =	vst.idx.add.f32.msk $0xffff, v1  }
0xb3: {  	v2 =	vld [tilespmem:s19+$0x30];
	_ =	sdelay $0x1  }
0xb4: {  	s16 =	sadd.s32 $0x8, s16  }
0xb5: {  	p0 =	slt.u32 s16, $0x268  }
.Ltmp2:
0xb6: {  	_ = 	snop;
	(pc) =	sbr.rel @p0 .LBB2_6-.Ltmp2, $2  }
0xb7: {  	_ =	sdelay $0x2  }
0xb8: {  	s18 =	sadd.s32 $0x80, s18;
	s19 =	sadd.s32 $0x80, s19;
	[tilespmem:v2+s30+$0x0] =	vst.idx.add.f32.msk $0xffff, v1  }
0xb9: {  	v2 =	vld [tilespmem:$0x7700];
	_ =	sdelay $0x7  }
0xba: {  	[tilespmem:v2+s4+$0x0] =	vst.idx.add.f32.msk $0xffff, v1  }
0xbb: {  	v2 =	vld [tilespmem:$0x9E80];
	_ =	sdelay $0x7  }
0xbc: {  	s16 =	rddreg [dreg:$0xb];
	[tilespmem:v2+s30+$0x0] =	vst.idx.add.f32.msk $0xffff, v1  }
0xbd: {  	[spmem:s16] =	stream.linear.scatter [tilespmem:s4], [sflag:$0x7], $0x2800, $0x38;
	[tilespmem:$0x1D480] =	vst v63  }
0xbe: {  	_ =	swait.ge [sflag:s28], $0x2800  }
0xbf: {  	[sflag:s28] =	ssyncset.done $0x0  }
0xc0: {  	s26 =	rddreg [dreg:$0xc];
	[sflag:s28] =	ssyncadd.s32 $0xFFFFD800  }
0xc1: {  	[spmem:s26] =	stream.linear.scatter [tilespmem:s30], [sflag:$0x7], $0x2800, $0x38;
	[tilespmem:$0x1D480] =	vst v63  }
0xc2: {  	_ =	swait.ge [sflag:s28], $0x2800  }
0xc3: {  	[sflag:s28] =	ssyncset.done $0x0  }
0xc4: {  	[sflag:s28] =	ssyncadd.s32 $0xFFFFD800  }
0xc5: {  	[bflag:$0x0] =	sbarrier.arrive $0xFFFF  }
0xc6: {  	s29 =	rddreg [dreg:$0xd]  }
0xc7: {  	[tilespmem:s31], [sflag:$0x7] =	stream.linear.gather [spmem:s29], $0x280, $0x38;
	[tilespmem:$0x1D480] =	vst v63  }
0xc8: {  	_ =	swait.ge [sflag:s28], $0x280  }
0xc9: {  	[sflag:s28] =	ssyncset.done $0x0  }
0xca: {  	s19 =	simm.s32 $0x9F20;
	[sflag:s28] =	ssyncadd.s32 $0xFFFFFD80  }
0xcb: {  	v5 =	vld [tilespmem:s19+$0x0];
	_ =	sdelay $0x1  }
0xcc: {  	v2 =	vld [tilespmem:s19+$0xFFFFFFE0]  }
0xcd: {  	v3 =	vld [tilespmem:s19+$0xFFFFFFF0]  }
0xce: {  	s16 =	simm.s32 $0xA1A0;
	v4 =	vld [tilespmem:s19+$0x10]  }
0xcf: {  	s18 =	simm.s32 $0x0;
	s20 =	simm.s32 $0xA1A0;
	s19 =	simm.s32 $0x9F60;
	[tilespmem:s16+$0x0] =	vst v5  }
.LBB2_8:
0xd0: {  	s18 =	sadd.s32 $0x4, s18  }
0xd1: {  	v5 =	vld [tilespmem:s19+$0x0];
	[tilespmem:s16+$0xFFFFFFE0] =	vst v2;
	s20 =	sadd.s32 $0x40, s20;
	p0 =	slt.u32 s18, $0x24  }
.Ltmp3:
0xd2: {  	v2 =	vld [tilespmem:s19+$0xFFFFFFE0];
	[tilespmem:s16+$0xFFFFFFF0] =	vst v3;
	(pc) =	sbr.rel @p0 .LBB2_8-.Ltmp3, $3  }
0xd3: {  	v3 =	vld [tilespmem:s19+$0xFFFFFFF0];
	[tilespmem:s16+$0x10] =	vst v4;
	s16 =	smov.u32 s20  }
0xd4: {  	v4 =	vld [tilespmem:s19+$0x10];
	_ =	sdelay $0x1  }
0xd5: {  	s19 =	sadd.s32 $0x40, s19;
	[tilespmem:s20+$0x0] =	vst v5  }
0xd6: {  	[tilespmem:s16+$0xFFFFFFE0] =	vst v2  }
0xd7: {  	[tilespmem:s16+$0xFFFFFFF0] =	vst v3  }
0xd8: {  	[tilespmem:s16+$0x10] =	vst v4  }
0xd9: {  	s16 =	rddreg [dreg:$0x10]  }
0xda: {  	[tilespmem:s31], [sflag:$0x7] =	stream.linear.gather [spmem:s16], $0x280, $0x38;
	[tilespmem:$0x1D480] =	vst v63  }
0xdb: {  	_ =	swait.ge [sflag:s28], $0x280  }
0xdc: {  	[sflag:s28] =	ssyncset.done $0x0  }
0xdd: {  	s16 =	simm.s32 $0xA1A0;
	[sflag:s28] =	ssyncadd.s32 $0xFFFFFD80  }
0xde: {  	s18 =	simm.s32 $0x9F20;
	v7 =	vld [tilespmem:s16+$0x10]  }
0xdf: {  	v8 =	vld [tilespmem:s18+$0x10]  }
0xe0: {  	v4 =	vld [tilespmem:s18+$0xFFFFFFE0]  }
0xe1: {  	v2 =	vld [tilespmem:s16+$0xFFFFFFF0]  }
0xe2: {  	v6 =	vld [tilespmem:s18+$0xFFFFFFF0]  }
0xe3: {  	v3 =	vld [tilespmem:s16+$0x0]  }
0xe4: {  	v5 =	vld [tilespmem:s18+$0x0];
	v8 =	vadd.f32 v8, v7  }
0xe5: {  	s19 =	simm.s32 $0x0;
	s20 =	simm.s32 $0xA1E0;
	v7 =	vld [tilespmem:s16+$0xFFFFFFE0]  }
.LBB2_10:
0xe6: {  	v9 =	vld [tilespmem:s20+$0x10];
	[tilespmem:s16+$0x10] =	vst v8;
	s18 =	sadd.s32 $0x40, s18  }
0xe7: {  	s19 =	sadd.s32 $0x4, s19;
	v8 =	vld [tilespmem:s18+$0x10];
	v6 =	vadd.f32 v6, v2  }
0xe8: {  	p0 =	slt.u32 s19, $0x24;
	v10 =	vld [tilespmem:s18+$0xFFFFFFE0]  }
.Ltmp4:
0xe9: {  	v2 =	vld [tilespmem:s20+$0xFFFFFFF0];
	[tilespmem:s16+$0xFFFFFFF0] =	vst v6;
	v5 =	vadd.f32 v5, v3;
	(pc) =	sbr.rel @p0 .LBB2_10-.Ltmp4, $4  }
0xea: {  	v6 =	vld [tilespmem:s18+$0xFFFFFFF0];
	v11 =	vadd.f32 v4, v7  }
0xeb: {  	v3 =	vld [tilespmem:s20+$0x0];
	[tilespmem:s16+$0x0] =	vst v5  }
0xec: {  	v5 =	vld [tilespmem:s18+$0x0];
	v8 =	vadd.f32 v8, v9;
	[tilespmem:s16+$0xFFFFFFE0] =	vst v11;
	s16 =	smov.u32 s20  }
0xed: {  	s20 =	sadd.s32 $0x40, s20;
	v7 =	vld [tilespmem:s16+$0xFFFFFFE0];
	v4 =	vmov v10  }
0xee: {  	_ =	sdelay $0x1  }
0xef: {  	v2 =	vadd.f32 v6, v2  }
0xf0: {  	[tilespmem:s16+$0x10] =	vst v8;
	v3 =	vadd.f32 v5, v3  }
0xf1: {  	[tilespmem:s16+$0xFFFFFFF0] =	vst v2;
	v2 =	vadd.f32 v4, v7  }
0xf2: {  	[tilespmem:s16+$0x0] =	vst v3  }
0xf3: {  	[tilespmem:s16+$0xFFFFFFE0] =	vst v2  }
0xf4: {  	s16 =	rddreg [dreg:$0x11]  }
0xf5: {  	[tilespmem:s31], [sflag:$0x7] =	stream.linear.gather [spmem:s16], $0x280, $0x38;
	[tilespmem:$0x1D480] =	vst v63  }
0xf6: {  	_ =	swait.ge [sflag:s28], $0x280  }
0xf7: {  	[sflag:s28] =	ssyncset.done $0x0  }
0xf8: {  	s16 =	simm.s32 $0xA1A0;
	[sflag:s28] =	ssyncadd.s32 $0xFFFFFD80  }
0xf9: {  	s18 =	simm.s32 $0x9F20;
	v7 =	vld [tilespmem:s16+$0x10]  }
0xfa: {  	v8 =	vld [tilespmem:s18+$0x10]  }
0xfb: {  	v4 =	vld [tilespmem:s18+$0xFFFFFFE0]  }
0xfc: {  	v2 =	vld [tilespmem:s16+$0xFFFFFFF0]  }
0xfd: {  	v6 =	vld [tilespmem:s18+$0xFFFFFFF0]  }
0xfe: {  	v3 =	vld [tilespmem:s16+$0x0]  }
0xff: {  	v5 =	vld [tilespmem:s18+$0x0];
	v8 =	vadd.f32 v8, v7  }
0x100: {  	s19 =	simm.s32 $0x0;
	s20 =	simm.s32 $0xA1E0;
	v7 =	vld [tilespmem:s16+$0xFFFFFFE0]  }
.LBB2_12:
0x101: {  	v9 =	vld [tilespmem:s20+$0x10];
	[tilespmem:s16+$0x10] =	vst v8;
	s18 =	sadd.s32 $0x40, s18  }
0x102: {  	s19 =	sadd.s32 $0x4, s19;
	v8 =	vld [tilespmem:s18+$0x10];
	v6 =	vadd.f32 v6, v2  }
0x103: {  	p0 =	slt.u32 s19, $0x24;
	v10 =	vld [tilespmem:s18+$0xFFFFFFE0]  }
.Ltmp5:
0x104: {  	v2 =	vld [tilespmem:s20+$0xFFFFFFF0];
	[tilespmem:s16+$0xFFFFFFF0] =	vst v6;
	v5 =	vadd.f32 v5, v3;
	(pc) =	sbr.rel @p0 .LBB2_12-.Ltmp5, $4  }
0x105: {  	v6 =	vld [tilespmem:s18+$0xFFFFFFF0];
	v11 =	vadd.f32 v4, v7  }
0x106: {  	v3 =	vld [tilespmem:s20+$0x0];
	[tilespmem:s16+$0x0] =	vst v5  }
0x107: {  	v5 =	vld [tilespmem:s18+$0x0];
	v8 =	vadd.f32 v8, v9;
	[tilespmem:s16+$0xFFFFFFE0] =	vst v11;
	s16 =	smov.u32 s20  }
0x108: {  	s20 =	sadd.s32 $0x40, s20;
	v7 =	vld [tilespmem:s16+$0xFFFFFFE0];
	v4 =	vmov v10  }
0x109: {  	_ =	sdelay $0x1  }
0x10a: {  	v2 =	vadd.f32 v6, v2  }
0x10b: {  	[tilespmem:s16+$0x10] =	vst v8;
	v3 =	vadd.f32 v5, v3  }
0x10c: {  	[tilespmem:s16+$0xFFFFFFF0] =	vst v2;
	v2 =	vadd.f32 v4, v7  }
0x10d: {  	[tilespmem:s16+$0x0] =	vst v3  }
0x10e: {  	[tilespmem:s16+$0xFFFFFFE0] =	vst v2  }
0x10f: {  	s16 =	rddreg [dreg:$0x12]  }
0x110: {  	[tilespmem:s31], [sflag:$0x7] =	stream.linear.gather [spmem:s16], $0x280, $0x38;
	[tilespmem:$0x1D480] =	vst v63  }
0x111: {  	_ =	swait.ge [sflag:s28], $0x280  }
0x112: {  	[sflag:s28] =	ssyncset.done $0x0  }
0x113: {  	s16 =	simm.s32 $0xA1A0;
	[sflag:s28] =	ssyncadd.s32 $0xFFFFFD80  }
0x114: {  	s18 =	simm.s32 $0x9F20;
	v7 =	vld [tilespmem:s16+$0x10]  }
0x115: {  	v8 =	vld [tilespmem:s18+$0x10]  }
0x116: {  	v4 =	vld [tilespmem:s18+$0xFFFFFFE0]  }
0x117: {  	v2 =	vld [tilespmem:s16+$0xFFFFFFF0]  }
0x118: {  	v6 =	vld [tilespmem:s18+$0xFFFFFFF0]  }
0x119: {  	v3 =	vld [tilespmem:s16+$0x0]  }
0x11a: {  	v5 =	vld [tilespmem:s18+$0x0];
	v8 =	vadd.f32 v8, v7  }
0x11b: {  	s19 =	simm.s32 $0x0;
	s20 =	simm.s32 $0xA1E0;
	v7 =	vld [tilespmem:s16+$0xFFFFFFE0]  }
.LBB2_14:
0x11c: {  	v9 =	vld [tilespmem:s20+$0x10];
	[tilespmem:s16+$0x10] =	vst v8;
	s18 =	sadd.s32 $0x40, s18  }
0x11d: {  	s19 =	sadd.s32 $0x4, s19;
	v8 =	vld [tilespmem:s18+$0x10];
	v6 =	vadd.f32 v6, v2  }
0x11e: {  	p0 =	slt.u32 s19, $0x24;
	v10 =	vld [tilespmem:s18+$0xFFFFFFE0]  }
.Ltmp6:
0x11f: {  	v2 =	vld [tilespmem:s20+$0xFFFFFFF0];
	[tilespmem:s16+$0xFFFFFFF0] =	vst v6;
	v5 =	vadd.f32 v5, v3;
	(pc) =	sbr.rel @p0 .LBB2_14-.Ltmp6, $4  }
0x120: {  	v6 =	vld [tilespmem:s18+$0xFFFFFFF0];
	v11 =	vadd.f32 v4, v7  }
0x121: {  	v3 =	vld [tilespmem:s20+$0x0];
	[tilespmem:s16+$0x0] =	vst v5  }
0x122: {  	v5 =	vld [tilespmem:s18+$0x0];
	v8 =	vadd.f32 v8, v9;
	[tilespmem:s16+$0xFFFFFFE0] =	vst v11;
	s16 =	smov.u32 s20  }
0x123: {  	s20 =	sadd.s32 $0x40, s20;
	v7 =	vld [tilespmem:s16+$0xFFFFFFE0];
	v4 =	vmov v10  }
0x124: {  	_ =	sdelay $0x1  }
0x125: {  	v2 =	vadd.f32 v6, v2  }
0x126: {  	[tilespmem:s16+$0x10] =	vst v8;
	v3 =	vadd.f32 v5, v3  }
0x127: {  	[tilespmem:s16+$0xFFFFFFF0] =	vst v2;
	v2 =	vadd.f32 v4, v7  }
0x128: {  	[tilespmem:s16+$0x0] =	vst v3  }
0x129: {  	[tilespmem:s16+$0xFFFFFFE0] =	vst v2  }
0x12a: {  	s16 =	rddreg [dreg:$0x13]  }
0x12b: {  	[tilespmem:s31], [sflag:$0x7] =	stream.linear.gather [spmem:s16], $0x280, $0x38;
	[tilespmem:$0x1D480] =	vst v63  }
0x12c: {  	_ =	swait.ge [sflag:s28], $0x280  }
0x12d: {  	[sflag:s28] =	ssyncset.done $0x0  }
0x12e: {  	s16 =	simm.s32 $0xA1A0;
	[sflag:s28] =	ssyncadd.s32 $0xFFFFFD80  }
0x12f: {  	s18 =	simm.s32 $0x9F20;
	v7 =	vld [tilespmem:s16+$0x10]  }
0x130: {  	v8 =	vld [tilespmem:s18+$0x10]  }
0x131: {  	v4 =	vld [tilespmem:s18+$0xFFFFFFE0]  }
0x132: {  	v2 =	vld [tilespmem:s16+$0xFFFFFFF0]  }
0x133: {  	v6 =	vld [tilespmem:s18+$0xFFFFFFF0]  }
0x134: {  	v3 =	vld [tilespmem:s16+$0x0]  }
0x135: {  	v5 =	vld [tilespmem:s18+$0x0];
	v8 =	vadd.f32 v8, v7  }
0x136: {  	s19 =	simm.s32 $0x0;
	s20 =	simm.s32 $0xA1E0;
	v7 =	vld [tilespmem:s16+$0xFFFFFFE0]  }
.LBB2_16:
0x137: {  	v9 =	vld [tilespmem:s20+$0x10];
	[tilespmem:s16+$0x10] =	vst v8;
	s18 =	sadd.s32 $0x40, s18  }
0x138: {  	s19 =	sadd.s32 $0x4, s19;
	v8 =	vld [tilespmem:s18+$0x10];
	v6 =	vadd.f32 v6, v2  }
0x139: {  	p0 =	slt.u32 s19, $0x24;
	v10 =	vld [tilespmem:s18+$0xFFFFFFE0]  }
.Ltmp7:
0x13a: {  	v2 =	vld [tilespmem:s20+$0xFFFFFFF0];
	[tilespmem:s16+$0xFFFFFFF0] =	vst v6;
	v5 =	vadd.f32 v5, v3;
	(pc) =	sbr.rel @p0 .LBB2_16-.Ltmp7, $4  }
0x13b: {  	v6 =	vld [tilespmem:s18+$0xFFFFFFF0];
	v11 =	vadd.f32 v4, v7  }
0x13c: {  	v3 =	vld [tilespmem:s20+$0x0];
	[tilespmem:s16+$0x0] =	vst v5  }
0x13d: {  	v5 =	vld [tilespmem:s18+$0x0];
	v8 =	vadd.f32 v8, v9;
	[tilespmem:s16+$0xFFFFFFE0] =	vst v11;
	s16 =	smov.u32 s20  }
0x13e: {  	s20 =	sadd.s32 $0x40, s20;
	v7 =	vld [tilespmem:s16+$0xFFFFFFE0];
	v4 =	vmov v10  }
0x13f: {  	_ =	sdelay $0x1  }
0x140: {  	v2 =	vadd.f32 v6, v2  }
0x141: {  	[tilespmem:s16+$0x10] =	vst v8;
	v3 =	vadd.f32 v5, v3  }
0x142: {  	[tilespmem:s16+$0xFFFFFFF0] =	vst v2;
	v2 =	vadd.f32 v4, v7  }
0x143: {  	[tilespmem:s16+$0x0] =	vst v3  }
0x144: {  	[tilespmem:s16+$0xFFFFFFE0] =	vst v2  }
0x145: {  	s16 =	rddreg [dreg:$0x14]  }
0x146: {  	[tilespmem:s31], [sflag:$0x7] =	stream.linear.gather [spmem:s16], $0x280, $0x38;
	[tilespmem:$0x1D480] =	vst v63  }
0x147: {  	_ =	swait.ge [sflag:s28], $0x280  }
0x148: {  	[sflag:s28] =	ssyncset.done $0x0  }
0x149: {  	s16 =	simm.s32 $0xA1A0;
	[sflag:s28] =	ssyncadd.s32 $0xFFFFFD80  }
0x14a: {  	s18 =	simm.s32 $0x9F20;
	v7 =	vld [tilespmem:s16+$0x10]  }
0x14b: {  	v8 =	vld [tilespmem:s18+$0x10]  }
0x14c: {  	v4 =	vld [tilespmem:s18+$0xFFFFFFE0]  }
0x14d: {  	v2 =	vld [tilespmem:s16+$0xFFFFFFF0]  }
0x14e: {  	v6 =	vld [tilespmem:s18+$0xFFFFFFF0]  }
0x14f: {  	v3 =	vld [tilespmem:s16+$0x0]  }
0x150: {  	v5 =	vld [tilespmem:s18+$0x0];
	v8 =	vadd.f32 v8, v7  }
0x151: {  	s19 =	simm.s32 $0x0;
	s20 =	simm.s32 $0xA1E0;
	v7 =	vld [tilespmem:s16+$0xFFFFFFE0]  }
.LBB2_18:
0x152: {  	v9 =	vld [tilespmem:s20+$0x10];
	[tilespmem:s16+$0x10] =	vst v8;
	s18 =	sadd.s32 $0x40, s18  }
0x153: {  	s19 =	sadd.s32 $0x4, s19;
	v8 =	vld [tilespmem:s18+$0x10];
	v6 =	vadd.f32 v6, v2  }
0x154: {  	p0 =	slt.u32 s19, $0x24;
	v10 =	vld [tilespmem:s18+$0xFFFFFFE0]  }
.Ltmp8:
0x155: {  	v2 =	vld [tilespmem:s20+$0xFFFFFFF0];
	[tilespmem:s16+$0xFFFFFFF0] =	vst v6;
	v5 =	vadd.f32 v5, v3;
	(pc) =	sbr.rel @p0 .LBB2_18-.Ltmp8, $4  }
0x156: {  	v6 =	vld [tilespmem:s18+$0xFFFFFFF0];
	v11 =	vadd.f32 v4, v7  }
0x157: {  	v3 =	vld [tilespmem:s20+$0x0];
	[tilespmem:s16+$0x0] =	vst v5  }
0x158: {  	v5 =	vld [tilespmem:s18+$0x0];
	v8 =	vadd.f32 v8, v9;
	[tilespmem:s16+$0xFFFFFFE0] =	vst v11;
	s16 =	smov.u32 s20  }
0x159: {  	s20 =	sadd.s32 $0x40, s20;
	v7 =	vld [tilespmem:s16+$0xFFFFFFE0];
	v4 =	vmov v10  }
0x15a: {  	_ =	sdelay $0x1  }
0x15b: {  	v2 =	vadd.f32 v6, v2  }
0x15c: {  	[tilespmem:s16+$0x10] =	vst v8;
	v3 =	vadd.f32 v5, v3  }
0x15d: {  	[tilespmem:s16+$0xFFFFFFF0] =	vst v2;
	v2 =	vadd.f32 v4, v7  }
0x15e: {  	[tilespmem:s16+$0x0] =	vst v3  }
0x15f: {  	[tilespmem:s16+$0xFFFFFFE0] =	vst v2  }
0x160: {  	s16 =	rddreg [dreg:$0x15]  }
0x161: {  	[tilespmem:s31], [sflag:$0x7] =	stream.linear.gather [spmem:s16], $0x280, $0x38;
	[tilespmem:$0x1D480] =	vst v63  }
0x162: {  	_ =	swait.ge [sflag:s28], $0x280  }
0x163: {  	[sflag:s28] =	ssyncset.done $0x0  }
0x164: {  	s16 =	simm.s32 $0xA1A0;
	[sflag:s28] =	ssyncadd.s32 $0xFFFFFD80  }
0x165: {  	s18 =	simm.s32 $0x9F20;
	v7 =	vld [tilespmem:s16+$0x10]  }
0x166: {  	v8 =	vld [tilespmem:s18+$0x10]  }
0x167: {  	v4 =	vld [tilespmem:s18+$0xFFFFFFE0]  }
0x168: {  	v2 =	vld [tilespmem:s16+$0xFFFFFFF0]  }
0x169: {  	v6 =	vld [tilespmem:s18+$0xFFFFFFF0]  }
0x16a: {  	v3 =	vld [tilespmem:s16+$0x0]  }
0x16b: {  	v5 =	vld [tilespmem:s18+$0x0];
	v8 =	vadd.f32 v8, v7  }
0x16c: {  	s19 =	simm.s32 $0x0;
	s20 =	simm.s32 $0xA1E0;
	v7 =	vld [tilespmem:s16+$0xFFFFFFE0]  }
.LBB2_20:
0x16d: {  	v9 =	vld [tilespmem:s20+$0x10];
	[tilespmem:s16+$0x10] =	vst v8;
	s18 =	sadd.s32 $0x40, s18  }
0x16e: {  	s19 =	sadd.s32 $0x4, s19;
	v8 =	vld [tilespmem:s18+$0x10];
	v6 =	vadd.f32 v6, v2  }
0x16f: {  	p0 =	slt.u32 s19, $0x24;
	v10 =	vld [tilespmem:s18+$0xFFFFFFE0]  }
.Ltmp9:
0x170: {  	v2 =	vld [tilespmem:s20+$0xFFFFFFF0];
	[tilespmem:s16+$0xFFFFFFF0] =	vst v6;
	v5 =	vadd.f32 v5, v3;
	(pc) =	sbr.rel @p0 .LBB2_20-.Ltmp9, $4  }
0x171: {  	v6 =	vld [tilespmem:s18+$0xFFFFFFF0];
	v11 =	vadd.f32 v4, v7  }
0x172: {  	v3 =	vld [tilespmem:s20+$0x0];
	[tilespmem:s16+$0x0] =	vst v5  }
0x173: {  	v5 =	vld [tilespmem:s18+$0x0];
	v8 =	vadd.f32 v8, v9;
	[tilespmem:s16+$0xFFFFFFE0] =	vst v11;
	s16 =	smov.u32 s20  }
0x174: {  	s20 =	sadd.s32 $0x40, s20;
	v7 =	vld [tilespmem:s16+$0xFFFFFFE0];
	v4 =	vmov v10  }
0x175: {  	_ =	sdelay $0x1  }
0x176: {  	v2 =	vadd.f32 v6, v2  }
0x177: {  	[tilespmem:s16+$0x10] =	vst v8;
	v3 =	vadd.f32 v5, v3  }
0x178: {  	[tilespmem:s16+$0xFFFFFFF0] =	vst v2;
	v2 =	vadd.f32 v4, v7  }
0x179: {  	[tilespmem:s16+$0x0] =	vst v3  }
0x17a: {  	[tilespmem:s16+$0xFFFFFFE0] =	vst v2  }
0x17b: {  	s16 =	rddreg [dreg:$0x16]  }
0x17c: {  	[tilespmem:s31], [sflag:$0x7] =	stream.linear.gather [spmem:s16], $0x280, $0x38;
	[tilespmem:$0x1D480] =	vst v63  }
0x17d: {  	_ =	swait.ge [sflag:s28], $0x280  }
0x17e: {  	[sflag:s28] =	ssyncset.done $0x0  }
0x17f: {  	s16 =	simm.s32 $0xA1A0;
	[sflag:s28] =	ssyncadd.s32 $0xFFFFFD80  }
0x180: {  	s18 =	simm.s32 $0x9F20;
	v7 =	vld [tilespmem:s16+$0x10]  }
0x181: {  	v8 =	vld [tilespmem:s18+$0x10]  }
0x182: {  	v4 =	vld [tilespmem:s18+$0xFFFFFFE0]  }
0x183: {  	v2 =	vld [tilespmem:s16+$0xFFFFFFF0]  }
0x184: {  	v6 =	vld [tilespmem:s18+$0xFFFFFFF0]  }
0x185: {  	v3 =	vld [tilespmem:s16+$0x0]  }
0x186: {  	v5 =	vld [tilespmem:s18+$0x0];
	v8 =	vadd.f32 v8, v7  }
0x187: {  	s19 =	simm.s32 $0x0;
	s20 =	simm.s32 $0xA1E0;
	v7 =	vld [tilespmem:s16+$0xFFFFFFE0]  }
.LBB2_22:
0x188: {  	v9 =	vld [tilespmem:s20+$0x10];
	[tilespmem:s16+$0x10] =	vst v8;
	s18 =	sadd.s32 $0x40, s18  }
0x189: {  	s19 =	sadd.s32 $0x4, s19;
	v8 =	vld [tilespmem:s18+$0x10];
	v6 =	vadd.f32 v6, v2  }
0x18a: {  	p0 =	slt.u32 s19, $0x24;
	v10 =	vld [tilespmem:s18+$0xFFFFFFE0]  }
.Ltmp10:
0x18b: {  	v2 =	vld [tilespmem:s20+$0xFFFFFFF0];
	[tilespmem:s16+$0xFFFFFFF0] =	vst v6;
	v5 =	vadd.f32 v5, v3;
	(pc) =	sbr.rel @p0 .LBB2_22-.Ltmp10, $4  }
0x18c: {  	v6 =	vld [tilespmem:s18+$0xFFFFFFF0];
	v11 =	vadd.f32 v4, v7  }
0x18d: {  	v3 =	vld [tilespmem:s20+$0x0];
	[tilespmem:s16+$0x0] =	vst v5  }
0x18e: {  	v5 =	vld [tilespmem:s18+$0x0];
	v8 =	vadd.f32 v8, v9;
	[tilespmem:s16+$0xFFFFFFE0] =	vst v11;
	s16 =	smov.u32 s20  }
0x18f: {  	s20 =	sadd.s32 $0x40, s20;
	v7 =	vld [tilespmem:s16+$0xFFFFFFE0];
	v4 =	vmov v10  }
0x190: {  	_ =	sdelay $0x1  }
0x191: {  	v2 =	vadd.f32 v6, v2  }
0x192: {  	[tilespmem:s16+$0x10] =	vst v8;
	v3 =	vadd.f32 v5, v3  }
0x193: {  	[tilespmem:s16+$0xFFFFFFF0] =	vst v2;
	v2 =	vadd.f32 v4, v7  }
0x194: {  	[tilespmem:s16+$0x0] =	vst v3  }
0x195: {  	[tilespmem:s16+$0xFFFFFFE0] =	vst v2  }
0x196: {  	s16 =	rddreg [dreg:$0x17]  }
0x197: {  	[tilespmem:s31], [sflag:$0x7] =	stream.linear.gather [spmem:s16], $0x280, $0x38;
	[tilespmem:$0x1D480] =	vst v63  }
0x198: {  	_ =	swait.ge [sflag:s28], $0x280  }
0x199: {  	[sflag:s28] =	ssyncset.done $0x0  }
0x19a: {  	s16 =	simm.s32 $0xA1A0;
	[sflag:s28] =	ssyncadd.s32 $0xFFFFFD80  }
0x19b: {  	s18 =	simm.s32 $0x9F20;
	v7 =	vld [tilespmem:s16+$0x10]  }
0x19c: {  	v8 =	vld [tilespmem:s18+$0x10]  }
0x19d: {  	v4 =	vld [tilespmem:s18+$0xFFFFFFE0]  }
0x19e: {  	v2 =	vld [tilespmem:s16+$0xFFFFFFF0]  }
0x19f: {  	v6 =	vld [tilespmem:s18+$0xFFFFFFF0]  }
0x1a0: {  	v3 =	vld [tilespmem:s16+$0x0]  }
0x1a1: {  	v5 =	vld [tilespmem:s18+$0x0];
	v8 =	vadd.f32 v8, v7  }
0x1a2: {  	s19 =	simm.s32 $0x0;
	s20 =	simm.s32 $0xA1E0;
	v7 =	vld [tilespmem:s16+$0xFFFFFFE0]  }
.LBB2_24:
0x1a3: {  	v9 =	vld [tilespmem:s20+$0x10];
	[tilespmem:s16+$0x10] =	vst v8;
	s18 =	sadd.s32 $0x40, s18  }
0x1a4: {  	s19 =	sadd.s32 $0x4, s19;
	v8 =	vld [tilespmem:s18+$0x10];
	v6 =	vadd.f32 v6, v2  }
0x1a5: {  	p0 =	slt.u32 s19, $0x24;
	v10 =	vld [tilespmem:s18+$0xFFFFFFE0]  }
.Ltmp11:
0x1a6: {  	v2 =	vld [tilespmem:s20+$0xFFFFFFF0];
	[tilespmem:s16+$0xFFFFFFF0] =	vst v6;
	v5 =	vadd.f32 v5, v3;
	(pc) =	sbr.rel @p0 .LBB2_24-.Ltmp11, $4  }
0x1a7: {  	v6 =	vld [tilespmem:s18+$0xFFFFFFF0];
	v11 =	vadd.f32 v4, v7  }
0x1a8: {  	v3 =	vld [tilespmem:s20+$0x0];
	[tilespmem:s16+$0x0] =	vst v5  }
0x1a9: {  	v5 =	vld [tilespmem:s18+$0x0];
	v8 =	vadd.f32 v8, v9;
	[tilespmem:s16+$0xFFFFFFE0] =	vst v11;
	s16 =	smov.u32 s20  }
0x1aa: {  	s20 =	sadd.s32 $0x40, s20;
	v7 =	vld [tilespmem:s16+$0xFFFFFFE0];
	v4 =	vmov v10  }
0x1ab: {  	_ =	sdelay $0x1  }
0x1ac: {  	v2 =	vadd.f32 v6, v2  }
0x1ad: {  	[tilespmem:s16+$0x10] =	vst v8;
	v3 =	vadd.f32 v5, v3  }
0x1ae: {  	[tilespmem:s16+$0xFFFFFFF0] =	vst v2;
	v2 =	vadd.f32 v4, v7  }
0x1af: {  	[tilespmem:s16+$0x0] =	vst v3  }
0x1b0: {  	[tilespmem:s16+$0xFFFFFFE0] =	vst v2  }
0x1b1: {  	s16 =	rddreg [dreg:$0x18]  }
0x1b2: {  	[tilespmem:s31], [sflag:$0x7] =	stream.linear.gather [spmem:s16], $0x280, $0x38;
	[tilespmem:$0x1D480] =	vst v63  }
0x1b3: {  	_ =	swait.ge [sflag:s28], $0x280  }
0x1b4: {  	[sflag:s28] =	ssyncset.done $0x0  }
0x1b5: {  	s16 =	simm.s32 $0xA1A0;
	[sflag:s28] =	ssyncadd.s32 $0xFFFFFD80  }
0x1b6: {  	s18 =	simm.s32 $0x9F20;
	v7 =	vld [tilespmem:s16+$0x10]  }
0x1b7: {  	v8 =	vld [tilespmem:s18+$0x10]  }
0x1b8: {  	v4 =	vld [tilespmem:s18+$0xFFFFFFE0]  }
0x1b9: {  	v2 =	vld [tilespmem:s16+$0xFFFFFFF0]  }
0x1ba: {  	v6 =	vld [tilespmem:s18+$0xFFFFFFF0]  }
0x1bb: {  	v3 =	vld [tilespmem:s16+$0x0]  }
0x1bc: {  	v5 =	vld [tilespmem:s18+$0x0];
	v8 =	vadd.f32 v8, v7  }
0x1bd: {  	s19 =	simm.s32 $0x0;
	s20 =	simm.s32 $0xA1E0;
	v7 =	vld [tilespmem:s16+$0xFFFFFFE0]  }
.LBB2_26:
0x1be: {  	v9 =	vld [tilespmem:s20+$0x10];
	[tilespmem:s16+$0x10] =	vst v8;
	s18 =	sadd.s32 $0x40, s18  }
0x1bf: {  	s19 =	sadd.s32 $0x4, s19;
	v8 =	vld [tilespmem:s18+$0x10];
	v6 =	vadd.f32 v6, v2  }
0x1c0: {  	p0 =	slt.u32 s19, $0x24;
	v10 =	vld [tilespmem:s18+$0xFFFFFFE0]  }
.Ltmp12:
0x1c1: {  	v2 =	vld [tilespmem:s20+$0xFFFFFFF0];
	[tilespmem:s16+$0xFFFFFFF0] =	vst v6;
	v5 =	vadd.f32 v5, v3;
	(pc) =	sbr.rel @p0 .LBB2_26-.Ltmp12, $4  }
0x1c2: {  	v6 =	vld [tilespmem:s18+$0xFFFFFFF0];
	v11 =	vadd.f32 v4, v7  }
0x1c3: {  	v3 =	vld [tilespmem:s20+$0x0];
	[tilespmem:s16+$0x0] =	vst v5  }
0x1c4: {  	v5 =	vld [tilespmem:s18+$0x0];
	v8 =	vadd.f32 v8, v9;
	[tilespmem:s16+$0xFFFFFFE0] =	vst v11;
	s16 =	smov.u32 s20  }
0x1c5: {  	s20 =	sadd.s32 $0x40, s20;
	v7 =	vld [tilespmem:s16+$0xFFFFFFE0];
	v4 =	vmov v10  }
0x1c6: {  	_ =	sdelay $0x1  }
0x1c7: {  	v2 =	vadd.f32 v6, v2  }
0x1c8: {  	[tilespmem:s16+$0x10] =	vst v8;
	v3 =	vadd.f32 v5, v3  }
0x1c9: {  	[tilespmem:s16+$0xFFFFFFF0] =	vst v2;
	v2 =	vadd.f32 v4, v7  }
0x1ca: {  	[tilespmem:s16+$0x0] =	vst v3  }
0x1cb: {  	[tilespmem:s16+$0xFFFFFFE0] =	vst v2  }
0x1cc: {  	s16 =	rddreg [dreg:$0x19]  }
0x1cd: {  	[tilespmem:s31], [sflag:$0x7] =	stream.linear.gather [spmem:s16], $0x280, $0x38;
	[tilespmem:$0x1D480] =	vst v63  }
0x1ce: {  	_ =	swait.ge [sflag:s28], $0x280  }
0x1cf: {  	[sflag:s28] =	ssyncset.done $0x0  }
0x1d0: {  	s16 =	simm.s32 $0xA1A0;
	[sflag:s28] =	ssyncadd.s32 $0xFFFFFD80  }
0x1d1: {  	s18 =	simm.s32 $0x9F20;
	v7 =	vld [tilespmem:s16+$0x10]  }
0x1d2: {  	v8 =	vld [tilespmem:s18+$0x10]  }
0x1d3: {  	v4 =	vld [tilespmem:s18+$0xFFFFFFE0]  }
0x1d4: {  	v2 =	vld [tilespmem:s16+$0xFFFFFFF0]  }
0x1d5: {  	v6 =	vld [tilespmem:s18+$0xFFFFFFF0]  }
0x1d6: {  	v3 =	vld [tilespmem:s16+$0x0]  }
0x1d7: {  	v5 =	vld [tilespmem:s18+$0x0];
	v8 =	vadd.f32 v8, v7  }
0x1d8: {  	s19 =	simm.s32 $0x0;
	s20 =	simm.s32 $0xA1E0;
	v7 =	vld [tilespmem:s16+$0xFFFFFFE0]  }
.LBB2_28:
0x1d9: {  	v9 =	vld [tilespmem:s20+$0x10];
	[tilespmem:s16+$0x10] =	vst v8;
	s18 =	sadd.s32 $0x40, s18  }
0x1da: {  	s19 =	sadd.s32 $0x4, s19;
	v8 =	vld [tilespmem:s18+$0x10];
	v6 =	vadd.f32 v6, v2  }
0x1db: {  	p0 =	slt.u32 s19, $0x24;
	v10 =	vld [tilespmem:s18+$0xFFFFFFE0]  }
.Ltmp13:
0x1dc: {  	v2 =	vld [tilespmem:s20+$0xFFFFFFF0];
	[tilespmem:s16+$0xFFFFFFF0] =	vst v6;
	v5 =	vadd.f32 v5, v3;
	(pc) =	sbr.rel @p0 .LBB2_28-.Ltmp13, $4  }
0x1dd: {  	v6 =	vld [tilespmem:s18+$0xFFFFFFF0];
	v11 =	vadd.f32 v4, v7  }
0x1de: {  	v3 =	vld [tilespmem:s20+$0x0];
	[tilespmem:s16+$0x0] =	vst v5  }
0x1df: {  	v5 =	vld [tilespmem:s18+$0x0];
	v8 =	vadd.f32 v8, v9;
	[tilespmem:s16+$0xFFFFFFE0] =	vst v11;
	s16 =	smov.u32 s20  }
0x1e0: {  	s20 =	sadd.s32 $0x40, s20;
	v7 =	vld [tilespmem:s16+$0xFFFFFFE0];
	v4 =	vmov v10  }
0x1e1: {  	_ =	sdelay $0x1  }
0x1e2: {  	v2 =	vadd.f32 v6, v2  }
0x1e3: {  	[tilespmem:s16+$0x10] =	vst v8;
	v3 =	vadd.f32 v5, v3  }
0x1e4: {  	[tilespmem:s16+$0xFFFFFFF0] =	vst v2;
	v2 =	vadd.f32 v4, v7  }
0x1e5: {  	[tilespmem:s16+$0x0] =	vst v3  }
0x1e6: {  	[tilespmem:s16+$0xFFFFFFE0] =	vst v2  }
0x1e7: {  	s16 =	rddreg [dreg:$0x1a]  }
0x1e8: {  	[tilespmem:s31], [sflag:$0x7] =	stream.linear.gather [spmem:s16], $0x280, $0x38;
	[tilespmem:$0x1D480] =	vst v63  }
0x1e9: {  	_ =	swait.ge [sflag:s28], $0x280  }
0x1ea: {  	[sflag:s28] =	ssyncset.done $0x0  }
0x1eb: {  	s16 =	simm.s32 $0xA1A0;
	[sflag:s28] =	ssyncadd.s32 $0xFFFFFD80  }
0x1ec: {  	s18 =	simm.s32 $0x9F20;
	v7 =	vld [tilespmem:s16+$0x10]  }
0x1ed: {  	v8 =	vld [tilespmem:s18+$0x10]  }
0x1ee: {  	v4 =	vld [tilespmem:s18+$0xFFFFFFE0]  }
0x1ef: {  	v2 =	vld [tilespmem:s16+$0xFFFFFFF0]  }
0x1f0: {  	v6 =	vld [tilespmem:s18+$0xFFFFFFF0]  }
0x1f1: {  	v3 =	vld [tilespmem:s16+$0x0]  }
0x1f2: {  	v5 =	vld [tilespmem:s18+$0x0];
	v8 =	vadd.f32 v8, v7  }
0x1f3: {  	s19 =	simm.s32 $0x0;
	s20 =	simm.s32 $0xA1E0;
	v7 =	vld [tilespmem:s16+$0xFFFFFFE0]  }
.LBB2_30:
0x1f4: {  	v9 =	vld [tilespmem:s20+$0x10];
	[tilespmem:s16+$0x10] =	vst v8;
	s18 =	sadd.s32 $0x40, s18  }
0x1f5: {  	s19 =	sadd.s32 $0x4, s19;
	v8 =	vld [tilespmem:s18+$0x10];
	v6 =	vadd.f32 v6, v2  }
0x1f6: {  	p0 =	slt.u32 s19, $0x24;
	v10 =	vld [tilespmem:s18+$0xFFFFFFE0]  }
.Ltmp14:
0x1f7: {  	v2 =	vld [tilespmem:s20+$0xFFFFFFF0];
	[tilespmem:s16+$0xFFFFFFF0] =	vst v6;
	v5 =	vadd.f32 v5, v3;
	(pc) =	sbr.rel @p0 .LBB2_30-.Ltmp14, $4  }
0x1f8: {  	v6 =	vld [tilespmem:s18+$0xFFFFFFF0];
	v11 =	vadd.f32 v4, v7  }
0x1f9: {  	v3 =	vld [tilespmem:s20+$0x0];
	[tilespmem:s16+$0x0] =	vst v5  }
0x1fa: {  	v5 =	vld [tilespmem:s18+$0x0];
	v8 =	vadd.f32 v8, v9;
	[tilespmem:s16+$0xFFFFFFE0] =	vst v11;
	s16 =	smov.u32 s20  }
0x1fb: {  	s20 =	sadd.s32 $0x40, s20;
	v7 =	vld [tilespmem:s16+$0xFFFFFFE0];
	v4 =	vmov v10  }
0x1fc: {  	_ =	sdelay $0x1  }
0x1fd: {  	v2 =	vadd.f32 v6, v2  }
0x1fe: {  	[tilespmem:s16+$0x10] =	vst v8;
	v3 =	vadd.f32 v5, v3  }
0x1ff: {  	[tilespmem:s16+$0xFFFFFFF0] =	vst v2;
	v2 =	vadd.f32 v4, v7  }
0x200: {  	[tilespmem:s16+$0x0] =	vst v3  }
0x201: {  	[tilespmem:s16+$0xFFFFFFE0] =	vst v2  }
0x202: {  	s16 =	rddreg [dreg:$0x1b]  }
0x203: {  	[tilespmem:s31], [sflag:$0x7] =	stream.linear.gather [spmem:s16], $0x280, $0x38;
	[tilespmem:$0x1D480] =	vst v63  }
0x204: {  	_ =	swait.ge [sflag:s28], $0x280  }
0x205: {  	[sflag:s28] =	ssyncset.done $0x0  }
0x206: {  	s16 =	simm.s32 $0xA1A0;
	[sflag:s28] =	ssyncadd.s32 $0xFFFFFD80  }
0x207: {  	s18 =	simm.s32 $0x9F20;
	v7 =	vld [tilespmem:s16+$0x10]  }
0x208: {  	v8 =	vld [tilespmem:s18+$0x10]  }
0x209: {  	v4 =	vld [tilespmem:s18+$0xFFFFFFE0]  }
0x20a: {  	v2 =	vld [tilespmem:s16+$0xFFFFFFF0]  }
0x20b: {  	v6 =	vld [tilespmem:s18+$0xFFFFFFF0]  }
0x20c: {  	v3 =	vld [tilespmem:s16+$0x0]  }
0x20d: {  	v5 =	vld [tilespmem:s18+$0x0];
	v8 =	vadd.f32 v8, v7  }
0x20e: {  	s19 =	simm.s32 $0x0;
	s20 =	simm.s32 $0xA1E0;
	v7 =	vld [tilespmem:s16+$0xFFFFFFE0]  }
.LBB2_32:
0x20f: {  	v9 =	vld [tilespmem:s20+$0x10];
	[tilespmem:s16+$0x10] =	vst v8;
	s18 =	sadd.s32 $0x40, s18  }
0x210: {  	s19 =	sadd.s32 $0x4, s19;
	v8 =	vld [tilespmem:s18+$0x10];
	v6 =	vadd.f32 v6, v2  }
0x211: {  	p0 =	slt.u32 s19, $0x24;
	v10 =	vld [tilespmem:s18+$0xFFFFFFE0]  }
.Ltmp15:
0x212: {  	v2 =	vld [tilespmem:s20+$0xFFFFFFF0];
	[tilespmem:s16+$0xFFFFFFF0] =	vst v6;
	v5 =	vadd.f32 v5, v3;
	(pc) =	sbr.rel @p0 .LBB2_32-.Ltmp15, $4  }
0x213: {  	v6 =	vld [tilespmem:s18+$0xFFFFFFF0];
	v11 =	vadd.f32 v4, v7  }
0x214: {  	v3 =	vld [tilespmem:s20+$0x0];
	[tilespmem:s16+$0x0] =	vst v5  }
0x215: {  	v5 =	vld [tilespmem:s18+$0x0];
	v8 =	vadd.f32 v8, v9;
	[tilespmem:s16+$0xFFFFFFE0] =	vst v11;
	s16 =	smov.u32 s20  }
0x216: {  	s20 =	sadd.s32 $0x40, s20;
	v7 =	vld [tilespmem:s16+$0xFFFFFFE0];
	v4 =	vmov v10  }
0x217: {  	_ =	sdelay $0x1  }
0x218: {  	v2 =	vadd.f32 v6, v2  }
0x219: {  	[tilespmem:s16+$0x10] =	vst v8;
	v3 =	vadd.f32 v5, v3  }
0x21a: {  	[tilespmem:s16+$0xFFFFFFF0] =	vst v2;
	v2 =	vadd.f32 v4, v7  }
0x21b: {  	[tilespmem:s16+$0x0] =	vst v3  }
0x21c: {  	[tilespmem:s16+$0xFFFFFFE0] =	vst v2  }
0x21d: {  	s16 =	rddreg [dreg:$0x1c]  }
0x21e: {  	[tilespmem:s31], [sflag:$0x7] =	stream.linear.gather [spmem:s16], $0x280, $0x38;
	[tilespmem:$0x1D480] =	vst v63  }
0x21f: {  	_ =	swait.ge [sflag:s28], $0x280  }
0x220: {  	[sflag:s28] =	ssyncset.done $0x0  }
0x221: {  	s16 =	simm.s32 $0xA1A0;
	[sflag:s28] =	ssyncadd.s32 $0xFFFFFD80  }
0x222: {  	s18 =	simm.s32 $0x9F20;
	v7 =	vld [tilespmem:s16+$0x10]  }
0x223: {  	v8 =	vld [tilespmem:s18+$0x10]  }
0x224: {  	v4 =	vld [tilespmem:s18+$0xFFFFFFE0]  }
0x225: {  	v2 =	vld [tilespmem:s16+$0xFFFFFFF0]  }
0x226: {  	v6 =	vld [tilespmem:s18+$0xFFFFFFF0]  }
0x227: {  	v3 =	vld [tilespmem:s16+$0x0]  }
0x228: {  	v5 =	vld [tilespmem:s18+$0x0];
	v8 =	vadd.f32 v8, v7  }
0x229: {  	s19 =	simm.s32 $0x0;
	s20 =	simm.s32 $0xA1E0;
	v7 =	vld [tilespmem:s16+$0xFFFFFFE0]  }
.LBB2_34:
0x22a: {  	v9 =	vld [tilespmem:s20+$0x10];
	[tilespmem:s16+$0x10] =	vst v8;
	s18 =	sadd.s32 $0x40, s18  }
0x22b: {  	s19 =	sadd.s32 $0x4, s19;
	v8 =	vld [tilespmem:s18+$0x10];
	v6 =	vadd.f32 v6, v2  }
0x22c: {  	p0 =	slt.u32 s19, $0x24;
	v10 =	vld [tilespmem:s18+$0xFFFFFFE0]  }
.Ltmp16:
0x22d: {  	v2 =	vld [tilespmem:s20+$0xFFFFFFF0];
	[tilespmem:s16+$0xFFFFFFF0] =	vst v6;
	v5 =	vadd.f32 v5, v3;
	(pc) =	sbr.rel @p0 .LBB2_34-.Ltmp16, $4  }
0x22e: {  	v6 =	vld [tilespmem:s18+$0xFFFFFFF0];
	v11 =	vadd.f32 v4, v7  }
0x22f: {  	v3 =	vld [tilespmem:s20+$0x0];
	[tilespmem:s16+$0x0] =	vst v5  }
0x230: {  	v5 =	vld [tilespmem:s18+$0x0];
	v8 =	vadd.f32 v8, v9;
	[tilespmem:s16+$0xFFFFFFE0] =	vst v11;
	s16 =	smov.u32 s20  }
0x231: {  	s20 =	sadd.s32 $0x40, s20;
	v7 =	vld [tilespmem:s16+$0xFFFFFFE0];
	v4 =	vmov v10  }
0x232: {  	_ =	sdelay $0x1  }
0x233: {  	v2 =	vadd.f32 v6, v2  }
0x234: {  	[tilespmem:s16+$0x10] =	vst v8;
	v3 =	vadd.f32 v5, v3  }
0x235: {  	[tilespmem:s16+$0xFFFFFFF0] =	vst v2;
	v2 =	vadd.f32 v4, v7  }
0x236: {  	[tilespmem:s16+$0x0] =	vst v3  }
0x237: {  	[tilespmem:s16+$0xFFFFFFE0] =	vst v2  }
0x238: {  	s16 =	rddreg [dreg:$0x1d]  }
0x239: {  	[tilespmem:s31], [sflag:$0x7] =	stream.linear.gather [spmem:s16], $0x280, $0x38;
	[tilespmem:$0x1D480] =	vst v63  }
0x23a: {  	_ =	swait.ge [sflag:s28], $0x280  }
0x23b: {  	[sflag:s28] =	ssyncset.done $0x0  }
0x23c: {  	s16 =	simm.s32 $0xA1A0;
	[sflag:s28] =	ssyncadd.s32 $0xFFFFFD80  }
0x23d: {  	s18 =	simm.s32 $0x9F20;
	v7 =	vld [tilespmem:s16+$0x10]  }
0x23e: {  	v8 =	vld [tilespmem:s18+$0x10]  }
0x23f: {  	v4 =	vld [tilespmem:s18+$0xFFFFFFE0]  }
0x240: {  	v2 =	vld [tilespmem:s16+$0xFFFFFFF0]  }
0x241: {  	v6 =	vld [tilespmem:s18+$0xFFFFFFF0]  }
0x242: {  	v3 =	vld [tilespmem:s16+$0x0]  }
0x243: {  	v5 =	vld [tilespmem:s18+$0x0];
	v8 =	vadd.f32 v8, v7  }
0x244: {  	s19 =	simm.s32 $0x0;
	s20 =	simm.s32 $0xA1E0;
	v7 =	vld [tilespmem:s16+$0xFFFFFFE0]  }
.LBB2_36:
0x245: {  	v9 =	vld [tilespmem:s20+$0x10];
	[tilespmem:s16+$0x10] =	vst v8;
	s18 =	sadd.s32 $0x40, s18  }
0x246: {  	s19 =	sadd.s32 $0x4, s19;
	v8 =	vld [tilespmem:s18+$0x10];
	v6 =	vadd.f32 v6, v2  }
0x247: {  	p0 =	slt.u32 s19, $0x24;
	v10 =	vld [tilespmem:s18+$0xFFFFFFE0]  }
.Ltmp17:
0x248: {  	v2 =	vld [tilespmem:s20+$0xFFFFFFF0];
	[tilespmem:s16+$0xFFFFFFF0] =	vst v6;
	v5 =	vadd.f32 v5, v3;
	(pc) =	sbr.rel @p0 .LBB2_36-.Ltmp17, $4  }
0x249: {  	v6 =	vld [tilespmem:s18+$0xFFFFFFF0];
	v11 =	vadd.f32 v4, v7  }
0x24a: {  	v3 =	vld [tilespmem:s20+$0x0];
	[tilespmem:s16+$0x0] =	vst v5  }
0x24b: {  	v5 =	vld [tilespmem:s18+$0x0];
	v8 =	vadd.f32 v8, v9;
	[tilespmem:s16+$0xFFFFFFE0] =	vst v11;
	s16 =	smov.u32 s20  }
0x24c: {  	s20 =	sadd.s32 $0x40, s20;
	v7 =	vld [tilespmem:s16+$0xFFFFFFE0];
	v4 =	vmov v10  }
0x24d: {  	_ =	sdelay $0x1  }
0x24e: {  	v2 =	vadd.f32 v6, v2  }
0x24f: {  	[tilespmem:s16+$0x10] =	vst v8;
	v3 =	vadd.f32 v5, v3  }
0x250: {  	[tilespmem:s16+$0xFFFFFFF0] =	vst v2;
	v2 =	vadd.f32 v4, v7  }
0x251: {  	[tilespmem:s16+$0x0] =	vst v3  }
0x252: {  	[tilespmem:s16+$0xFFFFFFE0] =	vst v2  }
0x253: {  	s16 =	rddreg [dreg:$0x1e]  }
0x254: {  	[tilespmem:s31], [sflag:$0x7] =	stream.linear.gather [spmem:s16], $0x280, $0x38;
	[tilespmem:$0x1D480] =	vst v63  }
0x255: {  	_ =	swait.ge [sflag:s28], $0x280  }
0x256: {  	[sflag:s28] =	ssyncset.done $0x0  }
0x257: {  	s16 =	simm.s32 $0xA1A0;
	[sflag:s28] =	ssyncadd.s32 $0xFFFFFD80  }
0x258: {  	s18 =	simm.s32 $0x9F20;
	v7 =	vld [tilespmem:s16+$0x10]  }
0x259: {  	v8 =	vld [tilespmem:s18+$0x10]  }
0x25a: {  	v4 =	vld [tilespmem:s18+$0xFFFFFFE0]  }
0x25b: {  	v2 =	vld [tilespmem:s16+$0xFFFFFFF0]  }
0x25c: {  	v6 =	vld [tilespmem:s18+$0xFFFFFFF0]  }
0x25d: {  	v3 =	vld [tilespmem:s16+$0x0]  }
0x25e: {  	v5 =	vld [tilespmem:s18+$0x0];
	v8 =	vadd.f32 v8, v7  }
0x25f: {  	s19 =	simm.s32 $0x0;
	s20 =	simm.s32 $0xA1E0;
	v7 =	vld [tilespmem:s16+$0xFFFFFFE0]  }
.LBB2_38:
0x260: {  	v9 =	vld [tilespmem:s20+$0x10];
	[tilespmem:s16+$0x10] =	vst v8;
	s18 =	sadd.s32 $0x40, s18  }
0x261: {  	s19 =	sadd.s32 $0x4, s19;
	v8 =	vld [tilespmem:s18+$0x10];
	v6 =	vadd.f32 v6, v2  }
0x262: {  	p0 =	slt.u32 s19, $0x24;
	v10 =	vld [tilespmem:s18+$0xFFFFFFE0]  }
.Ltmp18:
0x263: {  	v2 =	vld [tilespmem:s20+$0xFFFFFFF0];
	[tilespmem:s16+$0xFFFFFFF0] =	vst v6;
	v5 =	vadd.f32 v5, v3;
	(pc) =	sbr.rel @p0 .LBB2_38-.Ltmp18, $4  }
0x264: {  	v6 =	vld [tilespmem:s18+$0xFFFFFFF0];
	v11 =	vadd.f32 v4, v7  }
0x265: {  	v3 =	vld [tilespmem:s20+$0x0];
	[tilespmem:s16+$0x0] =	vst v5  }
0x266: {  	v5 =	vld [tilespmem:s18+$0x0];
	v8 =	vadd.f32 v8, v9;
	[tilespmem:s16+$0xFFFFFFE0] =	vst v11;
	s16 =	smov.u32 s20  }
0x267: {  	s20 =	sadd.s32 $0x40, s20;
	v7 =	vld [tilespmem:s16+$0xFFFFFFE0];
	v4 =	vmov v10  }
0x268: {  	_ =	sdelay $0x1  }
0x269: {  	v2 =	vadd.f32 v6, v2  }
0x26a: {  	[tilespmem:s16+$0x10] =	vst v8;
	v3 =	vadd.f32 v5, v3  }
0x26b: {  	[tilespmem:s16+$0xFFFFFFF0] =	vst v2;
	v2 =	vadd.f32 v4, v7  }
0x26c: {  	[tilespmem:s16+$0x0] =	vst v3  }
0x26d: {  	[tilespmem:s16+$0xFFFFFFE0] =	vst v2  }
0x26e: {  	s16 =	sld [smem:$0x7F9];
	_ =	sdelay $0x2  }
0x26f: {  	[spmem:s16] =	stream.linear.scatter [tilespmem:s23], [sflag:$0x7], $0x280, $0x38;
	[tilespmem:$0x1D480] =	vst v63  }
0x270: {  	_ =	swait.ge [sflag:s28], $0x280  }
0x271: {  	s29 =	sld [smem:$0x7F8]  }
0x272: {  	[sflag:s28] =	ssyncset.done $0x0  }
0x273: {  	[sflag:s28] =	ssyncadd.s32 $0xFFFFFD80  }
0x274: {  	[tilespmem:s31], [sflag:$0x7] =	stream.linear.gather [spmem:s29], $0x280, $0x38;
	[tilespmem:$0x1D480] =	vst v63  }
0x275: {  	_ =	swait.ge [sflag:s28], $0x280  }
0x276: {  	[sflag:s28] =	ssyncset.done $0x0  }
0x277: {  	s19 =	simm.s32 $0x9F20;
	[sflag:s28] =	ssyncadd.s32 $0xFFFFFD80  }
0x278: {  	v5 =	vld [tilespmem:s19+$0x0];
	_ =	sdelay $0x1  }
0x279: {  	v2 =	vld [tilespmem:s19+$0xFFFFFFE0]  }
0x27a: {  	v3 =	vld [tilespmem:s19+$0xFFFFFFF0]  }
0x27b: {  	s16 =	simm.s32 $0xA1A0;
	v4 =	vld [tilespmem:s19+$0x10]  }
0x27c: {  	s18 =	simm.s32 $0x0;
	s20 =	simm.s32 $0xA1A0;
	s19 =	simm.s32 $0x9F60;
	[tilespmem:s16+$0x0] =	vst v5  }
.LBB2_40:
0x27d: {  	s18 =	sadd.s32 $0x4, s18  }
0x27e: {  	v5 =	vld [tilespmem:s19+$0x0];
	[tilespmem:s16+$0xFFFFFFE0] =	vst v2;
	s20 =	sadd.s32 $0x40, s20;
	p0 =	slt.u32 s18, $0x24  }
.Ltmp19:
0x27f: {  	v2 =	vld [tilespmem:s19+$0xFFFFFFE0];
	[tilespmem:s16+$0xFFFFFFF0] =	vst v3;
	(pc) =	sbr.rel @p0 .LBB2_40-.Ltmp19, $3  }
0x280: {  	v3 =	vld [tilespmem:s19+$0xFFFFFFF0];
	[tilespmem:s16+$0x10] =	vst v4;
	s16 =	smov.u32 s20  }
0x281: {  	v4 =	vld [tilespmem:s19+$0x10];
	_ =	sdelay $0x1  }
0x282: {  	s19 =	sadd.s32 $0x40, s19;
	[tilespmem:s20+$0x0] =	vst v5  }
0x283: {  	[tilespmem:s16+$0xFFFFFFE0] =	vst v2  }
0x284: {  	[tilespmem:s16+$0xFFFFFFF0] =	vst v3  }
0x285: {  	[tilespmem:s16+$0x10] =	vst v4  }
0x286: {  	s16 =	rddreg [dreg:$0x1f]  }
0x287: {  	[tilespmem:s31], [sflag:$0x7] =	stream.linear.gather [spmem:s16], $0x280, $0x38;
	[tilespmem:$0x1D480] =	vst v63  }
0x288: {  	_ =	swait.ge [sflag:s28], $0x280  }
0x289: {  	[sflag:s28] =	ssyncset.done $0x0  }
0x28a: {  	s16 =	simm.s32 $0xA1A0;
	[sflag:s28] =	ssyncadd.s32 $0xFFFFFD80  }
0x28b: {  	s18 =	simm.s32 $0x9F20;
	v7 =	vld [tilespmem:s16+$0x10]  }
0x28c: {  	v8 =	vld [tilespmem:s18+$0x10]  }
0x28d: {  	v4 =	vld [tilespmem:s18+$0xFFFFFFE0]  }
0x28e: {  	v2 =	vld [tilespmem:s16+$0xFFFFFFF0]  }
0x28f: {  	v6 =	vld [tilespmem:s18+$0xFFFFFFF0]  }
0x290: {  	v3 =	vld [tilespmem:s16+$0x0]  }
0x291: {  	v5 =	vld [tilespmem:s18+$0x0];
	v8 =	vadd.f32 v8, v7  }
0x292: {  	s19 =	simm.s32 $0x0;
	s20 =	simm.s32 $0xA1E0;
	v7 =	vld [tilespmem:s16+$0xFFFFFFE0]  }
.LBB2_42:
0x293: {  	v9 =	vld [tilespmem:s20+$0x10];
	[tilespmem:s16+$0x10] =	vst v8;
	s18 =	sadd.s32 $0x40, s18  }
0x294: {  	s19 =	sadd.s32 $0x4, s19;
	v8 =	vld [tilespmem:s18+$0x10];
	v6 =	vadd.f32 v6, v2  }
0x295: {  	p0 =	slt.u32 s19, $0x24;
	v10 =	vld [tilespmem:s18+$0xFFFFFFE0]  }
.Ltmp20:
0x296: {  	v2 =	vld [tilespmem:s20+$0xFFFFFFF0];
	[tilespmem:s16+$0xFFFFFFF0] =	vst v6;
	v5 =	vadd.f32 v5, v3;
	(pc) =	sbr.rel @p0 .LBB2_42-.Ltmp20, $4  }
0x297: {  	v6 =	vld [tilespmem:s18+$0xFFFFFFF0];
	v11 =	vadd.f32 v4, v7  }
0x298: {  	v3 =	vld [tilespmem:s20+$0x0];
	[tilespmem:s16+$0x0] =	vst v5  }
0x299: {  	v5 =	vld [tilespmem:s18+$0x0];
	v8 =	vadd.f32 v8, v9;
	[tilespmem:s16+$0xFFFFFFE0] =	vst v11;
	s16 =	smov.u32 s20  }
0x29a: {  	s20 =	sadd.s32 $0x40, s20;
	v7 =	vld [tilespmem:s16+$0xFFFFFFE0];
	v4 =	vmov v10  }
0x29b: {  	_ =	sdelay $0x1  }
0x29c: {  	v2 =	vadd.f32 v6, v2  }
0x29d: {  	[tilespmem:s16+$0x10] =	vst v8;
	v3 =	vadd.f32 v5, v3  }
0x29e: {  	[tilespmem:s16+$0xFFFFFFF0] =	vst v2;
	v2 =	vadd.f32 v4, v7  }
0x29f: {  	[tilespmem:s16+$0x0] =	vst v3  }
0x2a0: {  	[tilespmem:s16+$0xFFFFFFE0] =	vst v2  }
0x2a1: {  	s16 =	sld [smem:$0x7EA];
	_ =	sdelay $0x2  }
0x2a2: {  	[tilespmem:s31], [sflag:$0x7] =	stream.linear.gather [spmem:s16], $0x280, $0x38;
	[tilespmem:$0x1D480] =	vst v63  }
0x2a3: {  	_ =	swait.ge [sflag:s28], $0x280  }
0x2a4: {  	[sflag:s28] =	ssyncset.done $0x0  }
0x2a5: {  	s16 =	simm.s32 $0xA1A0;
	[sflag:s28] =	ssyncadd.s32 $0xFFFFFD80  }
0x2a6: {  	s18 =	simm.s32 $0x9F20;
	v7 =	vld [tilespmem:s16+$0x10]  }
0x2a7: {  	v8 =	vld [tilespmem:s18+$0x10]  }
0x2a8: {  	v4 =	vld [tilespmem:s18+$0xFFFFFFE0]  }
0x2a9: {  	v2 =	vld [tilespmem:s16+$0xFFFFFFF0]  }
0x2aa: {  	v6 =	vld [tilespmem:s18+$0xFFFFFFF0]  }
0x2ab: {  	v3 =	vld [tilespmem:s16+$0x0]  }
0x2ac: {  	v5 =	vld [tilespmem:s18+$0x0];
	v8 =	vadd.f32 v8, v7  }
0x2ad: {  	s19 =	simm.s32 $0x0;
	s20 =	simm.s32 $0xA1E0;
	v7 =	vld [tilespmem:s16+$0xFFFFFFE0]  }
.LBB2_44:
0x2ae: {  	v9 =	vld [tilespmem:s20+$0x10];
	[tilespmem:s16+$0x10] =	vst v8;
	s18 =	sadd.s32 $0x40, s18  }
0x2af: {  	s19 =	sadd.s32 $0x4, s19;
	v8 =	vld [tilespmem:s18+$0x10];
	v6 =	vadd.f32 v6, v2  }
0x2b0: {  	p0 =	slt.u32 s19, $0x24;
	v10 =	vld [tilespmem:s18+$0xFFFFFFE0]  }
.Ltmp21:
0x2b1: {  	v2 =	vld [tilespmem:s20+$0xFFFFFFF0];
	[tilespmem:s16+$0xFFFFFFF0] =	vst v6;
	v5 =	vadd.f32 v5, v3;
	(pc) =	sbr.rel @p0 .LBB2_44-.Ltmp21, $4  }
0x2b2: {  	v6 =	vld [tilespmem:s18+$0xFFFFFFF0];
	v11 =	vadd.f32 v4, v7  }
0x2b3: {  	v3 =	vld [tilespmem:s20+$0x0];
	[tilespmem:s16+$0x0] =	vst v5  }
0x2b4: {  	v5 =	vld [tilespmem:s18+$0x0];
	v8 =	vadd.f32 v8, v9;
	[tilespmem:s16+$0xFFFFFFE0] =	vst v11;
	s16 =	smov.u32 s20  }
0x2b5: {  	s20 =	sadd.s32 $0x40, s20;
	v7 =	vld [tilespmem:s16+$0xFFFFFFE0];
	v4 =	vmov v10  }
0x2b6: {  	_ =	sdelay $0x1  }
0x2b7: {  	v2 =	vadd.f32 v6, v2  }
0x2b8: {  	[tilespmem:s16+$0x10] =	vst v8;
	v3 =	vadd.f32 v5, v3  }
0x2b9: {  	[tilespmem:s16+$0xFFFFFFF0] =	vst v2;
	v2 =	vadd.f32 v4, v7  }
0x2ba: {  	[tilespmem:s16+$0x0] =	vst v3  }
0x2bb: {  	[tilespmem:s16+$0xFFFFFFE0] =	vst v2  }
0x2bc: {  	s16 =	sld [smem:$0x7EB];
	_ =	sdelay $0x2  }
0x2bd: {  	[tilespmem:s31], [sflag:$0x7] =	stream.linear.gather [spmem:s16], $0x280, $0x38;
	[tilespmem:$0x1D480] =	vst v63  }
0x2be: {  	_ =	swait.ge [sflag:s28], $0x280  }
0x2bf: {  	[sflag:s28] =	ssyncset.done $0x0  }
0x2c0: {  	s16 =	simm.s32 $0xA1A0;
	[sflag:s28] =	ssyncadd.s32 $0xFFFFFD80  }
0x2c1: {  	s18 =	simm.s32 $0x9F20;
	v7 =	vld [tilespmem:s16+$0x10]  }
0x2c2: {  	v8 =	vld [tilespmem:s18+$0x10]  }
0x2c3: {  	v4 =	vld [tilespmem:s18+$0xFFFFFFE0]  }
0x2c4: {  	v2 =	vld [tilespmem:s16+$0xFFFFFFF0]  }
0x2c5: {  	v6 =	vld [tilespmem:s18+$0xFFFFFFF0]  }
0x2c6: {  	v3 =	vld [tilespmem:s16+$0x0]  }
0x2c7: {  	v5 =	vld [tilespmem:s18+$0x0];
	v8 =	vadd.f32 v8, v7  }
0x2c8: {  	s19 =	simm.s32 $0x0;
	s20 =	simm.s32 $0xA1E0;
	v7 =	vld [tilespmem:s16+$0xFFFFFFE0]  }
.LBB2_46:
0x2c9: {  	v9 =	vld [tilespmem:s20+$0x10];
	[tilespmem:s16+$0x10] =	vst v8;
	s18 =	sadd.s32 $0x40, s18  }
0x2ca: {  	s19 =	sadd.s32 $0x4, s19;
	v8 =	vld [tilespmem:s18+$0x10];
	v6 =	vadd.f32 v6, v2  }
0x2cb: {  	p0 =	slt.u32 s19, $0x24;
	v10 =	vld [tilespmem:s18+$0xFFFFFFE0]  }
.Ltmp22:
0x2cc: {  	v2 =	vld [tilespmem:s20+$0xFFFFFFF0];
	[tilespmem:s16+$0xFFFFFFF0] =	vst v6;
	v5 =	vadd.f32 v5, v3;
	(pc) =	sbr.rel @p0 .LBB2_46-.Ltmp22, $4  }
0x2cd: {  	v6 =	vld [tilespmem:s18+$0xFFFFFFF0];
	v11 =	vadd.f32 v4, v7  }
0x2ce: {  	v3 =	vld [tilespmem:s20+$0x0];
	[tilespmem:s16+$0x0] =	vst v5  }
0x2cf: {  	v5 =	vld [tilespmem:s18+$0x0];
	v8 =	vadd.f32 v8, v9;
	[tilespmem:s16+$0xFFFFFFE0] =	vst v11;
	s16 =	smov.u32 s20  }
0x2d0: {  	s20 =	sadd.s32 $0x40, s20;
	v7 =	vld [tilespmem:s16+$0xFFFFFFE0];
	v4 =	vmov v10  }
0x2d1: {  	_ =	sdelay $0x1  }
0x2d2: {  	v2 =	vadd.f32 v6, v2  }
0x2d3: {  	[tilespmem:s16+$0x10] =	vst v8;
	v3 =	vadd.f32 v5, v3  }
0x2d4: {  	[tilespmem:s16+$0xFFFFFFF0] =	vst v2;
	v2 =	vadd.f32 v4, v7  }
0x2d5: {  	[tilespmem:s16+$0x0] =	vst v3  }
0x2d6: {  	[tilespmem:s16+$0xFFFFFFE0] =	vst v2  }
0x2d7: {  	s16 =	sld [smem:$0x7EC];
	_ =	sdelay $0x2  }
0x2d8: {  	[tilespmem:s31], [sflag:$0x7] =	stream.linear.gather [spmem:s16], $0x280, $0x38;
	[tilespmem:$0x1D480] =	vst v63  }
0x2d9: {  	_ =	swait.ge [sflag:s28], $0x280  }
0x2da: {  	[sflag:s28] =	ssyncset.done $0x0  }
0x2db: {  	s16 =	simm.s32 $0xA1A0;
	[sflag:s28] =	ssyncadd.s32 $0xFFFFFD80  }
0x2dc: {  	s18 =	simm.s32 $0x9F20;
	v7 =	vld [tilespmem:s16+$0x10]  }
0x2dd: {  	v8 =	vld [tilespmem:s18+$0x10]  }
0x2de: {  	v4 =	vld [tilespmem:s18+$0xFFFFFFE0]  }
0x2df: {  	v2 =	vld [tilespmem:s16+$0xFFFFFFF0]  }
0x2e0: {  	v6 =	vld [tilespmem:s18+$0xFFFFFFF0]  }
0x2e1: {  	v3 =	vld [tilespmem:s16+$0x0]  }
0x2e2: {  	v5 =	vld [tilespmem:s18+$0x0];
	v8 =	vadd.f32 v8, v7  }
0x2e3: {  	s19 =	simm.s32 $0x0;
	s20 =	simm.s32 $0xA1E0;
	v7 =	vld [tilespmem:s16+$0xFFFFFFE0]  }
.LBB2_48:
0x2e4: {  	v9 =	vld [tilespmem:s20+$0x10];
	[tilespmem:s16+$0x10] =	vst v8;
	s18 =	sadd.s32 $0x40, s18  }
0x2e5: {  	s19 =	sadd.s32 $0x4, s19;
	v8 =	vld [tilespmem:s18+$0x10];
	v6 =	vadd.f32 v6, v2  }
0x2e6: {  	p0 =	slt.u32 s19, $0x24;
	v10 =	vld [tilespmem:s18+$0xFFFFFFE0]  }
.Ltmp23:
0x2e7: {  	v2 =	vld [tilespmem:s20+$0xFFFFFFF0];
	[tilespmem:s16+$0xFFFFFFF0] =	vst v6;
	v5 =	vadd.f32 v5, v3;
	(pc) =	sbr.rel @p0 .LBB2_48-.Ltmp23, $4  }
0x2e8: {  	v6 =	vld [tilespmem:s18+$0xFFFFFFF0];
	v11 =	vadd.f32 v4, v7  }
0x2e9: {  	v3 =	vld [tilespmem:s20+$0x0];
	[tilespmem:s16+$0x0] =	vst v5  }
0x2ea: {  	v5 =	vld [tilespmem:s18+$0x0];
	v8 =	vadd.f32 v8, v9;
	[tilespmem:s16+$0xFFFFFFE0] =	vst v11;
	s16 =	smov.u32 s20  }
0x2eb: {  	s20 =	sadd.s32 $0x40, s20;
	v7 =	vld [tilespmem:s16+$0xFFFFFFE0];
	v4 =	vmov v10  }
0x2ec: {  	_ =	sdelay $0x1  }
0x2ed: {  	v2 =	vadd.f32 v6, v2  }
0x2ee: {  	[tilespmem:s16+$0x10] =	vst v8;
	v3 =	vadd.f32 v5, v3  }
0x2ef: {  	[tilespmem:s16+$0xFFFFFFF0] =	vst v2;
	v2 =	vadd.f32 v4, v7  }
0x2f0: {  	[tilespmem:s16+$0x0] =	vst v3  }
0x2f1: {  	[tilespmem:s16+$0xFFFFFFE0] =	vst v2  }
0x2f2: {  	s16 =	sld [smem:$0x7ED];
	_ =	sdelay $0x2  }
0x2f3: {  	[tilespmem:s31], [sflag:$0x7] =	stream.linear.gather [spmem:s16], $0x280, $0x38;
	[tilespmem:$0x1D480] =	vst v63  }
0x2f4: {  	_ =	swait.ge [sflag:s28], $0x280  }
0x2f5: {  	[sflag:s28] =	ssyncset.done $0x0  }
0x2f6: {  	s16 =	simm.s32 $0xA1A0;
	[sflag:s28] =	ssyncadd.s32 $0xFFFFFD80  }
0x2f7: {  	s18 =	simm.s32 $0x9F20;
	v7 =	vld [tilespmem:s16+$0x10]  }
0x2f8: {  	v8 =	vld [tilespmem:s18+$0x10]  }
0x2f9: {  	v4 =	vld [tilespmem:s18+$0xFFFFFFE0]  }
0x2fa: {  	v2 =	vld [tilespmem:s16+$0xFFFFFFF0]  }
0x2fb: {  	v6 =	vld [tilespmem:s18+$0xFFFFFFF0]  }
0x2fc: {  	v3 =	vld [tilespmem:s16+$0x0]  }
0x2fd: {  	v5 =	vld [tilespmem:s18+$0x0];
	v8 =	vadd.f32 v8, v7  }
0x2fe: {  	s19 =	simm.s32 $0x0;
	s20 =	simm.s32 $0xA1E0;
	v7 =	vld [tilespmem:s16+$0xFFFFFFE0]  }
.LBB2_50:
0x2ff: {  	v9 =	vld [tilespmem:s20+$0x10];
	[tilespmem:s16+$0x10] =	vst v8;
	s18 =	sadd.s32 $0x40, s18  }
0x300: {  	s19 =	sadd.s32 $0x4, s19;
	v8 =	vld [tilespmem:s18+$0x10];
	v6 =	vadd.f32 v6, v2  }
0x301: {  	p0 =	slt.u32 s19, $0x24;
	v10 =	vld [tilespmem:s18+$0xFFFFFFE0]  }
.Ltmp24:
0x302: {  	v2 =	vld [tilespmem:s20+$0xFFFFFFF0];
	[tilespmem:s16+$0xFFFFFFF0] =	vst v6;
	v5 =	vadd.f32 v5, v3;
	(pc) =	sbr.rel @p0 .LBB2_50-.Ltmp24, $4  }
0x303: {  	v6 =	vld [tilespmem:s18+$0xFFFFFFF0];
	v11 =	vadd.f32 v4, v7  }
0x304: {  	v3 =	vld [tilespmem:s20+$0x0];
	[tilespmem:s16+$0x0] =	vst v5  }
0x305: {  	v5 =	vld [tilespmem:s18+$0x0];
	v8 =	vadd.f32 v8, v9;
	[tilespmem:s16+$0xFFFFFFE0] =	vst v11;
	s16 =	smov.u32 s20  }
0x306: {  	s20 =	sadd.s32 $0x40, s20;
	v7 =	vld [tilespmem:s16+$0xFFFFFFE0];
	v4 =	vmov v10  }
0x307: {  	_ =	sdelay $0x1  }
0x308: {  	v2 =	vadd.f32 v6, v2  }
0x309: {  	[tilespmem:s16+$0x10] =	vst v8;
	v3 =	vadd.f32 v5, v3  }
0x30a: {  	[tilespmem:s16+$0xFFFFFFF0] =	vst v2;
	v2 =	vadd.f32 v4, v7  }
0x30b: {  	[tilespmem:s16+$0x0] =	vst v3  }
0x30c: {  	[tilespmem:s16+$0xFFFFFFE0] =	vst v2  }
0x30d: {  	s16 =	sld [smem:$0x7EE];
	_ =	sdelay $0x2  }
0x30e: {  	[tilespmem:s31], [sflag:$0x7] =	stream.linear.gather [spmem:s16], $0x280, $0x38;
	[tilespmem:$0x1D480] =	vst v63  }
0x30f: {  	_ =	swait.ge [sflag:s28], $0x280  }
0x310: {  	[sflag:s28] =	ssyncset.done $0x0  }
0x311: {  	s16 =	simm.s32 $0xA1A0;
	[sflag:s28] =	ssyncadd.s32 $0xFFFFFD80  }
0x312: {  	s18 =	simm.s32 $0x9F20;
	v7 =	vld [tilespmem:s16+$0x10]  }
0x313: {  	v8 =	vld [tilespmem:s18+$0x10]  }
0x314: {  	v4 =	vld [tilespmem:s18+$0xFFFFFFE0]  }
0x315: {  	v2 =	vld [tilespmem:s16+$0xFFFFFFF0]  }
0x316: {  	v6 =	vld [tilespmem:s18+$0xFFFFFFF0]  }
0x317: {  	v3 =	vld [tilespmem:s16+$0x0]  }
0x318: {  	v5 =	vld [tilespmem:s18+$0x0];
	v8 =	vadd.f32 v8, v7  }
0x319: {  	s19 =	simm.s32 $0x0;
	s20 =	simm.s32 $0xA1E0;
	v7 =	vld [tilespmem:s16+$0xFFFFFFE0]  }
.LBB2_52:
0x31a: {  	v9 =	vld [tilespmem:s20+$0x10];
	[tilespmem:s16+$0x10] =	vst v8;
	s18 =	sadd.s32 $0x40, s18  }
0x31b: {  	s19 =	sadd.s32 $0x4, s19;
	v8 =	vld [tilespmem:s18+$0x10];
	v6 =	vadd.f32 v6, v2  }
0x31c: {  	p0 =	slt.u32 s19, $0x24;
	v10 =	vld [tilespmem:s18+$0xFFFFFFE0]  }
.Ltmp25:
0x31d: {  	v2 =	vld [tilespmem:s20+$0xFFFFFFF0];
	[tilespmem:s16+$0xFFFFFFF0] =	vst v6;
	v5 =	vadd.f32 v5, v3;
	(pc) =	sbr.rel @p0 .LBB2_52-.Ltmp25, $4  }
0x31e: {  	v6 =	vld [tilespmem:s18+$0xFFFFFFF0];
	v11 =	vadd.f32 v4, v7  }
0x31f: {  	v3 =	vld [tilespmem:s20+$0x0];
	[tilespmem:s16+$0x0] =	vst v5  }
0x320: {  	v5 =	vld [tilespmem:s18+$0x0];
	v8 =	vadd.f32 v8, v9;
	[tilespmem:s16+$0xFFFFFFE0] =	vst v11;
	s16 =	smov.u32 s20  }
0x321: {  	s20 =	sadd.s32 $0x40, s20;
	v7 =	vld [tilespmem:s16+$0xFFFFFFE0];
	v4 =	vmov v10  }
0x322: {  	_ =	sdelay $0x1  }
0x323: {  	v2 =	vadd.f32 v6, v2  }
0x324: {  	[tilespmem:s16+$0x10] =	vst v8;
	v3 =	vadd.f32 v5, v3  }
0x325: {  	[tilespmem:s16+$0xFFFFFFF0] =	vst v2;
	v2 =	vadd.f32 v4, v7  }
0x326: {  	[tilespmem:s16+$0x0] =	vst v3  }
0x327: {  	[tilespmem:s16+$0xFFFFFFE0] =	vst v2  }
0x328: {  	s16 =	sld [smem:$0x7EF];
	_ =	sdelay $0x2  }
0x329: {  	[tilespmem:s31], [sflag:$0x7] =	stream.linear.gather [spmem:s16], $0x280, $0x38;
	[tilespmem:$0x1D480] =	vst v63  }
0x32a: {  	_ =	swait.ge [sflag:s28], $0x280  }
0x32b: {  	[sflag:s28] =	ssyncset.done $0x0  }
0x32c: {  	s16 =	simm.s32 $0xA1A0;
	[sflag:s28] =	ssyncadd.s32 $0xFFFFFD80  }
0x32d: {  	s18 =	simm.s32 $0x9F20;
	v7 =	vld [tilespmem:s16+$0x10]  }
0x32e: {  	v8 =	vld [tilespmem:s18+$0x10]  }
0x32f: {  	v4 =	vld [tilespmem:s18+$0xFFFFFFE0]  }
0x330: {  	v2 =	vld [tilespmem:s16+$0xFFFFFFF0]  }
0x331: {  	v6 =	vld [tilespmem:s18+$0xFFFFFFF0]  }
0x332: {  	v3 =	vld [tilespmem:s16+$0x0]  }
0x333: {  	v5 =	vld [tilespmem:s18+$0x0];
	v8 =	vadd.f32 v8, v7  }
0x334: {  	s19 =	simm.s32 $0x0;
	s20 =	simm.s32 $0xA1E0;
	v7 =	vld [tilespmem:s16+$0xFFFFFFE0]  }
.LBB2_54:
0x335: {  	v9 =	vld [tilespmem:s20+$0x10];
	[tilespmem:s16+$0x10] =	vst v8;
	s18 =	sadd.s32 $0x40, s18  }
0x336: {  	s19 =	sadd.s32 $0x4, s19;
	v8 =	vld [tilespmem:s18+$0x10];
	v6 =	vadd.f32 v6, v2  }
0x337: {  	p0 =	slt.u32 s19, $0x24;
	v10 =	vld [tilespmem:s18+$0xFFFFFFE0]  }
.Ltmp26:
0x338: {  	v2 =	vld [tilespmem:s20+$0xFFFFFFF0];
	[tilespmem:s16+$0xFFFFFFF0] =	vst v6;
	v5 =	vadd.f32 v5, v3;
	(pc) =	sbr.rel @p0 .LBB2_54-.Ltmp26, $4  }
0x339: {  	v6 =	vld [tilespmem:s18+$0xFFFFFFF0];
	v11 =	vadd.f32 v4, v7  }
0x33a: {  	v3 =	vld [tilespmem:s20+$0x0];
	[tilespmem:s16+$0x0] =	vst v5  }
0x33b: {  	v5 =	vld [tilespmem:s18+$0x0];
	v8 =	vadd.f32 v8, v9;
	[tilespmem:s16+$0xFFFFFFE0] =	vst v11;
	s16 =	smov.u32 s20  }
0x33c: {  	s20 =	sadd.s32 $0x40, s20;
	v7 =	vld [tilespmem:s16+$0xFFFFFFE0];
	v4 =	vmov v10  }
0x33d: {  	_ =	sdelay $0x1  }
0x33e: {  	v2 =	vadd.f32 v6, v2  }
0x33f: {  	[tilespmem:s16+$0x10] =	vst v8;
	v3 =	vadd.f32 v5, v3  }
0x340: {  	[tilespmem:s16+$0xFFFFFFF0] =	vst v2;
	v2 =	vadd.f32 v4, v7  }
0x341: {  	[tilespmem:s16+$0x0] =	vst v3  }
0x342: {  	[tilespmem:s16+$0xFFFFFFE0] =	vst v2  }
0x343: {  	s16 =	sld [smem:$0x7F0];
	_ =	sdelay $0x2  }
0x344: {  	[tilespmem:s31], [sflag:$0x7] =	stream.linear.gather [spmem:s16], $0x280, $0x38;
	[tilespmem:$0x1D480] =	vst v63  }
0x345: {  	_ =	swait.ge [sflag:s28], $0x280  }
0x346: {  	[sflag:s28] =	ssyncset.done $0x0  }
0x347: {  	s16 =	simm.s32 $0xA1A0;
	[sflag:s28] =	ssyncadd.s32 $0xFFFFFD80  }
0x348: {  	s18 =	simm.s32 $0x9F20;
	v7 =	vld [tilespmem:s16+$0x10]  }
0x349: {  	v8 =	vld [tilespmem:s18+$0x10]  }
0x34a: {  	v4 =	vld [tilespmem:s18+$0xFFFFFFE0]  }
0x34b: {  	v2 =	vld [tilespmem:s16+$0xFFFFFFF0]  }
0x34c: {  	v6 =	vld [tilespmem:s18+$0xFFFFFFF0]  }
0x34d: {  	v3 =	vld [tilespmem:s16+$0x0]  }
0x34e: {  	v5 =	vld [tilespmem:s18+$0x0];
	v8 =	vadd.f32 v8, v7  }
0x34f: {  	s19 =	simm.s32 $0x0;
	s20 =	simm.s32 $0xA1E0;
	v7 =	vld [tilespmem:s16+$0xFFFFFFE0]  }
.LBB2_56:
0x350: {  	v9 =	vld [tilespmem:s20+$0x10];
	[tilespmem:s16+$0x10] =	vst v8;
	s18 =	sadd.s32 $0x40, s18  }
0x351: {  	s19 =	sadd.s32 $0x4, s19;
	v8 =	vld [tilespmem:s18+$0x10];
	v6 =	vadd.f32 v6, v2  }
0x352: {  	p0 =	slt.u32 s19, $0x24;
	v10 =	vld [tilespmem:s18+$0xFFFFFFE0]  }
.Ltmp27:
0x353: {  	v2 =	vld [tilespmem:s20+$0xFFFFFFF0];
	[tilespmem:s16+$0xFFFFFFF0] =	vst v6;
	v5 =	vadd.f32 v5, v3;
	(pc) =	sbr.rel @p0 .LBB2_56-.Ltmp27, $4  }
0x354: {  	v6 =	vld [tilespmem:s18+$0xFFFFFFF0];
	v11 =	vadd.f32 v4, v7  }
0x355: {  	v3 =	vld [tilespmem:s20+$0x0];
	[tilespmem:s16+$0x0] =	vst v5  }
0x356: {  	v5 =	vld [tilespmem:s18+$0x0];
	v8 =	vadd.f32 v8, v9;
	[tilespmem:s16+$0xFFFFFFE0] =	vst v11;
	s16 =	smov.u32 s20  }
0x357: {  	s20 =	sadd.s32 $0x40, s20;
	v7 =	vld [tilespmem:s16+$0xFFFFFFE0];
	v4 =	vmov v10  }
0x358: {  	_ =	sdelay $0x1  }
0x359: {  	v2 =	vadd.f32 v6, v2  }
0x35a: {  	[tilespmem:s16+$0x10] =	vst v8;
	v3 =	vadd.f32 v5, v3  }
0x35b: {  	[tilespmem:s16+$0xFFFFFFF0] =	vst v2;
	v2 =	vadd.f32 v4, v7  }
0x35c: {  	[tilespmem:s16+$0x0] =	vst v3  }
0x35d: {  	[tilespmem:s16+$0xFFFFFFE0] =	vst v2  }
0x35e: {  	s16 =	sld [smem:$0x7F1];
	_ =	sdelay $0x2  }
0x35f: {  	[tilespmem:s31], [sflag:$0x7] =	stream.linear.gather [spmem:s16], $0x280, $0x38;
	[tilespmem:$0x1D480] =	vst v63  }
0x360: {  	_ =	swait.ge [sflag:s28], $0x280  }
0x361: {  	[sflag:s28] =	ssyncset.done $0x0  }
0x362: {  	s16 =	simm.s32 $0xA1A0;
	[sflag:s28] =	ssyncadd.s32 $0xFFFFFD80  }
0x363: {  	s18 =	simm.s32 $0x9F20;
	v7 =	vld [tilespmem:s16+$0x10]  }
0x364: {  	v8 =	vld [tilespmem:s18+$0x10]  }
0x365: {  	v4 =	vld [tilespmem:s18+$0xFFFFFFE0]  }
0x366: {  	v2 =	vld [tilespmem:s16+$0xFFFFFFF0]  }
0x367: {  	v6 =	vld [tilespmem:s18+$0xFFFFFFF0]  }
0x368: {  	v3 =	vld [tilespmem:s16+$0x0]  }
0x369: {  	v5 =	vld [tilespmem:s18+$0x0];
	v8 =	vadd.f32 v8, v7  }
0x36a: {  	s19 =	simm.s32 $0x0;
	s20 =	simm.s32 $0xA1E0;
	v7 =	vld [tilespmem:s16+$0xFFFFFFE0]  }
.LBB2_58:
0x36b: {  	v9 =	vld [tilespmem:s20+$0x10];
	[tilespmem:s16+$0x10] =	vst v8;
	s18 =	sadd.s32 $0x40, s18  }
0x36c: {  	s19 =	sadd.s32 $0x4, s19;
	v8 =	vld [tilespmem:s18+$0x10];
	v6 =	vadd.f32 v6, v2  }
0x36d: {  	p0 =	slt.u32 s19, $0x24;
	v10 =	vld [tilespmem:s18+$0xFFFFFFE0]  }
.Ltmp28:
0x36e: {  	v2 =	vld [tilespmem:s20+$0xFFFFFFF0];
	[tilespmem:s16+$0xFFFFFFF0] =	vst v6;
	v5 =	vadd.f32 v5, v3;
	(pc) =	sbr.rel @p0 .LBB2_58-.Ltmp28, $4  }
0x36f: {  	v6 =	vld [tilespmem:s18+$0xFFFFFFF0];
	v11 =	vadd.f32 v4, v7  }
0x370: {  	v3 =	vld [tilespmem:s20+$0x0];
	[tilespmem:s16+$0x0] =	vst v5  }
0x371: {  	v5 =	vld [tilespmem:s18+$0x0];
	v8 =	vadd.f32 v8, v9;
	[tilespmem:s16+$0xFFFFFFE0] =	vst v11;
	s16 =	smov.u32 s20  }
0x372: {  	s20 =	sadd.s32 $0x40, s20;
	v7 =	vld [tilespmem:s16+$0xFFFFFFE0];
	v4 =	vmov v10  }
0x373: {  	_ =	sdelay $0x1  }
0x374: {  	v2 =	vadd.f32 v6, v2  }
0x375: {  	[tilespmem:s16+$0x10] =	vst v8;
	v3 =	vadd.f32 v5, v3  }
0x376: {  	[tilespmem:s16+$0xFFFFFFF0] =	vst v2;
	v2 =	vadd.f32 v4, v7  }
0x377: {  	[tilespmem:s16+$0x0] =	vst v3  }
0x378: {  	[tilespmem:s16+$0xFFFFFFE0] =	vst v2  }
0x379: {  	s16 =	sld [smem:$0x7F2];
	_ =	sdelay $0x2  }
0x37a: {  	[tilespmem:s31], [sflag:$0x7] =	stream.linear.gather [spmem:s16], $0x280, $0x38;
	[tilespmem:$0x1D480] =	vst v63  }
0x37b: {  	_ =	swait.ge [sflag:s28], $0x280  }
0x37c: {  	[sflag:s28] =	ssyncset.done $0x0  }
0x37d: {  	s16 =	simm.s32 $0xA1A0;
	[sflag:s28] =	ssyncadd.s32 $0xFFFFFD80  }
0x37e: {  	s18 =	simm.s32 $0x9F20;
	v7 =	vld [tilespmem:s16+$0x10]  }
0x37f: {  	v8 =	vld [tilespmem:s18+$0x10]  }
0x380: {  	v4 =	vld [tilespmem:s18+$0xFFFFFFE0]  }
0x381: {  	v2 =	vld [tilespmem:s16+$0xFFFFFFF0]  }
0x382: {  	v6 =	vld [tilespmem:s18+$0xFFFFFFF0]  }
0x383: {  	v3 =	vld [tilespmem:s16+$0x0]  }
0x384: {  	v5 =	vld [tilespmem:s18+$0x0];
	v8 =	vadd.f32 v8, v7  }
0x385: {  	s19 =	simm.s32 $0x0;
	s20 =	simm.s32 $0xA1E0;
	v7 =	vld [tilespmem:s16+$0xFFFFFFE0]  }
.LBB2_60:
0x386: {  	v9 =	vld [tilespmem:s20+$0x10];
	[tilespmem:s16+$0x10] =	vst v8;
	s18 =	sadd.s32 $0x40, s18  }
0x387: {  	s19 =	sadd.s32 $0x4, s19;
	v8 =	vld [tilespmem:s18+$0x10];
	v6 =	vadd.f32 v6, v2  }
0x388: {  	p0 =	slt.u32 s19, $0x24;
	v10 =	vld [tilespmem:s18+$0xFFFFFFE0]  }
.Ltmp29:
0x389: {  	v2 =	vld [tilespmem:s20+$0xFFFFFFF0];
	[tilespmem:s16+$0xFFFFFFF0] =	vst v6;
	v5 =	vadd.f32 v5, v3;
	(pc) =	sbr.rel @p0 .LBB2_60-.Ltmp29, $4  }
0x38a: {  	v6 =	vld [tilespmem:s18+$0xFFFFFFF0];
	v11 =	vadd.f32 v4, v7  }
0x38b: {  	v3 =	vld [tilespmem:s20+$0x0];
	[tilespmem:s16+$0x0] =	vst v5  }
0x38c: {  	v5 =	vld [tilespmem:s18+$0x0];
	v8 =	vadd.f32 v8, v9;
	[tilespmem:s16+$0xFFFFFFE0] =	vst v11;
	s16 =	smov.u32 s20  }
0x38d: {  	s20 =	sadd.s32 $0x40, s20;
	v7 =	vld [tilespmem:s16+$0xFFFFFFE0];
	v4 =	vmov v10  }
0x38e: {  	_ =	sdelay $0x1  }
0x38f: {  	v2 =	vadd.f32 v6, v2  }
0x390: {  	[tilespmem:s16+$0x10] =	vst v8;
	v3 =	vadd.f32 v5, v3  }
0x391: {  	[tilespmem:s16+$0xFFFFFFF0] =	vst v2;
	v2 =	vadd.f32 v4, v7  }
0x392: {  	[tilespmem:s16+$0x0] =	vst v3  }
0x393: {  	[tilespmem:s16+$0xFFFFFFE0] =	vst v2  }
0x394: {  	s16 =	sld [smem:$0x7F3];
	_ =	sdelay $0x2  }
0x395: {  	[tilespmem:s31], [sflag:$0x7] =	stream.linear.gather [spmem:s16], $0x280, $0x38;
	[tilespmem:$0x1D480] =	vst v63  }
0x396: {  	_ =	swait.ge [sflag:s28], $0x280  }
0x397: {  	[sflag:s28] =	ssyncset.done $0x0  }
0x398: {  	s16 =	simm.s32 $0xA1A0;
	[sflag:s28] =	ssyncadd.s32 $0xFFFFFD80  }
0x399: {  	s18 =	simm.s32 $0x9F20;
	v7 =	vld [tilespmem:s16+$0x10]  }
0x39a: {  	v8 =	vld [tilespmem:s18+$0x10]  }
0x39b: {  	v4 =	vld [tilespmem:s18+$0xFFFFFFE0]  }
0x39c: {  	v2 =	vld [tilespmem:s16+$0xFFFFFFF0]  }
0x39d: {  	v6 =	vld [tilespmem:s18+$0xFFFFFFF0]  }
0x39e: {  	v3 =	vld [tilespmem:s16+$0x0]  }
0x39f: {  	v5 =	vld [tilespmem:s18+$0x0];
	v8 =	vadd.f32 v8, v7  }
0x3a0: {  	s19 =	simm.s32 $0x0;
	s20 =	simm.s32 $0xA1E0;
	v7 =	vld [tilespmem:s16+$0xFFFFFFE0]  }
.LBB2_62:
0x3a1: {  	v9 =	vld [tilespmem:s20+$0x10];
	[tilespmem:s16+$0x10] =	vst v8;
	s18 =	sadd.s32 $0x40, s18  }
0x3a2: {  	s19 =	sadd.s32 $0x4, s19;
	v8 =	vld [tilespmem:s18+$0x10];
	v6 =	vadd.f32 v6, v2  }
0x3a3: {  	p0 =	slt.u32 s19, $0x24;
	v10 =	vld [tilespmem:s18+$0xFFFFFFE0]  }
.Ltmp30:
0x3a4: {  	v2 =	vld [tilespmem:s20+$0xFFFFFFF0];
	[tilespmem:s16+$0xFFFFFFF0] =	vst v6;
	v5 =	vadd.f32 v5, v3;
	(pc) =	sbr.rel @p0 .LBB2_62-.Ltmp30, $4  }
0x3a5: {  	v6 =	vld [tilespmem:s18+$0xFFFFFFF0];
	v11 =	vadd.f32 v4, v7  }
0x3a6: {  	v3 =	vld [tilespmem:s20+$0x0];
	[tilespmem:s16+$0x0] =	vst v5  }
0x3a7: {  	v5 =	vld [tilespmem:s18+$0x0];
	v8 =	vadd.f32 v8, v9;
	[tilespmem:s16+$0xFFFFFFE0] =	vst v11;
	s16 =	smov.u32 s20  }
0x3a8: {  	s20 =	sadd.s32 $0x40, s20;
	v7 =	vld [tilespmem:s16+$0xFFFFFFE0];
	v4 =	vmov v10  }
0x3a9: {  	_ =	sdelay $0x1  }
0x3aa: {  	v2 =	vadd.f32 v6, v2  }
0x3ab: {  	[tilespmem:s16+$0x10] =	vst v8;
	v3 =	vadd.f32 v5, v3  }
0x3ac: {  	[tilespmem:s16+$0xFFFFFFF0] =	vst v2;
	v2 =	vadd.f32 v4, v7  }
0x3ad: {  	[tilespmem:s16+$0x0] =	vst v3  }
0x3ae: {  	[tilespmem:s16+$0xFFFFFFE0] =	vst v2  }
0x3af: {  	s16 =	sld [smem:$0x7F4];
	_ =	sdelay $0x2  }
0x3b0: {  	[tilespmem:s31], [sflag:$0x7] =	stream.linear.gather [spmem:s16], $0x280, $0x38;
	[tilespmem:$0x1D480] =	vst v63  }
0x3b1: {  	_ =	swait.ge [sflag:s28], $0x280  }
0x3b2: {  	[sflag:s28] =	ssyncset.done $0x0  }
0x3b3: {  	s16 =	simm.s32 $0xA1A0;
	[sflag:s28] =	ssyncadd.s32 $0xFFFFFD80  }
0x3b4: {  	s18 =	simm.s32 $0x9F20;
	v7 =	vld [tilespmem:s16+$0x10]  }
0x3b5: {  	v8 =	vld [tilespmem:s18+$0x10]  }
0x3b6: {  	v4 =	vld [tilespmem:s18+$0xFFFFFFE0]  }
0x3b7: {  	v2 =	vld [tilespmem:s16+$0xFFFFFFF0]  }
0x3b8: {  	v6 =	vld [tilespmem:s18+$0xFFFFFFF0]  }
0x3b9: {  	v3 =	vld [tilespmem:s16+$0x0]  }
0x3ba: {  	v5 =	vld [tilespmem:s18+$0x0];
	v8 =	vadd.f32 v8, v7  }
0x3bb: {  	s19 =	simm.s32 $0x0;
	s20 =	simm.s32 $0xA1E0;
	v7 =	vld [tilespmem:s16+$0xFFFFFFE0]  }
.LBB2_64:
0x3bc: {  	v9 =	vld [tilespmem:s20+$0x10];
	[tilespmem:s16+$0x10] =	vst v8;
	s18 =	sadd.s32 $0x40, s18  }
0x3bd: {  	s19 =	sadd.s32 $0x4, s19;
	v8 =	vld [tilespmem:s18+$0x10];
	v6 =	vadd.f32 v6, v2  }
0x3be: {  	p0 =	slt.u32 s19, $0x24;
	v10 =	vld [tilespmem:s18+$0xFFFFFFE0]  }
.Ltmp31:
0x3bf: {  	v2 =	vld [tilespmem:s20+$0xFFFFFFF0];
	[tilespmem:s16+$0xFFFFFFF0] =	vst v6;
	v5 =	vadd.f32 v5, v3;
	(pc) =	sbr.rel @p0 .LBB2_64-.Ltmp31, $4  }
0x3c0: {  	v6 =	vld [tilespmem:s18+$0xFFFFFFF0];
	v11 =	vadd.f32 v4, v7  }
0x3c1: {  	v3 =	vld [tilespmem:s20+$0x0];
	[tilespmem:s16+$0x0] =	vst v5  }
0x3c2: {  	v5 =	vld [tilespmem:s18+$0x0];
	v8 =	vadd.f32 v8, v9;
	[tilespmem:s16+$0xFFFFFFE0] =	vst v11;
	s16 =	smov.u32 s20  }
0x3c3: {  	s20 =	sadd.s32 $0x40, s20;
	v7 =	vld [tilespmem:s16+$0xFFFFFFE0];
	v4 =	vmov v10  }
0x3c4: {  	_ =	sdelay $0x1  }
0x3c5: {  	v2 =	vadd.f32 v6, v2  }
0x3c6: {  	[tilespmem:s16+$0x10] =	vst v8;
	v3 =	vadd.f32 v5, v3  }
0x3c7: {  	[tilespmem:s16+$0xFFFFFFF0] =	vst v2;
	v2 =	vadd.f32 v4, v7  }
0x3c8: {  	[tilespmem:s16+$0x0] =	vst v3  }
0x3c9: {  	[tilespmem:s16+$0xFFFFFFE0] =	vst v2  }
0x3ca: {  	s16 =	sld [smem:$0x7F5];
	_ =	sdelay $0x2  }
0x3cb: {  	[tilespmem:s31], [sflag:$0x7] =	stream.linear.gather [spmem:s16], $0x280, $0x38;
	[tilespmem:$0x1D480] =	vst v63  }
0x3cc: {  	_ =	swait.ge [sflag:s28], $0x280  }
0x3cd: {  	[sflag:s28] =	ssyncset.done $0x0  }
0x3ce: {  	s16 =	simm.s32 $0xA1A0;
	[sflag:s28] =	ssyncadd.s32 $0xFFFFFD80  }
0x3cf: {  	s18 =	simm.s32 $0x9F20;
	v7 =	vld [tilespmem:s16+$0x10]  }
0x3d0: {  	v8 =	vld [tilespmem:s18+$0x10]  }
0x3d1: {  	v4 =	vld [tilespmem:s18+$0xFFFFFFE0]  }
0x3d2: {  	v2 =	vld [tilespmem:s16+$0xFFFFFFF0]  }
0x3d3: {  	v6 =	vld [tilespmem:s18+$0xFFFFFFF0]  }
0x3d4: {  	v3 =	vld [tilespmem:s16+$0x0]  }
0x3d5: {  	v5 =	vld [tilespmem:s18+$0x0];
	v8 =	vadd.f32 v8, v7  }
0x3d6: {  	s19 =	simm.s32 $0x0;
	s20 =	simm.s32 $0xA1E0;
	v7 =	vld [tilespmem:s16+$0xFFFFFFE0]  }
.LBB2_66:
0x3d7: {  	v9 =	vld [tilespmem:s20+$0x10];
	[tilespmem:s16+$0x10] =	vst v8;
	s18 =	sadd.s32 $0x40, s18  }
0x3d8: {  	s19 =	sadd.s32 $0x4, s19;
	v8 =	vld [tilespmem:s18+$0x10];
	v6 =	vadd.f32 v6, v2  }
0x3d9: {  	p0 =	slt.u32 s19, $0x24;
	v10 =	vld [tilespmem:s18+$0xFFFFFFE0]  }
.Ltmp32:
0x3da: {  	v2 =	vld [tilespmem:s20+$0xFFFFFFF0];
	[tilespmem:s16+$0xFFFFFFF0] =	vst v6;
	v5 =	vadd.f32 v5, v3;
	(pc) =	sbr.rel @p0 .LBB2_66-.Ltmp32, $4  }
0x3db: {  	v6 =	vld [tilespmem:s18+$0xFFFFFFF0];
	v11 =	vadd.f32 v4, v7  }
0x3dc: {  	v3 =	vld [tilespmem:s20+$0x0];
	[tilespmem:s16+$0x0] =	vst v5  }
0x3dd: {  	v5 =	vld [tilespmem:s18+$0x0];
	v8 =	vadd.f32 v8, v9;
	[tilespmem:s16+$0xFFFFFFE0] =	vst v11;
	s16 =	smov.u32 s20  }
0x3de: {  	s20 =	sadd.s32 $0x40, s20;
	v7 =	vld [tilespmem:s16+$0xFFFFFFE0];
	v4 =	vmov v10  }
0x3df: {  	_ =	sdelay $0x1  }
0x3e0: {  	v2 =	vadd.f32 v6, v2  }
0x3e1: {  	[tilespmem:s16+$0x10] =	vst v8;
	v3 =	vadd.f32 v5, v3  }
0x3e2: {  	[tilespmem:s16+$0xFFFFFFF0] =	vst v2;
	v2 =	vadd.f32 v4, v7  }
0x3e3: {  	[tilespmem:s16+$0x0] =	vst v3  }
0x3e4: {  	[tilespmem:s16+$0xFFFFFFE0] =	vst v2  }
0x3e5: {  	s16 =	sld [smem:$0x7F6];
	_ =	sdelay $0x2  }
0x3e6: {  	[tilespmem:s31], [sflag:$0x7] =	stream.linear.gather [spmem:s16], $0x280, $0x38;
	[tilespmem:$0x1D480] =	vst v63  }
0x3e7: {  	_ =	swait.ge [sflag:s28], $0x280  }
0x3e8: {  	[sflag:s28] =	ssyncset.done $0x0  }
0x3e9: {  	s16 =	simm.s32 $0xA1A0;
	[sflag:s28] =	ssyncadd.s32 $0xFFFFFD80  }
0x3ea: {  	s18 =	simm.s32 $0x9F20;
	v7 =	vld [tilespmem:s16+$0x10]  }
0x3eb: {  	v8 =	vld [tilespmem:s18+$0x10]  }
0x3ec: {  	v4 =	vld [tilespmem:s18+$0xFFFFFFE0]  }
0x3ed: {  	v2 =	vld [tilespmem:s16+$0xFFFFFFF0]  }
0x3ee: {  	v6 =	vld [tilespmem:s18+$0xFFFFFFF0]  }
0x3ef: {  	v3 =	vld [tilespmem:s16+$0x0]  }
0x3f0: {  	v5 =	vld [tilespmem:s18+$0x0];
	v8 =	vadd.f32 v8, v7  }
0x3f1: {  	s19 =	simm.s32 $0x0;
	s20 =	simm.s32 $0xA1E0;
	v7 =	vld [tilespmem:s16+$0xFFFFFFE0]  }
.LBB2_68:
0x3f2: {  	v9 =	vld [tilespmem:s20+$0x10];
	[tilespmem:s16+$0x10] =	vst v8;
	s18 =	sadd.s32 $0x40, s18  }
0x3f3: {  	s19 =	sadd.s32 $0x4, s19;
	v8 =	vld [tilespmem:s18+$0x10];
	v6 =	vadd.f32 v6, v2  }
0x3f4: {  	p0 =	slt.u32 s19, $0x24;
	v10 =	vld [tilespmem:s18+$0xFFFFFFE0]  }
.Ltmp33:
0x3f5: {  	v2 =	vld [tilespmem:s20+$0xFFFFFFF0];
	[tilespmem:s16+$0xFFFFFFF0] =	vst v6;
	v5 =	vadd.f32 v5, v3;
	(pc) =	sbr.rel @p0 .LBB2_68-.Ltmp33, $4  }
0x3f6: {  	v6 =	vld [tilespmem:s18+$0xFFFFFFF0];
	v11 =	vadd.f32 v4, v7  }
0x3f7: {  	v3 =	vld [tilespmem:s20+$0x0];
	[tilespmem:s16+$0x0] =	vst v5  }
0x3f8: {  	v5 =	vld [tilespmem:s18+$0x0];
	v8 =	vadd.f32 v8, v9;
	[tilespmem:s16+$0xFFFFFFE0] =	vst v11;
	s16 =	smov.u32 s20  }
0x3f9: {  	s20 =	sadd.s32 $0x40, s20;
	v7 =	vld [tilespmem:s16+$0xFFFFFFE0];
	v4 =	vmov v10  }
0x3fa: {  	_ =	sdelay $0x1  }
0x3fb: {  	v2 =	vadd.f32 v6, v2  }
0x3fc: {  	[tilespmem:s16+$0x10] =	vst v8;
	v3 =	vadd.f32 v5, v3  }
0x3fd: {  	[tilespmem:s16+$0xFFFFFFF0] =	vst v2;
	v2 =	vadd.f32 v4, v7  }
0x3fe: {  	[tilespmem:s16+$0x0] =	vst v3  }
0x3ff: {  	[tilespmem:s16+$0xFFFFFFE0] =	vst v2  }
0x400: {  	s16 =	sld [smem:$0x7F7];
	_ =	sdelay $0x2  }
0x401: {  	[tilespmem:s31], [sflag:$0x7] =	stream.linear.gather [spmem:s16], $0x280, $0x38;
	[tilespmem:$0x1D480] =	vst v63  }
0x402: {  	_ =	swait.ge [sflag:s28], $0x280  }
0x403: {  	[sflag:s28] =	ssyncset.done $0x0  }
0x404: {  	s16 =	simm.s32 $0xA1A0;
	[sflag:s28] =	ssyncadd.s32 $0xFFFFFD80  }
0x405: {  	s18 =	simm.s32 $0x9F20;
	v7 =	vld [tilespmem:s16+$0x10]  }
0x406: {  	v8 =	vld [tilespmem:s18+$0x10]  }
0x407: {  	v4 =	vld [tilespmem:s18+$0xFFFFFFE0]  }
0x408: {  	v2 =	vld [tilespmem:s16+$0xFFFFFFF0]  }
0x409: {  	v6 =	vld [tilespmem:s18+$0xFFFFFFF0]  }
0x40a: {  	v3 =	vld [tilespmem:s16+$0x0]  }
0x40b: {  	v5 =	vld [tilespmem:s18+$0x0];
	v8 =	vadd.f32 v8, v7  }
0x40c: {  	s19 =	simm.s32 $0x0;
	s20 =	simm.s32 $0xA1E0;
	v7 =	vld [tilespmem:s16+$0xFFFFFFE0]  }
.LBB2_70:
0x40d: {  	v9 =	vld [tilespmem:s20+$0x10];
	[tilespmem:s16+$0x10] =	vst v8;
	s18 =	sadd.s32 $0x40, s18  }
0x40e: {  	s19 =	sadd.s32 $0x4, s19;
	v8 =	vld [tilespmem:s18+$0x10];
	v6 =	vadd.f32 v6, v2  }
0x40f: {  	p0 =	slt.u32 s19, $0x24;
	v10 =	vld [tilespmem:s18+$0xFFFFFFE0]  }
.Ltmp34:
0x410: {  	v2 =	vld [tilespmem:s20+$0xFFFFFFF0];
	[tilespmem:s16+$0xFFFFFFF0] =	vst v6;
	v5 =	vadd.f32 v5, v3;
	(pc) =	sbr.rel @p0 .LBB2_70-.Ltmp34, $4  }
0x411: {  	v6 =	vld [tilespmem:s18+$0xFFFFFFF0];
	v11 =	vadd.f32 v4, v7  }
0x412: {  	v3 =	vld [tilespmem:s20+$0x0];
	[tilespmem:s16+$0x0] =	vst v5  }
0x413: {  	v5 =	vld [tilespmem:s18+$0x0];
	v8 =	vadd.f32 v8, v9;
	[tilespmem:s16+$0xFFFFFFE0] =	vst v11;
	s16 =	smov.u32 s20  }
0x414: {  	s20 =	sadd.s32 $0x40, s20;
	v7 =	vld [tilespmem:s16+$0xFFFFFFE0];
	v4 =	vmov v10  }
0x415: {  	_ =	sdelay $0x1  }
0x416: {  	v2 =	vadd.f32 v6, v2  }
0x417: {  	[tilespmem:s16+$0x10] =	vst v8;
	v3 =	vadd.f32 v5, v3  }
0x418: {  	[tilespmem:s16+$0xFFFFFFF0] =	vst v2;
	v2 =	vadd.f32 v4, v7  }
0x419: {  	[tilespmem:s16+$0x0] =	vst v3  }
0x41a: {  	[tilespmem:s16+$0xFFFFFFE0] =	vst v2  }
0x41b: {  	s16 =	sld [smem:$0x7FA];
	_ =	sdelay $0x2  }
0x41c: {  	[spmem:s16] =	stream.linear.scatter [tilespmem:s23], [sflag:$0x7], $0x280, $0x38;
	[tilespmem:$0x1D480] =	vst v63  }
0x41d: {  	_ =	swait.ge [sflag:s28], $0x280  }
0x41e: {  	[sflag:s28] =	ssyncset.done $0x0  }
0x41f: {  	[sflag:s28] =	ssyncadd.s32 $0xFFFFFD80  }
0x420: {  	[bflag:$0x0] =	sbarrier.arrive $0xFFFF  }
0x421: {  	s18 =	simm.s32 $0x0;
	s24 =	rddreg [dreg:$0x4]  }
0x422: {  	[tilespmem:s18], [sflag:$0x7] =	stream.linear.gather [spmem:s24], $0x2800, $0x38;
	[tilespmem:$0x1D480] =	vst v63  }
0x423: {  	_ =	swait.ge [sflag:s28], $0x2800  }
0x424: {  	[sflag:s28] =	ssyncset.done $0x0  }
0x425: {  	[sflag:s28] =	ssyncadd.s32 $0xFFFFD800  }
0x426: {  	s25 =	rddreg [dreg:$0x5]  }
0x427: {  	[tilespmem:s30], [sflag:$0x7] =	stream.linear.gather [spmem:s25], $0x2800, $0x38;
	[tilespmem:$0x1D480] =	vst v63  }
0x428: {  	_ =	swait.ge [sflag:s28], $0x2800  }
0x429: {  	[sflag:s28] =	ssyncset.done $0x0  }
0x42a: {  	s26 =	rddreg [dreg:$0xe];
	[sflag:s28] =	ssyncadd.s32 $0xFFFFD800  }
0x42b: {  	[tilespmem:s21], [sflag:$0x7] =	stream.linear.gather [hbm4b:s26+s18], $0x2710, $0x38;
	[tilespmem:$0x1D480] =	vst v63  }
0x42c: {  	_ =	swait.ge [sflag:s28], $0x2710  }
0x42d: {  	[sflag:s28] =	ssyncset.done $0x0  }
0x42e: {  	s29 =	rddreg [dreg:$0xf];
	[sflag:s28] =	ssyncadd.s32 $0xFFFFD8F0  }
0x42f: {  	[tilespmem:s22], [sflag:$0x7] =	stream.linear.gather [hbm4b:s29+s18], $0x2710, $0x38;
	[tilespmem:$0x1D480] =	vst v63  }
0x430: {  	_ =	swait.ge [sflag:s28], $0x2710  }
0x431: {  	[sflag:s28] =	ssyncset.done $0x0  }
0x432: {  	[sflag:s28] =	ssyncadd.s32 $0xFFFFD8F0  }
0x433: {  	[tilespmem:s2], [sflag:$0x1] =	stream.indirect.gather [hbm4b:s5+s0], $0x80, s21, s0, $0xb8;
	[tilespmem:$0x1D480] =	vst v63  }
0x434: {  	_ = 	snop  }
0x435: {  	[tilespmem:s1], [sflag:$0x3] =	stream.indirect.gather [hbm4b:s5+s0], $0x80, s22, s0, $0xb8;
	[tilespmem:$0x1D480] =	vst v63  }
.LBB2_72:
0x436: {  	s19 =	smul.u32 $0xA0, s18;
	_ =	sdelay $0x1  }
0x437: {  	s16 =	sadd.s32 $0x5050, s19  }
0x438: {  	[tilespmem:s3], [sflag:$0x2] =	stream.indirect.gather [hbm4b:s5+s0], $0x80, s16, s0, $0xb8;
	[tilespmem:$0x1D480] =	vst v63  }
0x439: {  	s26 =	sadd.s32 $0x77D0, s19  }
0x43a: {  	[tilespmem:s8], [sflag:$0x4] =	stream.indirect.gather [hbm4b:s5+s0], $0x80, s26, s0, $0xb8;
	[tilespmem:$0x1D480] =	vst v63  }
0x43b: {  	_ =	swait.ge [sflag:s9], $0x2800  }
0x43c: {  	[sflag:s9] =	ssyncset.done $0x0  }
0x43d: {  	[sflag:s9] =	ssyncadd.s32 $0xFFFFD800  }
0x43e: {  	_ =	swait.ge [sflag:s10], $0x2800  }
0x43f: {  	p0 =	seq.s32 s18, $0x0;
	[sflag:s10] =	ssyncset.done $0x0  }
0x440: {  	s16 =	simm.s32 @!p0 $0x5;
	[sflag:s10] =	ssyncadd.s32 $0xFFFFD800  }
0x441: {  	_ =	swait.ge @!p0 [sflag:s16], $0xA00  }
0x442: {  	[sflag:s16] =	ssyncset.done @!p0 $0x0  }
0x443: {  	s21 =	simm.s32 $0xA600;
	[sflag:s16] =	ssyncadd.s32 @!p0 $0xFFFFF600  }
0x444: {  	s22 =	simm.s32 $0xF640;
	v2 =	vld [tilespmem:s21+$0x0]  }
0x445: {  	v3 =	vld [tilespmem:s22+$0x0]  }
0x446: {  	v4 =	vld [tilespmem:s21+$0x80]  }
0x447: {  	v5 =	vld [tilespmem:s22+$0x80]  }
0x448: {  	v6 =	vld [tilespmem:s21+$0x100]  }
0x449: {  	v7 =	vld [tilespmem:s22+$0x100]  }
0x44a: {  	v8 =	vld [tilespmem:s21+$0x180]  }
0x44b: {  	v9 =	vld [tilespmem:s22+$0x180]  }
0x44c: {  	v10 =	vld [tilespmem:s22+$0xFFFFFE00]  }
0x44d: {  	v11 =	vld [tilespmem:s21+$0xFFFFFE80]  }
0x44e: {  	v12 =	vld [tilespmem:s22+$0xFFFFFE80]  }
0x44f: {  	v13 =	vld [tilespmem:s21+$0xFFFFFF00];
	v2 =	vadd.f32 v3, v2;
	v3 =	vadd.f32 v5, v4  }
0x450: {  	v4 =	vld [tilespmem:s22+$0xFFFFFF00];
	v5 =	vadd.f32 v7, v6;
	v6 =	vadd.f32 v9, v8  }
0x451: {  	s23 =	simm.s32 $0x14480;
	v7 =	vld [tilespmem:s21+$0xFFFFFF80];
	v2 =	vpack.i.f32.bf16 v3, v2  }
0x452: {  	v3 =	vld [tilespmem:s22+$0xFFFFFF80];
	[tilespmem:s23+$0x0] =	vst v2;
	v2 =	vpack.i.f32.bf16 v6, v5  }
0x453: {  	v5 =	vld [tilespmem:s21+$0xFFFFFE00];
	[tilespmem:s23+$0x40] =	vst v2  }
0x454: {  	v2 =	vld [tilespmem:s21+$0x10]  }
0x455: {  	v6 =	vld [tilespmem:s22+$0x10]  }
0x456: {  	v8 =	vld [tilespmem:s21+$0x90]  }
0x457: {  	v4 =	vadd.f32 v4, v13;
	v3 =	vadd.f32 v3, v7;
	v7 =	vld [tilespmem:s22+$0x90]  }
0x458: {  	v9 =	vadd.f32 v12, v11;
	v5 =	vadd.f32 v10, v5;
	v10 =	vld [tilespmem:s21+$0x110]  }
0x459: {  	v3 =	vpack.i.f32.bf16 v3, v4;
	v4 =	vld [tilespmem:s22+$0x110]  }
0x45a: {  	v5 =	vpack.i.f32.bf16 v9, v5;
	[tilespmem:s23+$0xFFFFFFC0] =	vst v3;
	v3 =	vld [tilespmem:s21+$0x190]  }
0x45b: {  	[tilespmem:s23+$0xFFFFFF80] =	vst v5;
	v5 =	vld [tilespmem:s22+$0x190]  }
0x45c: {  	v9 =	vld [tilespmem:s21+$0xFFFFFE10]  }
0x45d: {  	v11 =	vld [tilespmem:s22+$0xFFFFFE10]  }
0x45e: {  	v60 =	vld [tilespmem:s21+$0xFFFFFE90]  }
0x45f: {  	v2 =	vadd.f32 v6, v2;
	v61 =	vld [tilespmem:s22+$0xFFFFFE90];
	v6 =	vadd.f32 v7, v8  }
0x460: {  	v7 =	vld [tilespmem:s21+$0xFFFFFF10];
	v4 =	vadd.f32 v4, v10;
	v3 =	vadd.f32 v5, v3  }
0x461: {  	v2 =	vpack.i.f32.bf16 v6, v2;
	v6 =	vld [tilespmem:s21+$0xFFFFFF90]  }
0x462: {  	[tilespmem:s23+$0x10] =	vst v2;
	v5 =	vld [tilespmem:s22+$0xFFFFFF10];
	v2 =	vpack.i.f32.bf16 v3, v4  }
0x463: {  	v3 =	vld [tilespmem:s22+$0xFFFFFF90];
	[tilespmem:s23+$0x50] =	vst v2  }
0x464: {  	v2 =	vld [tilespmem:s21+$0x20]  }
0x465: {  	v4 =	vld [tilespmem:s22+$0x20]  }
0x466: {  	v9 =	vadd.f32 v11, v9;
	v10 =	vadd.f32 v61, v60;
	v8 =	vld [tilespmem:s21+$0xA0]  }
0x467: {  	v11 =	vld [tilespmem:s22+$0xA0]  }
0x468: {  	v5 =	vadd.f32 v5, v7;
	v7 =	vpack.i.f32.bf16 v10, v9;
	v9 =	vld [tilespmem:s22+$0x120];
	v3 =	vadd.f32 v3, v6  }
0x469: {  	v6 =	vld [tilespmem:s21+$0x120]  }
0x46a: {  	[tilespmem:s23+$0xFFFFFF90] =	vst v7;
	v3 =	vpack.i.f32.bf16 v3, v5;
	v5 =	vld [tilespmem:s21+$0x1A0]  }
0x46b: {  	[tilespmem:s23+$0xFFFFFFD0] =	vst v3;
	v3 =	vld [tilespmem:s22+$0x1A0]  }
0x46c: {  	v7 =	vld [tilespmem:s21+$0xFFFFFE20]  }
0x46d: {  	v10 =	vld [tilespmem:s22+$0xFFFFFE20]  }
0x46e: {  	v62 =	vld [tilespmem:s21+$0xFFFFFEA0]  }
0x46f: {  	v2 =	vadd.f32 v4, v2;
	v4 =	vadd.f32 v11, v8;
	v63 =	vld [tilespmem:s22+$0xFFFFFEA0]  }
0x470: {  	v8 =	vld [tilespmem:s21+$0xFFFFFF20];
	v6 =	vadd.f32 v9, v6;
	v3 =	vadd.f32 v3, v5  }
0x471: {  	v2 =	vpack.i.f32.bf16 v4, v2;
	v4 =	vld [tilespmem:s21+$0xFFFFFFA0]  }
0x472: {  	[tilespmem:s23+$0x20] =	vst v2;
	v5 =	vld [tilespmem:s22+$0xFFFFFF20];
	v2 =	vpack.i.f32.bf16 v3, v6  }
0x473: {  	v3 =	vld [tilespmem:s22+$0xFFFFFFA0];
	[tilespmem:s23+$0x60] =	vst v2  }
0x474: {  	v6 =	vld [tilespmem:s21+$0x130]  }
0x475: {  	v9 =	vld [tilespmem:s22+$0x130]  }
0x476: {  	v11 =	vld [tilespmem:s21+$0x1B0]  }
0x477: {  	v2 =	vadd.f32 v10, v7;
	v7 =	vadd.f32 v63, v62;
	v10 =	vld [tilespmem:s22+$0x1B0]  }
0x478: {  	v5 =	vadd.f32 v5, v8;
	v8 =	vld [tilespmem:s21+$0x30];
	v3 =	vadd.f32 v3, v4  }
0x479: {  	v2 =	vpack.i.f32.bf16 v7, v2;
	v7 =	vld [tilespmem:s22+$0x30]  }
0x47a: {  	[tilespmem:s23+$0xFFFFFFA0] =	vst v2;
	v2 =	vld [tilespmem:s21+$0xB0];
	v3 =	vpack.i.f32.bf16 v3, v5  }
0x47b: {  	v4 =	vld [tilespmem:s22+$0xB0];
	[tilespmem:s23+$0xFFFFFFE0] =	vst v3  }
0x47c: {  	v5 =	vadd.f32 v9, v6;
	v9 =	vadd.f32 v10, v11;
	v3 =	vld [tilespmem:s21+$0xFFFFFE30]  }
0x47d: {  	v6 =	vld [tilespmem:s22+$0xFFFFFE30]  }
0x47e: {  	s29 =	simm.s32 $0xAA00;
	s25 =	simm.s32 $0x14480;
	s20 =	sadd.s32 $0x50, s19;
	v9 =	vpack.i.f32.bf16 v9, v5;
	v5 =	vld [tilespmem:s21+$0xFFFFFEB0]  }
0x47f: {  	s24 =	sadd.s32 s6, s19;
	s26 =	simm.s32 $0xF640;
	s16 =	simm.s32 $0x0;
	v8 =	vadd.f32 v7, v8;
	v7 =	vld [tilespmem:s22+$0xFFFFFEB0];
	[tilespmem:s23+$0x70] =	vst v9  }
.LBB2_73:
0x480: {  	v9 =	vld [tilespmem:s29+$0x0];
	v2 =	vadd.f32 v4, v2;
	s22 =	sadd.s32 $0x400, s22  }
0x481: {  	v4 =	vld [tilespmem:s22+$0x0]  }
0x482: {  	v10 =	vld [tilespmem:s29+$0x80];
	v3 =	vadd.f32 v6, v3;
	v2 =	vpack.i.f32.bf16 v2, v8  }
0x483: {  	v6 =	vld [tilespmem:s22+$0x80];
	[tilespmem:s23+$0x30] =	vst v2  }
0x484: {  	v8 =	vld [tilespmem:s29+$0x100];
	v2 =	vadd.f32 v7, v5  }
0x485: {  	v5 =	vld [tilespmem:s22+$0x100]  }
0x486: {  	v7 =	vld [tilespmem:s29+$0x180];
	v2 =	vpack.i.f32.bf16 v2, v3  }
0x487: {  	v3 =	vld [tilespmem:s22+$0x180]  }
0x488: {  	v11 =	vld [tilespmem:s22+$0xFFFFFE00]  }
0x489: {  	v12 =	vld [tilespmem:s29+$0xFFFFFE80]  }
0x48a: {  	v13 =	vld [tilespmem:s22+$0xFFFFFE80]  }
0x48b: {  	v4 =	vadd.f32 v4, v9;
	v6 =	vadd.f32 v6, v10;
	v14 =	vld [tilespmem:s29+$0xFFFFFF00]  }
0x48c: {  	v5 =	vadd.f32 v5, v8;
	v9 =	vld [tilespmem:s22+$0xFFFFFF00];
	v3 =	vadd.f32 v3, v7  }
0x48d: {  	s23 =	sadd.s32 $0x100, s23;
	v4 =	vpack.i.f32.bf16 v6, v4;
	v7 =	vld [tilespmem:s29+$0xFFFFFF80]  }
0x48e: {  	v6 =	vld [tilespmem:s22+$0xFFFFFF80];
	[tilespmem:s23+$0x0] =	vst v4;
	v3 =	vpack.i.f32.bf16 v3, v5  }
0x48f: {  	v4 =	vld [tilespmem:s29+$0xFFFFFE00];
	v5 =	vadd.f32 v13, v12;
	[tilespmem:s23+$0x40] =	vst v3  }
0x490: {  	v3 =	vld [tilespmem:s29+$0x10]  }
0x491: {  	v8 =	vadd.f32 v9, v14;
	v9 =	vld [tilespmem:s22+$0x10]  }
0x492: {  	v10 =	vld [tilespmem:s29+$0x90]  }
0x493: {  	v6 =	vadd.f32 v6, v7;
	v7 =	vld [tilespmem:s22+$0x90]  }
0x494: {  	v4 =	vadd.f32 v11, v4;
	v11 =	vld [tilespmem:s29+$0x110]  }
0x495: {  	v6 =	vpack.i.f32.bf16 v6, v8;
	v8 =	vld [tilespmem:s22+$0x110]  }
0x496: {  	v4 =	vpack.i.f32.bf16 v5, v4;
	[tilespmem:s23+$0xFFFFFFC0] =	vst v6;
	v5 =	vld [tilespmem:s29+$0x190]  }
0x497: {  	[tilespmem:s23+$0xFFFFFF80] =	vst v4;
	v4 =	vld [tilespmem:s22+$0x190]  }
0x498: {  	s16 =	sadd.s32 $0x2, s16;
	v6 =	vld [tilespmem:s29+$0xFFFFFE10]  }
0x499: {  	p1 =	slt.u32 s16, $0x12;
	v12 =	vld [tilespmem:s22+$0xFFFFFE10]  }
0x49a: {  	v13 =	vld [tilespmem:s29+$0xFFFFFE90]  }
0x49b: {  	v3 =	vadd.f32 v9, v3;
	v7 =	vadd.f32 v7, v10;
	v14 =	vld [tilespmem:s22+$0xFFFFFE90]  }
0x49c: {  	v8 =	vadd.f32 v8, v11;
	v9 =	vld [tilespmem:s29+$0xFFFFFF10];
	v4 =	vadd.f32 v4, v5  }
0x49d: {  	v3 =	vpack.i.f32.bf16 v7, v3;
	v5 =	vld [tilespmem:s22+$0xFFFFFF10]  }
0x49e: {  	v6 =	vadd.f32 v12, v6;
	v7 =	vld [tilespmem:s29+$0xFFFFFF90];
	[tilespmem:s23+$0x10] =	vst v3;
	v3 =	vpack.i.f32.bf16 v4, v8  }
0x49f: {  	v4 =	vld [tilespmem:s22+$0xFFFFFF90];
	[tilespmem:s23+$0x50] =	vst v3  }
0x4a0: {  	v3 =	vadd.f32 v14, v13;
	v8 =	vld [tilespmem:s29+$0x20]  }
0x4a1: {  	v10 =	vld [tilespmem:s22+$0x20]  }
0x4a2: {  	v5 =	vadd.f32 v5, v9;
	v3 =	vpack.i.f32.bf16 v3, v6;
	v6 =	vld [tilespmem:s29+$0xA0]  }
0x4a3: {  	[tilespmem:s23+$0xFFFFFF90] =	vst v3;
	v3 =	vld [tilespmem:s22+$0xA0]  }
0x4a4: {  	v4 =	vadd.f32 v4, v7;
	v7 =	vld [tilespmem:s29+$0x120]  }
0x4a5: {  	v9 =	vld [tilespmem:s22+$0x120]  }
0x4a6: {  	v4 =	vpack.i.f32.bf16 v4, v5;
	v5 =	vld [tilespmem:s29+$0x1A0]  }
0x4a7: {  	[tilespmem:s23+$0xFFFFFFD0] =	vst v4;
	v4 =	vld [tilespmem:s22+$0x1A0]  }
0x4a8: {  	v11 =	vld [tilespmem:s29+$0xFFFFFE20]  }
0x4a9: {  	v12 =	vld [tilespmem:s22+$0xFFFFFE20]  }
0x4aa: {  	v13 =	vld [tilespmem:s29+$0xFFFFFEA0]  }
0x4ab: {  	v8 =	vadd.f32 v10, v8;
	v3 =	vadd.f32 v3, v6;
	v14 =	vld [tilespmem:s22+$0xFFFFFEA0]  }
0x4ac: {  	v7 =	vadd.f32 v9, v7;
	v6 =	vld [tilespmem:s29+$0xFFFFFF20];
	v4 =	vadd.f32 v4, v5  }
0x4ad: {  	v3 =	vpack.i.f32.bf16 v3, v8;
	v5 =	vld [tilespmem:s22+$0xFFFFFF20]  }
0x4ae: {  	v8 =	vadd.f32 v12, v11;
	v9 =	vld [tilespmem:s29+$0xFFFFFFA0];
	[tilespmem:s23+$0x20] =	vst v3;
	v3 =	vpack.i.f32.bf16 v4, v7  }
0x4af: {  	v4 =	vld [tilespmem:s22+$0xFFFFFFA0];
	[tilespmem:s23+$0x60] =	vst v3  }
0x4b0: {  	v3 =	vadd.f32 v14, v13;
	v7 =	vld [tilespmem:s29+$0x130]  }
0x4b1: {  	v10 =	vld [tilespmem:s22+$0x130]  }
0x4b2: {  	v5 =	vadd.f32 v5, v6;
	v3 =	vpack.i.f32.bf16 v3, v8;
	v6 =	vld [tilespmem:s29+$0x1B0]  }
0x4b3: {  	[tilespmem:s23+$0xFFFFFFA0] =	vst v3;
	v3 =	vld [tilespmem:s22+$0x1B0]  }
0x4b4: {  	v4 =	vadd.f32 v4, v9;
	v8 =	vld [tilespmem:s21+$0xFFFFFF30]  }
0x4b5: {  	v9 =	vld [tilespmem:s26+$0xFFFFFF30]  }
0x4b6: {  	v4 =	vpack.i.f32.bf16 v4, v5;
	v5 =	vld [tilespmem:s21+$0xFFFFFFB0];
	s21 =	smov.u32 s29  }
0x4b7: {  	[tilespmem:s23+$0xFFFFFFE0] =	vst v4;
	v11 =	vld [tilespmem:s26+$0xFFFFFFB0];
	s26 =	smov.u32 s22  }
0x4b8: {  	v4 =	vadd.f32 v10, v7;
	v12 =	vld [tilespmem:s29+$0x30];
	v3 =	vadd.f32 v3, v6;
	[tilespmem:s25+$0xFFFFFFB0] =	vst v2  }
0x4b9: {  	v7 =	vld [tilespmem:s22+$0x30]  }
0x4ba: {  	v2 =	vld [tilespmem:s29+$0xB0];
	v3 =	vpack.i.f32.bf16 v3, v4;
	v9 =	vadd.f32 v9, v8  }
.Ltmp35:
0x4bb: {  	v4 =	vld [tilespmem:s22+$0xB0];
	[tilespmem:s23+$0x70] =	vst v3;
	(pc) =	sbr.rel @p1 .LBB2_73-.Ltmp35, $4  }
0x4bc: {  	v3 =	vld [tilespmem:s29+$0xFFFFFE30];
	v10 =	vadd.f32 v11, v5  }
0x4bd: {  	v6 =	vld [tilespmem:s22+$0xFFFFFE30]  }
0x4be: {  	v5 =	vld [tilespmem:s29+$0xFFFFFEB0];
	v8 =	vadd.f32 v7, v12;
	v9 =	vpack.i.f32.bf16 v10, v9  }
0x4bf: {  	s29 =	sadd.s32 $0x400, s29;
	v7 =	vld [tilespmem:s22+$0xFFFFFEB0];
	[tilespmem:s25+$0xFFFFFFF0] =	vst v9;
	s25 =	smov.u32 s23  }
0x4c0: {  	v9 =	vld [tilespmem:s21+$0xFFFFFF30]  }
0x4c1: {  	v10 =	vld [tilespmem:s26+$0xFFFFFF30]  }
0x4c2: {  	v11 =	vld [tilespmem:s21+$0xFFFFFFB0]  }
0x4c3: {  	v12 =	vld [tilespmem:s26+$0xFFFFFFB0];
	_ =	sdelay $0x2  }
0x4c4: {  	v2 =	vadd.f32 v4, v2  }
0x4c5: {  	v3 =	vadd.f32 v6, v3;
	v4 =	vadd.f32 v7, v5  }
0x4c6: {  	v2 =	vpack.i.f32.bf16 v2, v8;
	v5 =	vadd.f32 v10, v9;
	v6 =	vadd.f32 v12, v11  }
0x4c7: {  	[tilespmem:s23+$0x30] =	vst v2;
	v2 =	vpack.i.f32.bf16 v4, v3  }
0x4c8: {  	[tilespmem:s25+$0xFFFFFFB0] =	vst v2;
	v2 =	vpack.i.f32.bf16 v6, v5  }
0x4c9: {  	[tilespmem:s25+$0xFFFFFFF0] =	vst v2  }
0x4ca: {  	v2 =	vld [tilespmem:s19+$0x5000]  }
0x4cb: {  	v3 =	vld [tilespmem:s19+$0x7780];
	_ =	sdelay $0x6  }
0x4cc: {  	v2 =	vld.idx.msk [tilespmem:v2+s4+$0x0], $0xffff  }
0x4cd: {  	v3 =	vld.idx.msk [tilespmem:v3+s30+$0x0], $0xffff  }
0x4ce: {  	v4 =	vld [tilespmem:s19+$0x5010]  }
0x4cf: {  	v5 =	vld [tilespmem:s19+$0x7790];
	_ =	sdelay $0x2  }
0x4d0: {  	v2 =	vmax.f32 v2, $1.000000000e+00;
	v3 =	vmax.f32 v3, $1.000000000e+00  }
0x4d1: {  	v2 =	vmul.f32 v3, v2;
	_ =	sdelay $0x1  }
0x4d2: {  	[tilespmem:s19+$0x15800] =	vst v2  }
0x4d3: {  	v2 =	vld.idx.msk [tilespmem:v4+s4+$0x0], $0xffff  }
0x4d4: {  	v3 =	vld.idx.msk [tilespmem:v5+s30+$0x0], $0xffff  }
0x4d5: {  	v4 =	vld [tilespmem:s19+$0x5020]  }
0x4d6: {  	v5 =	vld [tilespmem:s19+$0x77A0];
	_ =	sdelay $0x2  }
0x4d7: {  	v2 =	vmax.f32 v2, $1.000000000e+00;
	v3 =	vmax.f32 v3, $1.000000000e+00  }
0x4d8: {  	v2 =	vmul.f32 v3, v2;
	_ =	sdelay $0x1  }
0x4d9: {  	[tilespmem:s19+$0x15810] =	vst v2  }
0x4da: {  	v2 =	vld.idx.msk [tilespmem:v4+s4+$0x0], $0xffff  }
0x4db: {  	v3 =	vld.idx.msk [tilespmem:v5+s30+$0x0], $0xffff  }
0x4dc: {  	v4 =	vld [tilespmem:s19+$0x5030]  }
0x4dd: {  	v5 =	vld [tilespmem:s19+$0x77B0];
	_ =	sdelay $0x2  }
0x4de: {  	v2 =	vmax.f32 v2, $1.000000000e+00;
	v3 =	vmax.f32 v3, $1.000000000e+00  }
0x4df: {  	v2 =	vmul.f32 v3, v2;
	_ =	sdelay $0x1  }
0x4e0: {  	[tilespmem:s19+$0x15820] =	vst v2  }
0x4e1: {  	v2 =	vld.idx.msk [tilespmem:v4+s4+$0x0], $0xffff  }
0x4e2: {  	v3 =	vld.idx.msk [tilespmem:v5+s30+$0x0], $0xffff  }
0x4e3: {  	v4 =	vld [tilespmem:s19+$0x5040]  }
0x4e4: {  	v5 =	vld [tilespmem:s19+$0x77C0];
	_ =	sdelay $0x2  }
0x4e5: {  	v2 =	vmax.f32 v2, $1.000000000e+00;
	v3 =	vmax.f32 v3, $1.000000000e+00  }
0x4e6: {  	v2 =	vmul.f32 v3, v2;
	_ =	sdelay $0x1  }
0x4e7: {  	[tilespmem:s19+$0x15830] =	vst v2  }
0x4e8: {  	v2 =	vld.idx.msk [tilespmem:v4+s4+$0x0], $0xffff  }
0x4e9: {  	v3 =	vld.idx.msk [tilespmem:v5+s30+$0x0], $0xffff;
	_ =	sdelay $0x4  }
0x4ea: {  	v2 =	vmax.f32 v2, $1.000000000e+00;
	v3 =	vmax.f32 v3, $1.000000000e+00  }
0x4eb: {  	v2 =	vmul.f32 v3, v2  }
0x4ec: {  	s16 =	sshll.u32 s24, $0x2  }
0x4ed: {  	s16 =	sadd.s32 s7, s16;
	[tilespmem:s19+$0x15840] =	vst v2  }
0x4ee: {  	[hbm4b:s16+s4] =	stream.linear.scatter [tilespmem:s11], [sflag:$0x5], $0xA00, $0x38;
	[tilespmem:$0x1D480] =	vst v63  }
0x4ef: {  	s25 =	sadd.s32 $0x50A0, s19  }
0x4f0: {  	[tilespmem:s2], [sflag:$0x1] =	stream.indirect.gather [hbm4b:s5+s0], $0x80, s25, s0, $0xb8;
	[tilespmem:$0x1D480] =	vst v63  }
0x4f1: {  	s26 =	sadd.s32 $0x7820, s19  }
0x4f2: {  	[tilespmem:s1], [sflag:$0x3] =	stream.indirect.gather [hbm4b:s5+s0], $0x80, s26, s0, $0xb8;
	[tilespmem:$0x1D480] =	vst v63  }
0x4f3: {  	_ =	swait.ge [sflag:s12], $0x2800  }
0x4f4: {  	[sflag:s12] =	ssyncset.done $0x0  }
0x4f5: {  	[sflag:s12] =	ssyncadd.s32 $0xFFFFD800  }
0x4f6: {  	_ =	swait.ge [sflag:s13], $0x2800  }
0x4f7: {  	[sflag:s13] =	ssyncset.done $0x0  }
0x4f8: {  	s16 =	simm.s32 @!p0 $0x6;
	[sflag:s13] =	ssyncadd.s32 $0xFFFFD800  }
0x4f9: {  	_ =	swait.ge @!p0 [sflag:s16], $0xA00  }
0x4fa: {  	[sflag:s16] =	ssyncset.done @!p0 $0x0  }
0x4fb: {  	s21 =	simm.s32 $0xCE00;
	[sflag:s16] =	ssyncadd.s32 @!p0 $0xFFFFF600  }
0x4fc: {  	s22 =	simm.s32 $0x11E40;
	v2 =	vld [tilespmem:s21+$0x0]  }
0x4fd: {  	v3 =	vld [tilespmem:s22+$0x0]  }
0x4fe: {  	v4 =	vld [tilespmem:s21+$0x80]  }
0x4ff: {  	v5 =	vld [tilespmem:s22+$0x80]  }
0x500: {  	v6 =	vld [tilespmem:s21+$0x100]  }
0x501: {  	v7 =	vld [tilespmem:s22+$0x100]  }
0x502: {  	v8 =	vld [tilespmem:s21+$0x180]  }
0x503: {  	v9 =	vld [tilespmem:s22+$0x180]  }
0x504: {  	v10 =	vld [tilespmem:s22+$0xFFFFFE00]  }
0x505: {  	v11 =	vld [tilespmem:s21+$0xFFFFFE80]  }
0x506: {  	v59 =	vld [tilespmem:s22+$0xFFFFFE80]  }
0x507: {  	v13 =	vld [tilespmem:s21+$0xFFFFFF00];
	v2 =	vadd.f32 v3, v2;
	v3 =	vadd.f32 v5, v4  }
0x508: {  	v4 =	vld [tilespmem:s22+$0xFFFFFF00];
	v5 =	vadd.f32 v7, v6;
	v6 =	vadd.f32 v9, v8  }
0x509: {  	s23 =	simm.s32 $0x14E80;
	v7 =	vld [tilespmem:s21+$0xFFFFFF80];
	v2 =	vpack.i.f32.bf16 v3, v2  }
0x50a: {  	v3 =	vld [tilespmem:s22+$0xFFFFFF80];
	[tilespmem:s23+$0x0] =	vst v2;
	v2 =	vpack.i.f32.bf16 v6, v5  }
0x50b: {  	v5 =	vld [tilespmem:s21+$0xFFFFFE00];
	[tilespmem:s23+$0x40] =	vst v2  }
0x50c: {  	v2 =	vld [tilespmem:s21+$0x10]  }
0x50d: {  	v6 =	vld [tilespmem:s22+$0x10]  }
0x50e: {  	v8 =	vld [tilespmem:s21+$0x90]  }
0x50f: {  	v4 =	vadd.f32 v4, v13;
	v3 =	vadd.f32 v3, v7;
	v7 =	vld [tilespmem:s22+$0x90]  }
0x510: {  	v9 =	vadd.f32 v59, v11;
	v5 =	vadd.f32 v10, v5;
	v10 =	vld [tilespmem:s21+$0x110]  }
0x511: {  	v3 =	vpack.i.f32.bf16 v3, v4;
	v4 =	vld [tilespmem:s22+$0x110]  }
0x512: {  	v5 =	vpack.i.f32.bf16 v9, v5;
	[tilespmem:s23+$0xFFFFFFC0] =	vst v3;
	v3 =	vld [tilespmem:s21+$0x190]  }
0x513: {  	[tilespmem:s23+$0xFFFFFF80] =	vst v5;
	v5 =	vld [tilespmem:s22+$0x190]  }
0x514: {  	v9 =	vld [tilespmem:s21+$0xFFFFFE10]  }
0x515: {  	v11 =	vld [tilespmem:s22+$0xFFFFFE10]  }
0x516: {  	v60 =	vld [tilespmem:s21+$0xFFFFFE90]  }
0x517: {  	v2 =	vadd.f32 v6, v2;
	v61 =	vld [tilespmem:s22+$0xFFFFFE90];
	v6 =	vadd.f32 v7, v8  }
0x518: {  	v7 =	vld [tilespmem:s21+$0xFFFFFF10];
	v4 =	vadd.f32 v4, v10;
	v3 =	vadd.f32 v5, v3  }
0x519: {  	v2 =	vpack.i.f32.bf16 v6, v2;
	v6 =	vld [tilespmem:s21+$0xFFFFFF90]  }
0x51a: {  	[tilespmem:s23+$0x10] =	vst v2;
	v5 =	vld [tilespmem:s22+$0xFFFFFF10];
	v2 =	vpack.i.f32.bf16 v3, v4  }
0x51b: {  	v3 =	vld [tilespmem:s22+$0xFFFFFF90];
	[tilespmem:s23+$0x50] =	vst v2  }
0x51c: {  	v2 =	vld [tilespmem:s21+$0x20]  }
0x51d: {  	v4 =	vld [tilespmem:s22+$0x20]  }
0x51e: {  	v9 =	vadd.f32 v11, v9;
	v10 =	vadd.f32 v61, v60;
	v8 =	vld [tilespmem:s21+$0xA0]  }
0x51f: {  	v11 =	vld [tilespmem:s22+$0xA0]  }
0x520: {  	v5 =	vadd.f32 v5, v7;
	v7 =	vpack.i.f32.bf16 v10, v9;
	v9 =	vld [tilespmem:s22+$0x120];
	v3 =	vadd.f32 v3, v6  }
0x521: {  	v6 =	vld [tilespmem:s21+$0x120]  }
0x522: {  	[tilespmem:s23+$0xFFFFFF90] =	vst v7;
	v3 =	vpack.i.f32.bf16 v3, v5;
	v5 =	vld [tilespmem:s21+$0x1A0]  }
0x523: {  	[tilespmem:s23+$0xFFFFFFD0] =	vst v3;
	v3 =	vld [tilespmem:s22+$0x1A0]  }
0x524: {  	v7 =	vld [tilespmem:s21+$0xFFFFFE20]  }
0x525: {  	v10 =	vld [tilespmem:s22+$0xFFFFFE20]  }
0x526: {  	v62 =	vld [tilespmem:s21+$0xFFFFFEA0]  }
0x527: {  	v2 =	vadd.f32 v4, v2;
	v4 =	vadd.f32 v11, v8;
	v63 =	vld [tilespmem:s22+$0xFFFFFEA0]  }
0x528: {  	v8 =	vld [tilespmem:s21+$0xFFFFFF20];
	v6 =	vadd.f32 v9, v6;
	v3 =	vadd.f32 v3, v5  }
0x529: {  	v2 =	vpack.i.f32.bf16 v4, v2;
	v4 =	vld [tilespmem:s21+$0xFFFFFFA0]  }
0x52a: {  	[tilespmem:s23+$0x20] =	vst v2;
	v5 =	vld [tilespmem:s22+$0xFFFFFF20];
	v2 =	vpack.i.f32.bf16 v3, v6  }
0x52b: {  	v3 =	vld [tilespmem:s22+$0xFFFFFFA0];
	[tilespmem:s23+$0x60] =	vst v2  }
0x52c: {  	v6 =	vld [tilespmem:s21+$0x130]  }
0x52d: {  	v9 =	vld [tilespmem:s22+$0x130]  }
0x52e: {  	v11 =	vld [tilespmem:s21+$0x1B0]  }
0x52f: {  	v2 =	vadd.f32 v10, v7;
	v7 =	vadd.f32 v63, v62;
	v10 =	vld [tilespmem:s22+$0x1B0]  }
0x530: {  	v5 =	vadd.f32 v5, v8;
	v8 =	vld [tilespmem:s21+$0x30];
	v3 =	vadd.f32 v3, v4  }
0x531: {  	v2 =	vpack.i.f32.bf16 v7, v2;
	v7 =	vld [tilespmem:s22+$0x30]  }
0x532: {  	[tilespmem:s23+$0xFFFFFFA0] =	vst v2;
	v2 =	vld [tilespmem:s21+$0xB0];
	v3 =	vpack.i.f32.bf16 v3, v5  }
0x533: {  	v4 =	vld [tilespmem:s22+$0xB0];
	[tilespmem:s23+$0xFFFFFFE0] =	vst v3  }
0x534: {  	v5 =	vadd.f32 v9, v6;
	v9 =	vadd.f32 v10, v11;
	v3 =	vld [tilespmem:s21+$0xFFFFFE30]  }
0x535: {  	v6 =	vld [tilespmem:s22+$0xFFFFFE30]  }
0x536: {  	s24 =	sadd.s32 s6, s20;
	s29 =	simm.s32 $0xD200;
	v9 =	vpack.i.f32.bf16 v9, v5;
	v5 =	vld [tilespmem:s21+$0xFFFFFEB0]  }
0x537: {  	s25 =	simm.s32 $0x14E80;
	s26 =	simm.s32 $0x11E40;
	s16 =	simm.s32 $0x0;
	v8 =	vadd.f32 v7, v8;
	v7 =	vld [tilespmem:s22+$0xFFFFFEB0];
	[tilespmem:s23+$0x70] =	vst v9  }
.LBB2_75:
0x538: {  	v9 =	vld [tilespmem:s29+$0x0];
	v2 =	vadd.f32 v4, v2;
	s22 =	sadd.s32 $0x400, s22  }
0x539: {  	v4 =	vld [tilespmem:s22+$0x0]  }
0x53a: {  	v10 =	vld [tilespmem:s29+$0x80];
	v3 =	vadd.f32 v6, v3;
	v2 =	vpack.i.f32.bf16 v2, v8  }
0x53b: {  	v6 =	vld [tilespmem:s22+$0x80];
	[tilespmem:s23+$0x30] =	vst v2  }
0x53c: {  	v8 =	vld [tilespmem:s29+$0x100];
	v2 =	vadd.f32 v7, v5  }
0x53d: {  	v5 =	vld [tilespmem:s22+$0x100]  }
0x53e: {  	v7 =	vld [tilespmem:s29+$0x180];
	v2 =	vpack.i.f32.bf16 v2, v3  }
0x53f: {  	v3 =	vld [tilespmem:s22+$0x180]  }
0x540: {  	v11 =	vld [tilespmem:s22+$0xFFFFFE00]  }
0x541: {  	v12 =	vld [tilespmem:s29+$0xFFFFFE80]  }
0x542: {  	v13 =	vld [tilespmem:s22+$0xFFFFFE80]  }
0x543: {  	v4 =	vadd.f32 v4, v9;
	v6 =	vadd.f32 v6, v10;
	v14 =	vld [tilespmem:s29+$0xFFFFFF00]  }
0x544: {  	v5 =	vadd.f32 v5, v8;
	v9 =	vld [tilespmem:s22+$0xFFFFFF00];
	v3 =	vadd.f32 v3, v7  }
0x545: {  	s23 =	sadd.s32 $0x100, s23;
	v4 =	vpack.i.f32.bf16 v6, v4;
	v7 =	vld [tilespmem:s29+$0xFFFFFF80]  }
0x546: {  	v6 =	vld [tilespmem:s22+$0xFFFFFF80];
	[tilespmem:s23+$0x0] =	vst v4;
	v3 =	vpack.i.f32.bf16 v3, v5  }
0x547: {  	v4 =	vld [tilespmem:s29+$0xFFFFFE00];
	v5 =	vadd.f32 v13, v12;
	[tilespmem:s23+$0x40] =	vst v3  }
0x548: {  	v3 =	vld [tilespmem:s29+$0x10]  }
0x549: {  	v8 =	vadd.f32 v9, v14;
	v9 =	vld [tilespmem:s22+$0x10]  }
0x54a: {  	v10 =	vld [tilespmem:s29+$0x90]  }
0x54b: {  	v6 =	vadd.f32 v6, v7;
	v7 =	vld [tilespmem:s22+$0x90]  }
0x54c: {  	v4 =	vadd.f32 v11, v4;
	v11 =	vld [tilespmem:s29+$0x110]  }
0x54d: {  	v6 =	vpack.i.f32.bf16 v6, v8;
	v8 =	vld [tilespmem:s22+$0x110]  }
0x54e: {  	v4 =	vpack.i.f32.bf16 v5, v4;
	[tilespmem:s23+$0xFFFFFFC0] =	vst v6;
	v5 =	vld [tilespmem:s29+$0x190]  }
0x54f: {  	[tilespmem:s23+$0xFFFFFF80] =	vst v4;
	v4 =	vld [tilespmem:s22+$0x190]  }
0x550: {  	s16 =	sadd.s32 $0x2, s16;
	v6 =	vld [tilespmem:s29+$0xFFFFFE10]  }
0x551: {  	p0 =	slt.u32 s16, $0x12;
	v12 =	vld [tilespmem:s22+$0xFFFFFE10]  }
0x552: {  	v13 =	vld [tilespmem:s29+$0xFFFFFE90]  }
0x553: {  	v3 =	vadd.f32 v9, v3;
	v7 =	vadd.f32 v7, v10;
	v14 =	vld [tilespmem:s22+$0xFFFFFE90]  }
0x554: {  	v8 =	vadd.f32 v8, v11;
	v9 =	vld [tilespmem:s29+$0xFFFFFF10];
	v4 =	vadd.f32 v4, v5  }
0x555: {  	v3 =	vpack.i.f32.bf16 v7, v3;
	v5 =	vld [tilespmem:s22+$0xFFFFFF10]  }
0x556: {  	v6 =	vadd.f32 v12, v6;
	v7 =	vld [tilespmem:s29+$0xFFFFFF90];
	[tilespmem:s23+$0x10] =	vst v3;
	v3 =	vpack.i.f32.bf16 v4, v8  }
0x557: {  	v4 =	vld [tilespmem:s22+$0xFFFFFF90];
	[tilespmem:s23+$0x50] =	vst v3  }
0x558: {  	v3 =	vadd.f32 v14, v13;
	v8 =	vld [tilespmem:s29+$0x20]  }
0x559: {  	v10 =	vld [tilespmem:s22+$0x20]  }
0x55a: {  	v5 =	vadd.f32 v5, v9;
	v3 =	vpack.i.f32.bf16 v3, v6;
	v6 =	vld [tilespmem:s29+$0xA0]  }
0x55b: {  	[tilespmem:s23+$0xFFFFFF90] =	vst v3;
	v3 =	vld [tilespmem:s22+$0xA0]  }
0x55c: {  	v4 =	vadd.f32 v4, v7;
	v7 =	vld [tilespmem:s29+$0x120]  }
0x55d: {  	v9 =	vld [tilespmem:s22+$0x120]  }
0x55e: {  	v4 =	vpack.i.f32.bf16 v4, v5;
	v5 =	vld [tilespmem:s29+$0x1A0]  }
0x55f: {  	[tilespmem:s23+$0xFFFFFFD0] =	vst v4;
	v4 =	vld [tilespmem:s22+$0x1A0]  }
0x560: {  	v11 =	vld [tilespmem:s29+$0xFFFFFE20]  }
0x561: {  	v12 =	vld [tilespmem:s22+$0xFFFFFE20]  }
0x562: {  	v13 =	vld [tilespmem:s29+$0xFFFFFEA0]  }
0x563: {  	v8 =	vadd.f32 v10, v8;
	v3 =	vadd.f32 v3, v6;
	v14 =	vld [tilespmem:s22+$0xFFFFFEA0]  }
0x564: {  	v7 =	vadd.f32 v9, v7;
	v6 =	vld [tilespmem:s29+$0xFFFFFF20];
	v4 =	vadd.f32 v4, v5  }
0x565: {  	v3 =	vpack.i.f32.bf16 v3, v8;
	v5 =	vld [tilespmem:s22+$0xFFFFFF20]  }
0x566: {  	v8 =	vadd.f32 v12, v11;
	v9 =	vld [tilespmem:s29+$0xFFFFFFA0];
	[tilespmem:s23+$0x20] =	vst v3;
	v3 =	vpack.i.f32.bf16 v4, v7  }
0x567: {  	v4 =	vld [tilespmem:s22+$0xFFFFFFA0];
	[tilespmem:s23+$0x60] =	vst v3  }
0x568: {  	v3 =	vadd.f32 v14, v13;
	v7 =	vld [tilespmem:s29+$0x130]  }
0x569: {  	v10 =	vld [tilespmem:s22+$0x130]  }
0x56a: {  	v5 =	vadd.f32 v5, v6;
	v3 =	vpack.i.f32.bf16 v3, v8;
	v6 =	vld [tilespmem:s29+$0x1B0]  }
0x56b: {  	[tilespmem:s23+$0xFFFFFFA0] =	vst v3;
	v3 =	vld [tilespmem:s22+$0x1B0]  }
0x56c: {  	v4 =	vadd.f32 v4, v9;
	v8 =	vld [tilespmem:s21+$0xFFFFFF30]  }
0x56d: {  	v9 =	vld [tilespmem:s26+$0xFFFFFF30]  }
0x56e: {  	v4 =	vpack.i.f32.bf16 v4, v5;
	v5 =	vld [tilespmem:s21+$0xFFFFFFB0];
	s21 =	smov.u32 s29  }
0x56f: {  	[tilespmem:s23+$0xFFFFFFE0] =	vst v4;
	v11 =	vld [tilespmem:s26+$0xFFFFFFB0];
	s26 =	smov.u32 s22  }
0x570: {  	v4 =	vadd.f32 v10, v7;
	v12 =	vld [tilespmem:s29+$0x30];
	v3 =	vadd.f32 v3, v6;
	[tilespmem:s25+$0xFFFFFFB0] =	vst v2  }
0x571: {  	v7 =	vld [tilespmem:s22+$0x30]  }
0x572: {  	v2 =	vld [tilespmem:s29+$0xB0];
	v3 =	vpack.i.f32.bf16 v3, v4;
	v9 =	vadd.f32 v9, v8  }
.Ltmp36:
0x573: {  	v4 =	vld [tilespmem:s22+$0xB0];
	[tilespmem:s23+$0x70] =	vst v3;
	(pc) =	sbr.rel @p0 .LBB2_75-.Ltmp36, $4  }
0x574: {  	v3 =	vld [tilespmem:s29+$0xFFFFFE30];
	v10 =	vadd.f32 v11, v5  }
0x575: {  	v6 =	vld [tilespmem:s22+$0xFFFFFE30]  }
0x576: {  	v5 =	vld [tilespmem:s29+$0xFFFFFEB0];
	v8 =	vadd.f32 v7, v12;
	v9 =	vpack.i.f32.bf16 v10, v9  }
0x577: {  	s29 =	sadd.s32 $0x400, s29;
	v7 =	vld [tilespmem:s22+$0xFFFFFEB0];
	[tilespmem:s25+$0xFFFFFFF0] =	vst v9;
	s25 =	smov.u32 s23  }
0x578: {  	v9 =	vld [tilespmem:s21+$0xFFFFFF30]  }
0x579: {  	v10 =	vld [tilespmem:s26+$0xFFFFFF30]  }
0x57a: {  	v11 =	vld [tilespmem:s21+$0xFFFFFFB0]  }
0x57b: {  	v12 =	vld [tilespmem:s26+$0xFFFFFFB0];
	_ =	sdelay $0x2  }
0x57c: {  	v2 =	vadd.f32 v4, v2  }
0x57d: {  	v3 =	vadd.f32 v6, v3;
	v59 =	vadd.f32 v7, v5  }
0x57e: {  	v2 =	vpack.i.f32.bf16 v2, v8;
	v60 =	vadd.f32 v10, v9;
	v61 =	vadd.f32 v12, v11  }
0x57f: {  	[tilespmem:s23+$0x30] =	vst v2;
	v2 =	vpack.i.f32.bf16 v59, v3  }
0x580: {  	[tilespmem:s25+$0xFFFFFFB0] =	vst v2;
	v2 =	vpack.i.f32.bf16 v61, v60  }
0x581: {  	[tilespmem:s25+$0xFFFFFFF0] =	vst v2  }
0x582: {  	v2 =	vld [tilespmem:s20+$0x5000]  }
0x583: {  	v3 =	vld [tilespmem:s20+$0x7780];
	_ =	sdelay $0x6  }
0x584: {  	v2 =	vld.idx.msk [tilespmem:v2+s4+$0x0], $0xffff  }
0x585: {  	v3 =	vld.idx.msk [tilespmem:v3+s30+$0x0], $0xffff;
	_ =	sdelay $0x4  }
0x586: {  	v2 =	vmax.f32 v2, $1.000000000e+00;
	v3 =	vmax.f32 v3, $1.000000000e+00  }
0x587: {  	v2 =	vmul.f32 v3, v2;
	_ =	sdelay $0x1  }
0x588: {  	[tilespmem:s20+$0x15800] =	vst v2  }
0x589: {  	v2 =	vld [tilespmem:s19+$0x5060]  }
0x58a: {  	v3 =	vld [tilespmem:s19+$0x77E0];
	_ =	sdelay $0x6  }
0x58b: {  	v2 =	vld.idx.msk [tilespmem:v2+s4+$0x0], $0xffff  }
0x58c: {  	v3 =	vld.idx.msk [tilespmem:v3+s30+$0x0], $0xffff  }
0x58d: {  	v62 =	vld [tilespmem:s19+$0x5070]  }
0x58e: {  	v63 =	vld [tilespmem:s19+$0x77F0];
	_ =	sdelay $0x2  }
0x58f: {  	v2 =	vmax.f32 v2, $1.000000000e+00;
	v3 =	vmax.f32 v3, $1.000000000e+00  }
0x590: {  	v2 =	vmul.f32 v3, v2;
	_ =	sdelay $0x1  }
0x591: {  	[tilespmem:s19+$0x15860] =	vst v2  }
0x592: {  	v2 =	vld.idx.msk [tilespmem:v62+s4+$0x0], $0xffff  }
0x593: {  	v3 =	vld.idx.msk [tilespmem:v63+s30+$0x0], $0xffff;
	_ =	sdelay $0x4  }
0x594: {  	v2 =	vmax.f32 v2, $1.000000000e+00;
	v3 =	vmax.f32 v3, $1.000000000e+00  }
0x595: {  	v2 =	vmul.f32 v3, v2;
	_ =	sdelay $0x1  }
0x596: {  	s16 =	sand.u32 $0x3FE0, s19;
	[tilespmem:s19+$0x15870] =	vst v2  }
0x597: {  	v2 =	vld [tilespmem:s16+$0x5080]  }
0x598: {  	v3 =	vld [tilespmem:s16+$0x7800];
	_ =	sdelay $0x6  }
0x599: {  	v2 =	vld.idx.msk [tilespmem:v2+s4+$0x0], $0xffff  }
0x59a: {  	v3 =	vld.idx.msk [tilespmem:v3+s30+$0x0], $0xffff;
	_ =	sdelay $0x4  }
0x59b: {  	v2 =	vmax.f32 v2, $1.000000000e+00;
	v3 =	vmax.f32 v3, $1.000000000e+00  }
0x59c: {  	v2 =	vmul.f32 v3, v2;
	_ =	sdelay $0x1  }
0x59d: {  	[tilespmem:s16+$0x15880] =	vst v2  }
0x59e: {  	v2 =	vld [tilespmem:s19+$0x5090]  }
0x59f: {  	v3 =	vld [tilespmem:s19+$0x7810];
	_ =	sdelay $0x6  }
0x5a0: {  	v2 =	vld.idx.msk [tilespmem:v2+s4+$0x0], $0xffff  }
0x5a1: {  	v3 =	vld.idx.msk [tilespmem:v3+s30+$0x0], $0xffff;
	_ =	sdelay $0x2  }
0x5a2: {  	s18 =	sadd.s32 $0x1, s18  }
0x5a3: {  	p0 =	sne.s32 s18, $0x3E  }
.Ltmp37:
0x5a4: {  	v2 =	vmax.f32 v2, $1.000000000e+00;
	v3 =	vmax.f32 v3, $1.000000000e+00;
	(pc) =	sbr.rel @p0 .LBB2_72-.Ltmp37, $4  }
0x5a5: {  	v2 =	vmul.f32 v3, v2  }
0x5a6: {  	s29 =	sshll.u32 s24, $0x2  }
0x5a7: {  	s16 =	sadd.s32 s7, s29;
	[tilespmem:s19+$0x15890] =	vst v2  }
0x5a8: {  	[hbm4b:s16+s4] =	stream.linear.scatter [tilespmem:s14], [sflag:$0x6], $0xA00, $0x38;
	[tilespmem:$0x1D480] =	vst v63  }
0x5a9: {  	_ =	swait.ge [sflag:s9], $0x2800  }
0x5aa: {  	[sflag:s9] =	ssyncset.done $0x0  }
0x5ab: {  	[sflag:s9] =	ssyncadd.s32 $0xFFFFD800  }
0x5ac: {  	_ =	swait.ge [sflag:s10], $0x2800  }
0x5ad: {  	[sflag:s10] =	ssyncset.done $0x0  }
0x5ae: {  	[sflag:s10] =	ssyncadd.s32 $0xFFFFD800  }
0x5af: {  	_ =	swait.ge [sflag:s15], $0xA00  }
0x5b0: {  	[sflag:s15] =	ssyncset.done $0x0  }
0x5b1: {  	s18 =	simm.s32 $0xA600;
	[sflag:s15] =	ssyncadd.s32 $0xFFFFF600  }
0x5b2: {  	s19 =	simm.s32 $0xF640;
	v2 =	vld [tilespmem:s18+$0x0]  }
0x5b3: {  	v3 =	vld [tilespmem:s19+$0x0]  }
0x5b4: {  	v4 =	vld [tilespmem:s18+$0x80]  }
0x5b5: {  	v5 =	vld [tilespmem:s19+$0x80]  }
0x5b6: {  	v6 =	vld [tilespmem:s18+$0x100]  }
0x5b7: {  	v7 =	vld [tilespmem:s19+$0x100]  }
0x5b8: {  	v8 =	vld [tilespmem:s18+$0x180]  }
0x5b9: {  	v9 =	vld [tilespmem:s19+$0x180]  }
0x5ba: {  	v10 =	vld [tilespmem:s19+$0xFFFFFE00]  }
0x5bb: {  	v11 =	vld [tilespmem:s18+$0xFFFFFE80]  }
0x5bc: {  	v12 =	vld [tilespmem:s19+$0xFFFFFE80]  }
0x5bd: {  	v13 =	vld [tilespmem:s18+$0xFFFFFF00];
	v2 =	vadd.f32 v3, v2;
	v3 =	vadd.f32 v5, v4  }
0x5be: {  	v4 =	vld [tilespmem:s19+$0xFFFFFF00];
	v5 =	vadd.f32 v7, v6;
	v6 =	vadd.f32 v9, v8  }
0x5bf: {  	s20 =	simm.s32 $0x14480;
	v7 =	vld [tilespmem:s18+$0xFFFFFF80];
	v2 =	vpack.i.f32.bf16 v3, v2  }
0x5c0: {  	v3 =	vld [tilespmem:s19+$0xFFFFFF80];
	[tilespmem:s20+$0x0] =	vst v2;
	v2 =	vpack.i.f32.bf16 v6, v5  }
0x5c1: {  	v5 =	vld [tilespmem:s18+$0xFFFFFE00];
	[tilespmem:s20+$0x40] =	vst v2  }
0x5c2: {  	v2 =	vld [tilespmem:s18+$0x10]  }
0x5c3: {  	v6 =	vld [tilespmem:s19+$0x10]  }
0x5c4: {  	v8 =	vld [tilespmem:s18+$0x90]  }
0x5c5: {  	v4 =	vadd.f32 v4, v13;
	v3 =	vadd.f32 v3, v7;
	v7 =	vld [tilespmem:s19+$0x90]  }
0x5c6: {  	v9 =	vadd.f32 v12, v11;
	v5 =	vadd.f32 v10, v5;
	v10 =	vld [tilespmem:s18+$0x110]  }
0x5c7: {  	v3 =	vpack.i.f32.bf16 v3, v4;
	v4 =	vld [tilespmem:s19+$0x110]  }
0x5c8: {  	v5 =	vpack.i.f32.bf16 v9, v5;
	[tilespmem:s20+$0xFFFFFFC0] =	vst v3;
	v3 =	vld [tilespmem:s18+$0x190]  }
0x5c9: {  	[tilespmem:s20+$0xFFFFFF80] =	vst v5;
	v5 =	vld [tilespmem:s19+$0x190]  }
0x5ca: {  	v9 =	vld [tilespmem:s18+$0xFFFFFE10]  }
0x5cb: {  	v11 =	vld [tilespmem:s19+$0xFFFFFE10]  }
0x5cc: {  	v60 =	vld [tilespmem:s18+$0xFFFFFE90]  }
0x5cd: {  	v2 =	vadd.f32 v6, v2;
	v61 =	vld [tilespmem:s19+$0xFFFFFE90];
	v6 =	vadd.f32 v7, v8  }
0x5ce: {  	v7 =	vld [tilespmem:s18+$0xFFFFFF10];
	v4 =	vadd.f32 v4, v10;
	v3 =	vadd.f32 v5, v3  }
0x5cf: {  	v2 =	vpack.i.f32.bf16 v6, v2;
	v6 =	vld [tilespmem:s18+$0xFFFFFF90]  }
0x5d0: {  	[tilespmem:s20+$0x10] =	vst v2;
	v5 =	vld [tilespmem:s19+$0xFFFFFF10];
	v2 =	vpack.i.f32.bf16 v3, v4  }
0x5d1: {  	v3 =	vld [tilespmem:s19+$0xFFFFFF90];
	[tilespmem:s20+$0x50] =	vst v2  }
0x5d2: {  	v2 =	vld [tilespmem:s18+$0x20]  }
0x5d3: {  	v4 =	vld [tilespmem:s19+$0x20]  }
0x5d4: {  	v9 =	vadd.f32 v11, v9;
	v10 =	vadd.f32 v61, v60;
	v8 =	vld [tilespmem:s18+$0xA0]  }
0x5d5: {  	v11 =	vld [tilespmem:s19+$0xA0]  }
0x5d6: {  	v5 =	vadd.f32 v5, v7;
	v7 =	vpack.i.f32.bf16 v10, v9;
	v9 =	vld [tilespmem:s19+$0x120];
	v3 =	vadd.f32 v3, v6  }
0x5d7: {  	v6 =	vld [tilespmem:s18+$0x120]  }
0x5d8: {  	[tilespmem:s20+$0xFFFFFF90] =	vst v7;
	v3 =	vpack.i.f32.bf16 v3, v5;
	v5 =	vld [tilespmem:s18+$0x1A0]  }
0x5d9: {  	[tilespmem:s20+$0xFFFFFFD0] =	vst v3;
	v3 =	vld [tilespmem:s19+$0x1A0]  }
0x5da: {  	v7 =	vld [tilespmem:s18+$0xFFFFFE20]  }
0x5db: {  	v10 =	vld [tilespmem:s19+$0xFFFFFE20]  }
0x5dc: {  	v62 =	vld [tilespmem:s18+$0xFFFFFEA0]  }
0x5dd: {  	v2 =	vadd.f32 v4, v2;
	v4 =	vadd.f32 v11, v8;
	v63 =	vld [tilespmem:s19+$0xFFFFFEA0]  }
0x5de: {  	v8 =	vld [tilespmem:s18+$0xFFFFFF20];
	v6 =	vadd.f32 v9, v6;
	v3 =	vadd.f32 v3, v5  }
0x5df: {  	v2 =	vpack.i.f32.bf16 v4, v2;
	v4 =	vld [tilespmem:s18+$0xFFFFFFA0]  }
0x5e0: {  	[tilespmem:s20+$0x20] =	vst v2;
	v5 =	vld [tilespmem:s19+$0xFFFFFF20];
	v2 =	vpack.i.f32.bf16 v3, v6  }
0x5e1: {  	v3 =	vld [tilespmem:s19+$0xFFFFFFA0];
	[tilespmem:s20+$0x60] =	vst v2  }
0x5e2: {  	v6 =	vld [tilespmem:s18+$0x130]  }
0x5e3: {  	v9 =	vld [tilespmem:s19+$0x130]  }
0x5e4: {  	v11 =	vld [tilespmem:s18+$0x1B0]  }
0x5e5: {  	v2 =	vadd.f32 v10, v7;
	v7 =	vadd.f32 v63, v62;
	v10 =	vld [tilespmem:s19+$0x1B0]  }
0x5e6: {  	v5 =	vadd.f32 v5, v8;
	v8 =	vld [tilespmem:s18+$0x30];
	v3 =	vadd.f32 v3, v4  }
0x5e7: {  	v2 =	vpack.i.f32.bf16 v7, v2;
	v7 =	vld [tilespmem:s19+$0x30]  }
0x5e8: {  	[tilespmem:s20+$0xFFFFFFA0] =	vst v2;
	v2 =	vld [tilespmem:s18+$0xB0];
	v3 =	vpack.i.f32.bf16 v3, v5  }
0x5e9: {  	v4 =	vld [tilespmem:s19+$0xB0];
	[tilespmem:s20+$0xFFFFFFE0] =	vst v3  }
0x5ea: {  	v5 =	vadd.f32 v9, v6;
	v9 =	vadd.f32 v10, v11;
	v3 =	vld [tilespmem:s18+$0xFFFFFE30]  }
0x5eb: {  	v6 =	vld [tilespmem:s19+$0xFFFFFE30]  }
0x5ec: {  	s16 =	simm.s32 $0x0;
	v9 =	vpack.i.f32.bf16 v9, v5;
	v5 =	vld [tilespmem:s18+$0xFFFFFEB0]  }
0x5ed: {  	s23 =	simm.s32 $0xAA00;
	s22 =	simm.s32 $0xF640;
	s21 =	simm.s32 $0x14480;
	v8 =	vadd.f32 v7, v8;
	v7 =	vld [tilespmem:s19+$0xFFFFFEB0];
	[tilespmem:s20+$0x70] =	vst v9  }
.LBB2_78:
0x5ee: {  	v9 =	vld [tilespmem:s23+$0x0];
	v2 =	vadd.f32 v4, v2;
	s19 =	sadd.s32 $0x400, s19  }
0x5ef: {  	v4 =	vld [tilespmem:s19+$0x0]  }
0x5f0: {  	v10 =	vld [tilespmem:s23+$0x80];
	v3 =	vadd.f32 v6, v3;
	v2 =	vpack.i.f32.bf16 v2, v8  }
0x5f1: {  	v6 =	vld [tilespmem:s19+$0x80];
	[tilespmem:s20+$0x30] =	vst v2  }
0x5f2: {  	v8 =	vld [tilespmem:s23+$0x100];
	v2 =	vadd.f32 v7, v5  }
0x5f3: {  	v5 =	vld [tilespmem:s19+$0x100]  }
0x5f4: {  	v7 =	vld [tilespmem:s23+$0x180];
	v2 =	vpack.i.f32.bf16 v2, v3  }
0x5f5: {  	v3 =	vld [tilespmem:s19+$0x180]  }
0x5f6: {  	v11 =	vld [tilespmem:s19+$0xFFFFFE00]  }
0x5f7: {  	v12 =	vld [tilespmem:s23+$0xFFFFFE80]  }
0x5f8: {  	v13 =	vld [tilespmem:s19+$0xFFFFFE80]  }
0x5f9: {  	v4 =	vadd.f32 v4, v9;
	v6 =	vadd.f32 v6, v10;
	v14 =	vld [tilespmem:s23+$0xFFFFFF00]  }
0x5fa: {  	v5 =	vadd.f32 v5, v8;
	v9 =	vld [tilespmem:s19+$0xFFFFFF00];
	v3 =	vadd.f32 v3, v7  }
0x5fb: {  	s20 =	sadd.s32 $0x100, s20;
	v4 =	vpack.i.f32.bf16 v6, v4;
	v7 =	vld [tilespmem:s23+$0xFFFFFF80]  }
0x5fc: {  	v6 =	vld [tilespmem:s19+$0xFFFFFF80];
	[tilespmem:s20+$0x0] =	vst v4;
	v3 =	vpack.i.f32.bf16 v3, v5  }
0x5fd: {  	v4 =	vld [tilespmem:s23+$0xFFFFFE00];
	v5 =	vadd.f32 v13, v12;
	[tilespmem:s20+$0x40] =	vst v3  }
0x5fe: {  	v3 =	vld [tilespmem:s23+$0x10]  }
0x5ff: {  	v8 =	vadd.f32 v9, v14;
	v9 =	vld [tilespmem:s19+$0x10]  }
0x600: {  	v10 =	vld [tilespmem:s23+$0x90]  }
0x601: {  	v6 =	vadd.f32 v6, v7;
	v7 =	vld [tilespmem:s19+$0x90]  }
0x602: {  	v4 =	vadd.f32 v11, v4;
	v11 =	vld [tilespmem:s23+$0x110]  }
0x603: {  	v6 =	vpack.i.f32.bf16 v6, v8;
	v8 =	vld [tilespmem:s19+$0x110]  }
0x604: {  	v4 =	vpack.i.f32.bf16 v5, v4;
	[tilespmem:s20+$0xFFFFFFC0] =	vst v6;
	v5 =	vld [tilespmem:s23+$0x190]  }
0x605: {  	[tilespmem:s20+$0xFFFFFF80] =	vst v4;
	v4 =	vld [tilespmem:s19+$0x190]  }
0x606: {  	s16 =	sadd.s32 $0x2, s16;
	v6 =	vld [tilespmem:s23+$0xFFFFFE10]  }
0x607: {  	p0 =	slt.u32 s16, $0x12;
	v12 =	vld [tilespmem:s19+$0xFFFFFE10]  }
0x608: {  	v13 =	vld [tilespmem:s23+$0xFFFFFE90]  }
0x609: {  	v3 =	vadd.f32 v9, v3;
	v7 =	vadd.f32 v7, v10;
	v14 =	vld [tilespmem:s19+$0xFFFFFE90]  }
0x60a: {  	v8 =	vadd.f32 v8, v11;
	v9 =	vld [tilespmem:s23+$0xFFFFFF10];
	v4 =	vadd.f32 v4, v5  }
0x60b: {  	v3 =	vpack.i.f32.bf16 v7, v3;
	v5 =	vld [tilespmem:s19+$0xFFFFFF10]  }
0x60c: {  	v6 =	vadd.f32 v12, v6;
	v7 =	vld [tilespmem:s23+$0xFFFFFF90];
	[tilespmem:s20+$0x10] =	vst v3;
	v3 =	vpack.i.f32.bf16 v4, v8  }
0x60d: {  	v4 =	vld [tilespmem:s19+$0xFFFFFF90];
	[tilespmem:s20+$0x50] =	vst v3  }
0x60e: {  	v3 =	vadd.f32 v14, v13;
	v8 =	vld [tilespmem:s23+$0x20]  }
0x60f: {  	v10 =	vld [tilespmem:s19+$0x20]  }
0x610: {  	v5 =	vadd.f32 v5, v9;
	v3 =	vpack.i.f32.bf16 v3, v6;
	v6 =	vld [tilespmem:s23+$0xA0]  }
0x611: {  	[tilespmem:s20+$0xFFFFFF90] =	vst v3;
	v3 =	vld [tilespmem:s19+$0xA0]  }
0x612: {  	v4 =	vadd.f32 v4, v7;
	v7 =	vld [tilespmem:s23+$0x120]  }
0x613: {  	v9 =	vld [tilespmem:s19+$0x120]  }
0x614: {  	v4 =	vpack.i.f32.bf16 v4, v5;
	v5 =	vld [tilespmem:s23+$0x1A0]  }
0x615: {  	[tilespmem:s20+$0xFFFFFFD0] =	vst v4;
	v4 =	vld [tilespmem:s19+$0x1A0]  }
0x616: {  	v11 =	vld [tilespmem:s23+$0xFFFFFE20]  }
0x617: {  	v12 =	vld [tilespmem:s19+$0xFFFFFE20]  }
0x618: {  	v13 =	vld [tilespmem:s23+$0xFFFFFEA0]  }
0x619: {  	v8 =	vadd.f32 v10, v8;
	v3 =	vadd.f32 v3, v6;
	v14 =	vld [tilespmem:s19+$0xFFFFFEA0]  }
0x61a: {  	v7 =	vadd.f32 v9, v7;
	v6 =	vld [tilespmem:s23+$0xFFFFFF20];
	v4 =	vadd.f32 v4, v5  }
0x61b: {  	v3 =	vpack.i.f32.bf16 v3, v8;
	v5 =	vld [tilespmem:s19+$0xFFFFFF20]  }
0x61c: {  	v8 =	vadd.f32 v12, v11;
	v9 =	vld [tilespmem:s23+$0xFFFFFFA0];
	[tilespmem:s20+$0x20] =	vst v3;
	v3 =	vpack.i.f32.bf16 v4, v7  }
0x61d: {  	v4 =	vld [tilespmem:s19+$0xFFFFFFA0];
	[tilespmem:s20+$0x60] =	vst v3  }
0x61e: {  	v3 =	vadd.f32 v14, v13;
	v7 =	vld [tilespmem:s23+$0x130]  }
0x61f: {  	v10 =	vld [tilespmem:s19+$0x130]  }
0x620: {  	v5 =	vadd.f32 v5, v6;
	v3 =	vpack.i.f32.bf16 v3, v8;
	v6 =	vld [tilespmem:s23+$0x1B0]  }
0x621: {  	[tilespmem:s20+$0xFFFFFFA0] =	vst v3;
	v3 =	vld [tilespmem:s19+$0x1B0]  }
0x622: {  	v4 =	vadd.f32 v4, v9;
	v8 =	vld [tilespmem:s18+$0xFFFFFF30]  }
0x623: {  	v9 =	vld [tilespmem:s22+$0xFFFFFF30]  }
0x624: {  	v4 =	vpack.i.f32.bf16 v4, v5;
	v5 =	vld [tilespmem:s18+$0xFFFFFFB0];
	s18 =	smov.u32 s23  }
0x625: {  	[tilespmem:s20+$0xFFFFFFE0] =	vst v4;
	v11 =	vld [tilespmem:s22+$0xFFFFFFB0];
	s22 =	smov.u32 s19  }
0x626: {  	v4 =	vadd.f32 v10, v7;
	v12 =	vld [tilespmem:s23+$0x30];
	v3 =	vadd.f32 v3, v6;
	[tilespmem:s21+$0xFFFFFFB0] =	vst v2  }
0x627: {  	v7 =	vld [tilespmem:s19+$0x30]  }
0x628: {  	v2 =	vld [tilespmem:s23+$0xB0];
	v3 =	vpack.i.f32.bf16 v3, v4;
	v9 =	vadd.f32 v9, v8  }
.Ltmp38:
0x629: {  	v4 =	vld [tilespmem:s19+$0xB0];
	[tilespmem:s20+$0x70] =	vst v3;
	(pc) =	sbr.rel @p0 .LBB2_78-.Ltmp38, $4  }
0x62a: {  	v3 =	vld [tilespmem:s23+$0xFFFFFE30];
	v10 =	vadd.f32 v11, v5  }
0x62b: {  	v6 =	vld [tilespmem:s19+$0xFFFFFE30]  }
0x62c: {  	v5 =	vld [tilespmem:s23+$0xFFFFFEB0];
	v8 =	vadd.f32 v7, v12;
	v9 =	vpack.i.f32.bf16 v10, v9  }
0x62d: {  	s23 =	sadd.s32 $0x400, s23;
	v7 =	vld [tilespmem:s19+$0xFFFFFEB0];
	[tilespmem:s21+$0xFFFFFFF0] =	vst v9;
	s21 =	smov.u32 s20  }
0x62e: {  	v9 =	vld [tilespmem:s18+$0xFFFFFF30]  }
0x62f: {  	v10 =	vld [tilespmem:s22+$0xFFFFFF30]  }
0x630: {  	v11 =	vld [tilespmem:s18+$0xFFFFFFB0]  }
0x631: {  	v12 =	vld [tilespmem:s22+$0xFFFFFFB0];
	_ =	sdelay $0x2  }
0x632: {  	v2 =	vadd.f32 v4, v2  }
0x633: {  	v3 =	vadd.f32 v6, v3;
	v53 =	vadd.f32 v7, v5  }
0x634: {  	v2 =	vpack.i.f32.bf16 v2, v8;
	v54 =	vadd.f32 v10, v9;
	v55 =	vadd.f32 v12, v11  }
0x635: {  	[tilespmem:s20+$0x30] =	vst v2;
	v2 =	vpack.i.f32.bf16 v53, v3  }
0x636: {  	[tilespmem:s21+$0xFFFFFFB0] =	vst v2;
	v2 =	vpack.i.f32.bf16 v55, v54  }
0x637: {  	[tilespmem:s21+$0xFFFFFFF0] =	vst v2  }
0x638: {  	v2 =	vld [tilespmem:$0x76C0]  }
0x639: {  	v3 =	vld [tilespmem:$0x9E40];
	_ =	sdelay $0x6  }
0x63a: {  	v2 =	vld.idx.msk [tilespmem:v2+s4+$0x0], $0xffff  }
0x63b: {  	v3 =	vld.idx.msk [tilespmem:v3+s30+$0x0], $0xffff  }
0x63c: {  	v56 =	vld [tilespmem:$0x76D0]  }
0x63d: {  	v57 =	vld [tilespmem:$0x9E50];
	_ =	sdelay $0x2  }
0x63e: {  	v2 =	vmax.f32 v2, $1.000000000e+00;
	v3 =	vmax.f32 v3, $1.000000000e+00  }
0x63f: {  	v2 =	vmul.f32 v3, v2;
	_ =	sdelay $0x1  }
0x640: {  	[tilespmem:$0x17EC0] =	vst v2  }
0x641: {  	v2 =	vld.idx.msk [tilespmem:v56+s4+$0x0], $0xffff  }
0x642: {  	v3 =	vld.idx.msk [tilespmem:v57+s30+$0x0], $0xffff  }
0x643: {  	v58 =	vld [tilespmem:$0x76E0]  }
0x644: {  	v59 =	vld [tilespmem:$0x9E60];
	_ =	sdelay $0x2  }
0x645: {  	v2 =	vmax.f32 v2, $1.000000000e+00;
	v3 =	vmax.f32 v3, $1.000000000e+00  }
0x646: {  	v2 =	vmul.f32 v3, v2;
	_ =	sdelay $0x1  }
0x647: {  	[tilespmem:$0x17ED0] =	vst v2  }
0x648: {  	v2 =	vld.idx.msk [tilespmem:v58+s4+$0x0], $0xffff  }
0x649: {  	v3 =	vld.idx.msk [tilespmem:v59+s30+$0x0], $0xffff  }
0x64a: {  	v60 =	vld [tilespmem:$0x76F0]  }
0x64b: {  	v61 =	vld [tilespmem:$0x9E70];
	_ =	sdelay $0x2  }
0x64c: {  	v2 =	vmax.f32 v2, $1.000000000e+00;
	v3 =	vmax.f32 v3, $1.000000000e+00  }
0x64d: {  	v2 =	vmul.f32 v3, v2;
	_ =	sdelay $0x1  }
0x64e: {  	[tilespmem:$0x17EE0] =	vst v2  }
0x64f: {  	v2 =	vld.idx.msk [tilespmem:v60+s4+$0x0], $0xffff  }
0x650: {  	v3 =	vld.idx.msk [tilespmem:v61+s30+$0x0], $0xffff  }
0x651: {  	v62 =	vld [tilespmem:$0x7700]  }
0x652: {  	v63 =	vld [tilespmem:$0x9E80];
	_ =	sdelay $0x2  }
0x653: {  	v2 =	vmax.f32 v2, $1.000000000e+00;
	v3 =	vmax.f32 v3, $1.000000000e+00  }
0x654: {  	v2 =	vmul.f32 v3, v2;
	_ =	sdelay $0x1  }
0x655: {  	[tilespmem:$0x17EF0] =	vst v2  }
0x656: {  	v2 =	vld.idx.msk [tilespmem:v62+s4+$0x0], $0xffff  }
0x657: {  	v3 =	vld.idx.msk [tilespmem:v63+s30+$0x0], $0xffff;
	_ =	sdelay $0x4  }
0x658: {  	v2 =	vmax.f32 v2, $1.000000000e+00;
	v3 =	vmax.f32 v3, $1.000000000e+00  }
0x659: {  	s16 =	sld [smem:$0x7FB];
	v2 =	vmul.f32 v3, v2;
	_ =	sdelay $0x1  }
0x65a: {  	[tilespmem:$0x17F00] =	vst v2  }
0x65b: {  	[hbm4b:s16+s4] =	stream.linear.scatter [tilespmem:s11], [sflag:$0x5], $0xA00, $0x38;
	[tilespmem:$0x1D480] =	vst v63  }
0x65c: {  	_ =	swait.ge [sflag:s15], $0xA00  }
0x65d: {  	[sflag:s15] =	ssyncset.done $0x0  }
0x65e: {  	s24 =	simm.s32 $0x6;
	[sflag:s15] =	ssyncadd.s32 $0xFFFFF600  }
0x65f: {  	_ =	swait.ge [sflag:s24], $0xA00  }
0x660: {  	s25 =	sld [smem:$0x7FC]  }
0x661: {  	[sflag:s24] =	ssyncset.done $0x0  }
0x662: {  	s26 =	simm.s32 $0x15800;
	[sflag:s24] =	ssyncadd.s32 $0xFFFFF600  }
0x663: {  	[hbm4b:s25+s4] =	stream.linear.scatter [tilespmem:s26], [sflag:$0x7], $0x2710, $0x38;
	[tilespmem:$0x1D480] =	vst v63  }
0x664: {  	_ =	swait.ge [sflag:s28], $0x2710  }
0x665: {  	s29 =	sld [smem:$0x7FD];
	_ =	sdelay $0x1  }
0x666: {  	s17 =	sadd.s32 $0x1, s17  }
0x667: {  	p0 =	sne.s32 s17, s29  }
.Ltmp39:
0x668: {  	_ = 	snop;
	(pc) =	sbr.rel @p0 .LBB2_1-.Ltmp39, $3  }
0x669: {  	_ =	sdelay $0x1  }
0x66a: {  	s22 =	simm.s32 $0x7780;
	[sflag:s28] =	ssyncset.done $0x0  }
0x66b: {  	s23 =	simm.s32 $0xA180;
	s21 =	simm.s32 $0x5000;
	[sflag:s28] =	ssyncadd.s32 $0xFFFFD8F0  }
0x66c: {  	_ =	sfence.sel $0x180000  }
0x66d: {  	[bflag:$0x0] =	sbarrier.arrive $0xFFFF  }
0x66e: {  	_ =	strace $0x90000047  }
0x66f: {  	s0 =	stileid.u32;
	[bflag:$0x2] =	sbarrier.arrive $0xFFFF  }
0x670: {  	p0 =	sne.s32 s0, $0x0;
	s0 =	rddreg [dreg:$0x6]  }
0x671: {  	s0 =	sadd.s32 @!p0 $0x100000, s0  }
0x672: {  	[sflag:s0] =	ssyncadd.tile.s32 @!p0 $0x1;
	_ =	shalt  }
.Lfunc_end2:
_tile_overlayer_lowered:
.L_overlay_start_2:
0x673: {  	(tag) =	ssettag $0x2  }
0x674: {  	s0 =	rddreg [dreg:$0x0];
	s2 =	stileid.u32  }
0x675: {  	s1 =	rddreg [dreg:$0x1];
	p0 =	sne.s32 s2, $0x0  }
0x676: {  	s3 =	rddreg [dreg:$0x2];
	[bflag:$0x3] =	sbarrier.arrive $0xFFFF;
	s2 =	simm.s32 @!p0 $0x1C07  }
0x677: {  	[timem:s3], [sflag:s2] =	dma.local @!p0 [hbm:s0], s1  }
0x678: {  	s0 =	simm.s32 @!p0 $0x7  }
0x679: {  	_ =	swait.ge @!p0 [sflag:s0], s1  }
0x67a: {  	s1 =	ssub.s32 @!p0 $0x0, s1;
	[sflag:s0] =	ssyncset.done @!p0 $0x0  }
0x67b: {  	[sflag:s0] =	ssyncadd.s32 @!p0 s1  }
0x67c: {  	[bflag:$0x3] =	sbarrier.arrive $0xFFFF  }
0x67d: {  	_ =	shalt  }

</sc_bundles>
